<compile_context>
chip_gen: v7x
topology: tpu7x:2x2x1
jax: 0.10.2.dev20260603
libtpu: 0.0.44.dev20260713+nightly
codegen_flags: <defaults>
</compile_context>

<pallas_src>
import functools

import jax
import jax.numpy as jnp
from jax import lax
from jax.experimental import pallas as pl
from jax.experimental.pallas import tpu as pltpu
from jax.experimental.pallas import tpu_sc as plsc

B, N, CPT = 8, 4096, 64
NPOINT, NSAMPLE = 512, 32
BN_EPS = 1e-3
CIN = 3 + CPT
CPAD = 128
QB = 128
QK = 256
TOT = B * NPOINT * NSAMPLE


def _fps_body(xyzt_ref, idx_ref, nxq_ref):
    x = xyzt_ref[0]
    y = xyzt_ref[1]
    z = xyzt_ref[2]
    lane = lax.broadcasted_iota(jnp.int32, (B, N), 1)
    slot = lax.broadcasted_iota(jnp.int32, (B, NPOINT), 1)

    cx0 = x[:, 0:1]
    cy0 = y[:, 0:1]
    cz0 = z[:, 0:1]
    idxs0 = jnp.zeros((B, NPOINT), jnp.int32)
    qx0 = jnp.where(slot == 0, cx0, 0.0)
    qy0 = jnp.where(slot == 0, cy0, 0.0)
    qz0 = jnp.where(slot == 0, cz0, 0.0)
    dists0 = jnp.full((B, N), 1e10, jnp.float32)

    def body(i, st):
        dists, idxs, qx, qy, qz, cx, cy, cz = st
        dx = x - cx
        dy = y - cy
        dz = z - cz
        d = dx * dx + dy * dy + dz * dz
        dists = jnp.minimum(dists, d)
        m = jnp.max(dists, axis=1, keepdims=True)
        nxt = jnp.min(jnp.where(dists == m, lane, N), axis=1, keepdims=True)
        sel = lane == nxt
        cx = jnp.sum(jnp.where(sel, x, 0.0), axis=1, keepdims=True)
        cy = jnp.sum(jnp.where(sel, y, 0.0), axis=1, keepdims=True)
        cz = jnp.sum(jnp.where(sel, z, 0.0), axis=1, keepdims=True)
        put = slot == i
        idxs = jnp.where(put, nxt, idxs)
        qx = jnp.where(put, cx, qx)
        qy = jnp.where(put, cy, qy)
        qz = jnp.where(put, cz, qz)
        return (dists, idxs, qx, qy, qz, cx, cy, cz)

    st = lax.fori_loop(1, NPOINT, body,
                       (dists0, idxs0, qx0, qy0, qz0, cx0, cy0, cz0),
                       unroll=4)
    _, idxs, qx, qy, qz, _, _, _ = st
    idx_ref[...] = idxs
    nxq_ref[0] = qx
    nxq_ref[1] = qy
    nxq_ref[2] = qz


def _fps(xyzt, interpret=False):
    return pl.pallas_call(
        _fps_body,
        out_shape=(jax.ShapeDtypeStruct((B, NPOINT), jnp.int32),
                   jax.ShapeDtypeStruct((3, B, NPOINT), jnp.float32)),
        interpret=interpret,
    )(xyzt)


def _knn_body(xyz_ref, nxq_ref, idx_ref, gidx_ref):
    b = pl.program_id(0)
    xx = xyz_ref[0, :, 0:1]
    yy = xyz_ref[0, :, 1:2]
    zz = xyz_ref[0, :, 2:3]
    qx = nxq_ref[0, 0:1, :]
    qy = nxq_ref[0, 1:2, :]
    qz = nxq_ref[0, 2:3, :]
    dx = xx - qx
    dy = yy - qy
    dz = zz - qz
    d2 = dx * dx + dy * dy + dz * dz
    lin = lax.broadcasted_iota(jnp.int32, (N, QK), 0)
    slot = lax.broadcasted_iota(jnp.int32, (NSAMPLE, QK), 0)
    inf = jnp.float32(jnp.inf)
    idxs0 = jnp.zeros((NSAMPLE, QK), jnp.int32)

    def body(k, st):
        d2, idxs = st
        m = jnp.min(d2, axis=0, keepdims=True)
        j = jnp.min(jnp.where(d2 == m, lin, N), axis=0, keepdims=True)
        idxs = jnp.where(slot == k, j, idxs)
        return (jnp.where(lin == j, inf, d2), idxs)

    _, idxs = lax.fori_loop(0, NSAMPLE, body, (d2, idxs0), unroll=8)
    idx_ref[0] = idxs
    gidx_ref[0] = idxs + b * N


def _knn(xyz, nxq, interpret=False):
    nq = NPOINT // QK
    return pl.pallas_call(
        _knn_body,
        grid=(B, nq),
        in_specs=[
            pl.BlockSpec((1, N, 3), lambda b, q: (b, 0, 0)),
            pl.BlockSpec((1, 3, QK), lambda b, q: (b, 0, q)),
        ],
        out_specs=(
            pl.BlockSpec((1, NSAMPLE, QK), lambda b, q: (b, 0, q)),
            pl.BlockSpec((1, NSAMPLE, QK), lambda b, q: (b, 0, q)),
        ),
        out_shape=(jax.ShapeDtypeStruct((B, NSAMPLE, NPOINT), jnp.int32),
                   jax.ShapeDtypeStruct((B, NSAMPLE, NPOINT), jnp.int32)),
        interpret=interpret,
    )(xyz, nxq)


_NW = 32
_RPW = TOT // _NW
_CH = 128
_NCH = _RPW // _CH


def _sc_gather(table, flat_idx):
    mesh = plsc.VectorSubcoreMesh(core_axis_name="c", subcore_axis_name="s")

    @functools.partial(
        pl.kernel,
        mesh=mesh,
        out_type=jax.ShapeDtypeStruct((TOT, CPAD), jnp.float32),
        compiler_params=pltpu.CompilerParams(use_tc_tiling_on_sc=True),
        scratch_types=[
            pltpu.VMEM((_CH,), jnp.int32),
            pltpu.VMEM((_CH, CPAD), jnp.float32),
            pltpu.VMEM((_CH,), jnp.int32),
            pltpu.VMEM((_CH, CPAD), jnp.float32),
            pltpu.SemaphoreType.DMA,
            pltpu.SemaphoreType.DMA,
        ],
    )
    def k(table_hbm, idx_hbm, out_hbm, idx_v0, rows_v0, idx_v1, rows_v1,
          sem0, sem1):
        wid = lax.axis_index("s") * 2 + lax.axis_index("c")
        bufs = ((idx_v0, rows_v0, sem0), (idx_v1, rows_v1, sem1))
        base0 = wid * _RPW

        idx_v, rows_v, sem = bufs[0]
        pltpu.sync_copy(idx_hbm.at[pl.ds(base0, _CH)], idx_v)
        g = pltpu.async_copy(table_hbm.at[idx_v], rows_v, sem)
        for c in range(_NCH):
            if c + 1 < _NCH:
                idx_n, rows_n, sem_n = bufs[(c + 1) % 2]
                pltpu.sync_copy(
                    idx_hbm.at[pl.ds(base0 + (c + 1) * _CH, _CH)], idx_n)
                g_n = pltpu.async_copy(table_hbm.at[idx_n], rows_n, sem_n)
            g.wait()
            idx_v, rows_v, sem = bufs[c % 2]
            pltpu.sync_copy(rows_v, out_hbm.at[pl.ds(base0 + c * _CH, _CH)])
            if c + 1 < _NCH:
                g = g_n

    return k(table, flat_idx)


def _mlp_body(feat_ref, nxq_ref, w0_ref, w1_ref, w2_ref,
              b0_ref, g0_ref, e0_ref, b1_ref, g1_ref, e1_ref,
              b2_ref, g2_ref, e2_ref, out_ref):
    rs = jnp.float32(1.0 / (1.0 + BN_EPS) ** 0.5)
    s0 = g0_ref[...] * rs
    s1 = g1_ref[...] * rs
    s2 = g2_ref[...] * rs
    w0 = w0_ref[...] * s0
    w1 = w1_ref[...] * s1
    w2 = w2_ref[...] * s2
    c0 = b0_ref[...] * s0 + e0_ref[...]
    c1 = b1_ref[...] * s1 + e1_ref[...]
    c2 = b2_ref[...] * s2 + e2_ref[...]

    q = nxq_ref[0]
    qc = lax.dot_general(q, w0[0:3, :], (((0,), (0,)), ((), ())),
                         preferred_element_type=jnp.float32)
    qce = jnp.broadcast_to(qc[:, None, :], (QB, NSAMPLE, 128))
    qce = qce.reshape(QB * NSAMPLE, 128)

    f = feat_ref[...]
    h = jnp.dot(f, w0, preferred_element_type=jnp.float32) + c0 - qce
    h = jnp.maximum(h, 0.0)
    h = jnp.dot(h, w1, preferred_element_type=jnp.float32) + c1
    h = jnp.maximum(h, 0.0)
    h = jnp.dot(h, w2, preferred_element_type=jnp.float32) + c2
    h = jnp.maximum(h, 0.0)
    pooled = jnp.max(h.reshape(QB, NSAMPLE, 256), axis=1)
    out_ref[0] = pooled


def _mlp(feats, nxq, w0p, w1, w2, b0, g0, e0, b1, g1, e1, b2, g2, e2,
         interpret=False):
    nq = NPOINT // QB
    full = lambda s: pl.BlockSpec(s, lambda b, q: tuple(0 for _ in s))
    return pl.pallas_call(
        _mlp_body,
        grid=(B, nq),
        in_specs=[
            pl.BlockSpec((QB * NSAMPLE, CPAD),
                         lambda b, q: (b * (NPOINT // QB) + q, 0)),
            pl.BlockSpec((1, 3, QB), lambda b, q: (b, 0, q)),
            full((CPAD, 128)), full((128, 128)), full((128, 256)),
            full((1, 128)), full((1, 128)), full((1, 128)),
            full((1, 128)), full((1, 128)), full((1, 128)),
            full((1, 256)), full((1, 256)), full((1, 256)),
        ],
        out_specs=pl.BlockSpec((1, QB, 256), lambda b, q: (b, q, 0)),
        out_shape=jax.ShapeDtypeStruct((B, NPOINT, 256), jnp.float32),
        interpret=interpret,
    )(feats, nxq, w0p, w1, w2, b0, g0, e0, b1, g1, e1, b2, g2, e2)


def kernel(xyz, points, training, W0, b0, gamma0, beta0,
           W1, b1, gamma1, beta1, W2, b2, gamma2, beta2):
    xyzt = jnp.transpose(xyz, (2, 0, 1))
    fps_idx, nxq3 = _fps(xyzt)
    nxq = jnp.transpose(nxq3, (1, 0, 2))
    idx_t, gidx_t = _knn(xyz, nxq)

    idx = jnp.transpose(idx_t, (0, 2, 1))
    flat_idx = jnp.transpose(gidx_t, (0, 2, 1)).reshape(TOT)

    table = jnp.concatenate(
        [xyz, points, jnp.zeros((B, N, CPAD - CIN), jnp.float32)],
        axis=-1).reshape(B * N, CPAD)
    feats = _sc_gather(table, flat_idx)

    w0p = jnp.concatenate([W0, jnp.zeros((CPAD - CIN, 128), jnp.float32)],
                          axis=0)
    new_points = _mlp(feats, nxq, w0p, W1, W2,
                      b0.reshape(1, -1), gamma0.reshape(1, -1),
                      beta0.reshape(1, -1),
                      b1.reshape(1, -1), gamma1.reshape(1, -1),
                      beta1.reshape(1, -1),
                      b2.reshape(1, -1), gamma2.reshape(1, -1),
                      beta2.reshape(1, -1))

    new_xyz = jnp.transpose(nxq3, (1, 2, 0))
    return (new_xyz, new_points, idx)

# --- scband reference (transcript-rebuilt; emitter-appended) ---
"""Pipeline reference for scband-salayer-core-27290222198833 (READ-ONLY COPY).

The authoritative reference and input builder live on the scoring server;
editing this copy changes nothing except your own understanding.
"""

import jax, jax.numpy as jnp
import numpy as np

B, N, CPT = 8, 4096, 64
NPOINT, NSAMPLE = 512, 32
MLP = [128, 128, 256]
BN_EPS = 1e-3  # keras BatchNormalization default epsilon


def farthest_point_sample(xyz, npoint):
    # xyz: [B, N, 3] -> idx int32 [B, npoint]; first sample is index 0 per original CUDA op
    b, n, _ = xyz.shape
    idxs0 = jnp.zeros((b, npoint), dtype=jnp.int32)
    dists0 = jnp.full((b, n), 1e10, dtype=xyz.dtype)
    last0 = jnp.zeros((b,), dtype=jnp.int32)

    def body(i, state):
        idxs, dists, last = state
        centroid = jnp.take_along_axis(xyz, last[:, None, None], axis=1)  # [B,1,3]
        d = jnp.sum((xyz - centroid) ** 2, axis=-1)  # [B,N]
        dists = jnp.minimum(dists, d)
        nxt = jnp.argmax(dists, axis=-1).astype(jnp.int32)  # [B]
        idxs = idxs.at[:, i].set(nxt)
        return (idxs, dists, nxt)

    idxs, _, _ = jax.lax.fori_loop(1, npoint, body, (idxs0, dists0, last0))
    return idxs


def gather_point(xyz, idx):
    # xyz [B,N,3], idx [B,S] -> [B,S,3]
    return jnp.take_along_axis(xyz, idx[:, :, None].astype(jnp.int32), axis=1)


def knn_point(nsample, xyz, new_xyz):
    # exact kNN: squared-distance matrix [B,S,N], top-k smallest
    d2 = jnp.sum((new_xyz[:, :, None, :] - xyz[:, None, :, :]) ** 2, axis=-1)
    neg_d, idx = jax.lax.top_k(-d2, nsample)
    return -neg_d, idx.astype(jnp.int32)


def group_point(points, idx):
    # points [B,N,C], idx [B,S,K] -> [B,S,K,C]
    b, s, k = idx.shape
    c = points.shape[-1]
    flat = idx.reshape(b, s * k)[:, :, None]
    g = jnp.take_along_axis(points, flat, axis=1)  # [B,S*K,C]
    return g.reshape(b, s, k, c)


def setup_inputs(seed: int = 0) -> dict:
    key = jax.random.key(seed)
    ks = jax.random.split(key, 16)
    xyz = jax.random.uniform(ks[0], (B, N, 3), dtype=jnp.float32)
    points = jax.random.normal(ks[1], (B, N, CPT), dtype=jnp.float32)
    inp = {"xyz": xyz, "points": points, "training": False}
    cin = 3 + CPT  # use_xyz=True concatenates local xyz
    for i, cout in enumerate(MLP):
        inp[f"W{i}"] = jax.random.normal(ks[2 + i], (cin, cout), dtype=jnp.float32) * (1.0 / np.sqrt(cin))
        inp[f"b{i}"] = jnp.zeros((cout,), dtype=jnp.float32)
        inp[f"gamma{i}"] = jnp.ones((cout,), dtype=jnp.float32)
        inp[f"beta{i}"] = jnp.zeros((cout,), dtype=jnp.float32)
        cin = cout
    return inp


def reference(xyz, points, training, W0, b0, gamma0, beta0, W1, b1, gamma1, beta1, W2, b2, gamma2, beta2):
    # sample_and_group (knn=True, use_xyz=True)
    fps_idx = farthest_point_sample(xyz, NPOINT)
    new_xyz = gather_point(xyz, fps_idx)  # [B,S,3]
    _, idx = knn_point(NSAMPLE, xyz, new_xyz)  # [B,S,K]
    grouped_xyz = group_point(xyz, idx) - new_xyz[:, :, None, :]  # [B,S,K,3]
    grouped_points = group_point(points, idx)  # [B,S,K,C]
    x = jnp.concatenate([grouped_xyz, grouped_points], axis=-1)  # [B,S,K,3+C]
    # 1x1 conv MLP + BN (inference: moving_mean=0, moving_var=1) + ReLU
    for (W, b, g, be) in ((W0, b0, gamma0, beta0), (W1, b1, gamma1, beta1), (W2, b2, gamma2, beta2)):
        x = jnp.einsum('bskc,co->bsko', x, W) + b
        x = x / jnp.sqrt(1.0 + BN_EPS) * g + be
        x = jnp.maximum(x, 0.0)
    new_points = jnp.max(x, axis=2)  # max-pool over nsample, then squeeze
    return (new_xyz, new_points, idx)

if __name__ == "__main__":
    import jax
    _d = setup_inputs()
    print(jax.jit(kernel)(*tuple(_d.values())))

</pallas_src>

<mosaic_0001>
#map = affine_map<(d0, d1) -> (0, 0)>
#map1 = affine_map<(d0, d1) -> (0)>
module attributes {stable_mosaic.version = 14 : i64} {
  func.func @k(%arg0: i32, %arg1: i32, %arg2: memref<32768x128xf32, #tpu.memory_space<hbm>>, %arg3: memref<131072xi32, #tpu.memory_space<hbm>>, %arg4: memref<131072x128xf32, #tpu.memory_space<hbm>>, %arg5: memref<128xi32, #tpu.memory_space<vmem>>, %arg6: memref<128x128xf32, #tpu.memory_space<vmem>>, %arg7: memref<128xi32, #tpu.memory_space<vmem>>, %arg8: memref<128x128xf32, #tpu.memory_space<vmem>>, %arg9: memref<!tpu.dma_semaphore, #tpu.memory_space<semaphore_mem>>, %arg10: memref<!tpu.dma_semaphore, #tpu.memory_space<semaphore_mem>>) attributes {dimension_semantics = [#tpu.dimension_semantics<core_parallel>, #tpu.dimension_semantics<subcore_parallel>], iteration_bounds = array<i64: 2, 16>, scalar_prefetch = 0 : i64, scratch_operands = 6 : i64, tpu.core_type = #tpu.core_type<sc_vector_subcore>, window_params = [{transform_indices = #map}, {transform_indices = #map1}, {transform_indices = #map}]} {
    %mul3A = arith.constant 2 : i32
    %mul3A_0 = arith.muli %arg1, %mul3A : i32
    %add3A = arith.addi %mul3A_0, %arg0 : i32
    %mul3A_1 = arith.constant 4096 : i32
    %mul3A_2 = arith.muli %add3A, %mul3A_1 : i32
    "tpu.region"() ({
      %run_scoped3A = tpu.sem_alloc : memref<!tpu.dma_semaphore, #tpu.memory_space<semaphore_mem>>
      %dma_start3A_319 = tpu.memref_slice %arg3[%mul3A_2] : memref<131072xi32, #tpu.memory_space<hbm>> -> memref<128xi32, #tpu.memory_space<hbm>>
      %dma_start3A_320 = tpu.memref_slice %arg3[%mul3A_2] : memref<131072xi32, #tpu.memory_space<hbm>> -> memref<128xi32, #tpu.memory_space<hbm>>
      tpu.enqueue_dma source(%dma_start3A_320 : memref<128xi32, #tpu.memory_space<hbm>>) target(%arg5 : memref<128xi32, #tpu.memory_space<vmem>>) target_semaphore(%run_scoped3A : memref<!tpu.dma_semaphore, #tpu.memory_space<semaphore_mem>>)
      %dma_wait3A_321 = tpu.memref_slice %arg3[%mul3A_2] : memref<131072xi32, #tpu.memory_space<hbm>> -> memref<128xi32, #tpu.memory_space<hbm>>
      %dma_wait3A_322 = tpu.memref_slice %arg3[%mul3A_2] : memref<131072xi32, #tpu.memory_space<hbm>> -> memref<128xi32, #tpu.memory_space<hbm>>
      tpu.wait_dma2 semaphore(%run_scoped3A : memref<!tpu.dma_semaphore, #tpu.memory_space<semaphore_mem>>) src(%dma_wait3A_322 : memref<128xi32, #tpu.memory_space<hbm>>) dst(%arg5 : memref<128xi32, #tpu.memory_space<vmem>>)
      tpu.yield
    }) : () -> ()
    %dma_start3A = arith.constant 0 : i32
    %dma_start3A_3 = arith.constant 0 : i32
    %dma_start3A_4 = tpu.memref_slice %arg2[%dma_start3A, %dma_start3A_3] : memref<32768x128xf32, #tpu.memory_space<hbm>> -> memref<32768x128xf32, #tpu.memory_space<hbm>>
    tpu.enqueue_indirect_dma source(%dma_start3A_4 : memref<32768x128xf32, #tpu.memory_space<hbm>>) target(%arg6 : memref<128x128xf32, #tpu.memory_space<vmem>>) offsets(%arg5 : memref<128xi32, #tpu.memory_space<vmem>>) semaphore(%arg9 : memref<!tpu.dma_semaphore, #tpu.memory_space<semaphore_mem>>)
    %add3A_5 = arith.constant 128 : i32
    %add3A_6 = arith.addi %mul3A_2, %add3A_5 : i32
    "tpu.region"() ({
      %run_scoped3A = tpu.sem_alloc : memref<!tpu.dma_semaphore, #tpu.memory_space<semaphore_mem>>
      %dma_start3A_319 = tpu.memref_slice %arg3[%add3A_6] : memref<131072xi32, #tpu.memory_space<hbm>> -> memref<128xi32, #tpu.memory_space<hbm>>
      %dma_start3A_320 = tpu.memref_slice %arg3[%add3A_6] : memref<131072xi32, #tpu.memory_space<hbm>> -> memref<128xi32, #tpu.memory_space<hbm>>
      tpu.enqueue_dma source(%dma_start3A_320 : memref<128xi32, #tpu.memory_space<hbm>>) target(%arg7 : memref<128xi32, #tpu.memory_space<vmem>>) target_semaphore(%run_scoped3A : memref<!tpu.dma_semaphore, #tpu.memory_space<semaphore_mem>>)
      %dma_wait3A_321 = tpu.memref_slice %arg3[%add3A_6] : memref<131072xi32, #tpu.memory_space<hbm>> -> memref<128xi32, #tpu.memory_space<hbm>>
      %dma_wait3A_322 = tpu.memref_slice %arg3[%add3A_6] : memref<131072xi32, #tpu.memory_space<hbm>> -> memref<128xi32, #tpu.memory_space<hbm>>
      tpu.wait_dma2 semaphore(%run_scoped3A : memref<!tpu.dma_semaphore, #tpu.memory_space<semaphore_mem>>) src(%dma_wait3A_322 : memref<128xi32, #tpu.memory_space<hbm>>) dst(%arg7 : memref<128xi32, #tpu.memory_space<vmem>>)
      tpu.yield
    }) : () -> ()
    %dma_start3A_7 = arith.constant 0 : i32
    %dma_start3A_8 = arith.constant 0 : i32
    %dma_start3A_9 = tpu.memref_slice %arg2[%dma_start3A_7, %dma_start3A_8] : memref<32768x128xf32, #tpu.memory_space<hbm>> -> memref<32768x128xf32, #tpu.memory_space<hbm>>
    tpu.enqueue_indirect_dma source(%dma_start3A_9 : memref<32768x128xf32, #tpu.memory_space<hbm>>) target(%arg8 : memref<128x128xf32, #tpu.memory_space<vmem>>) offsets(%arg7 : memref<128xi32, #tpu.memory_space<vmem>>) semaphore(%arg10 : memref<!tpu.dma_semaphore, #tpu.memory_space<semaphore_mem>>)
    %dma_wait3A = arith.constant 0 : i32
    %dma_wait3A_10 = arith.constant 0 : i32
    %dma_wait3A_11 = tpu.memref_slice %arg2[%dma_wait3A, %dma_wait3A_10] : memref<32768x128xf32, #tpu.memory_space<hbm>> -> memref<32768x128xf32, #tpu.memory_space<hbm>>
    tpu.wait_indirect_dma semaphore(%arg9 : memref<!tpu.dma_semaphore, #tpu.memory_space<semaphore_mem>>) src(%dma_wait3A_11 : memref<32768x128xf32, #tpu.memory_space<hbm>>) dst(%arg6 : memref<128x128xf32, #tpu.memory_space<vmem>>)
    %add3A_12 = arith.constant 0 : i32
    %add3A_13 = arith.addi %mul3A_2, %add3A_12 : i32
    "tpu.region"() ({
      %run_scoped3A = tpu.sem_alloc : memref<!tpu.dma_semaphore, #tpu.memory_space<semaphore_mem>>
      %dma_start3A_319 = arith.constant 0 : i32
      %dma_start3A_320 = tpu.memref_slice %arg4[%add3A_13, %dma_start3A_319] : memref<131072x128xf32, #tpu.memory_space<hbm>> -> memref<128x128xf32, #tpu.memory_space<hbm>>
      %dma_start3A_321 = arith.constant 0 : i32
      %dma_start3A_322 = tpu.memref_slice %arg4[%add3A_13, %dma_start3A_321] : memref<131072x128xf32, #tpu.memory_space<hbm>> -> memref<128x128xf32, #tpu.memory_space<hbm>>
      tpu.enqueue_dma source(%arg6 : memref<128x128xf32, #tpu.memory_space<vmem>>) target(%dma_start3A_322 : memref<128x128xf32, #tpu.memory_space<hbm>>) target_semaphore(%run_scoped3A : memref<!tpu.dma_semaphore, #tpu.memory_space<semaphore_mem>>)
      %dma_wait3A_323 = arith.constant 0 : i32
      %dma_wait3A_324 = tpu.memref_slice %arg4[%add3A_13, %dma_wait3A_323] : memref<131072x128xf32, #tpu.memory_space<hbm>> -> memref<128x128xf32, #tpu.memory_space<hbm>>
      %dma_wait3A_325 = arith.constant 0 : i32
      %dma_wait3A_326 = tpu.memref_slice %arg4[%add3A_13, %dma_wait3A_325] : memref<131072x128xf32, #tpu.memory_space<hbm>> -> memref<128x128xf32, #tpu.memory_space<hbm>>
      tpu.wait_dma2 semaphore(%run_scoped3A : memref<!tpu.dma_semaphore, #tpu.memory_space<semaphore_mem>>) src(%arg6 : memref<128x128xf32, #tpu.memory_space<vmem>>) dst(%dma_wait3A_326 : memref<128x128xf32, #tpu.memory_space<hbm>>)
      tpu.yield
    }) : () -> ()
    %add3A_14 = arith.constant 256 : i32
    %add3A_15 = arith.addi %mul3A_2, %add3A_14 : i32
    "tpu.region"() ({
      %run_scoped3A = tpu.sem_alloc : memref<!tpu.dma_semaphore, #tpu.memory_space<semaphore_mem>>
      %dma_start3A_319 = tpu.memref_slice %arg3[%add3A_15] : memref<131072xi32, #tpu.memory_space<hbm>> -> memref<128xi32, #tpu.memory_space<hbm>>
      %dma_start3A_320 = tpu.memref_slice %arg3[%add3A_15] : memref<131072xi32, #tpu.memory_space<hbm>> -> memref<128xi32, #tpu.memory_space<hbm>>
      tpu.enqueue_dma source(%dma_start3A_320 : memref<128xi32, #tpu.memory_space<hbm>>) target(%arg5 : memref<128xi32, #tpu.memory_space<vmem>>) target_semaphore(%run_scoped3A : memref<!tpu.dma_semaphore, #tpu.memory_space<semaphore_mem>>)
      %dma_wait3A_321 = tpu.memref_slice %arg3[%add3A_15] : memref<131072xi32, #tpu.memory_space<hbm>> -> memref<128xi32, #tpu.memory_space<hbm>>
      %dma_wait3A_322 = tpu.memref_slice %arg3[%add3A_15] : memref<131072xi32, #tpu.memory_space<hbm>> -> memref<128xi32, #tpu.memory_space<hbm>>
      tpu.wait_dma2 semaphore(%run_scoped3A : memref<!tpu.dma_semaphore, #tpu.memory_space<semaphore_mem>>) src(%dma_wait3A_322 : memref<128xi32, #tpu.memory_space<hbm>>) dst(%arg5 : memref<128xi32, #tpu.memory_space<vmem>>)
      tpu.yield
    }) : () -> ()
    %dma_start3A_16 = arith.constant 0 : i32
    %dma_start3A_17 = arith.constant 0 : i32
    %dma_start3A_18 = tpu.memref_slice %arg2[%dma_start3A_16, %dma_start3A_17] : memref<32768x128xf32, #tpu.memory_space<hbm>> -> memref<32768x128xf32, #tpu.memory_space<hbm>>
    tpu.enqueue_indirect_dma source(%dma_start3A_18 : memref<32768x128xf32, #tpu.memory_space<hbm>>) target(%arg6 : memref<128x128xf32, #tpu.memory_space<vmem>>) offsets(%arg5 : memref<128xi32, #tpu.memory_space<vmem>>) semaphore(%arg9 : memref<!tpu.dma_semaphore, #tpu.memory_space<semaphore_mem>>)
    %dma_wait3A_19 = arith.constant 0 : i32
    %dma_wait3A_20 = arith.constant 0 : i32
    %dma_wait3A_21 = tpu.memref_slice %arg2[%dma_wait3A_19, %dma_wait3A_20] : memref<32768x128xf32, #tpu.memory_space<hbm>> -> memref<32768x128xf32, #tpu.memory_space<hbm>>
    tpu.wait_indirect_dma semaphore(%arg10 : memref<!tpu.dma_semaphore, #tpu.memory_space<semaphore_mem>>) src(%dma_wait3A_21 : memref<32768x128xf32, #tpu.memory_space<hbm>>) dst(%arg8 : memref<128x128xf32, #tpu.memory_space<vmem>>)
    %add3A_22 = arith.constant 128 : i32
    %add3A_23 = arith.addi %mul3A_2, %add3A_22 : i32
    "tpu.region"() ({
      %run_scoped3A = tpu.sem_alloc : memref<!tpu.dma_semaphore, #tpu.memory_space<semaphore_mem>>
      %dma_start3A_319 = arith.constant 0 : i32
      %dma_start3A_320 = tpu.memref_slice %arg4[%add3A_23, %dma_start3A_319] : memref<131072x128xf32, #tpu.memory_space<hbm>> -> memref<128x128xf32, #tpu.memory_space<hbm>>
      %dma_start3A_321 = arith.constant 0 : i32
      %dma_start3A_322 = tpu.memref_slice %arg4[%add3A_23, %dma_start3A_321] : memref<131072x128xf32, #tpu.memory_space<hbm>> -> memref<128x128xf32, #tpu.memory_space<hbm>>
      tpu.enqueue_dma source(%arg8 : memref<128x128xf32, #tpu.memory_space<vmem>>) target(%dma_start3A_322 : memref<128x128xf32, #tpu.memory_space<hbm>>) target_semaphore(%run_scoped3A : memref<!tpu.dma_semaphore, #tpu.memory_space<semaphore_mem>>)
      %dma_wait3A_323 = arith.constant 0 : i32
      %dma_wait3A_324 = tpu.memref_slice %arg4[%add3A_23, %dma_wait3A_323] : memref<131072x128xf32, #tpu.memory_space<hbm>> -> memref<128x128xf32, #tpu.memory_space<hbm>>
      %dma_wait3A_325 = arith.constant 0 : i32
      %dma_wait3A_326 = tpu.memref_slice %arg4[%add3A_23, %dma_wait3A_325] : memref<131072x128xf32, #tpu.memory_space<hbm>> -> memref<128x128xf32, #tpu.memory_space<hbm>>
      tpu.wait_dma2 semaphore(%run_scoped3A : memref<!tpu.dma_semaphore, #tpu.memory_space<semaphore_mem>>) src(%arg8 : memref<128x128xf32, #tpu.memory_space<vmem>>) dst(%dma_wait3A_326 : memref<128x128xf32, #tpu.memory_space<hbm>>)
      tpu.yield
    }) : () -> ()
    %add3A_24 = arith.constant 384 : i32
    %add3A_25 = arith.addi %mul3A_2, %add3A_24 : i32
    "tpu.region"() ({
      %run_scoped3A = tpu.sem_alloc : memref<!tpu.dma_semaphore, #tpu.memory_space<semaphore_mem>>
      %dma_start3A_319 = tpu.memref_slice %arg3[%add3A_25] : memref<131072xi32, #tpu.memory_space<hbm>> -> memref<128xi32, #tpu.memory_space<hbm>>
      %dma_start3A_320 = tpu.memref_slice %arg3[%add3A_25] : memref<131072xi32, #tpu.memory_space<hbm>> -> memref<128xi32, #tpu.memory_space<hbm>>
      tpu.enqueue_dma source(%dma_start3A_320 : memref<128xi32, #tpu.memory_space<hbm>>) target(%arg7 : memref<128xi32, #tpu.memory_space<vmem>>) target_semaphore(%run_scoped3A : memref<!tpu.dma_semaphore, #tpu.memory_space<semaphore_mem>>)
      %dma_wait3A_321 = tpu.memref_slice %arg3[%add3A_25] : memref<131072xi32, #tpu.memory_space<hbm>> -> memref<128xi32, #tpu.memory_space<hbm>>
      %dma_wait3A_322 = tpu.memref_slice %arg3[%add3A_25] : memref<131072xi32, #tpu.memory_space<hbm>> -> memref<128xi32, #tpu.memory_space<hbm>>
      tpu.wait_dma2 semaphore(%run_scoped3A : memref<!tpu.dma_semaphore, #tpu.memory_space<semaphore_mem>>) src(%dma_wait3A_322 : memref<128xi32, #tpu.memory_space<hbm>>) dst(%arg7 : memref<128xi32, #tpu.memory_space<vmem>>)
      tpu.yield
    }) : () -> ()
    %dma_start3A_26 = arith.constant 0 : i32
    %dma_start3A_27 = arith.constant 0 : i32
    %dma_start3A_28 = tpu.memref_slice %arg2[%dma_start3A_26, %dma_start3A_27] : memref<32768x128xf32, #tpu.memory_space<hbm>> -> memref<32768x128xf32, #tpu.memory_space<hbm>>
    tpu.enqueue_indirect_dma source(%dma_start3A_28 : memref<32768x128xf32, #tpu.memory_space<hbm>>) target(%arg8 : memref<128x128xf32, #tpu.memory_space<vmem>>) offsets(%arg7 : memref<128xi32, #tpu.memory_space<vmem>>) semaphore(%arg10 : memref<!tpu.dma_semaphore, #tpu.memory_space<semaphore_mem>>)
    %dma_wait3A_29 = arith.constant 0 : i32
    %dma_wait3A_30 = arith.constant 0 : i32
    %dma_wait3A_31 = tpu.memref_slice %arg2[%dma_wait3A_29, %dma_wait3A_30] : memref<32768x128xf32, #tpu.memory_space<hbm>> -> memref<32768x128xf32, #tpu.memory_space<hbm>>
    tpu.wait_indirect_dma semaphore(%arg9 : memref<!tpu.dma_semaphore, #tpu.memory_space<semaphore_mem>>) src(%dma_wait3A_31 : memref<32768x128xf32, #tpu.memory_space<hbm>>) dst(%arg6 : memref<128x128xf32, #tpu.memory_space<vmem>>)
    %add3A_32 = arith.constant 256 : i32
    %add3A_33 = arith.addi %mul3A_2, %add3A_32 : i32
    "tpu.region"() ({
      %run_scoped3A = tpu.sem_alloc : memref<!tpu.dma_semaphore, #tpu.memory_space<semaphore_mem>>
      %dma_start3A_319 = arith.constant 0 : i32
      %dma_start3A_320 = tpu.memref_slice %arg4[%add3A_33, %dma_start3A_319] : memref<131072x128xf32, #tpu.memory_space<hbm>> -> memref<128x128xf32, #tpu.memory_space<hbm>>
      %dma_start3A_321 = arith.constant 0 : i32
      %dma_start3A_322 = tpu.memref_slice %arg4[%add3A_33, %dma_start3A_321] : memref<131072x128xf32, #tpu.memory_space<hbm>> -> memref<128x128xf32, #tpu.memory_space<hbm>>
      tpu.enqueue_dma source(%arg6 : memref<128x128xf32, #tpu.memory_space<vmem>>) target(%dma_start3A_322 : memref<128x128xf32, #tpu.memory_space<hbm>>) target_semaphore(%run_scoped3A : memref<!tpu.dma_semaphore, #tpu.memory_space<semaphore_mem>>)
      %dma_wait3A_323 = arith.constant 0 : i32
      %dma_wait3A_324 = tpu.memref_slice %arg4[%add3A_33, %dma_wait3A_323] : memref<131072x128xf32, #tpu.memory_space<hbm>> -> memref<128x128xf32, #tpu.memory_space<hbm>>
      %dma_wait3A_325 = arith.constant 0 : i32
      %dma_wait3A_326 = tpu.memref_slice %arg4[%add3A_33, %dma_wait3A_325] : memref<131072x128xf32, #tpu.memory_space<hbm>> -> memref<128x128xf32, #tpu.memory_space<hbm>>
      tpu.wait_dma2 semaphore(%run_scoped3A : memref<!tpu.dma_semaphore, #tpu.memory_space<semaphore_mem>>) src(%arg6 : memref<128x128xf32, #tpu.memory_space<vmem>>) dst(%dma_wait3A_326 : memref<128x128xf32, #tpu.memory_space<hbm>>)
      tpu.yield
    }) : () -> ()
    %add3A_34 = arith.constant 512 : i32
    %add3A_35 = arith.addi %mul3A_2, %add3A_34 : i32
    "tpu.region"() ({
      %run_scoped3A = tpu.sem_alloc : memref<!tpu.dma_semaphore, #tpu.memory_space<semaphore_mem>>
      %dma_start3A_319 = tpu.memref_slice %arg3[%add3A_35] : memref<131072xi32, #tpu.memory_space<hbm>> -> memref<128xi32, #tpu.memory_space<hbm>>
      %dma_start3A_320 = tpu.memref_slice %arg3[%add3A_35] : memref<131072xi32, #tpu.memory_space<hbm>> -> memref<128xi32, #tpu.memory_space<hbm>>
      tpu.enqueue_dma source(%dma_start3A_320 : memref<128xi32, #tpu.memory_space<hbm>>) target(%arg5 : memref<128xi32, #tpu.memory_space<vmem>>) target_semaphore(%run_scoped3A : memref<!tpu.dma_semaphore, #tpu.memory_space<semaphore_mem>>)
      %dma_wait3A_321 = tpu.memref_slice %arg3[%add3A_35] : memref<131072xi32, #tpu.memory_space<hbm>> -> memref<128xi32, #tpu.memory_space<hbm>>
      %dma_wait3A_322 = tpu.memref_slice %arg3[%add3A_35] : memref<131072xi32, #tpu.memory_space<hbm>> -> memref<128xi32, #tpu.memory_space<hbm>>
      tpu.wait_dma2 semaphore(%run_scoped3A : memref<!tpu.dma_semaphore, #tpu.memory_space<semaphore_mem>>) src(%dma_wait3A_322 : memref<128xi32, #tpu.memory_space<hbm>>) dst(%arg5 : memref<128xi32, #tpu.memory_space<vmem>>)
      tpu.yield
    }) : () -> ()
    %dma_start3A_36 = arith.constant 0 : i32
    %dma_start3A_37 = arith.constant 0 : i32
    %dma_start3A_38 = tpu.memref_slice %arg2[%dma_start3A_36, %dma_start3A_37] : memref<32768x128xf32, #tpu.memory_space<hbm>> -> memref<32768x128xf32, #tpu.memory_space<hbm>>
    tpu.enqueue_indirect_dma source(%dma_start3A_38 : memref<32768x128xf32, #tpu.memory_space<hbm>>) target(%arg6 : memref<128x128xf32, #tpu.memory_space<vmem>>) offsets(%arg5 : memref<128xi32, #tpu.memory_space<vmem>>) semaphore(%arg9 : memref<!tpu.dma_semaphore, #tpu.memory_space<semaphore_mem>>)
    %dma_wait3A_39 = arith.constant 0 : i32
    %dma_wait3A_40 = arith.constant 0 : i32
    %dma_wait3A_41 = tpu.memref_slice %arg2[%dma_wait3A_39, %dma_wait3A_40] : memref<32768x128xf32, #tpu.memory_space<hbm>> -> memref<32768x128xf32, #tpu.memory_space<hbm>>
    tpu.wait_indirect_dma semaphore(%arg10 : memref<!tpu.dma_semaphore, #tpu.memory_space<semaphore_mem>>) src(%dma_wait3A_41 : memref<32768x128xf32, #tpu.memory_space<hbm>>) dst(%arg8 : memref<128x128xf32, #tpu.memory_space<vmem>>)
    %add3A_42 = arith.constant 384 : i32
    %add3A_43 = arith.addi %mul3A_2, %add3A_42 : i32
    "tpu.region"() ({
      %run_scoped3A = tpu.sem_alloc : memref<!tpu.dma_semaphore, #tpu.memory_space<semaphore_mem>>
      %dma_start3A_319 = arith.constant 0 : i32
      %dma_start3A_320 = tpu.memref_slice %arg4[%add3A_43, %dma_start3A_319] : memref<131072x128xf32, #tpu.memory_space<hbm>> -> memref<128x128xf32, #tpu.memory_space<hbm>>
      %dma_start3A_321 = arith.constant 0 : i32
      %dma_start3A_322 = tpu.memref_slice %arg4[%add3A_43, %dma_start3A_321] : memref<131072x128xf32, #tpu.memory_space<hbm>> -> memref<128x128xf32, #tpu.memory_space<hbm>>
      tpu.enqueue_dma source(%arg8 : memref<128x128xf32, #tpu.memory_space<vmem>>) target(%dma_start3A_322 : memref<128x128xf32, #tpu.memory_space<hbm>>) target_semaphore(%run_scoped3A : memref<!tpu.dma_semaphore, #tpu.memory_space<semaphore_mem>>)
      %dma_wait3A_323 = arith.constant 0 : i32
      %dma_wait3A_324 = tpu.memref_slice %arg4[%add3A_43, %dma_wait3A_323] : memref<131072x128xf32, #tpu.memory_space<hbm>> -> memref<128x128xf32, #tpu.memory_space<hbm>>
      %dma_wait3A_325 = arith.constant 0 : i32
      %dma_wait3A_326 = tpu.memref_slice %arg4[%add3A_43, %dma_wait3A_325] : memref<131072x128xf32, #tpu.memory_space<hbm>> -> memref<128x128xf32, #tpu.memory_space<hbm>>
      tpu.wait_dma2 semaphore(%run_scoped3A : memref<!tpu.dma_semaphore, #tpu.memory_space<semaphore_mem>>) src(%arg8 : memref<128x128xf32, #tpu.memory_space<vmem>>) dst(%dma_wait3A_326 : memref<128x128xf32, #tpu.memory_space<hbm>>)
      tpu.yield
    }) : () -> ()
    %add3A_44 = arith.constant 640 : i32
    %add3A_45 = arith.addi %mul3A_2, %add3A_44 : i32
    "tpu.region"() ({
      %run_scoped3A = tpu.sem_alloc : memref<!tpu.dma_semaphore, #tpu.memory_space<semaphore_mem>>
      %dma_start3A_319 = tpu.memref_slice %arg3[%add3A_45] : memref<131072xi32, #tpu.memory_space<hbm>> -> memref<128xi32, #tpu.memory_space<hbm>>
      %dma_start3A_320 = tpu.memref_slice %arg3[%add3A_45] : memref<131072xi32, #tpu.memory_space<hbm>> -> memref<128xi32, #tpu.memory_space<hbm>>
      tpu.enqueue_dma source(%dma_start3A_320 : memref<128xi32, #tpu.memory_space<hbm>>) target(%arg7 : memref<128xi32, #tpu.memory_space<vmem>>) target_semaphore(%run_scoped3A : memref<!tpu.dma_semaphore, #tpu.memory_space<semaphore_mem>>)
      %dma_wait3A_321 = tpu.memref_slice %arg3[%add3A_45] : memref<131072xi32, #tpu.memory_space<hbm>> -> memref<128xi32, #tpu.memory_space<hbm>>
      %dma_wait3A_322 = tpu.memref_slice %arg3[%add3A_45] : memref<131072xi32, #tpu.memory_space<hbm>> -> memref<128xi32, #tpu.memory_space<hbm>>
      tpu.wait_dma2 semaphore(%run_scoped3A : memref<!tpu.dma_semaphore, #tpu.memory_space<semaphore_mem>>) src(%dma_wait3A_322 : memref<128xi32, #tpu.memory_space<hbm>>) dst(%arg7 : memref<128xi32, #tpu.memory_space<vmem>>)
      tpu.yield
    }) : () -> ()
    %dma_start3A_46 = arith.constant 0 : i32
    %dma_start3A_47 = arith.constant 0 : i32
    %dma_start3A_48 = tpu.memref_slice %arg2[%dma_start3A_46, %dma_start3A_47] : memref<32768x128xf32, #tpu.memory_space<hbm>> -> memref<32768x128xf32, #tpu.memory_space<hbm>>
    tpu.enqueue_indirect_dma source(%dma_start3A_48 : memref<32768x128xf32, #tpu.memory_space<hbm>>) target(%arg8 : memref<128x128xf32, #tpu.memory_space<vmem>>) offsets(%arg7 : memref<128xi32, #tpu.memory_space<vmem>>) semaphore(%arg10 : memref<!tpu.dma_semaphore, #tpu.memory_space<semaphore_mem>>)
    %dma_wait3A_49 = arith.constant 0 : i32
    %dma_wait3A_50 = arith.constant 0 : i32
    %dma_wait3A_51 = tpu.memref_slice %arg2[%dma_wait3A_49, %dma_wait3A_50] : memref<32768x128xf32, #tpu.memory_space<hbm>> -> memref<32768x128xf32, #tpu.memory_space<hbm>>
    tpu.wait_indirect_dma semaphore(%arg9 : memref<!tpu.dma_semaphore, #tpu.memory_space<semaphore_mem>>) src(%dma_wait3A_51 : memref<32768x128xf32, #tpu.memory_space<hbm>>) dst(%arg6 : memref<128x128xf32, #tpu.memory_space<vmem>>)
    %add3A_52 = arith.constant 512 : i32
    %add3A_53 = arith.addi %mul3A_2, %add3A_52 : i32
    "tpu.region"() ({
      %run_scoped3A = tpu.sem_alloc : memref<!tpu.dma_semaphore, #tpu.memory_space<semaphore_mem>>
      %dma_start3A_319 = arith.constant 0 : i32
      %dma_start3A_320 = tpu.memref_slice %arg4[%add3A_53, %dma_start3A_319] : memref<131072x128xf32, #tpu.memory_space<hbm>> -> memref<128x128xf32, #tpu.memory_space<hbm>>
      %dma_start3A_321 = arith.constant 0 : i32
      %dma_start3A_322 = tpu.memref_slice %arg4[%add3A_53, %dma_start3A_321] : memref<131072x128xf32, #tpu.memory_space<hbm>> -> memref<128x128xf32, #tpu.memory_space<hbm>>
      tpu.enqueue_dma source(%arg6 : memref<128x128xf32, #tpu.memory_space<vmem>>) target(%dma_start3A_322 : memref<128x128xf32, #tpu.memory_space<hbm>>) target_semaphore(%run_scoped3A : memref<!tpu.dma_semaphore, #tpu.memory_space<semaphore_mem>>)
      %dma_wait3A_323 = arith.constant 0 : i32
      %dma_wait3A_324 = tpu.memref_slice %arg4[%add3A_53, %dma_wait3A_323] : memref<131072x128xf32, #tpu.memory_space<hbm>> -> memref<128x128xf32, #tpu.memory_space<hbm>>
      %dma_wait3A_325 = arith.constant 0 : i32
      %dma_wait3A_326 = tpu.memref_slice %arg4[%add3A_53, %dma_wait3A_325] : memref<131072x128xf32, #tpu.memory_space<hbm>> -> memref<128x128xf32, #tpu.memory_space<hbm>>
      tpu.wait_dma2 semaphore(%run_scoped3A : memref<!tpu.dma_semaphore, #tpu.memory_space<semaphore_mem>>) src(%arg6 : memref<128x128xf32, #tpu.memory_space<vmem>>) dst(%dma_wait3A_326 : memref<128x128xf32, #tpu.memory_space<hbm>>)
      tpu.yield
    }) : () -> ()
    %add3A_54 = arith.constant 768 : i32
    %add3A_55 = arith.addi %mul3A_2, %add3A_54 : i32
    "tpu.region"() ({
      %run_scoped3A = tpu.sem_alloc : memref<!tpu.dma_semaphore, #tpu.memory_space<semaphore_mem>>
      %dma_start3A_319 = tpu.memref_slice %arg3[%add3A_55] : memref<131072xi32, #tpu.memory_space<hbm>> -> memref<128xi32, #tpu.memory_space<hbm>>
      %dma_start3A_320 = tpu.memref_slice %arg3[%add3A_55] : memref<131072xi32, #tpu.memory_space<hbm>> -> memref<128xi32, #tpu.memory_space<hbm>>
      tpu.enqueue_dma source(%dma_start3A_320 : memref<128xi32, #tpu.memory_space<hbm>>) target(%arg5 : memref<128xi32, #tpu.memory_space<vmem>>) target_semaphore(%run_scoped3A : memref<!tpu.dma_semaphore, #tpu.memory_space<semaphore_mem>>)
      %dma_wait3A_321 = tpu.memref_slice %arg3[%add3A_55] : memref<131072xi32, #tpu.memory_space<hbm>> -> memref<128xi32, #tpu.memory_space<hbm>>
      %dma_wait3A_322 = tpu.memref_slice %arg3[%add3A_55] : memref<131072xi32, #tpu.memory_space<hbm>> -> memref<128xi32, #tpu.memory_space<hbm>>
      tpu.wait_dma2 semaphore(%run_scoped3A : memref<!tpu.dma_semaphore, #tpu.memory_space<semaphore_mem>>) src(%dma_wait3A_322 : memref<128xi32, #tpu.memory_space<hbm>>) dst(%arg5 : memref<128xi32, #tpu.memory_space<vmem>>)
      tpu.yield
    }) : () -> ()
    %dma_start3A_56 = arith.constant 0 : i32
    %dma_start3A_57 = arith.constant 0 : i32
    %dma_start3A_58 = tpu.memref_slice %arg2[%dma_start3A_56, %dma_start3A_57] : memref<32768x128xf32, #tpu.memory_space<hbm>> -> memref<32768x128xf32, #tpu.memory_space<hbm>>
    tpu.enqueue_indirect_dma source(%dma_start3A_58 : memref<32768x128xf32, #tpu.memory_space<hbm>>) target(%arg6 : memref<128x128xf32, #tpu.memory_space<vmem>>) offsets(%arg5 : memref<128xi32, #tpu.memory_space<vmem>>) semaphore(%arg9 : memref<!tpu.dma_semaphore, #tpu.memory_space<semaphore_mem>>)
    %dma_wait3A_59 = arith.constant 0 : i32
    %dma_wait3A_60 = arith.constant 0 : i32
    %dma_wait3A_61 = tpu.memref_slice %arg2[%dma_wait3A_59, %dma_wait3A_60] : memref<32768x128xf32, #tpu.memory_space<hbm>> -> memref<32768x128xf32, #tpu.memory_space<hbm>>
    tpu.wait_indirect_dma semaphore(%arg10 : memref<!tpu.dma_semaphore, #tpu.memory_space<semaphore_mem>>) src(%dma_wait3A_61 : memref<32768x128xf32, #tpu.memory_space<hbm>>) dst(%arg8 : memref<128x128xf32, #tpu.memory_space<vmem>>)
    %add3A_62 = arith.constant 640 : i32
    %add3A_63 = arith.addi %mul3A_2, %add3A_62 : i32
    "tpu.region"() ({
      %run_scoped3A = tpu.sem_alloc : memref<!tpu.dma_semaphore, #tpu.memory_space<semaphore_mem>>
      %dma_start3A_319 = arith.constant 0 : i32
      %dma_start3A_320 = tpu.memref_slice %arg4[%add3A_63, %dma_start3A_319] : memref<131072x128xf32, #tpu.memory_space<hbm>> -> memref<128x128xf32, #tpu.memory_space<hbm>>
      %dma_start3A_321 = arith.constant 0 : i32
      %dma_start3A_322 = tpu.memref_slice %arg4[%add3A_63, %dma_start3A_321] : memref<131072x128xf32, #tpu.memory_space<hbm>> -> memref<128x128xf32, #tpu.memory_space<hbm>>
      tpu.enqueue_dma source(%arg8 : memref<128x128xf32, #tpu.memory_space<vmem>>) target(%dma_start3A_322 : memref<128x128xf32, #tpu.memory_space<hbm>>) target_semaphore(%run_scoped3A : memref<!tpu.dma_semaphore, #tpu.memory_space<semaphore_mem>>)
      %dma_wait3A_323 = arith.constant 0 : i32
      %dma_wait3A_324 = tpu.memref_slice %arg4[%add3A_63, %dma_wait3A_323] : memref<131072x128xf32, #tpu.memory_space<hbm>> -> memref<128x128xf32, #tpu.memory_space<hbm>>
      %dma_wait3A_325 = arith.constant 0 : i32
      %dma_wait3A_326 = tpu.memref_slice %arg4[%add3A_63, %dma_wait3A_325] : memref<131072x128xf32, #tpu.memory_space<hbm>> -> memref<128x128xf32, #tpu.memory_space<hbm>>
      tpu.wait_dma2 semaphore(%run_scoped3A : memref<!tpu.dma_semaphore, #tpu.memory_space<semaphore_mem>>) src(%arg8 : memref<128x128xf32, #tpu.memory_space<vmem>>) dst(%dma_wait3A_326 : memref<128x128xf32, #tpu.memory_space<hbm>>)
      tpu.yield
    }) : () -> ()
    %add3A_64 = arith.constant 896 : i32
    %add3A_65 = arith.addi %mul3A_2, %add3A_64 : i32
    "tpu.region"() ({
      %run_scoped3A = tpu.sem_alloc : memref<!tpu.dma_semaphore, #tpu.memory_space<semaphore_mem>>
      %dma_start3A_319 = tpu.memref_slice %arg3[%add3A_65] : memref<131072xi32, #tpu.memory_space<hbm>> -> memref<128xi32, #tpu.memory_space<hbm>>
      %dma_start3A_320 = tpu.memref_slice %arg3[%add3A_65] : memref<131072xi32, #tpu.memory_space<hbm>> -> memref<128xi32, #tpu.memory_space<hbm>>
      tpu.enqueue_dma source(%dma_start3A_320 : memref<128xi32, #tpu.memory_space<hbm>>) target(%arg7 : memref<128xi32, #tpu.memory_space<vmem>>) target_semaphore(%run_scoped3A : memref<!tpu.dma_semaphore, #tpu.memory_space<semaphore_mem>>)
      %dma_wait3A_321 = tpu.memref_slice %arg3[%add3A_65] : memref<131072xi32, #tpu.memory_space<hbm>> -> memref<128xi32, #tpu.memory_space<hbm>>
      %dma_wait3A_322 = tpu.memref_slice %arg3[%add3A_65] : memref<131072xi32, #tpu.memory_space<hbm>> -> memref<128xi32, #tpu.memory_space<hbm>>
      tpu.wait_dma2 semaphore(%run_scoped3A : memref<!tpu.dma_semaphore, #tpu.memory_space<semaphore_mem>>) src(%dma_wait3A_322 : memref<128xi32, #tpu.memory_space<hbm>>) dst(%arg7 : memref<128xi32, #tpu.memory_space<vmem>>)
      tpu.yield
    }) : () -> ()
    %dma_start3A_66 = arith.constant 0 : i32
    %dma_start3A_67 = arith.constant 0 : i32
    %dma_start3A_68 = tpu.memref_slice %arg2[%dma_start3A_66, %dma_start3A_67] : memref<32768x128xf32, #tpu.memory_space<hbm>> -> memref<32768x128xf32, #tpu.memory_space<hbm>>
    tpu.enqueue_indirect_dma source(%dma_start3A_68 : memref<32768x128xf32, #tpu.memory_space<hbm>>) target(%arg8 : memref<128x128xf32, #tpu.memory_space<vmem>>) offsets(%arg7 : memref<128xi32, #tpu.memory_space<vmem>>) semaphore(%arg10 : memref<!tpu.dma_semaphore, #tpu.memory_space<semaphore_mem>>)
    %dma_wait3A_69 = arith.constant 0 : i32
    %dma_wait3A_70 = arith.constant 0 : i32
    %dma_wait3A_71 = tpu.memref_slice %arg2[%dma_wait3A_69, %dma_wait3A_70] : memref<32768x128xf32, #tpu.memory_space<hbm>> -> memref<32768x128xf32, #tpu.memory_space<hbm>>
    tpu.wait_indirect_dma semaphore(%arg9 : memref<!tpu.dma_semaphore, #tpu.memory_space<semaphore_mem>>) src(%dma_wait3A_71 : memref<32768x128xf32, #tpu.memory_space<hbm>>) dst(%arg6 : memref<128x128xf32, #tpu.memory_space<vmem>>)
    %add3A_72 = arith.constant 768 : i32
    %add3A_73 = arith.addi %mul3A_2, %add3A_72 : i32
    "tpu.region"() ({
      %run_scoped3A = tpu.sem_alloc : memref<!tpu.dma_semaphore, #tpu.memory_space<semaphore_mem>>
      %dma_start3A_319 = arith.constant 0 : i32
      %dma_start3A_320 = tpu.memref_slice %arg4[%add3A_73, %dma_start3A_319] : memref<131072x128xf32, #tpu.memory_space<hbm>> -> memref<128x128xf32, #tpu.memory_space<hbm>>
      %dma_start3A_321 = arith.constant 0 : i32
      %dma_start3A_322 = tpu.memref_slice %arg4[%add3A_73, %dma_start3A_321] : memref<131072x128xf32, #tpu.memory_space<hbm>> -> memref<128x128xf32, #tpu.memory_space<hbm>>
      tpu.enqueue_dma source(%arg6 : memref<128x128xf32, #tpu.memory_space<vmem>>) target(%dma_start3A_322 : memref<128x128xf32, #tpu.memory_space<hbm>>) target_semaphore(%run_scoped3A : memref<!tpu.dma_semaphore, #tpu.memory_space<semaphore_mem>>)
      %dma_wait3A_323 = arith.constant 0 : i32
      %dma_wait3A_324 = tpu.memref_slice %arg4[%add3A_73, %dma_wait3A_323] : memref<131072x128xf32, #tpu.memory_space<hbm>> -> memref<128x128xf32, #tpu.memory_space<hbm>>
      %dma_wait3A_325 = arith.constant 0 : i32
      %dma_wait3A_326 = tpu.memref_slice %arg4[%add3A_73, %dma_wait3A_325] : memref<131072x128xf32, #tpu.memory_space<hbm>> -> memref<128x128xf32, #tpu.memory_space<hbm>>
      tpu.wait_dma2 semaphore(%run_scoped3A : memref<!tpu.dma_semaphore, #tpu.memory_space<semaphore_mem>>) src(%arg6 : memref<128x128xf32, #tpu.memory_space<vmem>>) dst(%dma_wait3A_326 : memref<128x128xf32, #tpu.memory_space<hbm>>)
      tpu.yield
    }) : () -> ()
    %add3A_74 = arith.constant 1024 : i32
    %add3A_75 = arith.addi %mul3A_2, %add3A_74 : i32
    "tpu.region"() ({
      %run_scoped3A = tpu.sem_alloc : memref<!tpu.dma_semaphore, #tpu.memory_space<semaphore_mem>>
      %dma_start3A_319 = tpu.memref_slice %arg3[%add3A_75] : memref<131072xi32, #tpu.memory_space<hbm>> -> memref<128xi32, #tpu.memory_space<hbm>>
      %dma_start3A_320 = tpu.memref_slice %arg3[%add3A_75] : memref<131072xi32, #tpu.memory_space<hbm>> -> memref<128xi32, #tpu.memory_space<hbm>>
      tpu.enqueue_dma source(%dma_start3A_320 : memref<128xi32, #tpu.memory_space<hbm>>) target(%arg5 : memref<128xi32, #tpu.memory_space<vmem>>) target_semaphore(%run_scoped3A : memref<!tpu.dma_semaphore, #tpu.memory_space<semaphore_mem>>)
      %dma_wait3A_321 = tpu.memref_slice %arg3[%add3A_75] : memref<131072xi32, #tpu.memory_space<hbm>> -> memref<128xi32, #tpu.memory_space<hbm>>
      %dma_wait3A_322 = tpu.memref_slice %arg3[%add3A_75] : memref<131072xi32, #tpu.memory_space<hbm>> -> memref<128xi32, #tpu.memory_space<hbm>>
      tpu.wait_dma2 semaphore(%run_scoped3A : memref<!tpu.dma_semaphore, #tpu.memory_space<semaphore_mem>>) src(%dma_wait3A_322 : memref<128xi32, #tpu.memory_space<hbm>>) dst(%arg5 : memref<128xi32, #tpu.memory_space<vmem>>)
      tpu.yield
    }) : () -> ()
    %dma_start3A_76 = arith.constant 0 : i32
    %dma_start3A_77 = arith.constant 0 : i32
    %dma_start3A_78 = tpu.memref_slice %arg2[%dma_start3A_76, %dma_start3A_77] : memref<32768x128xf32, #tpu.memory_space<hbm>> -> memref<32768x128xf32, #tpu.memory_space<hbm>>
    tpu.enqueue_indirect_dma source(%dma_start3A_78 : memref<32768x128xf32, #tpu.memory_space<hbm>>) target(%arg6 : memref<128x128xf32, #tpu.memory_space<vmem>>) offsets(%arg5 : memref<128xi32, #tpu.memory_space<vmem>>) semaphore(%arg9 : memref<!tpu.dma_semaphore, #tpu.memory_space<semaphore_mem>>)
    %dma_wait3A_79 = arith.constant 0 : i32
    %dma_wait3A_80 = arith.constant 0 : i32
    %dma_wait3A_81 = tpu.memref_slice %arg2[%dma_wait3A_79, %dma_wait3A_80] : memref<32768x128xf32, #tpu.memory_space<hbm>> -> memref<32768x128xf32, #tpu.memory_space<hbm>>
    tpu.wait_indirect_dma semaphore(%arg10 : memref<!tpu.dma_semaphore, #tpu.memory_space<semaphore_mem>>) src(%dma_wait3A_81 : memref<32768x128xf32, #tpu.memory_space<hbm>>) dst(%arg8 : memref<128x128xf32, #tpu.memory_space<vmem>>)
    %add3A_82 = arith.constant 896 : i32
    %add3A_83 = arith.addi %mul3A_2, %add3A_82 : i32
    "tpu.region"() ({
      %run_scoped3A = tpu.sem_alloc : memref<!tpu.dma_semaphore, #tpu.memory_space<semaphore_mem>>
      %dma_start3A_319 = arith.constant 0 : i32
      %dma_start3A_320 = tpu.memref_slice %arg4[%add3A_83, %dma_start3A_319] : memref<131072x128xf32, #tpu.memory_space<hbm>> -> memref<128x128xf32, #tpu.memory_space<hbm>>
      %dma_start3A_321 = arith.constant 0 : i32
      %dma_start3A_322 = tpu.memref_slice %arg4[%add3A_83, %dma_start3A_321] : memref<131072x128xf32, #tpu.memory_space<hbm>> -> memref<128x128xf32, #tpu.memory_space<hbm>>
      tpu.enqueue_dma source(%arg8 : memref<128x128xf32, #tpu.memory_space<vmem>>) target(%dma_start3A_322 : memref<128x128xf32, #tpu.memory_space<hbm>>) target_semaphore(%run_scoped3A : memref<!tpu.dma_semaphore, #tpu.memory_space<semaphore_mem>>)
      %dma_wait3A_323 = arith.constant 0 : i32
      %dma_wait3A_324 = tpu.memref_slice %arg4[%add3A_83, %dma_wait3A_323] : memref<131072x128xf32, #tpu.memory_space<hbm>> -> memref<128x128xf32, #tpu.memory_space<hbm>>
      %dma_wait3A_325 = arith.constant 0 : i32
      %dma_wait3A_326 = tpu.memref_slice %arg4[%add3A_83, %dma_wait3A_325] : memref<131072x128xf32, #tpu.memory_space<hbm>> -> memref<128x128xf32, #tpu.memory_space<hbm>>
      tpu.wait_dma2 semaphore(%run_scoped3A : memref<!tpu.dma_semaphore, #tpu.memory_space<semaphore_mem>>) src(%arg8 : memref<128x128xf32, #tpu.memory_space<vmem>>) dst(%dma_wait3A_326 : memref<128x128xf32, #tpu.memory_space<hbm>>)
      tpu.yield
    }) : () -> ()
    %add3A_84 = arith.constant 1152 : i32
    %add3A_85 = arith.addi %mul3A_2, %add3A_84 : i32
    "tpu.region"() ({
      %run_scoped3A = tpu.sem_alloc : memref<!tpu.dma_semaphore, #tpu.memory_space<semaphore_mem>>
      %dma_start3A_319 = tpu.memref_slice %arg3[%add3A_85] : memref<131072xi32, #tpu.memory_space<hbm>> -> memref<128xi32, #tpu.memory_space<hbm>>
      %dma_start3A_320 = tpu.memref_slice %arg3[%add3A_85] : memref<131072xi32, #tpu.memory_space<hbm>> -> memref<128xi32, #tpu.memory_space<hbm>>
      tpu.enqueue_dma source(%dma_start3A_320 : memref<128xi32, #tpu.memory_space<hbm>>) target(%arg7 : memref<128xi32, #tpu.memory_space<vmem>>) target_semaphore(%run_scoped3A : memref<!tpu.dma_semaphore, #tpu.memory_space<semaphore_mem>>)
      %dma_wait3A_321 = tpu.memref_slice %arg3[%add3A_85] : memref<131072xi32, #tpu.memory_space<hbm>> -> memref<128xi32, #tpu.memory_space<hbm>>
      %dma_wait3A_322 = tpu.memref_slice %arg3[%add3A_85] : memref<131072xi32, #tpu.memory_space<hbm>> -> memref<128xi32, #tpu.memory_space<hbm>>
      tpu.wait_dma2 semaphore(%run_scoped3A : memref<!tpu.dma_semaphore, #tpu.memory_space<semaphore_mem>>) src(%dma_wait3A_322 : memref<128xi32, #tpu.memory_space<hbm>>) dst(%arg7 : memref<128xi32, #tpu.memory_space<vmem>>)
      tpu.yield
    }) : () -> ()
    %dma_start3A_86 = arith.constant 0 : i32
    %dma_start3A_87 = arith.constant 0 : i32
    %dma_start3A_88 = tpu.memref_slice %arg2[%dma_start3A_86, %dma_start3A_87] : memref<32768x128xf32, #tpu.memory_space<hbm>> -> memref<32768x128xf32, #tpu.memory_space<hbm>>
    tpu.enqueue_indirect_dma source(%dma_start3A_88 : memref<32768x128xf32, #tpu.memory_space<hbm>>) target(%arg8 : memref<128x128xf32, #tpu.memory_space<vmem>>) offsets(%arg7 : memref<128xi32, #tpu.memory_space<vmem>>) semaphore(%arg10 : memref<!tpu.dma_semaphore, #tpu.memory_space<semaphore_mem>>)
    %dma_wait3A_89 = arith.constant 0 : i32
    %dma_wait3A_90 = arith.constant 0 : i32
    %dma_wait3A_91 = tpu.memref_slice %arg2[%dma_wait3A_89, %dma_wait3A_90] : memref<32768x128xf32, #tpu.memory_space<hbm>> -> memref<32768x128xf32, #tpu.memory_space<hbm>>
    tpu.wait_indirect_dma semaphore(%arg9 : memref<!tpu.dma_semaphore, #tpu.memory_space<semaphore_mem>>) src(%dma_wait3A_91 : memref<32768x128xf32, #tpu.memory_space<hbm>>) dst(%arg6 : memref<128x128xf32, #tpu.memory_space<vmem>>)
    %add3A_92 = arith.constant 1024 : i32
    %add3A_93 = arith.addi %mul3A_2, %add3A_92 : i32
    "tpu.region"() ({
      %run_scoped3A = tpu.sem_alloc : memref<!tpu.dma_semaphore, #tpu.memory_space<semaphore_mem>>
      %dma_start3A_319 = arith.constant 0 : i32
      %dma_start3A_320 = tpu.memref_slice %arg4[%add3A_93, %dma_start3A_319] : memref<131072x128xf32, #tpu.memory_space<hbm>> -> memref<128x128xf32, #tpu.memory_space<hbm>>
      %dma_start3A_321 = arith.constant 0 : i32
      %dma_start3A_322 = tpu.memref_slice %arg4[%add3A_93, %dma_start3A_321] : memref<131072x128xf32, #tpu.memory_space<hbm>> -> memref<128x128xf32, #tpu.memory_space<hbm>>
      tpu.enqueue_dma source(%arg6 : memref<128x128xf32, #tpu.memory_space<vmem>>) target(%dma_start3A_322 : memref<128x128xf32, #tpu.memory_space<hbm>>) target_semaphore(%run_scoped3A : memref<!tpu.dma_semaphore, #tpu.memory_space<semaphore_mem>>)
      %dma_wait3A_323 = arith.constant 0 : i32
      %dma_wait3A_324 = tpu.memref_slice %arg4[%add3A_93, %dma_wait3A_323] : memref<131072x128xf32, #tpu.memory_space<hbm>> -> memref<128x128xf32, #tpu.memory_space<hbm>>
      %dma_wait3A_325 = arith.constant 0 : i32
      %dma_wait3A_326 = tpu.memref_slice %arg4[%add3A_93, %dma_wait3A_325] : memref<131072x128xf32, #tpu.memory_space<hbm>> -> memref<128x128xf32, #tpu.memory_space<hbm>>
      tpu.wait_dma2 semaphore(%run_scoped3A : memref<!tpu.dma_semaphore, #tpu.memory_space<semaphore_mem>>) src(%arg6 : memref<128x128xf32, #tpu.memory_space<vmem>>) dst(%dma_wait3A_326 : memref<128x128xf32, #tpu.memory_space<hbm>>)
      tpu.yield
    }) : () -> ()
    %add3A_94 = arith.constant 1280 : i32
    %add3A_95 = arith.addi %mul3A_2, %add3A_94 : i32
    "tpu.region"() ({
      %run_scoped3A = tpu.sem_alloc : memref<!tpu.dma_semaphore, #tpu.memory_space<semaphore_mem>>
      %dma_start3A_319 = tpu.memref_slice %arg3[%add3A_95] : memref<131072xi32, #tpu.memory_space<hbm>> -> memref<128xi32, #tpu.memory_space<hbm>>
      %dma_start3A_320 = tpu.memref_slice %arg3[%add3A_95] : memref<131072xi32, #tpu.memory_space<hbm>> -> memref<128xi32, #tpu.memory_space<hbm>>
      tpu.enqueue_dma source(%dma_start3A_320 : memref<128xi32, #tpu.memory_space<hbm>>) target(%arg5 : memref<128xi32, #tpu.memory_space<vmem>>) target_semaphore(%run_scoped3A : memref<!tpu.dma_semaphore, #tpu.memory_space<semaphore_mem>>)
      %dma_wait3A_321 = tpu.memref_slice %arg3[%add3A_95] : memref<131072xi32, #tpu.memory_space<hbm>> -> memref<128xi32, #tpu.memory_space<hbm>>
      %dma_wait3A_322 = tpu.memref_slice %arg3[%add3A_95] : memref<131072xi32, #tpu.memory_space<hbm>> -> memref<128xi32, #tpu.memory_space<hbm>>
      tpu.wait_dma2 semaphore(%run_scoped3A : memref<!tpu.dma_semaphore, #tpu.memory_space<semaphore_mem>>) src(%dma_wait3A_322 : memref<128xi32, #tpu.memory_space<hbm>>) dst(%arg5 : memref<128xi32, #tpu.memory_space<vmem>>)
      tpu.yield
    }) : () -> ()
    %dma_start3A_96 = arith.constant 0 : i32
    %dma_start3A_97 = arith.constant 0 : i32
    %dma_start3A_98 = tpu.memref_slice %arg2[%dma_start3A_96, %dma_start3A_97] : memref<32768x128xf32, #tpu.memory_space<hbm>> -> memref<32768x128xf32, #tpu.memory_space<hbm>>
    tpu.enqueue_indirect_dma source(%dma_start3A_98 : memref<32768x128xf32, #tpu.memory_space<hbm>>) target(%arg6 : memref<128x128xf32, #tpu.memory_space<vmem>>) offsets(%arg5 : memref<128xi32, #tpu.memory_space<vmem>>) semaphore(%arg9 : memref<!tpu.dma_semaphore, #tpu.memory_space<semaphore_mem>>)
    %dma_wait3A_99 = arith.constant 0 : i32
    %dma_wait3A_100 = arith.constant 0 : i32
    %dma_wait3A_101 = tpu.memref_slice %arg2[%dma_wait3A_99, %dma_wait3A_100] : memref<32768x128xf32, #tpu.memory_space<hbm>> -> memref<32768x128xf32, #tpu.memory_space<hbm>>
    tpu.wait_indirect_dma semaphore(%arg10 : memref<!tpu.dma_semaphore, #tpu.memory_space<semaphore_mem>>) src(%dma_wait3A_101 : memref<32768x128xf32, #tpu.memory_space<hbm>>) dst(%arg8 : memref<128x128xf32, #tpu.memory_space<vmem>>)
    %add3A_102 = arith.constant 1152 : i32
    %add3A_103 = arith.addi %mul3A_2, %add3A_102 : i32
    "tpu.region"() ({
      %run_scoped3A = tpu.sem_alloc : memref<!tpu.dma_semaphore, #tpu.memory_space<semaphore_mem>>
      %dma_start3A_319 = arith.constant 0 : i32
      %dma_start3A_320 = tpu.memref_slice %arg4[%add3A_103, %dma_start3A_319] : memref<131072x128xf32, #tpu.memory_space<hbm>> -> memref<128x128xf32, #tpu.memory_space<hbm>>
      %dma_start3A_321 = arith.constant 0 : i32
      %dma_start3A_322 = tpu.memref_slice %arg4[%add3A_103, %dma_start3A_321] : memref<131072x128xf32, #tpu.memory_space<hbm>> -> memref<128x128xf32, #tpu.memory_space<hbm>>
      tpu.enqueue_dma source(%arg8 : memref<128x128xf32, #tpu.memory_space<vmem>>) target(%dma_start3A_322 : memref<128x128xf32, #tpu.memory_space<hbm>>) target_semaphore(%run_scoped3A : memref<!tpu.dma_semaphore, #tpu.memory_space<semaphore_mem>>)
      %dma_wait3A_323 = arith.constant 0 : i32
      %dma_wait3A_324 = tpu.memref_slice %arg4[%add3A_103, %dma_wait3A_323] : memref<131072x128xf32, #tpu.memory_space<hbm>> -> memref<128x128xf32, #tpu.memory_space<hbm>>
      %dma_wait3A_325 = arith.constant 0 : i32
      %dma_wait3A_326 = tpu.memref_slice %arg4[%add3A_103, %dma_wait3A_325] : memref<131072x128xf32, #tpu.memory_space<hbm>> -> memref<128x128xf32, #tpu.memory_space<hbm>>
      tpu.wait_dma2 semaphore(%run_scoped3A : memref<!tpu.dma_semaphore, #tpu.memory_space<semaphore_mem>>) src(%arg8 : memref<128x128xf32, #tpu.memory_space<vmem>>) dst(%dma_wait3A_326 : memref<128x128xf32, #tpu.memory_space<hbm>>)
      tpu.yield
    }) : () -> ()
    %add3A_104 = arith.constant 1408 : i32
    %add3A_105 = arith.addi %mul3A_2, %add3A_104 : i32
    "tpu.region"() ({
      %run_scoped3A = tpu.sem_alloc : memref<!tpu.dma_semaphore, #tpu.memory_space<semaphore_mem>>
      %dma_start3A_319 = tpu.memref_slice %arg3[%add3A_105] : memref<131072xi32, #tpu.memory_space<hbm>> -> memref<128xi32, #tpu.memory_space<hbm>>
      %dma_start3A_320 = tpu.memref_slice %arg3[%add3A_105] : memref<131072xi32, #tpu.memory_space<hbm>> -> memref<128xi32, #tpu.memory_space<hbm>>
      tpu.enqueue_dma source(%dma_start3A_320 : memref<128xi32, #tpu.memory_space<hbm>>) target(%arg7 : memref<128xi32, #tpu.memory_space<vmem>>) target_semaphore(%run_scoped3A : memref<!tpu.dma_semaphore, #tpu.memory_space<semaphore_mem>>)
      %dma_wait3A_321 = tpu.memref_slice %arg3[%add3A_105] : memref<131072xi32, #tpu.memory_space<hbm>> -> memref<128xi32, #tpu.memory_space<hbm>>
      %dma_wait3A_322 = tpu.memref_slice %arg3[%add3A_105] : memref<131072xi32, #tpu.memory_space<hbm>> -> memref<128xi32, #tpu.memory_space<hbm>>
      tpu.wait_dma2 semaphore(%run_scoped3A : memref<!tpu.dma_semaphore, #tpu.memory_space<semaphore_mem>>) src(%dma_wait3A_322 : memref<128xi32, #tpu.memory_space<hbm>>) dst(%arg7 : memref<128xi32, #tpu.memory_space<vmem>>)
      tpu.yield
    }) : () -> ()
    %dma_start3A_106 = arith.constant 0 : i32
    %dma_start3A_107 = arith.constant 0 : i32
    %dma_start3A_108 = tpu.memref_slice %arg2[%dma_start3A_106, %dma_start3A_107] : memref<32768x128xf32, #tpu.memory_space<hbm>> -> memref<32768x128xf32, #tpu.memory_space<hbm>>
    tpu.enqueue_indirect_dma source(%dma_start3A_108 : memref<32768x128xf32, #tpu.memory_space<hbm>>) target(%arg8 : memref<128x128xf32, #tpu.memory_space<vmem>>) offsets(%arg7 : memref<128xi32, #tpu.memory_space<vmem>>) semaphore(%arg10 : memref<!tpu.dma_semaphore, #tpu.memory_space<semaphore_mem>>)
    %dma_wait3A_109 = arith.constant 0 : i32
    %dma_wait3A_110 = arith.constant 0 : i32
    %dma_wait3A_111 = tpu.memref_slice %arg2[%dma_wait3A_109, %dma_wait3A_110] : memref<32768x128xf32, #tpu.memory_space<hbm>> -> memref<32768x128xf32, #tpu.memory_space<hbm>>
    tpu.wait_indirect_dma semaphore(%arg9 : memref<!tpu.dma_semaphore, #tpu.memory_space<semaphore_mem>>) src(%dma_wait3A_111 : memref<32768x128xf32, #tpu.memory_space<hbm>>) dst(%arg6 : memref<128x128xf32, #tpu.memory_space<vmem>>)
    %add3A_112 = arith.constant 1280 : i32
    %add3A_113 = arith.addi %mul3A_2, %add3A_112 : i32
    "tpu.region"() ({
      %run_scoped3A = tpu.sem_alloc : memref<!tpu.dma_semaphore, #tpu.memory_space<semaphore_mem>>
      %dma_start3A_319 = arith.constant 0 : i32
      %dma_start3A_320 = tpu.memref_slice %arg4[%add3A_113, %dma_start3A_319] : memref<131072x128xf32, #tpu.memory_space<hbm>> -> memref<128x128xf32, #tpu.memory_space<hbm>>
      %dma_start3A_321 = arith.constant 0 : i32
      %dma_start3A_322 = tpu.memref_slice %arg4[%add3A_113, %dma_start3A_321] : memref<131072x128xf32, #tpu.memory_space<hbm>> -> memref<128x128xf32, #tpu.memory_space<hbm>>
      tpu.enqueue_dma source(%arg6 : memref<128x128xf32, #tpu.memory_space<vmem>>) target(%dma_start3A_322 : memref<128x128xf32, #tpu.memory_space<hbm>>) target_semaphore(%run_scoped3A : memref<!tpu.dma_semaphore, #tpu.memory_space<semaphore_mem>>)
      %dma_wait3A_323 = arith.constant 0 : i32
      %dma_wait3A_324 = tpu.memref_slice %arg4[%add3A_113, %dma_wait3A_323] : memref<131072x128xf32, #tpu.memory_space<hbm>> -> memref<128x128xf32, #tpu.memory_space<hbm>>
      %dma_wait3A_325 = arith.constant 0 : i32
      %dma_wait3A_326 = tpu.memref_slice %arg4[%add3A_113, %dma_wait3A_325] : memref<131072x128xf32, #tpu.memory_space<hbm>> -> memref<128x128xf32, #tpu.memory_space<hbm>>
      tpu.wait_dma2 semaphore(%run_scoped3A : memref<!tpu.dma_semaphore, #tpu.memory_space<semaphore_mem>>) src(%arg6 : memref<128x128xf32, #tpu.memory_space<vmem>>) dst(%dma_wait3A_326 : memref<128x128xf32, #tpu.memory_space<hbm>>)
      tpu.yield
    }) : () -> ()
    %add3A_114 = arith.constant 1536 : i32
    %add3A_115 = arith.addi %mul3A_2, %add3A_114 : i32
    "tpu.region"() ({
      %run_scoped3A = tpu.sem_alloc : memref<!tpu.dma_semaphore, #tpu.memory_space<semaphore_mem>>
      %dma_start3A_319 = tpu.memref_slice %arg3[%add3A_115] : memref<131072xi32, #tpu.memory_space<hbm>> -> memref<128xi32, #tpu.memory_space<hbm>>
      %dma_start3A_320 = tpu.memref_slice %arg3[%add3A_115] : memref<131072xi32, #tpu.memory_space<hbm>> -> memref<128xi32, #tpu.memory_space<hbm>>
      tpu.enqueue_dma source(%dma_start3A_320 : memref<128xi32, #tpu.memory_space<hbm>>) target(%arg5 : memref<128xi32, #tpu.memory_space<vmem>>) target_semaphore(%run_scoped3A : memref<!tpu.dma_semaphore, #tpu.memory_space<semaphore_mem>>)
      %dma_wait3A_321 = tpu.memref_slice %arg3[%add3A_115] : memref<131072xi32, #tpu.memory_space<hbm>> -> memref<128xi32, #tpu.memory_space<hbm>>
      %dma_wait3A_322 = tpu.memref_slice %arg3[%add3A_115] : memref<131072xi32, #tpu.memory_space<hbm>> -> memref<128xi32, #tpu.memory_space<hbm>>
      tpu.wait_dma2 semaphore(%run_scoped3A : memref<!tpu.dma_semaphore, #tpu.memory_space<semaphore_mem>>) src(%dma_wait3A_322 : memref<128xi32, #tpu.memory_space<hbm>>) dst(%arg5 : memref<128xi32, #tpu.memory_space<vmem>>)
      tpu.yield
    }) : () -> ()
    %dma_start3A_116 = arith.constant 0 : i32
    %dma_start3A_117 = arith.constant 0 : i32
    %dma_start3A_118 = tpu.memref_slice %arg2[%dma_start3A_116, %dma_start3A_117] : memref<32768x128xf32, #tpu.memory_space<hbm>> -> memref<32768x128xf32, #tpu.memory_space<hbm>>
    tpu.enqueue_indirect_dma source(%dma_start3A_118 : memref<32768x128xf32, #tpu.memory_space<hbm>>) target(%arg6 : memref<128x128xf32, #tpu.memory_space<vmem>>) offsets(%arg5 : memref<128xi32, #tpu.memory_space<vmem>>) semaphore(%arg9 : memref<!tpu.dma_semaphore, #tpu.memory_space<semaphore_mem>>)
    %dma_wait3A_119 = arith.constant 0 : i32
    %dma_wait3A_120 = arith.constant 0 : i32
    %dma_wait3A_121 = tpu.memref_slice %arg2[%dma_wait3A_119, %dma_wait3A_120] : memref<32768x128xf32, #tpu.memory_space<hbm>> -> memref<32768x128xf32, #tpu.memory_space<hbm>>
    tpu.wait_indirect_dma semaphore(%arg10 : memref<!tpu.dma_semaphore, #tpu.memory_space<semaphore_mem>>) src(%dma_wait3A_121 : memref<32768x128xf32, #tpu.memory_space<hbm>>) dst(%arg8 : memref<128x128xf32, #tpu.memory_space<vmem>>)
    %add3A_122 = arith.constant 1408 : i32
    %add3A_123 = arith.addi %mul3A_2, %add3A_122 : i32
    "tpu.region"() ({
      %run_scoped3A = tpu.sem_alloc : memref<!tpu.dma_semaphore, #tpu.memory_space<semaphore_mem>>
      %dma_start3A_319 = arith.constant 0 : i32
      %dma_start3A_320 = tpu.memref_slice %arg4[%add3A_123, %dma_start3A_319] : memref<131072x128xf32, #tpu.memory_space<hbm>> -> memref<128x128xf32, #tpu.memory_space<hbm>>
      %dma_start3A_321 = arith.constant 0 : i32
      %dma_start3A_322 = tpu.memref_slice %arg4[%add3A_123, %dma_start3A_321] : memref<131072x128xf32, #tpu.memory_space<hbm>> -> memref<128x128xf32, #tpu.memory_space<hbm>>
      tpu.enqueue_dma source(%arg8 : memref<128x128xf32, #tpu.memory_space<vmem>>) target(%dma_start3A_322 : memref<128x128xf32, #tpu.memory_space<hbm>>) target_semaphore(%run_scoped3A : memref<!tpu.dma_semaphore, #tpu.memory_space<semaphore_mem>>)
      %dma_wait3A_323 = arith.constant 0 : i32
      %dma_wait3A_324 = tpu.memref_slice %arg4[%add3A_123, %dma_wait3A_323] : memref<131072x128xf32, #tpu.memory_space<hbm>> -> memref<128x128xf32, #tpu.memory_space<hbm>>
      %dma_wait3A_325 = arith.constant 0 : i32
      %dma_wait3A_326 = tpu.memref_slice %arg4[%add3A_123, %dma_wait3A_325] : memref<131072x128xf32, #tpu.memory_space<hbm>> -> memref<128x128xf32, #tpu.memory_space<hbm>>
      tpu.wait_dma2 semaphore(%run_scoped3A : memref<!tpu.dma_semaphore, #tpu.memory_space<semaphore_mem>>) src(%arg8 : memref<128x128xf32, #tpu.memory_space<vmem>>) dst(%dma_wait3A_326 : memref<128x128xf32, #tpu.memory_space<hbm>>)
      tpu.yield
    }) : () -> ()
    %add3A_124 = arith.constant 1664 : i32
    %add3A_125 = arith.addi %mul3A_2, %add3A_124 : i32
    "tpu.region"() ({
      %run_scoped3A = tpu.sem_alloc : memref<!tpu.dma_semaphore, #tpu.memory_space<semaphore_mem>>
      %dma_start3A_319 = tpu.memref_slice %arg3[%add3A_125] : memref<131072xi32, #tpu.memory_space<hbm>> -> memref<128xi32, #tpu.memory_space<hbm>>
      %dma_start3A_320 = tpu.memref_slice %arg3[%add3A_125] : memref<131072xi32, #tpu.memory_space<hbm>> -> memref<128xi32, #tpu.memory_space<hbm>>
      tpu.enqueue_dma source(%dma_start3A_320 : memref<128xi32, #tpu.memory_space<hbm>>) target(%arg7 : memref<128xi32, #tpu.memory_space<vmem>>) target_semaphore(%run_scoped3A : memref<!tpu.dma_semaphore, #tpu.memory_space<semaphore_mem>>)
      %dma_wait3A_321 = tpu.memref_slice %arg3[%add3A_125] : memref<131072xi32, #tpu.memory_space<hbm>> -> memref<128xi32, #tpu.memory_space<hbm>>
      %dma_wait3A_322 = tpu.memref_slice %arg3[%add3A_125] : memref<131072xi32, #tpu.memory_space<hbm>> -> memref<128xi32, #tpu.memory_space<hbm>>
      tpu.wait_dma2 semaphore(%run_scoped3A : memref<!tpu.dma_semaphore, #tpu.memory_space<semaphore_mem>>) src(%dma_wait3A_322 : memref<128xi32, #tpu.memory_space<hbm>>) dst(%arg7 : memref<128xi32, #tpu.memory_space<vmem>>)
      tpu.yield
    }) : () -> ()
    %dma_start3A_126 = arith.constant 0 : i32
    %dma_start3A_127 = arith.constant 0 : i32
    %dma_start3A_128 = tpu.memref_slice %arg2[%dma_start3A_126, %dma_start3A_127] : memref<32768x128xf32, #tpu.memory_space<hbm>> -> memref<32768x128xf32, #tpu.memory_space<hbm>>
    tpu.enqueue_indirect_dma source(%dma_start3A_128 : memref<32768x128xf32, #tpu.memory_space<hbm>>) target(%arg8 : memref<128x128xf32, #tpu.memory_space<vmem>>) offsets(%arg7 : memref<128xi32, #tpu.memory_space<vmem>>) semaphore(%arg10 : memref<!tpu.dma_semaphore, #tpu.memory_space<semaphore_mem>>)
    %dma_wait3A_129 = arith.constant 0 : i32
    %dma_wait3A_130 = arith.constant 0 : i32
    %dma_wait3A_131 = tpu.memref_slice %arg2[%dma_wait3A_129, %dma_wait3A_130] : memref<32768x128xf32, #tpu.memory_space<hbm>> -> memref<32768x128xf32, #tpu.memory_space<hbm>>
    tpu.wait_indirect_dma semaphore(%arg9 : memref<!tpu.dma_semaphore, #tpu.memory_space<semaphore_mem>>) src(%dma_wait3A_131 : memref<32768x128xf32, #tpu.memory_space<hbm>>) dst(%arg6 : memref<128x128xf32, #tpu.memory_space<vmem>>)
    %add3A_132 = arith.constant 1536 : i32
    %add3A_133 = arith.addi %mul3A_2, %add3A_132 : i32
    "tpu.region"() ({
      %run_scoped3A = tpu.sem_alloc : memref<!tpu.dma_semaphore, #tpu.memory_space<semaphore_mem>>
      %dma_start3A_319 = arith.constant 0 : i32
      %dma_start3A_320 = tpu.memref_slice %arg4[%add3A_133, %dma_start3A_319] : memref<131072x128xf32, #tpu.memory_space<hbm>> -> memref<128x128xf32, #tpu.memory_space<hbm>>
      %dma_start3A_321 = arith.constant 0 : i32
      %dma_start3A_322 = tpu.memref_slice %arg4[%add3A_133, %dma_start3A_321] : memref<131072x128xf32, #tpu.memory_space<hbm>> -> memref<128x128xf32, #tpu.memory_space<hbm>>
      tpu.enqueue_dma source(%arg6 : memref<128x128xf32, #tpu.memory_space<vmem>>) target(%dma_start3A_322 : memref<128x128xf32, #tpu.memory_space<hbm>>) target_semaphore(%run_scoped3A : memref<!tpu.dma_semaphore, #tpu.memory_space<semaphore_mem>>)
      %dma_wait3A_323 = arith.constant 0 : i32
      %dma_wait3A_324 = tpu.memref_slice %arg4[%add3A_133, %dma_wait3A_323] : memref<131072x128xf32, #tpu.memory_space<hbm>> -> memref<128x128xf32, #tpu.memory_space<hbm>>
      %dma_wait3A_325 = arith.constant 0 : i32
      %dma_wait3A_326 = tpu.memref_slice %arg4[%add3A_133, %dma_wait3A_325] : memref<131072x128xf32, #tpu.memory_space<hbm>> -> memref<128x128xf32, #tpu.memory_space<hbm>>
      tpu.wait_dma2 semaphore(%run_scoped3A : memref<!tpu.dma_semaphore, #tpu.memory_space<semaphore_mem>>) src(%arg6 : memref<128x128xf32, #tpu.memory_space<vmem>>) dst(%dma_wait3A_326 : memref<128x128xf32, #tpu.memory_space<hbm>>)
      tpu.yield
    }) : () -> ()
    %add3A_134 = arith.constant 1792 : i32
    %add3A_135 = arith.addi %mul3A_2, %add3A_134 : i32
    "tpu.region"() ({
      %run_scoped3A = tpu.sem_alloc : memref<!tpu.dma_semaphore, #tpu.memory_space<semaphore_mem>>
      %dma_start3A_319 = tpu.memref_slice %arg3[%add3A_135] : memref<131072xi32, #tpu.memory_space<hbm>> -> memref<128xi32, #tpu.memory_space<hbm>>
      %dma_start3A_320 = tpu.memref_slice %arg3[%add3A_135] : memref<131072xi32, #tpu.memory_space<hbm>> -> memref<128xi32, #tpu.memory_space<hbm>>
      tpu.enqueue_dma source(%dma_start3A_320 : memref<128xi32, #tpu.memory_space<hbm>>) target(%arg5 : memref<128xi32, #tpu.memory_space<vmem>>) target_semaphore(%run_scoped3A : memref<!tpu.dma_semaphore, #tpu.memory_space<semaphore_mem>>)
      %dma_wait3A_321 = tpu.memref_slice %arg3[%add3A_135] : memref<131072xi32, #tpu.memory_space<hbm>> -> memref<128xi32, #tpu.memory_space<hbm>>
      %dma_wait3A_322 = tpu.memref_slice %arg3[%add3A_135] : memref<131072xi32, #tpu.memory_space<hbm>> -> memref<128xi32, #tpu.memory_space<hbm>>
      tpu.wait_dma2 semaphore(%run_scoped3A : memref<!tpu.dma_semaphore, #tpu.memory_space<semaphore_mem>>) src(%dma_wait3A_322 : memref<128xi32, #tpu.memory_space<hbm>>) dst(%arg5 : memref<128xi32, #tpu.memory_space<vmem>>)
      tpu.yield
    }) : () -> ()
    %dma_start3A_136 = arith.constant 0 : i32
    %dma_start3A_137 = arith.constant 0 : i32
    %dma_start3A_138 = tpu.memref_slice %arg2[%dma_start3A_136, %dma_start3A_137] : memref<32768x128xf32, #tpu.memory_space<hbm>> -> memref<32768x128xf32, #tpu.memory_space<hbm>>
    tpu.enqueue_indirect_dma source(%dma_start3A_138 : memref<32768x128xf32, #tpu.memory_space<hbm>>) target(%arg6 : memref<128x128xf32, #tpu.memory_space<vmem>>) offsets(%arg5 : memref<128xi32, #tpu.memory_space<vmem>>) semaphore(%arg9 : memref<!tpu.dma_semaphore, #tpu.memory_space<semaphore_mem>>)
    %dma_wait3A_139 = arith.constant 0 : i32
    %dma_wait3A_140 = arith.constant 0 : i32
    %dma_wait3A_141 = tpu.memref_slice %arg2[%dma_wait3A_139, %dma_wait3A_140] : memref<32768x128xf32, #tpu.memory_space<hbm>> -> memref<32768x128xf32, #tpu.memory_space<hbm>>
    tpu.wait_indirect_dma semaphore(%arg10 : memref<!tpu.dma_semaphore, #tpu.memory_space<semaphore_mem>>) src(%dma_wait3A_141 : memref<32768x128xf32, #tpu.memory_space<hbm>>) dst(%arg8 : memref<128x128xf32, #tpu.memory_space<vmem>>)
    %add3A_142 = arith.constant 1664 : i32
    %add3A_143 = arith.addi %mul3A_2, %add3A_142 : i32
    "tpu.region"() ({
      %run_scoped3A = tpu.sem_alloc : memref<!tpu.dma_semaphore, #tpu.memory_space<semaphore_mem>>
      %dma_start3A_319 = arith.constant 0 : i32
      %dma_start3A_320 = tpu.memref_slice %arg4[%add3A_143, %dma_start3A_319] : memref<131072x128xf32, #tpu.memory_space<hbm>> -> memref<128x128xf32, #tpu.memory_space<hbm>>
      %dma_start3A_321 = arith.constant 0 : i32
      %dma_start3A_322 = tpu.memref_slice %arg4[%add3A_143, %dma_start3A_321] : memref<131072x128xf32, #tpu.memory_space<hbm>> -> memref<128x128xf32, #tpu.memory_space<hbm>>
      tpu.enqueue_dma source(%arg8 : memref<128x128xf32, #tpu.memory_space<vmem>>) target(%dma_start3A_322 : memref<128x128xf32, #tpu.memory_space<hbm>>) target_semaphore(%run_scoped3A : memref<!tpu.dma_semaphore, #tpu.memory_space<semaphore_mem>>)
      %dma_wait3A_323 = arith.constant 0 : i32
      %dma_wait3A_324 = tpu.memref_slice %arg4[%add3A_143, %dma_wait3A_323] : memref<131072x128xf32, #tpu.memory_space<hbm>> -> memref<128x128xf32, #tpu.memory_space<hbm>>
      %dma_wait3A_325 = arith.constant 0 : i32
      %dma_wait3A_326 = tpu.memref_slice %arg4[%add3A_143, %dma_wait3A_325] : memref<131072x128xf32, #tpu.memory_space<hbm>> -> memref<128x128xf32, #tpu.memory_space<hbm>>
      tpu.wait_dma2 semaphore(%run_scoped3A : memref<!tpu.dma_semaphore, #tpu.memory_space<semaphore_mem>>) src(%arg8 : memref<128x128xf32, #tpu.memory_space<vmem>>) dst(%dma_wait3A_326 : memref<128x128xf32, #tpu.memory_space<hbm>>)
      tpu.yield
    }) : () -> ()
    %add3A_144 = arith.constant 1920 : i32
    %add3A_145 = arith.addi %mul3A_2, %add3A_144 : i32
    "tpu.region"() ({
      %run_scoped3A = tpu.sem_alloc : memref<!tpu.dma_semaphore, #tpu.memory_space<semaphore_mem>>
      %dma_start3A_319 = tpu.memref_slice %arg3[%add3A_145] : memref<131072xi32, #tpu.memory_space<hbm>> -> memref<128xi32, #tpu.memory_space<hbm>>
      %dma_start3A_320 = tpu.memref_slice %arg3[%add3A_145] : memref<131072xi32, #tpu.memory_space<hbm>> -> memref<128xi32, #tpu.memory_space<hbm>>
      tpu.enqueue_dma source(%dma_start3A_320 : memref<128xi32, #tpu.memory_space<hbm>>) target(%arg7 : memref<128xi32, #tpu.memory_space<vmem>>) target_semaphore(%run_scoped3A : memref<!tpu.dma_semaphore, #tpu.memory_space<semaphore_mem>>)
      %dma_wait3A_321 = tpu.memref_slice %arg3[%add3A_145] : memref<131072xi32, #tpu.memory_space<hbm>> -> memref<128xi32, #tpu.memory_space<hbm>>
      %dma_wait3A_322 = tpu.memref_slice %arg3[%add3A_145] : memref<131072xi32, #tpu.memory_space<hbm>> -> memref<128xi32, #tpu.memory_space<hbm>>
      tpu.wait_dma2 semaphore(%run_scoped3A : memref<!tpu.dma_semaphore, #tpu.memory_space<semaphore_mem>>) src(%dma_wait3A_322 : memref<128xi32, #tpu.memory_space<hbm>>) dst(%arg7 : memref<128xi32, #tpu.memory_space<vmem>>)
      tpu.yield
    }) : () -> ()
    %dma_start3A_146 = arith.constant 0 : i32
    %dma_start3A_147 = arith.constant 0 : i32
    %dma_start3A_148 = tpu.memref_slice %arg2[%dma_start3A_146, %dma_start3A_147] : memref<32768x128xf32, #tpu.memory_space<hbm>> -> memref<32768x128xf32, #tpu.memory_space<hbm>>
    tpu.enqueue_indirect_dma source(%dma_start3A_148 : memref<32768x128xf32, #tpu.memory_space<hbm>>) target(%arg8 : memref<128x128xf32, #tpu.memory_space<vmem>>) offsets(%arg7 : memref<128xi32, #tpu.memory_space<vmem>>) semaphore(%arg10 : memref<!tpu.dma_semaphore, #tpu.memory_space<semaphore_mem>>)
    %dma_wait3A_149 = arith.constant 0 : i32
    %dma_wait3A_150 = arith.constant 0 : i32
    %dma_wait3A_151 = tpu.memref_slice %arg2[%dma_wait3A_149, %dma_wait3A_150] : memref<32768x128xf32, #tpu.memory_space<hbm>> -> memref<32768x128xf32, #tpu.memory_space<hbm>>
    tpu.wait_indirect_dma semaphore(%arg9 : memref<!tpu.dma_semaphore, #tpu.memory_space<semaphore_mem>>) src(%dma_wait3A_151 : memref<32768x128xf32, #tpu.memory_space<hbm>>) dst(%arg6 : memref<128x128xf32, #tpu.memory_space<vmem>>)
    %add3A_152 = arith.constant 1792 : i32
    %add3A_153 = arith.addi %mul3A_2, %add3A_152 : i32
    "tpu.region"() ({
      %run_scoped3A = tpu.sem_alloc : memref<!tpu.dma_semaphore, #tpu.memory_space<semaphore_mem>>
      %dma_start3A_319 = arith.constant 0 : i32
      %dma_start3A_320 = tpu.memref_slice %arg4[%add3A_153, %dma_start3A_319] : memref<131072x128xf32, #tpu.memory_space<hbm>> -> memref<128x128xf32, #tpu.memory_space<hbm>>
      %dma_start3A_321 = arith.constant 0 : i32
      %dma_start3A_322 = tpu.memref_slice %arg4[%add3A_153, %dma_start3A_321] : memref<131072x128xf32, #tpu.memory_space<hbm>> -> memref<128x128xf32, #tpu.memory_space<hbm>>
      tpu.enqueue_dma source(%arg6 : memref<128x128xf32, #tpu.memory_space<vmem>>) target(%dma_start3A_322 : memref<128x128xf32, #tpu.memory_space<hbm>>) target_semaphore(%run_scoped3A : memref<!tpu.dma_semaphore, #tpu.memory_space<semaphore_mem>>)
      %dma_wait3A_323 = arith.constant 0 : i32
      %dma_wait3A_324 = tpu.memref_slice %arg4[%add3A_153, %dma_wait3A_323] : memref<131072x128xf32, #tpu.memory_space<hbm>> -> memref<128x128xf32, #tpu.memory_space<hbm>>
      %dma_wait3A_325 = arith.constant 0 : i32
      %dma_wait3A_326 = tpu.memref_slice %arg4[%add3A_153, %dma_wait3A_325] : memref<131072x128xf32, #tpu.memory_space<hbm>> -> memref<128x128xf32, #tpu.memory_space<hbm>>
      tpu.wait_dma2 semaphore(%run_scoped3A : memref<!tpu.dma_semaphore, #tpu.memory_space<semaphore_mem>>) src(%arg6 : memref<128x128xf32, #tpu.memory_space<vmem>>) dst(%dma_wait3A_326 : memref<128x128xf32, #tpu.memory_space<hbm>>)
      tpu.yield
    }) : () -> ()
    %add3A_154 = arith.constant 2048 : i32
    %add3A_155 = arith.addi %mul3A_2, %add3A_154 : i32
    "tpu.region"() ({
      %run_scoped3A = tpu.sem_alloc : memref<!tpu.dma_semaphore, #tpu.memory_space<semaphore_mem>>
      %dma_start3A_319 = tpu.memref_slice %arg3[%add3A_155] : memref<131072xi32, #tpu.memory_space<hbm>> -> memref<128xi32, #tpu.memory_space<hbm>>
      %dma_start3A_320 = tpu.memref_slice %arg3[%add3A_155] : memref<131072xi32, #tpu.memory_space<hbm>> -> memref<128xi32, #tpu.memory_space<hbm>>
      tpu.enqueue_dma source(%dma_start3A_320 : memref<128xi32, #tpu.memory_space<hbm>>) target(%arg5 : memref<128xi32, #tpu.memory_space<vmem>>) target_semaphore(%run_scoped3A : memref<!tpu.dma_semaphore, #tpu.memory_space<semaphore_mem>>)
      %dma_wait3A_321 = tpu.memref_slice %arg3[%add3A_155] : memref<131072xi32, #tpu.memory_space<hbm>> -> memref<128xi32, #tpu.memory_space<hbm>>
      %dma_wait3A_322 = tpu.memref_slice %arg3[%add3A_155] : memref<131072xi32, #tpu.memory_space<hbm>> -> memref<128xi32, #tpu.memory_space<hbm>>
      tpu.wait_dma2 semaphore(%run_scoped3A : memref<!tpu.dma_semaphore, #tpu.memory_space<semaphore_mem>>) src(%dma_wait3A_322 : memref<128xi32, #tpu.memory_space<hbm>>) dst(%arg5 : memref<128xi32, #tpu.memory_space<vmem>>)
      tpu.yield
    }) : () -> ()
    %dma_start3A_156 = arith.constant 0 : i32
    %dma_start3A_157 = arith.constant 0 : i32
    %dma_start3A_158 = tpu.memref_slice %arg2[%dma_start3A_156, %dma_start3A_157] : memref<32768x128xf32, #tpu.memory_space<hbm>> -> memref<32768x128xf32, #tpu.memory_space<hbm>>
    tpu.enqueue_indirect_dma source(%dma_start3A_158 : memref<32768x128xf32, #tpu.memory_space<hbm>>) target(%arg6 : memref<128x128xf32, #tpu.memory_space<vmem>>) offsets(%arg5 : memref<128xi32, #tpu.memory_space<vmem>>) semaphore(%arg9 : memref<!tpu.dma_semaphore, #tpu.memory_space<semaphore_mem>>)
    %dma_wait3A_159 = arith.constant 0 : i32
    %dma_wait3A_160 = arith.constant 0 : i32
    %dma_wait3A_161 = tpu.memref_slice %arg2[%dma_wait3A_159, %dma_wait3A_160] : memref<32768x128xf32, #tpu.memory_space<hbm>> -> memref<32768x128xf32, #tpu.memory_space<hbm>>
    tpu.wait_indirect_dma semaphore(%arg10 : memref<!tpu.dma_semaphore, #tpu.memory_space<semaphore_mem>>) src(%dma_wait3A_161 : memref<32768x128xf32, #tpu.memory_space<hbm>>) dst(%arg8 : memref<128x128xf32, #tpu.memory_space<vmem>>)
    %add3A_162 = arith.constant 1920 : i32
    %add3A_163 = arith.addi %mul3A_2, %add3A_162 : i32
    "tpu.region"() ({
      %run_scoped3A = tpu.sem_alloc : memref<!tpu.dma_semaphore, #tpu.memory_space<semaphore_mem>>
      %dma_start3A_319 = arith.constant 0 : i32
      %dma_start3A_320 = tpu.memref_slice %arg4[%add3A_163, %dma_start3A_319] : memref<131072x128xf32, #tpu.memory_space<hbm>> -> memref<128x128xf32, #tpu.memory_space<hbm>>
      %dma_start3A_321 = arith.constant 0 : i32
      %dma_start3A_322 = tpu.memref_slice %arg4[%add3A_163, %dma_start3A_321] : memref<131072x128xf32, #tpu.memory_space<hbm>> -> memref<128x128xf32, #tpu.memory_space<hbm>>
      tpu.enqueue_dma source(%arg8 : memref<128x128xf32, #tpu.memory_space<vmem>>) target(%dma_start3A_322 : memref<128x128xf32, #tpu.memory_space<hbm>>) target_semaphore(%run_scoped3A : memref<!tpu.dma_semaphore, #tpu.memory_space<semaphore_mem>>)
      %dma_wait3A_323 = arith.constant 0 : i32
      %dma_wait3A_324 = tpu.memref_slice %arg4[%add3A_163, %dma_wait3A_323] : memref<131072x128xf32, #tpu.memory_space<hbm>> -> memref<128x128xf32, #tpu.memory_space<hbm>>
      %dma_wait3A_325 = arith.constant 0 : i32
      %dma_wait3A_326 = tpu.memref_slice %arg4[%add3A_163, %dma_wait3A_325] : memref<131072x128xf32, #tpu.memory_space<hbm>> -> memref<128x128xf32, #tpu.memory_space<hbm>>
      tpu.wait_dma2 semaphore(%run_scoped3A : memref<!tpu.dma_semaphore, #tpu.memory_space<semaphore_mem>>) src(%arg8 : memref<128x128xf32, #tpu.memory_space<vmem>>) dst(%dma_wait3A_326 : memref<128x128xf32, #tpu.memory_space<hbm>>)
      tpu.yield
    }) : () -> ()
    %add3A_164 = arith.constant 2176 : i32
    %add3A_165 = arith.addi %mul3A_2, %add3A_164 : i32
    "tpu.region"() ({
      %run_scoped3A = tpu.sem_alloc : memref<!tpu.dma_semaphore, #tpu.memory_space<semaphore_mem>>
      %dma_start3A_319 = tpu.memref_slice %arg3[%add3A_165] : memref<131072xi32, #tpu.memory_space<hbm>> -> memref<128xi32, #tpu.memory_space<hbm>>
      %dma_start3A_320 = tpu.memref_slice %arg3[%add3A_165] : memref<131072xi32, #tpu.memory_space<hbm>> -> memref<128xi32, #tpu.memory_space<hbm>>
      tpu.enqueue_dma source(%dma_start3A_320 : memref<128xi32, #tpu.memory_space<hbm>>) target(%arg7 : memref<128xi32, #tpu.memory_space<vmem>>) target_semaphore(%run_scoped3A : memref<!tpu.dma_semaphore, #tpu.memory_space<semaphore_mem>>)
      %dma_wait3A_321 = tpu.memref_slice %arg3[%add3A_165] : memref<131072xi32, #tpu.memory_space<hbm>> -> memref<128xi32, #tpu.memory_space<hbm>>
      %dma_wait3A_322 = tpu.memref_slice %arg3[%add3A_165] : memref<131072xi32, #tpu.memory_space<hbm>> -> memref<128xi32, #tpu.memory_space<hbm>>
      tpu.wait_dma2 semaphore(%run_scoped3A : memref<!tpu.dma_semaphore, #tpu.memory_space<semaphore_mem>>) src(%dma_wait3A_322 : memref<128xi32, #tpu.memory_space<hbm>>) dst(%arg7 : memref<128xi32, #tpu.memory_space<vmem>>)
      tpu.yield
    }) : () -> ()
    %dma_start3A_166 = arith.constant 0 : i32
    %dma_start3A_167 = arith.constant 0 : i32
    %dma_start3A_168 = tpu.memref_slice %arg2[%dma_start3A_166, %dma_start3A_167] : memref<32768x128xf32, #tpu.memory_space<hbm>> -> memref<32768x128xf32, #tpu.memory_space<hbm>>
    tpu.enqueue_indirect_dma source(%dma_start3A_168 : memref<32768x128xf32, #tpu.memory_space<hbm>>) target(%arg8 : memref<128x128xf32, #tpu.memory_space<vmem>>) offsets(%arg7 : memref<128xi32, #tpu.memory_space<vmem>>) semaphore(%arg10 : memref<!tpu.dma_semaphore, #tpu.memory_space<semaphore_mem>>)
    %dma_wait3A_169 = arith.constant 0 : i32
    %dma_wait3A_170 = arith.constant 0 : i32
    %dma_wait3A_171 = tpu.memref_slice %arg2[%dma_wait3A_169, %dma_wait3A_170] : memref<32768x128xf32, #tpu.memory_space<hbm>> -> memref<32768x128xf32, #tpu.memory_space<hbm>>
    tpu.wait_indirect_dma semaphore(%arg9 : memref<!tpu.dma_semaphore, #tpu.memory_space<semaphore_mem>>) src(%dma_wait3A_171 : memref<32768x128xf32, #tpu.memory_space<hbm>>) dst(%arg6 : memref<128x128xf32, #tpu.memory_space<vmem>>)
    %add3A_172 = arith.constant 2048 : i32
    %add3A_173 = arith.addi %mul3A_2, %add3A_172 : i32
    "tpu.region"() ({
      %run_scoped3A = tpu.sem_alloc : memref<!tpu.dma_semaphore, #tpu.memory_space<semaphore_mem>>
      %dma_start3A_319 = arith.constant 0 : i32
      %dma_start3A_320 = tpu.memref_slice %arg4[%add3A_173, %dma_start3A_319] : memref<131072x128xf32, #tpu.memory_space<hbm>> -> memref<128x128xf32, #tpu.memory_space<hbm>>
      %dma_start3A_321 = arith.constant 0 : i32
      %dma_start3A_322 = tpu.memref_slice %arg4[%add3A_173, %dma_start3A_321] : memref<131072x128xf32, #tpu.memory_space<hbm>> -> memref<128x128xf32, #tpu.memory_space<hbm>>
      tpu.enqueue_dma source(%arg6 : memref<128x128xf32, #tpu.memory_space<vmem>>) target(%dma_start3A_322 : memref<128x128xf32, #tpu.memory_space<hbm>>) target_semaphore(%run_scoped3A : memref<!tpu.dma_semaphore, #tpu.memory_space<semaphore_mem>>)
      %dma_wait3A_323 = arith.constant 0 : i32
      %dma_wait3A_324 = tpu.memref_slice %arg4[%add3A_173, %dma_wait3A_323] : memref<131072x128xf32, #tpu.memory_space<hbm>> -> memref<128x128xf32, #tpu.memory_space<hbm>>
      %dma_wait3A_325 = arith.constant 0 : i32
      %dma_wait3A_326 = tpu.memref_slice %arg4[%add3A_173, %dma_wait3A_325] : memref<131072x128xf32, #tpu.memory_space<hbm>> -> memref<128x128xf32, #tpu.memory_space<hbm>>
      tpu.wait_dma2 semaphore(%run_scoped3A : memref<!tpu.dma_semaphore, #tpu.memory_space<semaphore_mem>>) src(%arg6 : memref<128x128xf32, #tpu.memory_space<vmem>>) dst(%dma_wait3A_326 : memref<128x128xf32, #tpu.memory_space<hbm>>)
      tpu.yield
    }) : () -> ()
    %add3A_174 = arith.constant 2304 : i32
    %add3A_175 = arith.addi %mul3A_2, %add3A_174 : i32
    "tpu.region"() ({
      %run_scoped3A = tpu.sem_alloc : memref<!tpu.dma_semaphore, #tpu.memory_space<semaphore_mem>>
      %dma_start3A_319 = tpu.memref_slice %arg3[%add3A_175] : memref<131072xi32, #tpu.memory_space<hbm>> -> memref<128xi32, #tpu.memory_space<hbm>>
      %dma_start3A_320 = tpu.memref_slice %arg3[%add3A_175] : memref<131072xi32, #tpu.memory_space<hbm>> -> memref<128xi32, #tpu.memory_space<hbm>>
      tpu.enqueue_dma source(%dma_start3A_320 : memref<128xi32, #tpu.memory_space<hbm>>) target(%arg5 : memref<128xi32, #tpu.memory_space<vmem>>) target_semaphore(%run_scoped3A : memref<!tpu.dma_semaphore, #tpu.memory_space<semaphore_mem>>)
      %dma_wait3A_321 = tpu.memref_slice %arg3[%add3A_175] : memref<131072xi32, #tpu.memory_space<hbm>> -> memref<128xi32, #tpu.memory_space<hbm>>
      %dma_wait3A_322 = tpu.memref_slice %arg3[%add3A_175] : memref<131072xi32, #tpu.memory_space<hbm>> -> memref<128xi32, #tpu.memory_space<hbm>>
      tpu.wait_dma2 semaphore(%run_scoped3A : memref<!tpu.dma_semaphore, #tpu.memory_space<semaphore_mem>>) src(%dma_wait3A_322 : memref<128xi32, #tpu.memory_space<hbm>>) dst(%arg5 : memref<128xi32, #tpu.memory_space<vmem>>)
      tpu.yield
    }) : () -> ()
    %dma_start3A_176 = arith.constant 0 : i32
    %dma_start3A_177 = arith.constant 0 : i32
    %dma_start3A_178 = tpu.memref_slice %arg2[%dma_start3A_176, %dma_start3A_177] : memref<32768x128xf32, #tpu.memory_space<hbm>> -> memref<32768x128xf32, #tpu.memory_space<hbm>>
    tpu.enqueue_indirect_dma source(%dma_start3A_178 : memref<32768x128xf32, #tpu.memory_space<hbm>>) target(%arg6 : memref<128x128xf32, #tpu.memory_space<vmem>>) offsets(%arg5 : memref<128xi32, #tpu.memory_space<vmem>>) semaphore(%arg9 : memref<!tpu.dma_semaphore, #tpu.memory_space<semaphore_mem>>)
    %dma_wait3A_179 = arith.constant 0 : i32
    %dma_wait3A_180 = arith.constant 0 : i32
    %dma_wait3A_181 = tpu.memref_slice %arg2[%dma_wait3A_179, %dma_wait3A_180] : memref<32768x128xf32, #tpu.memory_space<hbm>> -> memref<32768x128xf32, #tpu.memory_space<hbm>>
    tpu.wait_indirect_dma semaphore(%arg10 : memref<!tpu.dma_semaphore, #tpu.memory_space<semaphore_mem>>) src(%dma_wait3A_181 : memref<32768x128xf32, #tpu.memory_space<hbm>>) dst(%arg8 : memref<128x128xf32, #tpu.memory_space<vmem>>)
    %add3A_182 = arith.constant 2176 : i32
    %add3A_183 = arith.addi %mul3A_2, %add3A_182 : i32
    "tpu.region"() ({
      %run_scoped3A = tpu.sem_alloc : memref<!tpu.dma_semaphore, #tpu.memory_space<semaphore_mem>>
      %dma_start3A_319 = arith.constant 0 : i32
      %dma_start3A_320 = tpu.memref_slice %arg4[%add3A_183, %dma_start3A_319] : memref<131072x128xf32, #tpu.memory_space<hbm>> -> memref<128x128xf32, #tpu.memory_space<hbm>>
      %dma_start3A_321 = arith.constant 0 : i32
      %dma_start3A_322 = tpu.memref_slice %arg4[%add3A_183, %dma_start3A_321] : memref<131072x128xf32, #tpu.memory_space<hbm>> -> memref<128x128xf32, #tpu.memory_space<hbm>>
      tpu.enqueue_dma source(%arg8 : memref<128x128xf32, #tpu.memory_space<vmem>>) target(%dma_start3A_322 : memref<128x128xf32, #tpu.memory_space<hbm>>) target_semaphore(%run_scoped3A : memref<!tpu.dma_semaphore, #tpu.memory_space<semaphore_mem>>)
      %dma_wait3A_323 = arith.constant 0 : i32
      %dma_wait3A_324 = tpu.memref_slice %arg4[%add3A_183, %dma_wait3A_323] : memref<131072x128xf32, #tpu.memory_space<hbm>> -> memref<128x128xf32, #tpu.memory_space<hbm>>
      %dma_wait3A_325 = arith.constant 0 : i32
      %dma_wait3A_326 = tpu.memref_slice %arg4[%add3A_183, %dma_wait3A_325] : memref<131072x128xf32, #tpu.memory_space<hbm>> -> memref<128x128xf32, #tpu.memory_space<hbm>>
      tpu.wait_dma2 semaphore(%run_scoped3A : memref<!tpu.dma_semaphore, #tpu.memory_space<semaphore_mem>>) src(%arg8 : memref<128x128xf32, #tpu.memory_space<vmem>>) dst(%dma_wait3A_326 : memref<128x128xf32, #tpu.memory_space<hbm>>)
      tpu.yield
    }) : () -> ()
    %add3A_184 = arith.constant 2432 : i32
    %add3A_185 = arith.addi %mul3A_2, %add3A_184 : i32
    "tpu.region"() ({
      %run_scoped3A = tpu.sem_alloc : memref<!tpu.dma_semaphore, #tpu.memory_space<semaphore_mem>>
      %dma_start3A_319 = tpu.memref_slice %arg3[%add3A_185] : memref<131072xi32, #tpu.memory_space<hbm>> -> memref<128xi32, #tpu.memory_space<hbm>>
      %dma_start3A_320 = tpu.memref_slice %arg3[%add3A_185] : memref<131072xi32, #tpu.memory_space<hbm>> -> memref<128xi32, #tpu.memory_space<hbm>>
      tpu.enqueue_dma source(%dma_start3A_320 : memref<128xi32, #tpu.memory_space<hbm>>) target(%arg7 : memref<128xi32, #tpu.memory_space<vmem>>) target_semaphore(%run_scoped3A : memref<!tpu.dma_semaphore, #tpu.memory_space<semaphore_mem>>)
      %dma_wait3A_321 = tpu.memref_slice %arg3[%add3A_185] : memref<131072xi32, #tpu.memory_space<hbm>> -> memref<128xi32, #tpu.memory_space<hbm>>
      %dma_wait3A_322 = tpu.memref_slice %arg3[%add3A_185] : memref<131072xi32, #tpu.memory_space<hbm>> -> memref<128xi32, #tpu.memory_space<hbm>>
      tpu.wait_dma2 semaphore(%run_scoped3A : memref<!tpu.dma_semaphore, #tpu.memory_space<semaphore_mem>>) src(%dma_wait3A_322 : memref<128xi32, #tpu.memory_space<hbm>>) dst(%arg7 : memref<128xi32, #tpu.memory_space<vmem>>)
      tpu.yield
    }) : () -> ()
    %dma_start3A_186 = arith.constant 0 : i32
    %dma_start3A_187 = arith.constant 0 : i32
    %dma_start3A_188 = tpu.memref_slice %arg2[%dma_start3A_186, %dma_start3A_187] : memref<32768x128xf32, #tpu.memory_space<hbm>> -> memref<32768x128xf32, #tpu.memory_space<hbm>>
    tpu.enqueue_indirect_dma source(%dma_start3A_188 : memref<32768x128xf32, #tpu.memory_space<hbm>>) target(%arg8 : memref<128x128xf32, #tpu.memory_space<vmem>>) offsets(%arg7 : memref<128xi32, #tpu.memory_space<vmem>>) semaphore(%arg10 : memref<!tpu.dma_semaphore, #tpu.memory_space<semaphore_mem>>)
    %dma_wait3A_189 = arith.constant 0 : i32
    %dma_wait3A_190 = arith.constant 0 : i32
    %dma_wait3A_191 = tpu.memref_slice %arg2[%dma_wait3A_189, %dma_wait3A_190] : memref<32768x128xf32, #tpu.memory_space<hbm>> -> memref<32768x128xf32, #tpu.memory_space<hbm>>
    tpu.wait_indirect_dma semaphore(%arg9 : memref<!tpu.dma_semaphore, #tpu.memory_space<semaphore_mem>>) src(%dma_wait3A_191 : memref<32768x128xf32, #tpu.memory_space<hbm>>) dst(%arg6 : memref<128x128xf32, #tpu.memory_space<vmem>>)
    %add3A_192 = arith.constant 2304 : i32
    %add3A_193 = arith.addi %mul3A_2, %add3A_192 : i32
    "tpu.region"() ({
      %run_scoped3A = tpu.sem_alloc : memref<!tpu.dma_semaphore, #tpu.memory_space<semaphore_mem>>
      %dma_start3A_319 = arith.constant 0 : i32
      %dma_start3A_320 = tpu.memref_slice %arg4[%add3A_193, %dma_start3A_319] : memref<131072x128xf32, #tpu.memory_space<hbm>> -> memref<128x128xf32, #tpu.memory_space<hbm>>
      %dma_start3A_321 = arith.constant 0 : i32
      %dma_start3A_322 = tpu.memref_slice %arg4[%add3A_193, %dma_start3A_321] : memref<131072x128xf32, #tpu.memory_space<hbm>> -> memref<128x128xf32, #tpu.memory_space<hbm>>
      tpu.enqueue_dma source(%arg6 : memref<128x128xf32, #tpu.memory_space<vmem>>) target(%dma_start3A_322 : memref<128x128xf32, #tpu.memory_space<hbm>>) target_semaphore(%run_scoped3A : memref<!tpu.dma_semaphore, #tpu.memory_space<semaphore_mem>>)
      %dma_wait3A_323 = arith.constant 0 : i32
      %dma_wait3A_324 = tpu.memref_slice %arg4[%add3A_193, %dma_wait3A_323] : memref<131072x128xf32, #tpu.memory_space<hbm>> -> memref<128x128xf32, #tpu.memory_space<hbm>>
      %dma_wait3A_325 = arith.constant 0 : i32
      %dma_wait3A_326 = tpu.memref_slice %arg4[%add3A_193, %dma_wait3A_325] : memref<131072x128xf32, #tpu.memory_space<hbm>> -> memref<128x128xf32, #tpu.memory_space<hbm>>
      tpu.wait_dma2 semaphore(%run_scoped3A : memref<!tpu.dma_semaphore, #tpu.memory_space<semaphore_mem>>) src(%arg6 : memref<128x128xf32, #tpu.memory_space<vmem>>) dst(%dma_wait3A_326 : memref<128x128xf32, #tpu.memory_space<hbm>>)
      tpu.yield
    }) : () -> ()
    %add3A_194 = arith.constant 2560 : i32
    %add3A_195 = arith.addi %mul3A_2, %add3A_194 : i32
    "tpu.region"() ({
      %run_scoped3A = tpu.sem_alloc : memref<!tpu.dma_semaphore, #tpu.memory_space<semaphore_mem>>
      %dma_start3A_319 = tpu.memref_slice %arg3[%add3A_195] : memref<131072xi32, #tpu.memory_space<hbm>> -> memref<128xi32, #tpu.memory_space<hbm>>
      %dma_start3A_320 = tpu.memref_slice %arg3[%add3A_195] : memref<131072xi32, #tpu.memory_space<hbm>> -> memref<128xi32, #tpu.memory_space<hbm>>
      tpu.enqueue_dma source(%dma_start3A_320 : memref<128xi32, #tpu.memory_space<hbm>>) target(%arg5 : memref<128xi32, #tpu.memory_space<vmem>>) target_semaphore(%run_scoped3A : memref<!tpu.dma_semaphore, #tpu.memory_space<semaphore_mem>>)
      %dma_wait3A_321 = tpu.memref_slice %arg3[%add3A_195] : memref<131072xi32, #tpu.memory_space<hbm>> -> memref<128xi32, #tpu.memory_space<hbm>>
      %dma_wait3A_322 = tpu.memref_slice %arg3[%add3A_195] : memref<131072xi32, #tpu.memory_space<hbm>> -> memref<128xi32, #tpu.memory_space<hbm>>
      tpu.wait_dma2 semaphore(%run_scoped3A : memref<!tpu.dma_semaphore, #tpu.memory_space<semaphore_mem>>) src(%dma_wait3A_322 : memref<128xi32, #tpu.memory_space<hbm>>) dst(%arg5 : memref<128xi32, #tpu.memory_space<vmem>>)
      tpu.yield
    }) : () -> ()
    %dma_start3A_196 = arith.constant 0 : i32
    %dma_start3A_197 = arith.constant 0 : i32
    %dma_start3A_198 = tpu.memref_slice %arg2[%dma_start3A_196, %dma_start3A_197] : memref<32768x128xf32, #tpu.memory_space<hbm>> -> memref<32768x128xf32, #tpu.memory_space<hbm>>
    tpu.enqueue_indirect_dma source(%dma_start3A_198 : memref<32768x128xf32, #tpu.memory_space<hbm>>) target(%arg6 : memref<128x128xf32, #tpu.memory_space<vmem>>) offsets(%arg5 : memref<128xi32, #tpu.memory_space<vmem>>) semaphore(%arg9 : memref<!tpu.dma_semaphore, #tpu.memory_space<semaphore_mem>>)
    %dma_wait3A_199 = arith.constant 0 : i32
    %dma_wait3A_200 = arith.constant 0 : i32
    %dma_wait3A_201 = tpu.memref_slice %arg2[%dma_wait3A_199, %dma_wait3A_200] : memref<32768x128xf32, #tpu.memory_space<hbm>> -> memref<32768x128xf32, #tpu.memory_space<hbm>>
    tpu.wait_indirect_dma semaphore(%arg10 : memref<!tpu.dma_semaphore, #tpu.memory_space<semaphore_mem>>) src(%dma_wait3A_201 : memref<32768x128xf32, #tpu.memory_space<hbm>>) dst(%arg8 : memref<128x128xf32, #tpu.memory_space<vmem>>)
    %add3A_202 = arith.constant 2432 : i32
    %add3A_203 = arith.addi %mul3A_2, %add3A_202 : i32
    "tpu.region"() ({
      %run_scoped3A = tpu.sem_alloc : memref<!tpu.dma_semaphore, #tpu.memory_space<semaphore_mem>>
      %dma_start3A_319 = arith.constant 0 : i32
      %dma_start3A_320 = tpu.memref_slice %arg4[%add3A_203, %dma_start3A_319] : memref<131072x128xf32, #tpu.memory_space<hbm>> -> memref<128x128xf32, #tpu.memory_space<hbm>>
      %dma_start3A_321 = arith.constant 0 : i32
      %dma_start3A_322 = tpu.memref_slice %arg4[%add3A_203, %dma_start3A_321] : memref<131072x128xf32, #tpu.memory_space<hbm>> -> memref<128x128xf32, #tpu.memory_space<hbm>>
      tpu.enqueue_dma source(%arg8 : memref<128x128xf32, #tpu.memory_space<vmem>>) target(%dma_start3A_322 : memref<128x128xf32, #tpu.memory_space<hbm>>) target_semaphore(%run_scoped3A : memref<!tpu.dma_semaphore, #tpu.memory_space<semaphore_mem>>)
      %dma_wait3A_323 = arith.constant 0 : i32
      %dma_wait3A_324 = tpu.memref_slice %arg4[%add3A_203, %dma_wait3A_323] : memref<131072x128xf32, #tpu.memory_space<hbm>> -> memref<128x128xf32, #tpu.memory_space<hbm>>
      %dma_wait3A_325 = arith.constant 0 : i32
      %dma_wait3A_326 = tpu.memref_slice %arg4[%add3A_203, %dma_wait3A_325] : memref<131072x128xf32, #tpu.memory_space<hbm>> -> memref<128x128xf32, #tpu.memory_space<hbm>>
      tpu.wait_dma2 semaphore(%run_scoped3A : memref<!tpu.dma_semaphore, #tpu.memory_space<semaphore_mem>>) src(%arg8 : memref<128x128xf32, #tpu.memory_space<vmem>>) dst(%dma_wait3A_326 : memref<128x128xf32, #tpu.memory_space<hbm>>)
      tpu.yield
    }) : () -> ()
    %add3A_204 = arith.constant 2688 : i32
    %add3A_205 = arith.addi %mul3A_2, %add3A_204 : i32
    "tpu.region"() ({
      %run_scoped3A = tpu.sem_alloc : memref<!tpu.dma_semaphore, #tpu.memory_space<semaphore_mem>>
      %dma_start3A_319 = tpu.memref_slice %arg3[%add3A_205] : memref<131072xi32, #tpu.memory_space<hbm>> -> memref<128xi32, #tpu.memory_space<hbm>>
      %dma_start3A_320 = tpu.memref_slice %arg3[%add3A_205] : memref<131072xi32, #tpu.memory_space<hbm>> -> memref<128xi32, #tpu.memory_space<hbm>>
      tpu.enqueue_dma source(%dma_start3A_320 : memref<128xi32, #tpu.memory_space<hbm>>) target(%arg7 : memref<128xi32, #tpu.memory_space<vmem>>) target_semaphore(%run_scoped3A : memref<!tpu.dma_semaphore, #tpu.memory_space<semaphore_mem>>)
      %dma_wait3A_321 = tpu.memref_slice %arg3[%add3A_205] : memref<131072xi32, #tpu.memory_space<hbm>> -> memref<128xi32, #tpu.memory_space<hbm>>
      %dma_wait3A_322 = tpu.memref_slice %arg3[%add3A_205] : memref<131072xi32, #tpu.memory_space<hbm>> -> memref<128xi32, #tpu.memory_space<hbm>>
      tpu.wait_dma2 semaphore(%run_scoped3A : memref<!tpu.dma_semaphore, #tpu.memory_space<semaphore_mem>>) src(%dma_wait3A_322 : memref<128xi32, #tpu.memory_space<hbm>>) dst(%arg7 : memref<128xi32, #tpu.memory_space<vmem>>)
      tpu.yield
    }) : () -> ()
    %dma_start3A_206 = arith.constant 0 : i32
    %dma_start3A_207 = arith.constant 0 : i32
    %dma_start3A_208 = tpu.memref_slice %arg2[%dma_start3A_206, %dma_start3A_207] : memref<32768x128xf32, #tpu.memory_space<hbm>> -> memref<32768x128xf32, #tpu.memory_space<hbm>>
    tpu.enqueue_indirect_dma source(%dma_start3A_208 : memref<32768x128xf32, #tpu.memory_space<hbm>>) target(%arg8 : memref<128x128xf32, #tpu.memory_space<vmem>>) offsets(%arg7 : memref<128xi32, #tpu.memory_space<vmem>>) semaphore(%arg10 : memref<!tpu.dma_semaphore, #tpu.memory_space<semaphore_mem>>)
    %dma_wait3A_209 = arith.constant 0 : i32
    %dma_wait3A_210 = arith.constant 0 : i32
    %dma_wait3A_211 = tpu.memref_slice %arg2[%dma_wait3A_209, %dma_wait3A_210] : memref<32768x128xf32, #tpu.memory_space<hbm>> -> memref<32768x128xf32, #tpu.memory_space<hbm>>
    tpu.wait_indirect_dma semaphore(%arg9 : memref<!tpu.dma_semaphore, #tpu.memory_space<semaphore_mem>>) src(%dma_wait3A_211 : memref<32768x128xf32, #tpu.memory_space<hbm>>) dst(%arg6 : memref<128x128xf32, #tpu.memory_space<vmem>>)
    %add3A_212 = arith.constant 2560 : i32
    %add3A_213 = arith.addi %mul3A_2, %add3A_212 : i32
    "tpu.region"() ({
      %run_scoped3A = tpu.sem_alloc : memref<!tpu.dma_semaphore, #tpu.memory_space<semaphore_mem>>
      %dma_start3A_319 = arith.constant 0 : i32
      %dma_start3A_320 = tpu.memref_slice %arg4[%add3A_213, %dma_start3A_319] : memref<131072x128xf32, #tpu.memory_space<hbm>> -> memref<128x128xf32, #tpu.memory_space<hbm>>
      %dma_start3A_321 = arith.constant 0 : i32
      %dma_start3A_322 = tpu.memref_slice %arg4[%add3A_213, %dma_start3A_321] : memref<131072x128xf32, #tpu.memory_space<hbm>> -> memref<128x128xf32, #tpu.memory_space<hbm>>
      tpu.enqueue_dma source(%arg6 : memref<128x128xf32, #tpu.memory_space<vmem>>) target(%dma_start3A_322 : memref<128x128xf32, #tpu.memory_space<hbm>>) target_semaphore(%run_scoped3A : memref<!tpu.dma_semaphore, #tpu.memory_space<semaphore_mem>>)
      %dma_wait3A_323 = arith.constant 0 : i32
      %dma_wait3A_324 = tpu.memref_slice %arg4[%add3A_213, %dma_wait3A_323] : memref<131072x128xf32, #tpu.memory_space<hbm>> -> memref<128x128xf32, #tpu.memory_space<hbm>>
      %dma_wait3A_325 = arith.constant 0 : i32
      %dma_wait3A_326 = tpu.memref_slice %arg4[%add3A_213, %dma_wait3A_325] : memref<131072x128xf32, #tpu.memory_space<hbm>> -> memref<128x128xf32, #tpu.memory_space<hbm>>
      tpu.wait_dma2 semaphore(%run_scoped3A : memref<!tpu.dma_semaphore, #tpu.memory_space<semaphore_mem>>) src(%arg6 : memref<128x128xf32, #tpu.memory_space<vmem>>) dst(%dma_wait3A_326 : memref<128x128xf32, #tpu.memory_space<hbm>>)
      tpu.yield
    }) : () -> ()
    %add3A_214 = arith.constant 2816 : i32
    %add3A_215 = arith.addi %mul3A_2, %add3A_214 : i32
    "tpu.region"() ({
      %run_scoped3A = tpu.sem_alloc : memref<!tpu.dma_semaphore, #tpu.memory_space<semaphore_mem>>
      %dma_start3A_319 = tpu.memref_slice %arg3[%add3A_215] : memref<131072xi32, #tpu.memory_space<hbm>> -> memref<128xi32, #tpu.memory_space<hbm>>
      %dma_start3A_320 = tpu.memref_slice %arg3[%add3A_215] : memref<131072xi32, #tpu.memory_space<hbm>> -> memref<128xi32, #tpu.memory_space<hbm>>
      tpu.enqueue_dma source(%dma_start3A_320 : memref<128xi32, #tpu.memory_space<hbm>>) target(%arg5 : memref<128xi32, #tpu.memory_space<vmem>>) target_semaphore(%run_scoped3A : memref<!tpu.dma_semaphore, #tpu.memory_space<semaphore_mem>>)
      %dma_wait3A_321 = tpu.memref_slice %arg3[%add3A_215] : memref<131072xi32, #tpu.memory_space<hbm>> -> memref<128xi32, #tpu.memory_space<hbm>>
      %dma_wait3A_322 = tpu.memref_slice %arg3[%add3A_215] : memref<131072xi32, #tpu.memory_space<hbm>> -> memref<128xi32, #tpu.memory_space<hbm>>
      tpu.wait_dma2 semaphore(%run_scoped3A : memref<!tpu.dma_semaphore, #tpu.memory_space<semaphore_mem>>) src(%dma_wait3A_322 : memref<128xi32, #tpu.memory_space<hbm>>) dst(%arg5 : memref<128xi32, #tpu.memory_space<vmem>>)
      tpu.yield
    }) : () -> ()
    %dma_start3A_216 = arith.constant 0 : i32
    %dma_start3A_217 = arith.constant 0 : i32
    %dma_start3A_218 = tpu.memref_slice %arg2[%dma_start3A_216, %dma_start3A_217] : memref<32768x128xf32, #tpu.memory_space<hbm>> -> memref<32768x128xf32, #tpu.memory_space<hbm>>
    tpu.enqueue_indirect_dma source(%dma_start3A_218 : memref<32768x128xf32, #tpu.memory_space<hbm>>) target(%arg6 : memref<128x128xf32, #tpu.memory_space<vmem>>) offsets(%arg5 : memref<128xi32, #tpu.memory_space<vmem>>) semaphore(%arg9 : memref<!tpu.dma_semaphore, #tpu.memory_space<semaphore_mem>>)
    %dma_wait3A_219 = arith.constant 0 : i32
    %dma_wait3A_220 = arith.constant 0 : i32
    %dma_wait3A_221 = tpu.memref_slice %arg2[%dma_wait3A_219, %dma_wait3A_220] : memref<32768x128xf32, #tpu.memory_space<hbm>> -> memref<32768x128xf32, #tpu.memory_space<hbm>>
    tpu.wait_indirect_dma semaphore(%arg10 : memref<!tpu.dma_semaphore, #tpu.memory_space<semaphore_mem>>) src(%dma_wait3A_221 : memref<32768x128xf32, #tpu.memory_space<hbm>>) dst(%arg8 : memref<128x128xf32, #tpu.memory_space<vmem>>)
    %add3A_222 = arith.constant 2688 : i32
    %add3A_223 = arith.addi %mul3A_2, %add3A_222 : i32
    "tpu.region"() ({
      %run_scoped3A = tpu.sem_alloc : memref<!tpu.dma_semaphore, #tpu.memory_space<semaphore_mem>>
      %dma_start3A_319 = arith.constant 0 : i32
      %dma_start3A_320 = tpu.memref_slice %arg4[%add3A_223, %dma_start3A_319] : memref<131072x128xf32, #tpu.memory_space<hbm>> -> memref<128x128xf32, #tpu.memory_space<hbm>>
      %dma_start3A_321 = arith.constant 0 : i32
      %dma_start3A_322 = tpu.memref_slice %arg4[%add3A_223, %dma_start3A_321] : memref<131072x128xf32, #tpu.memory_space<hbm>> -> memref<128x128xf32, #tpu.memory_space<hbm>>
      tpu.enqueue_dma source(%arg8 : memref<128x128xf32, #tpu.memory_space<vmem>>) target(%dma_start3A_322 : memref<128x128xf32, #tpu.memory_space<hbm>>) target_semaphore(%run_scoped3A : memref<!tpu.dma_semaphore, #tpu.memory_space<semaphore_mem>>)
      %dma_wait3A_323 = arith.constant 0 : i32
      %dma_wait3A_324 = tpu.memref_slice %arg4[%add3A_223, %dma_wait3A_323] : memref<131072x128xf32, #tpu.memory_space<hbm>> -> memref<128x128xf32, #tpu.memory_space<hbm>>
      %dma_wait3A_325 = arith.constant 0 : i32
      %dma_wait3A_326 = tpu.memref_slice %arg4[%add3A_223, %dma_wait3A_325] : memref<131072x128xf32, #tpu.memory_space<hbm>> -> memref<128x128xf32, #tpu.memory_space<hbm>>
      tpu.wait_dma2 semaphore(%run_scoped3A : memref<!tpu.dma_semaphore, #tpu.memory_space<semaphore_mem>>) src(%arg8 : memref<128x128xf32, #tpu.memory_space<vmem>>) dst(%dma_wait3A_326 : memref<128x128xf32, #tpu.memory_space<hbm>>)
      tpu.yield
    }) : () -> ()
    %add3A_224 = arith.constant 2944 : i32
    %add3A_225 = arith.addi %mul3A_2, %add3A_224 : i32
    "tpu.region"() ({
      %run_scoped3A = tpu.sem_alloc : memref<!tpu.dma_semaphore, #tpu.memory_space<semaphore_mem>>
      %dma_start3A_319 = tpu.memref_slice %arg3[%add3A_225] : memref<131072xi32, #tpu.memory_space<hbm>> -> memref<128xi32, #tpu.memory_space<hbm>>
      %dma_start3A_320 = tpu.memref_slice %arg3[%add3A_225] : memref<131072xi32, #tpu.memory_space<hbm>> -> memref<128xi32, #tpu.memory_space<hbm>>
      tpu.enqueue_dma source(%dma_start3A_320 : memref<128xi32, #tpu.memory_space<hbm>>) target(%arg7 : memref<128xi32, #tpu.memory_space<vmem>>) target_semaphore(%run_scoped3A : memref<!tpu.dma_semaphore, #tpu.memory_space<semaphore_mem>>)
      %dma_wait3A_321 = tpu.memref_slice %arg3[%add3A_225] : memref<131072xi32, #tpu.memory_space<hbm>> -> memref<128xi32, #tpu.memory_space<hbm>>
      %dma_wait3A_322 = tpu.memref_slice %arg3[%add3A_225] : memref<131072xi32, #tpu.memory_space<hbm>> -> memref<128xi32, #tpu.memory_space<hbm>>
      tpu.wait_dma2 semaphore(%run_scoped3A : memref<!tpu.dma_semaphore, #tpu.memory_space<semaphore_mem>>) src(%dma_wait3A_322 : memref<128xi32, #tpu.memory_space<hbm>>) dst(%arg7 : memref<128xi32, #tpu.memory_space<vmem>>)
      tpu.yield
    }) : () -> ()
    %dma_start3A_226 = arith.constant 0 : i32
    %dma_start3A_227 = arith.constant 0 : i32
    %dma_start3A_228 = tpu.memref_slice %arg2[%dma_start3A_226, %dma_start3A_227] : memref<32768x128xf32, #tpu.memory_space<hbm>> -> memref<32768x128xf32, #tpu.memory_space<hbm>>
    tpu.enqueue_indirect_dma source(%dma_start3A_228 : memref<32768x128xf32, #tpu.memory_space<hbm>>) target(%arg8 : memref<128x128xf32, #tpu.memory_space<vmem>>) offsets(%arg7 : memref<128xi32, #tpu.memory_space<vmem>>) semaphore(%arg10 : memref<!tpu.dma_semaphore, #tpu.memory_space<semaphore_mem>>)
    %dma_wait3A_229 = arith.constant 0 : i32
    %dma_wait3A_230 = arith.constant 0 : i32
    %dma_wait3A_231 = tpu.memref_slice %arg2[%dma_wait3A_229, %dma_wait3A_230] : memref<32768x128xf32, #tpu.memory_space<hbm>> -> memref<32768x128xf32, #tpu.memory_space<hbm>>
    tpu.wait_indirect_dma semaphore(%arg9 : memref<!tpu.dma_semaphore, #tpu.memory_space<semaphore_mem>>) src(%dma_wait3A_231 : memref<32768x128xf32, #tpu.memory_space<hbm>>) dst(%arg6 : memref<128x128xf32, #tpu.memory_space<vmem>>)
    %add3A_232 = arith.constant 2816 : i32
    %add3A_233 = arith.addi %mul3A_2, %add3A_232 : i32
    "tpu.region"() ({
      %run_scoped3A = tpu.sem_alloc : memref<!tpu.dma_semaphore, #tpu.memory_space<semaphore_mem>>
      %dma_start3A_319 = arith.constant 0 : i32
      %dma_start3A_320 = tpu.memref_slice %arg4[%add3A_233, %dma_start3A_319] : memref<131072x128xf32, #tpu.memory_space<hbm>> -> memref<128x128xf32, #tpu.memory_space<hbm>>
      %dma_start3A_321 = arith.constant 0 : i32
      %dma_start3A_322 = tpu.memref_slice %arg4[%add3A_233, %dma_start3A_321] : memref<131072x128xf32, #tpu.memory_space<hbm>> -> memref<128x128xf32, #tpu.memory_space<hbm>>
      tpu.enqueue_dma source(%arg6 : memref<128x128xf32, #tpu.memory_space<vmem>>) target(%dma_start3A_322 : memref<128x128xf32, #tpu.memory_space<hbm>>) target_semaphore(%run_scoped3A : memref<!tpu.dma_semaphore, #tpu.memory_space<semaphore_mem>>)
      %dma_wait3A_323 = arith.constant 0 : i32
      %dma_wait3A_324 = tpu.memref_slice %arg4[%add3A_233, %dma_wait3A_323] : memref<131072x128xf32, #tpu.memory_space<hbm>> -> memref<128x128xf32, #tpu.memory_space<hbm>>
      %dma_wait3A_325 = arith.constant 0 : i32
      %dma_wait3A_326 = tpu.memref_slice %arg4[%add3A_233, %dma_wait3A_325] : memref<131072x128xf32, #tpu.memory_space<hbm>> -> memref<128x128xf32, #tpu.memory_space<hbm>>
      tpu.wait_dma2 semaphore(%run_scoped3A : memref<!tpu.dma_semaphore, #tpu.memory_space<semaphore_mem>>) src(%arg6 : memref<128x128xf32, #tpu.memory_space<vmem>>) dst(%dma_wait3A_326 : memref<128x128xf32, #tpu.memory_space<hbm>>)
      tpu.yield
    }) : () -> ()
    %add3A_234 = arith.constant 3072 : i32
    %add3A_235 = arith.addi %mul3A_2, %add3A_234 : i32
    "tpu.region"() ({
      %run_scoped3A = tpu.sem_alloc : memref<!tpu.dma_semaphore, #tpu.memory_space<semaphore_mem>>
      %dma_start3A_319 = tpu.memref_slice %arg3[%add3A_235] : memref<131072xi32, #tpu.memory_space<hbm>> -> memref<128xi32, #tpu.memory_space<hbm>>
      %dma_start3A_320 = tpu.memref_slice %arg3[%add3A_235] : memref<131072xi32, #tpu.memory_space<hbm>> -> memref<128xi32, #tpu.memory_space<hbm>>
      tpu.enqueue_dma source(%dma_start3A_320 : memref<128xi32, #tpu.memory_space<hbm>>) target(%arg5 : memref<128xi32, #tpu.memory_space<vmem>>) target_semaphore(%run_scoped3A : memref<!tpu.dma_semaphore, #tpu.memory_space<semaphore_mem>>)
      %dma_wait3A_321 = tpu.memref_slice %arg3[%add3A_235] : memref<131072xi32, #tpu.memory_space<hbm>> -> memref<128xi32, #tpu.memory_space<hbm>>
      %dma_wait3A_322 = tpu.memref_slice %arg3[%add3A_235] : memref<131072xi32, #tpu.memory_space<hbm>> -> memref<128xi32, #tpu.memory_space<hbm>>
      tpu.wait_dma2 semaphore(%run_scoped3A : memref<!tpu.dma_semaphore, #tpu.memory_space<semaphore_mem>>) src(%dma_wait3A_322 : memref<128xi32, #tpu.memory_space<hbm>>) dst(%arg5 : memref<128xi32, #tpu.memory_space<vmem>>)
      tpu.yield
    }) : () -> ()
    %dma_start3A_236 = arith.constant 0 : i32
    %dma_start3A_237 = arith.constant 0 : i32
    %dma_start3A_238 = tpu.memref_slice %arg2[%dma_start3A_236, %dma_start3A_237] : memref<32768x128xf32, #tpu.memory_space<hbm>> -> memref<32768x128xf32, #tpu.memory_space<hbm>>
    tpu.enqueue_indirect_dma source(%dma_start3A_238 : memref<32768x128xf32, #tpu.memory_space<hbm>>) target(%arg6 : memref<128x128xf32, #tpu.memory_space<vmem>>) offsets(%arg5 : memref<128xi32, #tpu.memory_space<vmem>>) semaphore(%arg9 : memref<!tpu.dma_semaphore, #tpu.memory_space<semaphore_mem>>)
    %dma_wait3A_239 = arith.constant 0 : i32
    %dma_wait3A_240 = arith.constant 0 : i32
    %dma_wait3A_241 = tpu.memref_slice %arg2[%dma_wait3A_239, %dma_wait3A_240] : memref<32768x128xf32, #tpu.memory_space<hbm>> -> memref<32768x128xf32, #tpu.memory_space<hbm>>
    tpu.wait_indirect_dma semaphore(%arg10 : memref<!tpu.dma_semaphore, #tpu.memory_space<semaphore_mem>>) src(%dma_wait3A_241 : memref<32768x128xf32, #tpu.memory_space<hbm>>) dst(%arg8 : memref<128x128xf32, #tpu.memory_space<vmem>>)
    %add3A_242 = arith.constant 2944 : i32
    %add3A_243 = arith.addi %mul3A_2, %add3A_242 : i32
    "tpu.region"() ({
      %run_scoped3A = tpu.sem_alloc : memref<!tpu.dma_semaphore, #tpu.memory_space<semaphore_mem>>
      %dma_start3A_319 = arith.constant 0 : i32
      %dma_start3A_320 = tpu.memref_slice %arg4[%add3A_243, %dma_start3A_319] : memref<131072x128xf32, #tpu.memory_space<hbm>> -> memref<128x128xf32, #tpu.memory_space<hbm>>
      %dma_start3A_321 = arith.constant 0 : i32
      %dma_start3A_322 = tpu.memref_slice %arg4[%add3A_243, %dma_start3A_321] : memref<131072x128xf32, #tpu.memory_space<hbm>> -> memref<128x128xf32, #tpu.memory_space<hbm>>
      tpu.enqueue_dma source(%arg8 : memref<128x128xf32, #tpu.memory_space<vmem>>) target(%dma_start3A_322 : memref<128x128xf32, #tpu.memory_space<hbm>>) target_semaphore(%run_scoped3A : memref<!tpu.dma_semaphore, #tpu.memory_space<semaphore_mem>>)
      %dma_wait3A_323 = arith.constant 0 : i32
      %dma_wait3A_324 = tpu.memref_slice %arg4[%add3A_243, %dma_wait3A_323] : memref<131072x128xf32, #tpu.memory_space<hbm>> -> memref<128x128xf32, #tpu.memory_space<hbm>>
      %dma_wait3A_325 = arith.constant 0 : i32
      %dma_wait3A_326 = tpu.memref_slice %arg4[%add3A_243, %dma_wait3A_325] : memref<131072x128xf32, #tpu.memory_space<hbm>> -> memref<128x128xf32, #tpu.memory_space<hbm>>
      tpu.wait_dma2 semaphore(%run_scoped3A : memref<!tpu.dma_semaphore, #tpu.memory_space<semaphore_mem>>) src(%arg8 : memref<128x128xf32, #tpu.memory_space<vmem>>) dst(%dma_wait3A_326 : memref<128x128xf32, #tpu.memory_space<hbm>>)
      tpu.yield
    }) : () -> ()
    %add3A_244 = arith.constant 3200 : i32
    %add3A_245 = arith.addi %mul3A_2, %add3A_244 : i32
    "tpu.region"() ({
      %run_scoped3A = tpu.sem_alloc : memref<!tpu.dma_semaphore, #tpu.memory_space<semaphore_mem>>
      %dma_start3A_319 = tpu.memref_slice %arg3[%add3A_245] : memref<131072xi32, #tpu.memory_space<hbm>> -> memref<128xi32, #tpu.memory_space<hbm>>
      %dma_start3A_320 = tpu.memref_slice %arg3[%add3A_245] : memref<131072xi32, #tpu.memory_space<hbm>> -> memref<128xi32, #tpu.memory_space<hbm>>
      tpu.enqueue_dma source(%dma_start3A_320 : memref<128xi32, #tpu.memory_space<hbm>>) target(%arg7 : memref<128xi32, #tpu.memory_space<vmem>>) target_semaphore(%run_scoped3A : memref<!tpu.dma_semaphore, #tpu.memory_space<semaphore_mem>>)
      %dma_wait3A_321 = tpu.memref_slice %arg3[%add3A_245] : memref<131072xi32, #tpu.memory_space<hbm>> -> memref<128xi32, #tpu.memory_space<hbm>>
      %dma_wait3A_322 = tpu.memref_slice %arg3[%add3A_245] : memref<131072xi32, #tpu.memory_space<hbm>> -> memref<128xi32, #tpu.memory_space<hbm>>
      tpu.wait_dma2 semaphore(%run_scoped3A : memref<!tpu.dma_semaphore, #tpu.memory_space<semaphore_mem>>) src(%dma_wait3A_322 : memref<128xi32, #tpu.memory_space<hbm>>) dst(%arg7 : memref<128xi32, #tpu.memory_space<vmem>>)
      tpu.yield
    }) : () -> ()
    %dma_start3A_246 = arith.constant 0 : i32
    %dma_start3A_247 = arith.constant 0 : i32
    %dma_start3A_248 = tpu.memref_slice %arg2[%dma_start3A_246, %dma_start3A_247] : memref<32768x128xf32, #tpu.memory_space<hbm>> -> memref<32768x128xf32, #tpu.memory_space<hbm>>
    tpu.enqueue_indirect_dma source(%dma_start3A_248 : memref<32768x128xf32, #tpu.memory_space<hbm>>) target(%arg8 : memref<128x128xf32, #tpu.memory_space<vmem>>) offsets(%arg7 : memref<128xi32, #tpu.memory_space<vmem>>) semaphore(%arg10 : memref<!tpu.dma_semaphore, #tpu.memory_space<semaphore_mem>>)
    %dma_wait3A_249 = arith.constant 0 : i32
    %dma_wait3A_250 = arith.constant 0 : i32
    %dma_wait3A_251 = tpu.memref_slice %arg2[%dma_wait3A_249, %dma_wait3A_250] : memref<32768x128xf32, #tpu.memory_space<hbm>> -> memref<32768x128xf32, #tpu.memory_space<hbm>>
    tpu.wait_indirect_dma semaphore(%arg9 : memref<!tpu.dma_semaphore, #tpu.memory_space<semaphore_mem>>) src(%dma_wait3A_251 : memref<32768x128xf32, #tpu.memory_space<hbm>>) dst(%arg6 : memref<128x128xf32, #tpu.memory_space<vmem>>)
    %add3A_252 = arith.constant 3072 : i32
    %add3A_253 = arith.addi %mul3A_2, %add3A_252 : i32
    "tpu.region"() ({
      %run_scoped3A = tpu.sem_alloc : memref<!tpu.dma_semaphore, #tpu.memory_space<semaphore_mem>>
      %dma_start3A_319 = arith.constant 0 : i32
      %dma_start3A_320 = tpu.memref_slice %arg4[%add3A_253, %dma_start3A_319] : memref<131072x128xf32, #tpu.memory_space<hbm>> -> memref<128x128xf32, #tpu.memory_space<hbm>>
      %dma_start3A_321 = arith.constant 0 : i32
      %dma_start3A_322 = tpu.memref_slice %arg4[%add3A_253, %dma_start3A_321] : memref<131072x128xf32, #tpu.memory_space<hbm>> -> memref<128x128xf32, #tpu.memory_space<hbm>>
      tpu.enqueue_dma source(%arg6 : memref<128x128xf32, #tpu.memory_space<vmem>>) target(%dma_start3A_322 : memref<128x128xf32, #tpu.memory_space<hbm>>) target_semaphore(%run_scoped3A : memref<!tpu.dma_semaphore, #tpu.memory_space<semaphore_mem>>)
      %dma_wait3A_323 = arith.constant 0 : i32
      %dma_wait3A_324 = tpu.memref_slice %arg4[%add3A_253, %dma_wait3A_323] : memref<131072x128xf32, #tpu.memory_space<hbm>> -> memref<128x128xf32, #tpu.memory_space<hbm>>
      %dma_wait3A_325 = arith.constant 0 : i32
      %dma_wait3A_326 = tpu.memref_slice %arg4[%add3A_253, %dma_wait3A_325] : memref<131072x128xf32, #tpu.memory_space<hbm>> -> memref<128x128xf32, #tpu.memory_space<hbm>>
      tpu.wait_dma2 semaphore(%run_scoped3A : memref<!tpu.dma_semaphore, #tpu.memory_space<semaphore_mem>>) src(%arg6 : memref<128x128xf32, #tpu.memory_space<vmem>>) dst(%dma_wait3A_326 : memref<128x128xf32, #tpu.memory_space<hbm>>)
      tpu.yield
    }) : () -> ()
    %add3A_254 = arith.constant 3328 : i32
    %add3A_255 = arith.addi %mul3A_2, %add3A_254 : i32
    "tpu.region"() ({
      %run_scoped3A = tpu.sem_alloc : memref<!tpu.dma_semaphore, #tpu.memory_space<semaphore_mem>>
      %dma_start3A_319 = tpu.memref_slice %arg3[%add3A_255] : memref<131072xi32, #tpu.memory_space<hbm>> -> memref<128xi32, #tpu.memory_space<hbm>>
      %dma_start3A_320 = tpu.memref_slice %arg3[%add3A_255] : memref<131072xi32, #tpu.memory_space<hbm>> -> memref<128xi32, #tpu.memory_space<hbm>>
      tpu.enqueue_dma source(%dma_start3A_320 : memref<128xi32, #tpu.memory_space<hbm>>) target(%arg5 : memref<128xi32, #tpu.memory_space<vmem>>) target_semaphore(%run_scoped3A : memref<!tpu.dma_semaphore, #tpu.memory_space<semaphore_mem>>)
      %dma_wait3A_321 = tpu.memref_slice %arg3[%add3A_255] : memref<131072xi32, #tpu.memory_space<hbm>> -> memref<128xi32, #tpu.memory_space<hbm>>
      %dma_wait3A_322 = tpu.memref_slice %arg3[%add3A_255] : memref<131072xi32, #tpu.memory_space<hbm>> -> memref<128xi32, #tpu.memory_space<hbm>>
      tpu.wait_dma2 semaphore(%run_scoped3A : memref<!tpu.dma_semaphore, #tpu.memory_space<semaphore_mem>>) src(%dma_wait3A_322 : memref<128xi32, #tpu.memory_space<hbm>>) dst(%arg5 : memref<128xi32, #tpu.memory_space<vmem>>)
      tpu.yield
    }) : () -> ()
    %dma_start3A_256 = arith.constant 0 : i32
    %dma_start3A_257 = arith.constant 0 : i32
    %dma_start3A_258 = tpu.memref_slice %arg2[%dma_start3A_256, %dma_start3A_257] : memref<32768x128xf32, #tpu.memory_space<hbm>> -> memref<32768x128xf32, #tpu.memory_space<hbm>>
    tpu.enqueue_indirect_dma source(%dma_start3A_258 : memref<32768x128xf32, #tpu.memory_space<hbm>>) target(%arg6 : memref<128x128xf32, #tpu.memory_space<vmem>>) offsets(%arg5 : memref<128xi32, #tpu.memory_space<vmem>>) semaphore(%arg9 : memref<!tpu.dma_semaphore, #tpu.memory_space<semaphore_mem>>)
    %dma_wait3A_259 = arith.constant 0 : i32
    %dma_wait3A_260 = arith.constant 0 : i32
    %dma_wait3A_261 = tpu.memref_slice %arg2[%dma_wait3A_259, %dma_wait3A_260] : memref<32768x128xf32, #tpu.memory_space<hbm>> -> memref<32768x128xf32, #tpu.memory_space<hbm>>
    tpu.wait_indirect_dma semaphore(%arg10 : memref<!tpu.dma_semaphore, #tpu.memory_space<semaphore_mem>>) src(%dma_wait3A_261 : memref<32768x128xf32, #tpu.memory_space<hbm>>) dst(%arg8 : memref<128x128xf32, #tpu.memory_space<vmem>>)
    %add3A_262 = arith.constant 3200 : i32
    %add3A_263 = arith.addi %mul3A_2, %add3A_262 : i32
    "tpu.region"() ({
      %run_scoped3A = tpu.sem_alloc : memref<!tpu.dma_semaphore, #tpu.memory_space<semaphore_mem>>
      %dma_start3A_319 = arith.constant 0 : i32
      %dma_start3A_320 = tpu.memref_slice %arg4[%add3A_263, %dma_start3A_319] : memref<131072x128xf32, #tpu.memory_space<hbm>> -> memref<128x128xf32, #tpu.memory_space<hbm>>
      %dma_start3A_321 = arith.constant 0 : i32
      %dma_start3A_322 = tpu.memref_slice %arg4[%add3A_263, %dma_start3A_321] : memref<131072x128xf32, #tpu.memory_space<hbm>> -> memref<128x128xf32, #tpu.memory_space<hbm>>
      tpu.enqueue_dma source(%arg8 : memref<128x128xf32, #tpu.memory_space<vmem>>) target(%dma_start3A_322 : memref<128x128xf32, #tpu.memory_space<hbm>>) target_semaphore(%run_scoped3A : memref<!tpu.dma_semaphore, #tpu.memory_space<semaphore_mem>>)
      %dma_wait3A_323 = arith.constant 0 : i32
      %dma_wait3A_324 = tpu.memref_slice %arg4[%add3A_263, %dma_wait3A_323] : memref<131072x128xf32, #tpu.memory_space<hbm>> -> memref<128x128xf32, #tpu.memory_space<hbm>>
      %dma_wait3A_325 = arith.constant 0 : i32
      %dma_wait3A_326 = tpu.memref_slice %arg4[%add3A_263, %dma_wait3A_325] : memref<131072x128xf32, #tpu.memory_space<hbm>> -> memref<128x128xf32, #tpu.memory_space<hbm>>
      tpu.wait_dma2 semaphore(%run_scoped3A : memref<!tpu.dma_semaphore, #tpu.memory_space<semaphore_mem>>) src(%arg8 : memref<128x128xf32, #tpu.memory_space<vmem>>) dst(%dma_wait3A_326 : memref<128x128xf32, #tpu.memory_space<hbm>>)
      tpu.yield
    }) : () -> ()
    %add3A_264 = arith.constant 3456 : i32
    %add3A_265 = arith.addi %mul3A_2, %add3A_264 : i32
    "tpu.region"() ({
      %run_scoped3A = tpu.sem_alloc : memref<!tpu.dma_semaphore, #tpu.memory_space<semaphore_mem>>
      %dma_start3A_319 = tpu.memref_slice %arg3[%add3A_265] : memref<131072xi32, #tpu.memory_space<hbm>> -> memref<128xi32, #tpu.memory_space<hbm>>
      %dma_start3A_320 = tpu.memref_slice %arg3[%add3A_265] : memref<131072xi32, #tpu.memory_space<hbm>> -> memref<128xi32, #tpu.memory_space<hbm>>
      tpu.enqueue_dma source(%dma_start3A_320 : memref<128xi32, #tpu.memory_space<hbm>>) target(%arg7 : memref<128xi32, #tpu.memory_space<vmem>>) target_semaphore(%run_scoped3A : memref<!tpu.dma_semaphore, #tpu.memory_space<semaphore_mem>>)
      %dma_wait3A_321 = tpu.memref_slice %arg3[%add3A_265] : memref<131072xi32, #tpu.memory_space<hbm>> -> memref<128xi32, #tpu.memory_space<hbm>>
      %dma_wait3A_322 = tpu.memref_slice %arg3[%add3A_265] : memref<131072xi32, #tpu.memory_space<hbm>> -> memref<128xi32, #tpu.memory_space<hbm>>
      tpu.wait_dma2 semaphore(%run_scoped3A : memref<!tpu.dma_semaphore, #tpu.memory_space<semaphore_mem>>) src(%dma_wait3A_322 : memref<128xi32, #tpu.memory_space<hbm>>) dst(%arg7 : memref<128xi32, #tpu.memory_space<vmem>>)
      tpu.yield
    }) : () -> ()
    %dma_start3A_266 = arith.constant 0 : i32
    %dma_start3A_267 = arith.constant 0 : i32
    %dma_start3A_268 = tpu.memref_slice %arg2[%dma_start3A_266, %dma_start3A_267] : memref<32768x128xf32, #tpu.memory_space<hbm>> -> memref<32768x128xf32, #tpu.memory_space<hbm>>
    tpu.enqueue_indirect_dma source(%dma_start3A_268 : memref<32768x128xf32, #tpu.memory_space<hbm>>) target(%arg8 : memref<128x128xf32, #tpu.memory_space<vmem>>) offsets(%arg7 : memref<128xi32, #tpu.memory_space<vmem>>) semaphore(%arg10 : memref<!tpu.dma_semaphore, #tpu.memory_space<semaphore_mem>>)
    %dma_wait3A_269 = arith.constant 0 : i32
    %dma_wait3A_270 = arith.constant 0 : i32
    %dma_wait3A_271 = tpu.memref_slice %arg2[%dma_wait3A_269, %dma_wait3A_270] : memref<32768x128xf32, #tpu.memory_space<hbm>> -> memref<32768x128xf32, #tpu.memory_space<hbm>>
    tpu.wait_indirect_dma semaphore(%arg9 : memref<!tpu.dma_semaphore, #tpu.memory_space<semaphore_mem>>) src(%dma_wait3A_271 : memref<32768x128xf32, #tpu.memory_space<hbm>>) dst(%arg6 : memref<128x128xf32, #tpu.memory_space<vmem>>)
    %add3A_272 = arith.constant 3328 : i32
    %add3A_273 = arith.addi %mul3A_2, %add3A_272 : i32
    "tpu.region"() ({
      %run_scoped3A = tpu.sem_alloc : memref<!tpu.dma_semaphore, #tpu.memory_space<semaphore_mem>>
      %dma_start3A_319 = arith.constant 0 : i32
      %dma_start3A_320 = tpu.memref_slice %arg4[%add3A_273, %dma_start3A_319] : memref<131072x128xf32, #tpu.memory_space<hbm>> -> memref<128x128xf32, #tpu.memory_space<hbm>>
      %dma_start3A_321 = arith.constant 0 : i32
      %dma_start3A_322 = tpu.memref_slice %arg4[%add3A_273, %dma_start3A_321] : memref<131072x128xf32, #tpu.memory_space<hbm>> -> memref<128x128xf32, #tpu.memory_space<hbm>>
      tpu.enqueue_dma source(%arg6 : memref<128x128xf32, #tpu.memory_space<vmem>>) target(%dma_start3A_322 : memref<128x128xf32, #tpu.memory_space<hbm>>) target_semaphore(%run_scoped3A : memref<!tpu.dma_semaphore, #tpu.memory_space<semaphore_mem>>)
      %dma_wait3A_323 = arith.constant 0 : i32
      %dma_wait3A_324 = tpu.memref_slice %arg4[%add3A_273, %dma_wait3A_323] : memref<131072x128xf32, #tpu.memory_space<hbm>> -> memref<128x128xf32, #tpu.memory_space<hbm>>
      %dma_wait3A_325 = arith.constant 0 : i32
      %dma_wait3A_326 = tpu.memref_slice %arg4[%add3A_273, %dma_wait3A_325] : memref<131072x128xf32, #tpu.memory_space<hbm>> -> memref<128x128xf32, #tpu.memory_space<hbm>>
      tpu.wait_dma2 semaphore(%run_scoped3A : memref<!tpu.dma_semaphore, #tpu.memory_space<semaphore_mem>>) src(%arg6 : memref<128x128xf32, #tpu.memory_space<vmem>>) dst(%dma_wait3A_326 : memref<128x128xf32, #tpu.memory_space<hbm>>)
      tpu.yield
    }) : () -> ()
    %add3A_274 = arith.constant 3584 : i32
    %add3A_275 = arith.addi %mul3A_2, %add3A_274 : i32
    "tpu.region"() ({
      %run_scoped3A = tpu.sem_alloc : memref<!tpu.dma_semaphore, #tpu.memory_space<semaphore_mem>>
      %dma_start3A_319 = tpu.memref_slice %arg3[%add3A_275] : memref<131072xi32, #tpu.memory_space<hbm>> -> memref<128xi32, #tpu.memory_space<hbm>>
      %dma_start3A_320 = tpu.memref_slice %arg3[%add3A_275] : memref<131072xi32, #tpu.memory_space<hbm>> -> memref<128xi32, #tpu.memory_space<hbm>>
      tpu.enqueue_dma source(%dma_start3A_320 : memref<128xi32, #tpu.memory_space<hbm>>) target(%arg5 : memref<128xi32, #tpu.memory_space<vmem>>) target_semaphore(%run_scoped3A : memref<!tpu.dma_semaphore, #tpu.memory_space<semaphore_mem>>)
      %dma_wait3A_321 = tpu.memref_slice %arg3[%add3A_275] : memref<131072xi32, #tpu.memory_space<hbm>> -> memref<128xi32, #tpu.memory_space<hbm>>
      %dma_wait3A_322 = tpu.memref_slice %arg3[%add3A_275] : memref<131072xi32, #tpu.memory_space<hbm>> -> memref<128xi32, #tpu.memory_space<hbm>>
      tpu.wait_dma2 semaphore(%run_scoped3A : memref<!tpu.dma_semaphore, #tpu.memory_space<semaphore_mem>>) src(%dma_wait3A_322 : memref<128xi32, #tpu.memory_space<hbm>>) dst(%arg5 : memref<128xi32, #tpu.memory_space<vmem>>)
      tpu.yield
    }) : () -> ()
    %dma_start3A_276 = arith.constant 0 : i32
    %dma_start3A_277 = arith.constant 0 : i32
    %dma_start3A_278 = tpu.memref_slice %arg2[%dma_start3A_276, %dma_start3A_277] : memref<32768x128xf32, #tpu.memory_space<hbm>> -> memref<32768x128xf32, #tpu.memory_space<hbm>>
    tpu.enqueue_indirect_dma source(%dma_start3A_278 : memref<32768x128xf32, #tpu.memory_space<hbm>>) target(%arg6 : memref<128x128xf32, #tpu.memory_space<vmem>>) offsets(%arg5 : memref<128xi32, #tpu.memory_space<vmem>>) semaphore(%arg9 : memref<!tpu.dma_semaphore, #tpu.memory_space<semaphore_mem>>)
    %dma_wait3A_279 = arith.constant 0 : i32
    %dma_wait3A_280 = arith.constant 0 : i32
    %dma_wait3A_281 = tpu.memref_slice %arg2[%dma_wait3A_279, %dma_wait3A_280] : memref<32768x128xf32, #tpu.memory_space<hbm>> -> memref<32768x128xf32, #tpu.memory_space<hbm>>
    tpu.wait_indirect_dma semaphore(%arg10 : memref<!tpu.dma_semaphore, #tpu.memory_space<semaphore_mem>>) src(%dma_wait3A_281 : memref<32768x128xf32, #tpu.memory_space<hbm>>) dst(%arg8 : memref<128x128xf32, #tpu.memory_space<vmem>>)
    %add3A_282 = arith.constant 3456 : i32
    %add3A_283 = arith.addi %mul3A_2, %add3A_282 : i32
    "tpu.region"() ({
      %run_scoped3A = tpu.sem_alloc : memref<!tpu.dma_semaphore, #tpu.memory_space<semaphore_mem>>
      %dma_start3A_319 = arith.constant 0 : i32
      %dma_start3A_320 = tpu.memref_slice %arg4[%add3A_283, %dma_start3A_319] : memref<131072x128xf32, #tpu.memory_space<hbm>> -> memref<128x128xf32, #tpu.memory_space<hbm>>
      %dma_start3A_321 = arith.constant 0 : i32
      %dma_start3A_322 = tpu.memref_slice %arg4[%add3A_283, %dma_start3A_321] : memref<131072x128xf32, #tpu.memory_space<hbm>> -> memref<128x128xf32, #tpu.memory_space<hbm>>
      tpu.enqueue_dma source(%arg8 : memref<128x128xf32, #tpu.memory_space<vmem>>) target(%dma_start3A_322 : memref<128x128xf32, #tpu.memory_space<hbm>>) target_semaphore(%run_scoped3A : memref<!tpu.dma_semaphore, #tpu.memory_space<semaphore_mem>>)
      %dma_wait3A_323 = arith.constant 0 : i32
      %dma_wait3A_324 = tpu.memref_slice %arg4[%add3A_283, %dma_wait3A_323] : memref<131072x128xf32, #tpu.memory_space<hbm>> -> memref<128x128xf32, #tpu.memory_space<hbm>>
      %dma_wait3A_325 = arith.constant 0 : i32
      %dma_wait3A_326 = tpu.memref_slice %arg4[%add3A_283, %dma_wait3A_325] : memref<131072x128xf32, #tpu.memory_space<hbm>> -> memref<128x128xf32, #tpu.memory_space<hbm>>
      tpu.wait_dma2 semaphore(%run_scoped3A : memref<!tpu.dma_semaphore, #tpu.memory_space<semaphore_mem>>) src(%arg8 : memref<128x128xf32, #tpu.memory_space<vmem>>) dst(%dma_wait3A_326 : memref<128x128xf32, #tpu.memory_space<hbm>>)
      tpu.yield
    }) : () -> ()
    %add3A_284 = arith.constant 3712 : i32
    %add3A_285 = arith.addi %mul3A_2, %add3A_284 : i32
    "tpu.region"() ({
      %run_scoped3A = tpu.sem_alloc : memref<!tpu.dma_semaphore, #tpu.memory_space<semaphore_mem>>
      %dma_start3A_319 = tpu.memref_slice %arg3[%add3A_285] : memref<131072xi32, #tpu.memory_space<hbm>> -> memref<128xi32, #tpu.memory_space<hbm>>
      %dma_start3A_320 = tpu.memref_slice %arg3[%add3A_285] : memref<131072xi32, #tpu.memory_space<hbm>> -> memref<128xi32, #tpu.memory_space<hbm>>
      tpu.enqueue_dma source(%dma_start3A_320 : memref<128xi32, #tpu.memory_space<hbm>>) target(%arg7 : memref<128xi32, #tpu.memory_space<vmem>>) target_semaphore(%run_scoped3A : memref<!tpu.dma_semaphore, #tpu.memory_space<semaphore_mem>>)
      %dma_wait3A_321 = tpu.memref_slice %arg3[%add3A_285] : memref<131072xi32, #tpu.memory_space<hbm>> -> memref<128xi32, #tpu.memory_space<hbm>>
      %dma_wait3A_322 = tpu.memref_slice %arg3[%add3A_285] : memref<131072xi32, #tpu.memory_space<hbm>> -> memref<128xi32, #tpu.memory_space<hbm>>
      tpu.wait_dma2 semaphore(%run_scoped3A : memref<!tpu.dma_semaphore, #tpu.memory_space<semaphore_mem>>) src(%dma_wait3A_322 : memref<128xi32, #tpu.memory_space<hbm>>) dst(%arg7 : memref<128xi32, #tpu.memory_space<vmem>>)
      tpu.yield
    }) : () -> ()
    %dma_start3A_286 = arith.constant 0 : i32
    %dma_start3A_287 = arith.constant 0 : i32
    %dma_start3A_288 = tpu.memref_slice %arg2[%dma_start3A_286, %dma_start3A_287] : memref<32768x128xf32, #tpu.memory_space<hbm>> -> memref<32768x128xf32, #tpu.memory_space<hbm>>
    tpu.enqueue_indirect_dma source(%dma_start3A_288 : memref<32768x128xf32, #tpu.memory_space<hbm>>) target(%arg8 : memref<128x128xf32, #tpu.memory_space<vmem>>) offsets(%arg7 : memref<128xi32, #tpu.memory_space<vmem>>) semaphore(%arg10 : memref<!tpu.dma_semaphore, #tpu.memory_space<semaphore_mem>>)
    %dma_wait3A_289 = arith.constant 0 : i32
    %dma_wait3A_290 = arith.constant 0 : i32
    %dma_wait3A_291 = tpu.memref_slice %arg2[%dma_wait3A_289, %dma_wait3A_290] : memref<32768x128xf32, #tpu.memory_space<hbm>> -> memref<32768x128xf32, #tpu.memory_space<hbm>>
    tpu.wait_indirect_dma semaphore(%arg9 : memref<!tpu.dma_semaphore, #tpu.memory_space<semaphore_mem>>) src(%dma_wait3A_291 : memref<32768x128xf32, #tpu.memory_space<hbm>>) dst(%arg6 : memref<128x128xf32, #tpu.memory_space<vmem>>)
    %add3A_292 = arith.constant 3584 : i32
    %add3A_293 = arith.addi %mul3A_2, %add3A_292 : i32
    "tpu.region"() ({
      %run_scoped3A = tpu.sem_alloc : memref<!tpu.dma_semaphore, #tpu.memory_space<semaphore_mem>>
      %dma_start3A_319 = arith.constant 0 : i32
      %dma_start3A_320 = tpu.memref_slice %arg4[%add3A_293, %dma_start3A_319] : memref<131072x128xf32, #tpu.memory_space<hbm>> -> memref<128x128xf32, #tpu.memory_space<hbm>>
      %dma_start3A_321 = arith.constant 0 : i32
      %dma_start3A_322 = tpu.memref_slice %arg4[%add3A_293, %dma_start3A_321] : memref<131072x128xf32, #tpu.memory_space<hbm>> -> memref<128x128xf32, #tpu.memory_space<hbm>>
      tpu.enqueue_dma source(%arg6 : memref<128x128xf32, #tpu.memory_space<vmem>>) target(%dma_start3A_322 : memref<128x128xf32, #tpu.memory_space<hbm>>) target_semaphore(%run_scoped3A : memref<!tpu.dma_semaphore, #tpu.memory_space<semaphore_mem>>)
      %dma_wait3A_323 = arith.constant 0 : i32
      %dma_wait3A_324 = tpu.memref_slice %arg4[%add3A_293, %dma_wait3A_323] : memref<131072x128xf32, #tpu.memory_space<hbm>> -> memref<128x128xf32, #tpu.memory_space<hbm>>
      %dma_wait3A_325 = arith.constant 0 : i32
      %dma_wait3A_326 = tpu.memref_slice %arg4[%add3A_293, %dma_wait3A_325] : memref<131072x128xf32, #tpu.memory_space<hbm>> -> memref<128x128xf32, #tpu.memory_space<hbm>>
      tpu.wait_dma2 semaphore(%run_scoped3A : memref<!tpu.dma_semaphore, #tpu.memory_space<semaphore_mem>>) src(%arg6 : memref<128x128xf32, #tpu.memory_space<vmem>>) dst(%dma_wait3A_326 : memref<128x128xf32, #tpu.memory_space<hbm>>)
      tpu.yield
    }) : () -> ()
    %add3A_294 = arith.constant 3840 : i32
    %add3A_295 = arith.addi %mul3A_2, %add3A_294 : i32
    "tpu.region"() ({
      %run_scoped3A = tpu.sem_alloc : memref<!tpu.dma_semaphore, #tpu.memory_space<semaphore_mem>>
      %dma_start3A_319 = tpu.memref_slice %arg3[%add3A_295] : memref<131072xi32, #tpu.memory_space<hbm>> -> memref<128xi32, #tpu.memory_space<hbm>>
      %dma_start3A_320 = tpu.memref_slice %arg3[%add3A_295] : memref<131072xi32, #tpu.memory_space<hbm>> -> memref<128xi32, #tpu.memory_space<hbm>>
      tpu.enqueue_dma source(%dma_start3A_320 : memref<128xi32, #tpu.memory_space<hbm>>) target(%arg5 : memref<128xi32, #tpu.memory_space<vmem>>) target_semaphore(%run_scoped3A : memref<!tpu.dma_semaphore, #tpu.memory_space<semaphore_mem>>)
      %dma_wait3A_321 = tpu.memref_slice %arg3[%add3A_295] : memref<131072xi32, #tpu.memory_space<hbm>> -> memref<128xi32, #tpu.memory_space<hbm>>
      %dma_wait3A_322 = tpu.memref_slice %arg3[%add3A_295] : memref<131072xi32, #tpu.memory_space<hbm>> -> memref<128xi32, #tpu.memory_space<hbm>>
      tpu.wait_dma2 semaphore(%run_scoped3A : memref<!tpu.dma_semaphore, #tpu.memory_space<semaphore_mem>>) src(%dma_wait3A_322 : memref<128xi32, #tpu.memory_space<hbm>>) dst(%arg5 : memref<128xi32, #tpu.memory_space<vmem>>)
      tpu.yield
    }) : () -> ()
    %dma_start3A_296 = arith.constant 0 : i32
    %dma_start3A_297 = arith.constant 0 : i32
    %dma_start3A_298 = tpu.memref_slice %arg2[%dma_start3A_296, %dma_start3A_297] : memref<32768x128xf32, #tpu.memory_space<hbm>> -> memref<32768x128xf32, #tpu.memory_space<hbm>>
    tpu.enqueue_indirect_dma source(%dma_start3A_298 : memref<32768x128xf32, #tpu.memory_space<hbm>>) target(%arg6 : memref<128x128xf32, #tpu.memory_space<vmem>>) offsets(%arg5 : memref<128xi32, #tpu.memory_space<vmem>>) semaphore(%arg9 : memref<!tpu.dma_semaphore, #tpu.memory_space<semaphore_mem>>)
    %dma_wait3A_299 = arith.constant 0 : i32
    %dma_wait3A_300 = arith.constant 0 : i32
    %dma_wait3A_301 = tpu.memref_slice %arg2[%dma_wait3A_299, %dma_wait3A_300] : memref<32768x128xf32, #tpu.memory_space<hbm>> -> memref<32768x128xf32, #tpu.memory_space<hbm>>
    tpu.wait_indirect_dma semaphore(%arg10 : memref<!tpu.dma_semaphore, #tpu.memory_space<semaphore_mem>>) src(%dma_wait3A_301 : memref<32768x128xf32, #tpu.memory_space<hbm>>) dst(%arg8 : memref<128x128xf32, #tpu.memory_space<vmem>>)
    %add3A_302 = arith.constant 3712 : i32
    %add3A_303 = arith.addi %mul3A_2, %add3A_302 : i32
    "tpu.region"() ({
      %run_scoped3A = tpu.sem_alloc : memref<!tpu.dma_semaphore, #tpu.memory_space<semaphore_mem>>
      %dma_start3A_319 = arith.constant 0 : i32
      %dma_start3A_320 = tpu.memref_slice %arg4[%add3A_303, %dma_start3A_319] : memref<131072x128xf32, #tpu.memory_space<hbm>> -> memref<128x128xf32, #tpu.memory_space<hbm>>
      %dma_start3A_321 = arith.constant 0 : i32
      %dma_start3A_322 = tpu.memref_slice %arg4[%add3A_303, %dma_start3A_321] : memref<131072x128xf32, #tpu.memory_space<hbm>> -> memref<128x128xf32, #tpu.memory_space<hbm>>
      tpu.enqueue_dma source(%arg8 : memref<128x128xf32, #tpu.memory_space<vmem>>) target(%dma_start3A_322 : memref<128x128xf32, #tpu.memory_space<hbm>>) target_semaphore(%run_scoped3A : memref<!tpu.dma_semaphore, #tpu.memory_space<semaphore_mem>>)
      %dma_wait3A_323 = arith.constant 0 : i32
      %dma_wait3A_324 = tpu.memref_slice %arg4[%add3A_303, %dma_wait3A_323] : memref<131072x128xf32, #tpu.memory_space<hbm>> -> memref<128x128xf32, #tpu.memory_space<hbm>>
      %dma_wait3A_325 = arith.constant 0 : i32
      %dma_wait3A_326 = tpu.memref_slice %arg4[%add3A_303, %dma_wait3A_325] : memref<131072x128xf32, #tpu.memory_space<hbm>> -> memref<128x128xf32, #tpu.memory_space<hbm>>
      tpu.wait_dma2 semaphore(%run_scoped3A : memref<!tpu.dma_semaphore, #tpu.memory_space<semaphore_mem>>) src(%arg8 : memref<128x128xf32, #tpu.memory_space<vmem>>) dst(%dma_wait3A_326 : memref<128x128xf32, #tpu.memory_space<hbm>>)
      tpu.yield
    }) : () -> ()
    %add3A_304 = arith.constant 3968 : i32
    %add3A_305 = arith.addi %mul3A_2, %add3A_304 : i32
    "tpu.region"() ({
      %run_scoped3A = tpu.sem_alloc : memref<!tpu.dma_semaphore, #tpu.memory_space<semaphore_mem>>
      %dma_start3A_319 = tpu.memref_slice %arg3[%add3A_305] : memref<131072xi32, #tpu.memory_space<hbm>> -> memref<128xi32, #tpu.memory_space<hbm>>
      %dma_start3A_320 = tpu.memref_slice %arg3[%add3A_305] : memref<131072xi32, #tpu.memory_space<hbm>> -> memref<128xi32, #tpu.memory_space<hbm>>
      tpu.enqueue_dma source(%dma_start3A_320 : memref<128xi32, #tpu.memory_space<hbm>>) target(%arg7 : memref<128xi32, #tpu.memory_space<vmem>>) target_semaphore(%run_scoped3A : memref<!tpu.dma_semaphore, #tpu.memory_space<semaphore_mem>>)
      %dma_wait3A_321 = tpu.memref_slice %arg3[%add3A_305] : memref<131072xi32, #tpu.memory_space<hbm>> -> memref<128xi32, #tpu.memory_space<hbm>>
      %dma_wait3A_322 = tpu.memref_slice %arg3[%add3A_305] : memref<131072xi32, #tpu.memory_space<hbm>> -> memref<128xi32, #tpu.memory_space<hbm>>
      tpu.wait_dma2 semaphore(%run_scoped3A : memref<!tpu.dma_semaphore, #tpu.memory_space<semaphore_mem>>) src(%dma_wait3A_322 : memref<128xi32, #tpu.memory_space<hbm>>) dst(%arg7 : memref<128xi32, #tpu.memory_space<vmem>>)
      tpu.yield
    }) : () -> ()
    %dma_start3A_306 = arith.constant 0 : i32
    %dma_start3A_307 = arith.constant 0 : i32
    %dma_start3A_308 = tpu.memref_slice %arg2[%dma_start3A_306, %dma_start3A_307] : memref<32768x128xf32, #tpu.memory_space<hbm>> -> memref<32768x128xf32, #tpu.memory_space<hbm>>
    tpu.enqueue_indirect_dma source(%dma_start3A_308 : memref<32768x128xf32, #tpu.memory_space<hbm>>) target(%arg8 : memref<128x128xf32, #tpu.memory_space<vmem>>) offsets(%arg7 : memref<128xi32, #tpu.memory_space<vmem>>) semaphore(%arg10 : memref<!tpu.dma_semaphore, #tpu.memory_space<semaphore_mem>>)
    %dma_wait3A_309 = arith.constant 0 : i32
    %dma_wait3A_310 = arith.constant 0 : i32
    %dma_wait3A_311 = tpu.memref_slice %arg2[%dma_wait3A_309, %dma_wait3A_310] : memref<32768x128xf32, #tpu.memory_space<hbm>> -> memref<32768x128xf32, #tpu.memory_space<hbm>>
    tpu.wait_indirect_dma semaphore(%arg9 : memref<!tpu.dma_semaphore, #tpu.memory_space<semaphore_mem>>) src(%dma_wait3A_311 : memref<32768x128xf32, #tpu.memory_space<hbm>>) dst(%arg6 : memref<128x128xf32, #tpu.memory_space<vmem>>)
    %add3A_312 = arith.constant 3840 : i32
    %add3A_313 = arith.addi %mul3A_2, %add3A_312 : i32
    "tpu.region"() ({
      %run_scoped3A = tpu.sem_alloc : memref<!tpu.dma_semaphore, #tpu.memory_space<semaphore_mem>>
      %dma_start3A_319 = arith.constant 0 : i32
      %dma_start3A_320 = tpu.memref_slice %arg4[%add3A_313, %dma_start3A_319] : memref<131072x128xf32, #tpu.memory_space<hbm>> -> memref<128x128xf32, #tpu.memory_space<hbm>>
      %dma_start3A_321 = arith.constant 0 : i32
      %dma_start3A_322 = tpu.memref_slice %arg4[%add3A_313, %dma_start3A_321] : memref<131072x128xf32, #tpu.memory_space<hbm>> -> memref<128x128xf32, #tpu.memory_space<hbm>>
      tpu.enqueue_dma source(%arg6 : memref<128x128xf32, #tpu.memory_space<vmem>>) target(%dma_start3A_322 : memref<128x128xf32, #tpu.memory_space<hbm>>) target_semaphore(%run_scoped3A : memref<!tpu.dma_semaphore, #tpu.memory_space<semaphore_mem>>)
      %dma_wait3A_323 = arith.constant 0 : i32
      %dma_wait3A_324 = tpu.memref_slice %arg4[%add3A_313, %dma_wait3A_323] : memref<131072x128xf32, #tpu.memory_space<hbm>> -> memref<128x128xf32, #tpu.memory_space<hbm>>
      %dma_wait3A_325 = arith.constant 0 : i32
      %dma_wait3A_326 = tpu.memref_slice %arg4[%add3A_313, %dma_wait3A_325] : memref<131072x128xf32, #tpu.memory_space<hbm>> -> memref<128x128xf32, #tpu.memory_space<hbm>>
      tpu.wait_dma2 semaphore(%run_scoped3A : memref<!tpu.dma_semaphore, #tpu.memory_space<semaphore_mem>>) src(%arg6 : memref<128x128xf32, #tpu.memory_space<vmem>>) dst(%dma_wait3A_326 : memref<128x128xf32, #tpu.memory_space<hbm>>)
      tpu.yield
    }) : () -> ()
    %dma_wait3A_314 = arith.constant 0 : i32
    %dma_wait3A_315 = arith.constant 0 : i32
    %dma_wait3A_316 = tpu.memref_slice %arg2[%dma_wait3A_314, %dma_wait3A_315] : memref<32768x128xf32, #tpu.memory_space<hbm>> -> memref<32768x128xf32, #tpu.memory_space<hbm>>
    tpu.wait_indirect_dma semaphore(%arg10 : memref<!tpu.dma_semaphore, #tpu.memory_space<semaphore_mem>>) src(%dma_wait3A_316 : memref<32768x128xf32, #tpu.memory_space<hbm>>) dst(%arg8 : memref<128x128xf32, #tpu.memory_space<vmem>>)
    %add3A_317 = arith.constant 3968 : i32
    %add3A_318 = arith.addi %mul3A_2, %add3A_317 : i32
    "tpu.region"() ({
      %run_scoped3A = tpu.sem_alloc : memref<!tpu.dma_semaphore, #tpu.memory_space<semaphore_mem>>
      %dma_start3A_319 = arith.constant 0 : i32
      %dma_start3A_320 = tpu.memref_slice %arg4[%add3A_318, %dma_start3A_319] : memref<131072x128xf32, #tpu.memory_space<hbm>> -> memref<128x128xf32, #tpu.memory_space<hbm>>
      %dma_start3A_321 = arith.constant 0 : i32
      %dma_start3A_322 = tpu.memref_slice %arg4[%add3A_318, %dma_start3A_321] : memref<131072x128xf32, #tpu.memory_space<hbm>> -> memref<128x128xf32, #tpu.memory_space<hbm>>
      tpu.enqueue_dma source(%arg8 : memref<128x128xf32, #tpu.memory_space<vmem>>) target(%dma_start3A_322 : memref<128x128xf32, #tpu.memory_space<hbm>>) target_semaphore(%run_scoped3A : memref<!tpu.dma_semaphore, #tpu.memory_space<semaphore_mem>>)
      %dma_wait3A_323 = arith.constant 0 : i32
      %dma_wait3A_324 = tpu.memref_slice %arg4[%add3A_318, %dma_wait3A_323] : memref<131072x128xf32, #tpu.memory_space<hbm>> -> memref<128x128xf32, #tpu.memory_space<hbm>>
      %dma_wait3A_325 = arith.constant 0 : i32
      %dma_wait3A_326 = tpu.memref_slice %arg4[%add3A_318, %dma_wait3A_325] : memref<131072x128xf32, #tpu.memory_space<hbm>> -> memref<128x128xf32, #tpu.memory_space<hbm>>
      tpu.wait_dma2 semaphore(%run_scoped3A : memref<!tpu.dma_semaphore, #tpu.memory_space<semaphore_mem>>) src(%arg8 : memref<128x128xf32, #tpu.memory_space<vmem>>) dst(%dma_wait3A_326 : memref<128x128xf32, #tpu.memory_space<hbm>>)
      tpu.yield
    }) : () -> ()
    return
  }
}

module attributes {stable_mosaic.version = 14 : i64} {
  func.func @_fps_body(%arg0: memref<3x8x4096xf32, #tpu.memory_space<vmem>>, %arg1: memref<8x512xi32, #tpu.memory_space<vmem>>, %arg2: memref<3x8x512xf32, #tpu.memory_space<vmem>>) attributes {dimension_semantics = [], scalar_prefetch = 0 : i64, scratch_operands = 0 : i64, tpu.core_type = #tpu.core_type<tc>} {
    %get3A = arith.constant 0 : index
    %get3A_0 = arith.constant 0 : index
    %get3A_1 = arith.constant 0 : index
    %get3A_2 = vector.load %arg0[%get3A, %get3A_0, %get3A_1] : memref<3x8x4096xf32, #tpu.memory_space<vmem>>, vector<1x8x4096xf32>
    %get3A_3 = vector.shape_cast %get3A_2 : vector<1x8x4096xf32> to vector<8x4096xf32>
    %get3A_4 = arith.constant 1 : index
    %get3A_5 = arith.constant 0 : index
    %get3A_6 = arith.constant 0 : index
    %get3A_7 = vector.load %arg0[%get3A_4, %get3A_5, %get3A_6] : memref<3x8x4096xf32, #tpu.memory_space<vmem>>, vector<1x8x4096xf32>
    %get3A_8 = vector.shape_cast %get3A_7 : vector<1x8x4096xf32> to vector<8x4096xf32>
    %get3A_9 = arith.constant 2 : index
    %get3A_10 = arith.constant 0 : index
    %get3A_11 = arith.constant 0 : index
    %get3A_12 = vector.load %arg0[%get3A_9, %get3A_10, %get3A_11] : memref<3x8x4096xf32, #tpu.memory_space<vmem>>, vector<1x8x4096xf32>
    %get3A_13 = vector.shape_cast %get3A_12 : vector<1x8x4096xf32> to vector<8x4096xf32>
    %iota3A = tpu.iota {dimensions = array<i32: 1>} : vector<8x4096xi32>
    %iota3A_14 = tpu.iota {dimensions = array<i32: 1>} : vector<8x512xi32>
    %slice3A = vector.extract_strided_slice %get3A_3 {offsets = [0, 0], sizes = [8, 1], strides = [1, 1]} : vector<8x4096xf32> to vector<8x1xf32>
    %slice3A_15 = vector.extract_strided_slice %get3A_8 {offsets = [0, 0], sizes = [8, 1], strides = [1, 1]} : vector<8x4096xf32> to vector<8x1xf32>
    %slice3A_16 = vector.extract_strided_slice %get3A_13 {offsets = [0, 0], sizes = [8, 1], strides = [1, 1]} : vector<8x4096xf32> to vector<8x1xf32>
    %broadcast_in_dim3A = arith.constant 0 : i32
    %broadcast_in_dim3A_17 = vector.broadcast %broadcast_in_dim3A : i32 to vector<8x512xi32>
    %eq3A = arith.constant 0 : i32
    %eq3A_18 = vector.broadcast %eq3A : i32 to vector<8x512xi32>
    %eq3A_19 = arith.cmpi eq, %iota3A_14, %eq3A_18 : vector<8x512xi32>
    %jit3A = arith.constant 0.000000e+00 : f32
    %broadcast_in_dim3A_20 = vector.shape_cast %slice3A : vector<8x1xf32> to vector<8x1xf32>
    %broadcast_in_dim3A_21 = vector.broadcast %broadcast_in_dim3A_20 : vector<8x1xf32> to vector<8x512xf32>
    %broadcast_in_dim3A_22 = vector.broadcast %jit3A : f32 to vector<8x512xf32>
    %select_n3A = arith.select %eq3A_19, %broadcast_in_dim3A_21, %broadcast_in_dim3A_22 : vector<8x512xi1>, vector<8x512xf32>
    %eq3A_23 = arith.constant 0 : i32
    %eq3A_24 = vector.broadcast %eq3A_23 : i32 to vector<8x512xi32>
    %eq3A_25 = arith.cmpi eq, %iota3A_14, %eq3A_24 : vector<8x512xi32>
    %jit3A_26 = arith.constant 0.000000e+00 : f32
    %broadcast_in_dim3A_27 = vector.shape_cast %slice3A_15 : vector<8x1xf32> to vector<8x1xf32>
    %broadcast_in_dim3A_28 = vector.broadcast %broadcast_in_dim3A_27 : vector<8x1xf32> to vector<8x512xf32>
    %broadcast_in_dim3A_29 = vector.broadcast %jit3A_26 : f32 to vector<8x512xf32>
    %select_n3A_30 = arith.select %eq3A_25, %broadcast_in_dim3A_28, %broadcast_in_dim3A_29 : vector<8x512xi1>, vector<8x512xf32>
    %eq3A_31 = arith.constant 0 : i32
    %eq3A_32 = vector.broadcast %eq3A_31 : i32 to vector<8x512xi32>
    %eq3A_33 = arith.cmpi eq, %iota3A_14, %eq3A_32 : vector<8x512xi32>
    %jit3A_34 = arith.constant 0.000000e+00 : f32
    %broadcast_in_dim3A_35 = vector.shape_cast %slice3A_16 : vector<8x1xf32> to vector<8x1xf32>
    %broadcast_in_dim3A_36 = vector.broadcast %broadcast_in_dim3A_35 : vector<8x1xf32> to vector<8x512xf32>
    %broadcast_in_dim3A_37 = vector.broadcast %jit3A_34 : f32 to vector<8x512xf32>
    %select_n3A_38 = arith.select %eq3A_33, %broadcast_in_dim3A_36, %broadcast_in_dim3A_37 : vector<8x512xi1>, vector<8x512xf32>
    %broadcast_in_dim3A_39 = arith.constant 1.000000e+10 : f32
    %broadcast_in_dim3A_40 = vector.broadcast %broadcast_in_dim3A_39 : f32 to vector<8x4096xf32>
    %scan3A = arith.constant 1 : i32
    %scan3A_41 = arith.constant 508 : i32
    %scan3A_42 = arith.addi %scan3A, %scan3A_41 : i32
    %scan3A_43 = arith.constant 4 : i32
    %scan3A_44:8 = scf.for %scan3A_236 = %scan3A to %scan3A_42 step %scan3A_43 iter_args(%scan3A_237 = %broadcast_in_dim3A_40, %scan3A_238 = %broadcast_in_dim3A_17, %scan3A_239 = %select_n3A, %scan3A_240 = %select_n3A_30, %scan3A_241 = %select_n3A_38, %scan3A_242 = %slice3A, %scan3A_243 = %slice3A_15, %scan3A_244 = %slice3A_16) -> (vector<8x4096xf32>, vector<8x512xi32>, vector<8x512xf32>, vector<8x512xf32>, vector<8x512xf32>, vector<8x1xf32>, vector<8x1xf32>, vector<8x1xf32>)  : i32 {
      %sub3A_245 = vector.broadcast %scan3A_242 : vector<8x1xf32> to vector<8x4096xf32>
      %sub3A_246 = arith.subf %get3A_3, %sub3A_245 : vector<8x4096xf32>
      %sub3A_247 = vector.broadcast %scan3A_243 : vector<8x1xf32> to vector<8x4096xf32>
      %sub3A_248 = arith.subf %get3A_8, %sub3A_247 : vector<8x4096xf32>
      %sub3A_249 = vector.broadcast %scan3A_244 : vector<8x1xf32> to vector<8x4096xf32>
      %sub3A_250 = arith.subf %get3A_13, %sub3A_249 : vector<8x4096xf32>
      %mul3A_251 = arith.mulf %sub3A_246, %sub3A_246 : vector<8x4096xf32>
      %mul3A_252 = arith.mulf %sub3A_248, %sub3A_248 : vector<8x4096xf32>
      %add3A_253 = arith.addf %mul3A_251, %mul3A_252 : vector<8x4096xf32>
      %mul3A_254 = arith.mulf %sub3A_250, %sub3A_250 : vector<8x4096xf32>
      %add3A_255 = arith.addf %add3A_253, %mul3A_254 : vector<8x4096xf32>
      %min3A_256 = arith.minimumf %scan3A_237, %add3A_255 : vector<8x4096xf32>
      %reduce_max3A_257 = arith.constant dense<0xFF800000> : vector<8xf32>
      %reduce_max3A_258 = vector.multi_reduction <maximumf>, %min3A_256, %reduce_max3A_257 [1] : vector<8x4096xf32> to vector<8xf32>
      %broadcast_in_dim3A_259 = vector.shape_cast %reduce_max3A_258 : vector<8xf32> to vector<8x1xf32>
      %eq3A_260 = vector.broadcast %broadcast_in_dim3A_259 : vector<8x1xf32> to vector<8x4096xf32>
      %eq3A_261 = arith.cmpf oeq, %min3A_256, %eq3A_260 : vector<8x4096xf32>
      %jit3A_262 = arith.constant 4096 : i32
      %broadcast_in_dim3A_263 = vector.broadcast %jit3A_262 : i32 to vector<8x4096xi32>
      %select_n3A_264 = arith.select %eq3A_261, %iota3A, %broadcast_in_dim3A_263 : vector<8x4096xi1>, vector<8x4096xi32>
      %reduce_min3A_265 = arith.constant dense<2147483647> : vector<8xi32>
      %reduce_min3A_266 = vector.multi_reduction <minsi>, %select_n3A_264, %reduce_min3A_265 [1] : vector<8x4096xi32> to vector<8xi32>
      %broadcast_in_dim3A_267 = vector.shape_cast %reduce_min3A_266 : vector<8xi32> to vector<8x1xi32>
      %eq3A_268 = vector.broadcast %broadcast_in_dim3A_267 : vector<8x1xi32> to vector<8x4096xi32>
      %eq3A_269 = arith.cmpi eq, %iota3A, %eq3A_268 : vector<8x4096xi32>
      %jit3A_270 = arith.constant 0.000000e+00 : f32
      %broadcast_in_dim3A_271 = vector.broadcast %jit3A_270 : f32 to vector<8x4096xf32>
      %select_n3A_272 = arith.select %eq3A_269, %get3A_3, %broadcast_in_dim3A_271 : vector<8x4096xi1>, vector<8x4096xf32>
      %reduce_sum3A_273 = arith.constant dense<0.000000e+00> : vector<8xf32>
      %reduce_sum3A_274 = vector.multi_reduction <add>, %select_n3A_272, %reduce_sum3A_273 [1] : vector<8x4096xf32> to vector<8xf32>
      %broadcast_in_dim3A_275 = vector.shape_cast %reduce_sum3A_274 : vector<8xf32> to vector<8x1xf32>
      %jit3A_276 = arith.constant 0.000000e+00 : f32
      %broadcast_in_dim3A_277 = vector.broadcast %jit3A_276 : f32 to vector<8x4096xf32>
      %select_n3A_278 = arith.select %eq3A_269, %get3A_8, %broadcast_in_dim3A_277 : vector<8x4096xi1>, vector<8x4096xf32>
      %reduce_sum3A_279 = arith.constant dense<0.000000e+00> : vector<8xf32>
      %reduce_sum3A_280 = vector.multi_reduction <add>, %select_n3A_278, %reduce_sum3A_279 [1] : vector<8x4096xf32> to vector<8xf32>
      %broadcast_in_dim3A_281 = vector.shape_cast %reduce_sum3A_280 : vector<8xf32> to vector<8x1xf32>
      %jit3A_282 = arith.constant 0.000000e+00 : f32
      %broadcast_in_dim3A_283 = vector.broadcast %jit3A_282 : f32 to vector<8x4096xf32>
      %select_n3A_284 = arith.select %eq3A_269, %get3A_13, %broadcast_in_dim3A_283 : vector<8x4096xi1>, vector<8x4096xf32>
      %reduce_sum3A_285 = arith.constant dense<0.000000e+00> : vector<8xf32>
      %reduce_sum3A_286 = vector.multi_reduction <add>, %select_n3A_284, %reduce_sum3A_285 [1] : vector<8x4096xf32> to vector<8xf32>
      %broadcast_in_dim3A_287 = vector.shape_cast %reduce_sum3A_286 : vector<8xf32> to vector<8x1xf32>
      %eq3A_288 = vector.broadcast %scan3A_236 : i32 to vector<8x512xi32>
      %eq3A_289 = arith.cmpi eq, %iota3A_14, %eq3A_288 : vector<8x512xi32>
      %broadcast_in_dim3A_290 = vector.shape_cast %broadcast_in_dim3A_267 : vector<8x1xi32> to vector<8x1xi32>
      %broadcast_in_dim3A_291 = vector.broadcast %broadcast_in_dim3A_290 : vector<8x1xi32> to vector<8x512xi32>
      %select_n3A_292 = arith.select %eq3A_289, %broadcast_in_dim3A_291, %scan3A_238 : vector<8x512xi1>, vector<8x512xi32>
      %broadcast_in_dim3A_293 = vector.shape_cast %broadcast_in_dim3A_275 : vector<8x1xf32> to vector<8x1xf32>
      %broadcast_in_dim3A_294 = vector.broadcast %broadcast_in_dim3A_293 : vector<8x1xf32> to vector<8x512xf32>
      %select_n3A_295 = arith.select %eq3A_289, %broadcast_in_dim3A_294, %scan3A_239 : vector<8x512xi1>, vector<8x512xf32>
      %broadcast_in_dim3A_296 = vector.shape_cast %broadcast_in_dim3A_281 : vector<8x1xf32> to vector<8x1xf32>
      %broadcast_in_dim3A_297 = vector.broadcast %broadcast_in_dim3A_296 : vector<8x1xf32> to vector<8x512xf32>
      %select_n3A_298 = arith.select %eq3A_289, %broadcast_in_dim3A_297, %scan3A_240 : vector<8x512xi1>, vector<8x512xf32>
      %broadcast_in_dim3A_299 = vector.shape_cast %broadcast_in_dim3A_287 : vector<8x1xf32> to vector<8x1xf32>
      %broadcast_in_dim3A_300 = vector.broadcast %broadcast_in_dim3A_299 : vector<8x1xf32> to vector<8x512xf32>
      %select_n3A_301 = arith.select %eq3A_289, %broadcast_in_dim3A_300, %scan3A_241 : vector<8x512xi1>, vector<8x512xf32>
      %scan3A_302 = arith.constant 1 : i32
      %scan3A_303 = arith.addi %scan3A_236, %scan3A_302 : i32
      %sub3A_304 = vector.broadcast %broadcast_in_dim3A_275 : vector<8x1xf32> to vector<8x4096xf32>
      %sub3A_305 = arith.subf %get3A_3, %sub3A_304 : vector<8x4096xf32>
      %sub3A_306 = vector.broadcast %broadcast_in_dim3A_281 : vector<8x1xf32> to vector<8x4096xf32>
      %sub3A_307 = arith.subf %get3A_8, %sub3A_306 : vector<8x4096xf32>
      %sub3A_308 = vector.broadcast %broadcast_in_dim3A_287 : vector<8x1xf32> to vector<8x4096xf32>
      %sub3A_309 = arith.subf %get3A_13, %sub3A_308 : vector<8x4096xf32>
      %mul3A_310 = arith.mulf %sub3A_305, %sub3A_305 : vector<8x4096xf32>
      %mul3A_311 = arith.mulf %sub3A_307, %sub3A_307 : vector<8x4096xf32>
      %add3A_312 = arith.addf %mul3A_310, %mul3A_311 : vector<8x4096xf32>
      %mul3A_313 = arith.mulf %sub3A_309, %sub3A_309 : vector<8x4096xf32>
      %add3A_314 = arith.addf %add3A_312, %mul3A_313 : vector<8x4096xf32>
      %min3A_315 = arith.minimumf %min3A_256, %add3A_314 : vector<8x4096xf32>
      %reduce_max3A_316 = arith.constant dense<0xFF800000> : vector<8xf32>
      %reduce_max3A_317 = vector.multi_reduction <maximumf>, %min3A_315, %reduce_max3A_316 [1] : vector<8x4096xf32> to vector<8xf32>
      %broadcast_in_dim3A_318 = vector.shape_cast %reduce_max3A_317 : vector<8xf32> to vector<8x1xf32>
      %eq3A_319 = vector.broadcast %broadcast_in_dim3A_318 : vector<8x1xf32> to vector<8x4096xf32>
      %eq3A_320 = arith.cmpf oeq, %min3A_315, %eq3A_319 : vector<8x4096xf32>
      %jit3A_321 = arith.constant 4096 : i32
      %broadcast_in_dim3A_322 = vector.broadcast %jit3A_321 : i32 to vector<8x4096xi32>
      %select_n3A_323 = arith.select %eq3A_320, %iota3A, %broadcast_in_dim3A_322 : vector<8x4096xi1>, vector<8x4096xi32>
      %reduce_min3A_324 = arith.constant dense<2147483647> : vector<8xi32>
      %reduce_min3A_325 = vector.multi_reduction <minsi>, %select_n3A_323, %reduce_min3A_324 [1] : vector<8x4096xi32> to vector<8xi32>
      %broadcast_in_dim3A_326 = vector.shape_cast %reduce_min3A_325 : vector<8xi32> to vector<8x1xi32>
      %eq3A_327 = vector.broadcast %broadcast_in_dim3A_326 : vector<8x1xi32> to vector<8x4096xi32>
      %eq3A_328 = arith.cmpi eq, %iota3A, %eq3A_327 : vector<8x4096xi32>
      %jit3A_329 = arith.constant 0.000000e+00 : f32
      %broadcast_in_dim3A_330 = vector.broadcast %jit3A_329 : f32 to vector<8x4096xf32>
      %select_n3A_331 = arith.select %eq3A_328, %get3A_3, %broadcast_in_dim3A_330 : vector<8x4096xi1>, vector<8x4096xf32>
      %reduce_sum3A_332 = arith.constant dense<0.000000e+00> : vector<8xf32>
      %reduce_sum3A_333 = vector.multi_reduction <add>, %select_n3A_331, %reduce_sum3A_332 [1] : vector<8x4096xf32> to vector<8xf32>
      %broadcast_in_dim3A_334 = vector.shape_cast %reduce_sum3A_333 : vector<8xf32> to vector<8x1xf32>
      %jit3A_335 = arith.constant 0.000000e+00 : f32
      %broadcast_in_dim3A_336 = vector.broadcast %jit3A_335 : f32 to vector<8x4096xf32>
      %select_n3A_337 = arith.select %eq3A_328, %get3A_8, %broadcast_in_dim3A_336 : vector<8x4096xi1>, vector<8x4096xf32>
      %reduce_sum3A_338 = arith.constant dense<0.000000e+00> : vector<8xf32>
      %reduce_sum3A_339 = vector.multi_reduction <add>, %select_n3A_337, %reduce_sum3A_338 [1] : vector<8x4096xf32> to vector<8xf32>
      %broadcast_in_dim3A_340 = vector.shape_cast %reduce_sum3A_339 : vector<8xf32> to vector<8x1xf32>
      %jit3A_341 = arith.constant 0.000000e+00 : f32
      %broadcast_in_dim3A_342 = vector.broadcast %jit3A_341 : f32 to vector<8x4096xf32>
      %select_n3A_343 = arith.select %eq3A_328, %get3A_13, %broadcast_in_dim3A_342 : vector<8x4096xi1>, vector<8x4096xf32>
      %reduce_sum3A_344 = arith.constant dense<0.000000e+00> : vector<8xf32>
      %reduce_sum3A_345 = vector.multi_reduction <add>, %select_n3A_343, %reduce_sum3A_344 [1] : vector<8x4096xf32> to vector<8xf32>
      %broadcast_in_dim3A_346 = vector.shape_cast %reduce_sum3A_345 : vector<8xf32> to vector<8x1xf32>
      %eq3A_347 = vector.broadcast %scan3A_303 : i32 to vector<8x512xi32>
      %eq3A_348 = arith.cmpi eq, %iota3A_14, %eq3A_347 : vector<8x512xi32>
      %broadcast_in_dim3A_349 = vector.shape_cast %broadcast_in_dim3A_326 : vector<8x1xi32> to vector<8x1xi32>
      %broadcast_in_dim3A_350 = vector.broadcast %broadcast_in_dim3A_349 : vector<8x1xi32> to vector<8x512xi32>
      %select_n3A_351 = arith.select %eq3A_348, %broadcast_in_dim3A_350, %select_n3A_292 : vector<8x512xi1>, vector<8x512xi32>
      %broadcast_in_dim3A_352 = vector.shape_cast %broadcast_in_dim3A_334 : vector<8x1xf32> to vector<8x1xf32>
      %broadcast_in_dim3A_353 = vector.broadcast %broadcast_in_dim3A_352 : vector<8x1xf32> to vector<8x512xf32>
      %select_n3A_354 = arith.select %eq3A_348, %broadcast_in_dim3A_353, %select_n3A_295 : vector<8x512xi1>, vector<8x512xf32>
      %broadcast_in_dim3A_355 = vector.shape_cast %broadcast_in_dim3A_340 : vector<8x1xf32> to vector<8x1xf32>
      %broadcast_in_dim3A_356 = vector.broadcast %broadcast_in_dim3A_355 : vector<8x1xf32> to vector<8x512xf32>
      %select_n3A_357 = arith.select %eq3A_348, %broadcast_in_dim3A_356, %select_n3A_298 : vector<8x512xi1>, vector<8x512xf32>
      %broadcast_in_dim3A_358 = vector.shape_cast %broadcast_in_dim3A_346 : vector<8x1xf32> to vector<8x1xf32>
      %broadcast_in_dim3A_359 = vector.broadcast %broadcast_in_dim3A_358 : vector<8x1xf32> to vector<8x512xf32>
      %select_n3A_360 = arith.select %eq3A_348, %broadcast_in_dim3A_359, %select_n3A_301 : vector<8x512xi1>, vector<8x512xf32>
      %scan3A_361 = arith.constant 2 : i32
      %scan3A_362 = arith.addi %scan3A_236, %scan3A_361 : i32
      %sub3A_363 = vector.broadcast %broadcast_in_dim3A_334 : vector<8x1xf32> to vector<8x4096xf32>
      %sub3A_364 = arith.subf %get3A_3, %sub3A_363 : vector<8x4096xf32>
      %sub3A_365 = vector.broadcast %broadcast_in_dim3A_340 : vector<8x1xf32> to vector<8x4096xf32>
      %sub3A_366 = arith.subf %get3A_8, %sub3A_365 : vector<8x4096xf32>
      %sub3A_367 = vector.broadcast %broadcast_in_dim3A_346 : vector<8x1xf32> to vector<8x4096xf32>
      %sub3A_368 = arith.subf %get3A_13, %sub3A_367 : vector<8x4096xf32>
      %mul3A_369 = arith.mulf %sub3A_364, %sub3A_364 : vector<8x4096xf32>
      %mul3A_370 = arith.mulf %sub3A_366, %sub3A_366 : vector<8x4096xf32>
      %add3A_371 = arith.addf %mul3A_369, %mul3A_370 : vector<8x4096xf32>
      %mul3A_372 = arith.mulf %sub3A_368, %sub3A_368 : vector<8x4096xf32>
      %add3A_373 = arith.addf %add3A_371, %mul3A_372 : vector<8x4096xf32>
      %min3A_374 = arith.minimumf %min3A_315, %add3A_373 : vector<8x4096xf32>
      %reduce_max3A_375 = arith.constant dense<0xFF800000> : vector<8xf32>
      %reduce_max3A_376 = vector.multi_reduction <maximumf>, %min3A_374, %reduce_max3A_375 [1] : vector<8x4096xf32> to vector<8xf32>
      %broadcast_in_dim3A_377 = vector.shape_cast %reduce_max3A_376 : vector<8xf32> to vector<8x1xf32>
      %eq3A_378 = vector.broadcast %broadcast_in_dim3A_377 : vector<8x1xf32> to vector<8x4096xf32>
      %eq3A_379 = arith.cmpf oeq, %min3A_374, %eq3A_378 : vector<8x4096xf32>
      %jit3A_380 = arith.constant 4096 : i32
      %broadcast_in_dim3A_381 = vector.broadcast %jit3A_380 : i32 to vector<8x4096xi32>
      %select_n3A_382 = arith.select %eq3A_379, %iota3A, %broadcast_in_dim3A_381 : vector<8x4096xi1>, vector<8x4096xi32>
      %reduce_min3A_383 = arith.constant dense<2147483647> : vector<8xi32>
      %reduce_min3A_384 = vector.multi_reduction <minsi>, %select_n3A_382, %reduce_min3A_383 [1] : vector<8x4096xi32> to vector<8xi32>
      %broadcast_in_dim3A_385 = vector.shape_cast %reduce_min3A_384 : vector<8xi32> to vector<8x1xi32>
      %eq3A_386 = vector.broadcast %broadcast_in_dim3A_385 : vector<8x1xi32> to vector<8x4096xi32>
      %eq3A_387 = arith.cmpi eq, %iota3A, %eq3A_386 : vector<8x4096xi32>
      %jit3A_388 = arith.constant 0.000000e+00 : f32
      %broadcast_in_dim3A_389 = vector.broadcast %jit3A_388 : f32 to vector<8x4096xf32>
      %select_n3A_390 = arith.select %eq3A_387, %get3A_3, %broadcast_in_dim3A_389 : vector<8x4096xi1>, vector<8x4096xf32>
      %reduce_sum3A_391 = arith.constant dense<0.000000e+00> : vector<8xf32>
      %reduce_sum3A_392 = vector.multi_reduction <add>, %select_n3A_390, %reduce_sum3A_391 [1] : vector<8x4096xf32> to vector<8xf32>
      %broadcast_in_dim3A_393 = vector.shape_cast %reduce_sum3A_392 : vector<8xf32> to vector<8x1xf32>
      %jit3A_394 = arith.constant 0.000000e+00 : f32
      %broadcast_in_dim3A_395 = vector.broadcast %jit3A_394 : f32 to vector<8x4096xf32>
      %select_n3A_396 = arith.select %eq3A_387, %get3A_8, %broadcast_in_dim3A_395 : vector<8x4096xi1>, vector<8x4096xf32>
      %reduce_sum3A_397 = arith.constant dense<0.000000e+00> : vector<8xf32>
      %reduce_sum3A_398 = vector.multi_reduction <add>, %select_n3A_396, %reduce_sum3A_397 [1] : vector<8x4096xf32> to vector<8xf32>
      %broadcast_in_dim3A_399 = vector.shape_cast %reduce_sum3A_398 : vector<8xf32> to vector<8x1xf32>
      %jit3A_400 = arith.constant 0.000000e+00 : f32
      %broadcast_in_dim3A_401 = vector.broadcast %jit3A_400 : f32 to vector<8x4096xf32>
      %select_n3A_402 = arith.select %eq3A_387, %get3A_13, %broadcast_in_dim3A_401 : vector<8x4096xi1>, vector<8x4096xf32>
      %reduce_sum3A_403 = arith.constant dense<0.000000e+00> : vector<8xf32>
      %reduce_sum3A_404 = vector.multi_reduction <add>, %select_n3A_402, %reduce_sum3A_403 [1] : vector<8x4096xf32> to vector<8xf32>
      %broadcast_in_dim3A_405 = vector.shape_cast %reduce_sum3A_404 : vector<8xf32> to vector<8x1xf32>
      %eq3A_406 = vector.broadcast %scan3A_362 : i32 to vector<8x512xi32>
      %eq3A_407 = arith.cmpi eq, %iota3A_14, %eq3A_406 : vector<8x512xi32>
      %broadcast_in_dim3A_408 = vector.shape_cast %broadcast_in_dim3A_385 : vector<8x1xi32> to vector<8x1xi32>
      %broadcast_in_dim3A_409 = vector.broadcast %broadcast_in_dim3A_408 : vector<8x1xi32> to vector<8x512xi32>
      %select_n3A_410 = arith.select %eq3A_407, %broadcast_in_dim3A_409, %select_n3A_351 : vector<8x512xi1>, vector<8x512xi32>
      %broadcast_in_dim3A_411 = vector.shape_cast %broadcast_in_dim3A_393 : vector<8x1xf32> to vector<8x1xf32>
      %broadcast_in_dim3A_412 = vector.broadcast %broadcast_in_dim3A_411 : vector<8x1xf32> to vector<8x512xf32>
      %select_n3A_413 = arith.select %eq3A_407, %broadcast_in_dim3A_412, %select_n3A_354 : vector<8x512xi1>, vector<8x512xf32>
      %broadcast_in_dim3A_414 = vector.shape_cast %broadcast_in_dim3A_399 : vector<8x1xf32> to vector<8x1xf32>
      %broadcast_in_dim3A_415 = vector.broadcast %broadcast_in_dim3A_414 : vector<8x1xf32> to vector<8x512xf32>
      %select_n3A_416 = arith.select %eq3A_407, %broadcast_in_dim3A_415, %select_n3A_357 : vector<8x512xi1>, vector<8x512xf32>
      %broadcast_in_dim3A_417 = vector.shape_cast %broadcast_in_dim3A_405 : vector<8x1xf32> to vector<8x1xf32>
      %broadcast_in_dim3A_418 = vector.broadcast %broadcast_in_dim3A_417 : vector<8x1xf32> to vector<8x512xf32>
      %select_n3A_419 = arith.select %eq3A_407, %broadcast_in_dim3A_418, %select_n3A_360 : vector<8x512xi1>, vector<8x512xf32>
      %scan3A_420 = arith.constant 3 : i32
      %scan3A_421 = arith.addi %scan3A_236, %scan3A_420 : i32
      %sub3A_422 = vector.broadcast %broadcast_in_dim3A_393 : vector<8x1xf32> to vector<8x4096xf32>
      %sub3A_423 = arith.subf %get3A_3, %sub3A_422 : vector<8x4096xf32>
      %sub3A_424 = vector.broadcast %broadcast_in_dim3A_399 : vector<8x1xf32> to vector<8x4096xf32>
      %sub3A_425 = arith.subf %get3A_8, %sub3A_424 : vector<8x4096xf32>
      %sub3A_426 = vector.broadcast %broadcast_in_dim3A_405 : vector<8x1xf32> to vector<8x4096xf32>
      %sub3A_427 = arith.subf %get3A_13, %sub3A_426 : vector<8x4096xf32>
      %mul3A_428 = arith.mulf %sub3A_423, %sub3A_423 : vector<8x4096xf32>
      %mul3A_429 = arith.mulf %sub3A_425, %sub3A_425 : vector<8x4096xf32>
      %add3A_430 = arith.addf %mul3A_428, %mul3A_429 : vector<8x4096xf32>
      %mul3A_431 = arith.mulf %sub3A_427, %sub3A_427 : vector<8x4096xf32>
      %add3A_432 = arith.addf %add3A_430, %mul3A_431 : vector<8x4096xf32>
      %min3A_433 = arith.minimumf %min3A_374, %add3A_432 : vector<8x4096xf32>
      %reduce_max3A_434 = arith.constant dense<0xFF800000> : vector<8xf32>
      %reduce_max3A_435 = vector.multi_reduction <maximumf>, %min3A_433, %reduce_max3A_434 [1] : vector<8x4096xf32> to vector<8xf32>
      %broadcast_in_dim3A_436 = vector.shape_cast %reduce_max3A_435 : vector<8xf32> to vector<8x1xf32>
      %eq3A_437 = vector.broadcast %broadcast_in_dim3A_436 : vector<8x1xf32> to vector<8x4096xf32>
      %eq3A_438 = arith.cmpf oeq, %min3A_433, %eq3A_437 : vector<8x4096xf32>
      %jit3A_439 = arith.constant 4096 : i32
      %broadcast_in_dim3A_440 = vector.broadcast %jit3A_439 : i32 to vector<8x4096xi32>
      %select_n3A_441 = arith.select %eq3A_438, %iota3A, %broadcast_in_dim3A_440 : vector<8x4096xi1>, vector<8x4096xi32>
      %reduce_min3A_442 = arith.constant dense<2147483647> : vector<8xi32>
      %reduce_min3A_443 = vector.multi_reduction <minsi>, %select_n3A_441, %reduce_min3A_442 [1] : vector<8x4096xi32> to vector<8xi32>
      %broadcast_in_dim3A_444 = vector.shape_cast %reduce_min3A_443 : vector<8xi32> to vector<8x1xi32>
      %eq3A_445 = vector.broadcast %broadcast_in_dim3A_444 : vector<8x1xi32> to vector<8x4096xi32>
      %eq3A_446 = arith.cmpi eq, %iota3A, %eq3A_445 : vector<8x4096xi32>
      %jit3A_447 = arith.constant 0.000000e+00 : f32
      %broadcast_in_dim3A_448 = vector.broadcast %jit3A_447 : f32 to vector<8x4096xf32>
      %select_n3A_449 = arith.select %eq3A_446, %get3A_3, %broadcast_in_dim3A_448 : vector<8x4096xi1>, vector<8x4096xf32>
      %reduce_sum3A_450 = arith.constant dense<0.000000e+00> : vector<8xf32>
      %reduce_sum3A_451 = vector.multi_reduction <add>, %select_n3A_449, %reduce_sum3A_450 [1] : vector<8x4096xf32> to vector<8xf32>
      %broadcast_in_dim3A_452 = vector.shape_cast %reduce_sum3A_451 : vector<8xf32> to vector<8x1xf32>
      %jit3A_453 = arith.constant 0.000000e+00 : f32
      %broadcast_in_dim3A_454 = vector.broadcast %jit3A_453 : f32 to vector<8x4096xf32>
      %select_n3A_455 = arith.select %eq3A_446, %get3A_8, %broadcast_in_dim3A_454 : vector<8x4096xi1>, vector<8x4096xf32>
      %reduce_sum3A_456 = arith.constant dense<0.000000e+00> : vector<8xf32>
      %reduce_sum3A_457 = vector.multi_reduction <add>, %select_n3A_455, %reduce_sum3A_456 [1] : vector<8x4096xf32> to vector<8xf32>
      %broadcast_in_dim3A_458 = vector.shape_cast %reduce_sum3A_457 : vector<8xf32> to vector<8x1xf32>
      %jit3A_459 = arith.constant 0.000000e+00 : f32
      %broadcast_in_dim3A_460 = vector.broadcast %jit3A_459 : f32 to vector<8x4096xf32>
      %select_n3A_461 = arith.select %eq3A_446, %get3A_13, %broadcast_in_dim3A_460 : vector<8x4096xi1>, vector<8x4096xf32>
      %reduce_sum3A_462 = arith.constant dense<0.000000e+00> : vector<8xf32>
      %reduce_sum3A_463 = vector.multi_reduction <add>, %select_n3A_461, %reduce_sum3A_462 [1] : vector<8x4096xf32> to vector<8xf32>
      %broadcast_in_dim3A_464 = vector.shape_cast %reduce_sum3A_463 : vector<8xf32> to vector<8x1xf32>
      %eq3A_465 = vector.broadcast %scan3A_421 : i32 to vector<8x512xi32>
      %eq3A_466 = arith.cmpi eq, %iota3A_14, %eq3A_465 : vector<8x512xi32>
      %broadcast_in_dim3A_467 = vector.shape_cast %broadcast_in_dim3A_444 : vector<8x1xi32> to vector<8x1xi32>
      %broadcast_in_dim3A_468 = vector.broadcast %broadcast_in_dim3A_467 : vector<8x1xi32> to vector<8x512xi32>
      %select_n3A_469 = arith.select %eq3A_466, %broadcast_in_dim3A_468, %select_n3A_410 : vector<8x512xi1>, vector<8x512xi32>
      %broadcast_in_dim3A_470 = vector.shape_cast %broadcast_in_dim3A_452 : vector<8x1xf32> to vector<8x1xf32>
      %broadcast_in_dim3A_471 = vector.broadcast %broadcast_in_dim3A_470 : vector<8x1xf32> to vector<8x512xf32>
      %select_n3A_472 = arith.select %eq3A_466, %broadcast_in_dim3A_471, %select_n3A_413 : vector<8x512xi1>, vector<8x512xf32>
      %broadcast_in_dim3A_473 = vector.shape_cast %broadcast_in_dim3A_458 : vector<8x1xf32> to vector<8x1xf32>
      %broadcast_in_dim3A_474 = vector.broadcast %broadcast_in_dim3A_473 : vector<8x1xf32> to vector<8x512xf32>
      %select_n3A_475 = arith.select %eq3A_466, %broadcast_in_dim3A_474, %select_n3A_416 : vector<8x512xi1>, vector<8x512xf32>
      %broadcast_in_dim3A_476 = vector.shape_cast %broadcast_in_dim3A_464 : vector<8x1xf32> to vector<8x1xf32>
      %broadcast_in_dim3A_477 = vector.broadcast %broadcast_in_dim3A_476 : vector<8x1xf32> to vector<8x512xf32>
      %select_n3A_478 = arith.select %eq3A_466, %broadcast_in_dim3A_477, %select_n3A_419 : vector<8x512xi1>, vector<8x512xf32>
      scf.yield %min3A_433, %select_n3A_469, %select_n3A_472, %select_n3A_475, %select_n3A_478, %broadcast_in_dim3A_452, %broadcast_in_dim3A_458, %broadcast_in_dim3A_464 : vector<8x4096xf32>, vector<8x512xi32>, vector<8x512xf32>, vector<8x512xf32>, vector<8x512xf32>, vector<8x1xf32>, vector<8x1xf32>, vector<8x1xf32>
    }
    %scan3A_45 = arith.constant 508 : i32
    %scan3A_46 = arith.addi %scan3A, %scan3A_45 : i32
    %sub3A = vector.broadcast %scan3A_44#5 : vector<8x1xf32> to vector<8x4096xf32>
    %sub3A_47 = arith.subf %get3A_3, %sub3A : vector<8x4096xf32>
    %sub3A_48 = vector.broadcast %scan3A_44#6 : vector<8x1xf32> to vector<8x4096xf32>
    %sub3A_49 = arith.subf %get3A_8, %sub3A_48 : vector<8x4096xf32>
    %sub3A_50 = vector.broadcast %scan3A_44#7 : vector<8x1xf32> to vector<8x4096xf32>
    %sub3A_51 = arith.subf %get3A_13, %sub3A_50 : vector<8x4096xf32>
    %mul3A = arith.mulf %sub3A_47, %sub3A_47 : vector<8x4096xf32>
    %mul3A_52 = arith.mulf %sub3A_49, %sub3A_49 : vector<8x4096xf32>
    %add3A = arith.addf %mul3A, %mul3A_52 : vector<8x4096xf32>
    %mul3A_53 = arith.mulf %sub3A_51, %sub3A_51 : vector<8x4096xf32>
    %add3A_54 = arith.addf %add3A, %mul3A_53 : vector<8x4096xf32>
    %min3A = arith.minimumf %scan3A_44#0, %add3A_54 : vector<8x4096xf32>
    %reduce_max3A = arith.constant dense<0xFF800000> : vector<8xf32>
    %reduce_max3A_55 = vector.multi_reduction <maximumf>, %min3A, %reduce_max3A [1] : vector<8x4096xf32> to vector<8xf32>
    %broadcast_in_dim3A_56 = vector.shape_cast %reduce_max3A_55 : vector<8xf32> to vector<8x1xf32>
    %eq3A_57 = vector.broadcast %broadcast_in_dim3A_56 : vector<8x1xf32> to vector<8x4096xf32>
    %eq3A_58 = arith.cmpf oeq, %min3A, %eq3A_57 : vector<8x4096xf32>
    %jit3A_59 = arith.constant 4096 : i32
    %broadcast_in_dim3A_60 = vector.broadcast %jit3A_59 : i32 to vector<8x4096xi32>
    %select_n3A_61 = arith.select %eq3A_58, %iota3A, %broadcast_in_dim3A_60 : vector<8x4096xi1>, vector<8x4096xi32>
    %reduce_min3A = arith.constant dense<2147483647> : vector<8xi32>
    %reduce_min3A_62 = vector.multi_reduction <minsi>, %select_n3A_61, %reduce_min3A [1] : vector<8x4096xi32> to vector<8xi32>
    %broadcast_in_dim3A_63 = vector.shape_cast %reduce_min3A_62 : vector<8xi32> to vector<8x1xi32>
    %eq3A_64 = vector.broadcast %broadcast_in_dim3A_63 : vector<8x1xi32> to vector<8x4096xi32>
    %eq3A_65 = arith.cmpi eq, %iota3A, %eq3A_64 : vector<8x4096xi32>
    %jit3A_66 = arith.constant 0.000000e+00 : f32
    %broadcast_in_dim3A_67 = vector.broadcast %jit3A_66 : f32 to vector<8x4096xf32>
    %select_n3A_68 = arith.select %eq3A_65, %get3A_3, %broadcast_in_dim3A_67 : vector<8x4096xi1>, vector<8x4096xf32>
    %reduce_sum3A = arith.constant dense<0.000000e+00> : vector<8xf32>
    %reduce_sum3A_69 = vector.multi_reduction <add>, %select_n3A_68, %reduce_sum3A [1] : vector<8x4096xf32> to vector<8xf32>
    %broadcast_in_dim3A_70 = vector.shape_cast %reduce_sum3A_69 : vector<8xf32> to vector<8x1xf32>
    %jit3A_71 = arith.constant 0.000000e+00 : f32
    %broadcast_in_dim3A_72 = vector.broadcast %jit3A_71 : f32 to vector<8x4096xf32>
    %select_n3A_73 = arith.select %eq3A_65, %get3A_8, %broadcast_in_dim3A_72 : vector<8x4096xi1>, vector<8x4096xf32>
    %reduce_sum3A_74 = arith.constant dense<0.000000e+00> : vector<8xf32>
    %reduce_sum3A_75 = vector.multi_reduction <add>, %select_n3A_73, %reduce_sum3A_74 [1] : vector<8x4096xf32> to vector<8xf32>
    %broadcast_in_dim3A_76 = vector.shape_cast %reduce_sum3A_75 : vector<8xf32> to vector<8x1xf32>
    %jit3A_77 = arith.constant 0.000000e+00 : f32
    %broadcast_in_dim3A_78 = vector.broadcast %jit3A_77 : f32 to vector<8x4096xf32>
    %select_n3A_79 = arith.select %eq3A_65, %get3A_13, %broadcast_in_dim3A_78 : vector<8x4096xi1>, vector<8x4096xf32>
    %reduce_sum3A_80 = arith.constant dense<0.000000e+00> : vector<8xf32>
    %reduce_sum3A_81 = vector.multi_reduction <add>, %select_n3A_79, %reduce_sum3A_80 [1] : vector<8x4096xf32> to vector<8xf32>
    %broadcast_in_dim3A_82 = vector.shape_cast %reduce_sum3A_81 : vector<8xf32> to vector<8x1xf32>
    %eq3A_83 = vector.broadcast %scan3A_46 : i32 to vector<8x512xi32>
    %eq3A_84 = arith.cmpi eq, %iota3A_14, %eq3A_83 : vector<8x512xi32>
    %broadcast_in_dim3A_85 = vector.shape_cast %broadcast_in_dim3A_63 : vector<8x1xi32> to vector<8x1xi32>
    %broadcast_in_dim3A_86 = vector.broadcast %broadcast_in_dim3A_85 : vector<8x1xi32> to vector<8x512xi32>
    %select_n3A_87 = arith.select %eq3A_84, %broadcast_in_dim3A_86, %scan3A_44#1 : vector<8x512xi1>, vector<8x512xi32>
    %broadcast_in_dim3A_88 = vector.shape_cast %broadcast_in_dim3A_70 : vector<8x1xf32> to vector<8x1xf32>
    %broadcast_in_dim3A_89 = vector.broadcast %broadcast_in_dim3A_88 : vector<8x1xf32> to vector<8x512xf32>
    %select_n3A_90 = arith.select %eq3A_84, %broadcast_in_dim3A_89, %scan3A_44#2 : vector<8x512xi1>, vector<8x512xf32>
    %broadcast_in_dim3A_91 = vector.shape_cast %broadcast_in_dim3A_76 : vector<8x1xf32> to vector<8x1xf32>
    %broadcast_in_dim3A_92 = vector.broadcast %broadcast_in_dim3A_91 : vector<8x1xf32> to vector<8x512xf32>
    %select_n3A_93 = arith.select %eq3A_84, %broadcast_in_dim3A_92, %scan3A_44#3 : vector<8x512xi1>, vector<8x512xf32>
    %broadcast_in_dim3A_94 = vector.shape_cast %broadcast_in_dim3A_82 : vector<8x1xf32> to vector<8x1xf32>
    %broadcast_in_dim3A_95 = vector.broadcast %broadcast_in_dim3A_94 : vector<8x1xf32> to vector<8x512xf32>
    %select_n3A_96 = arith.select %eq3A_84, %broadcast_in_dim3A_95, %scan3A_44#4 : vector<8x512xi1>, vector<8x512xf32>
    %scan3A_97 = arith.constant 509 : i32
    %scan3A_98 = arith.addi %scan3A, %scan3A_97 : i32
    %sub3A_99 = vector.broadcast %broadcast_in_dim3A_70 : vector<8x1xf32> to vector<8x4096xf32>
    %sub3A_100 = arith.subf %get3A_3, %sub3A_99 : vector<8x4096xf32>
    %sub3A_101 = vector.broadcast %broadcast_in_dim3A_76 : vector<8x1xf32> to vector<8x4096xf32>
    %sub3A_102 = arith.subf %get3A_8, %sub3A_101 : vector<8x4096xf32>
    %sub3A_103 = vector.broadcast %broadcast_in_dim3A_82 : vector<8x1xf32> to vector<8x4096xf32>
    %sub3A_104 = arith.subf %get3A_13, %sub3A_103 : vector<8x4096xf32>
    %mul3A_105 = arith.mulf %sub3A_100, %sub3A_100 : vector<8x4096xf32>
    %mul3A_106 = arith.mulf %sub3A_102, %sub3A_102 : vector<8x4096xf32>
    %add3A_107 = arith.addf %mul3A_105, %mul3A_106 : vector<8x4096xf32>
    %mul3A_108 = arith.mulf %sub3A_104, %sub3A_104 : vector<8x4096xf32>
    %add3A_109 = arith.addf %add3A_107, %mul3A_108 : vector<8x4096xf32>
    %min3A_110 = arith.minimumf %min3A, %add3A_109 : vector<8x4096xf32>
    %reduce_max3A_111 = arith.constant dense<0xFF800000> : vector<8xf32>
    %reduce_max3A_112 = vector.multi_reduction <maximumf>, %min3A_110, %reduce_max3A_111 [1] : vector<8x4096xf32> to vector<8xf32>
    %broadcast_in_dim3A_113 = vector.shape_cast %reduce_max3A_112 : vector<8xf32> to vector<8x1xf32>
    %eq3A_114 = vector.broadcast %broadcast_in_dim3A_113 : vector<8x1xf32> to vector<8x4096xf32>
    %eq3A_115 = arith.cmpf oeq, %min3A_110, %eq3A_114 : vector<8x4096xf32>
    %jit3A_116 = arith.constant 4096 : i32
    %broadcast_in_dim3A_117 = vector.broadcast %jit3A_116 : i32 to vector<8x4096xi32>
    %select_n3A_118 = arith.select %eq3A_115, %iota3A, %broadcast_in_dim3A_117 : vector<8x4096xi1>, vector<8x4096xi32>
    %reduce_min3A_119 = arith.constant dense<2147483647> : vector<8xi32>
    %reduce_min3A_120 = vector.multi_reduction <minsi>, %select_n3A_118, %reduce_min3A_119 [1] : vector<8x4096xi32> to vector<8xi32>
    %broadcast_in_dim3A_121 = vector.shape_cast %reduce_min3A_120 : vector<8xi32> to vector<8x1xi32>
    %eq3A_122 = vector.broadcast %broadcast_in_dim3A_121 : vector<8x1xi32> to vector<8x4096xi32>
    %eq3A_123 = arith.cmpi eq, %iota3A, %eq3A_122 : vector<8x4096xi32>
    %jit3A_124 = arith.constant 0.000000e+00 : f32
    %broadcast_in_dim3A_125 = vector.broadcast %jit3A_124 : f32 to vector<8x4096xf32>
    %select_n3A_126 = arith.select %eq3A_123, %get3A_3, %broadcast_in_dim3A_125 : vector<8x4096xi1>, vector<8x4096xf32>
    %reduce_sum3A_127 = arith.constant dense<0.000000e+00> : vector<8xf32>
    %reduce_sum3A_128 = vector.multi_reduction <add>, %select_n3A_126, %reduce_sum3A_127 [1] : vector<8x4096xf32> to vector<8xf32>
    %broadcast_in_dim3A_129 = vector.shape_cast %reduce_sum3A_128 : vector<8xf32> to vector<8x1xf32>
    %jit3A_130 = arith.constant 0.000000e+00 : f32
    %broadcast_in_dim3A_131 = vector.broadcast %jit3A_130 : f32 to vector<8x4096xf32>
    %select_n3A_132 = arith.select %eq3A_123, %get3A_8, %broadcast_in_dim3A_131 : vector<8x4096xi1>, vector<8x4096xf32>
    %reduce_sum3A_133 = arith.constant dense<0.000000e+00> : vector<8xf32>
    %reduce_sum3A_134 = vector.multi_reduction <add>, %select_n3A_132, %reduce_sum3A_133 [1] : vector<8x4096xf32> to vector<8xf32>
    %broadcast_in_dim3A_135 = vector.shape_cast %reduce_sum3A_134 : vector<8xf32> to vector<8x1xf32>
    %jit3A_136 = arith.constant 0.000000e+00 : f32
    %broadcast_in_dim3A_137 = vector.broadcast %jit3A_136 : f32 to vector<8x4096xf32>
    %select_n3A_138 = arith.select %eq3A_123, %get3A_13, %broadcast_in_dim3A_137 : vector<8x4096xi1>, vector<8x4096xf32>
    %reduce_sum3A_139 = arith.constant dense<0.000000e+00> : vector<8xf32>
    %reduce_sum3A_140 = vector.multi_reduction <add>, %select_n3A_138, %reduce_sum3A_139 [1] : vector<8x4096xf32> to vector<8xf32>
    %broadcast_in_dim3A_141 = vector.shape_cast %reduce_sum3A_140 : vector<8xf32> to vector<8x1xf32>
    %eq3A_142 = vector.broadcast %scan3A_98 : i32 to vector<8x512xi32>
    %eq3A_143 = arith.cmpi eq, %iota3A_14, %eq3A_142 : vector<8x512xi32>
    %broadcast_in_dim3A_144 = vector.shape_cast %broadcast_in_dim3A_121 : vector<8x1xi32> to vector<8x1xi32>
    %broadcast_in_dim3A_145 = vector.broadcast %broadcast_in_dim3A_144 : vector<8x1xi32> to vector<8x512xi32>
    %select_n3A_146 = arith.select %eq3A_143, %broadcast_in_dim3A_145, %select_n3A_87 : vector<8x512xi1>, vector<8x512xi32>
    %broadcast_in_dim3A_147 = vector.shape_cast %broadcast_in_dim3A_129 : vector<8x1xf32> to vector<8x1xf32>
    %broadcast_in_dim3A_148 = vector.broadcast %broadcast_in_dim3A_147 : vector<8x1xf32> to vector<8x512xf32>
    %select_n3A_149 = arith.select %eq3A_143, %broadcast_in_dim3A_148, %select_n3A_90 : vector<8x512xi1>, vector<8x512xf32>
    %broadcast_in_dim3A_150 = vector.shape_cast %broadcast_in_dim3A_135 : vector<8x1xf32> to vector<8x1xf32>
    %broadcast_in_dim3A_151 = vector.broadcast %broadcast_in_dim3A_150 : vector<8x1xf32> to vector<8x512xf32>
    %select_n3A_152 = arith.select %eq3A_143, %broadcast_in_dim3A_151, %select_n3A_93 : vector<8x512xi1>, vector<8x512xf32>
    %broadcast_in_dim3A_153 = vector.shape_cast %broadcast_in_dim3A_141 : vector<8x1xf32> to vector<8x1xf32>
    %broadcast_in_dim3A_154 = vector.broadcast %broadcast_in_dim3A_153 : vector<8x1xf32> to vector<8x512xf32>
    %select_n3A_155 = arith.select %eq3A_143, %broadcast_in_dim3A_154, %select_n3A_96 : vector<8x512xi1>, vector<8x512xf32>
    %scan3A_156 = arith.constant 510 : i32
    %scan3A_157 = arith.addi %scan3A, %scan3A_156 : i32
    %sub3A_158 = vector.broadcast %broadcast_in_dim3A_129 : vector<8x1xf32> to vector<8x4096xf32>
    %sub3A_159 = arith.subf %get3A_3, %sub3A_158 : vector<8x4096xf32>
    %sub3A_160 = vector.broadcast %broadcast_in_dim3A_135 : vector<8x1xf32> to vector<8x4096xf32>
    %sub3A_161 = arith.subf %get3A_8, %sub3A_160 : vector<8x4096xf32>
    %sub3A_162 = vector.broadcast %broadcast_in_dim3A_141 : vector<8x1xf32> to vector<8x4096xf32>
    %sub3A_163 = arith.subf %get3A_13, %sub3A_162 : vector<8x4096xf32>
    %mul3A_164 = arith.mulf %sub3A_159, %sub3A_159 : vector<8x4096xf32>
    %mul3A_165 = arith.mulf %sub3A_161, %sub3A_161 : vector<8x4096xf32>
    %add3A_166 = arith.addf %mul3A_164, %mul3A_165 : vector<8x4096xf32>
    %mul3A_167 = arith.mulf %sub3A_163, %sub3A_163 : vector<8x4096xf32>
    %add3A_168 = arith.addf %add3A_166, %mul3A_167 : vector<8x4096xf32>
    %min3A_169 = arith.minimumf %min3A_110, %add3A_168 : vector<8x4096xf32>
    %reduce_max3A_170 = arith.constant dense<0xFF800000> : vector<8xf32>
    %reduce_max3A_171 = vector.multi_reduction <maximumf>, %min3A_169, %reduce_max3A_170 [1] : vector<8x4096xf32> to vector<8xf32>
    %broadcast_in_dim3A_172 = vector.shape_cast %reduce_max3A_171 : vector<8xf32> to vector<8x1xf32>
    %eq3A_173 = vector.broadcast %broadcast_in_dim3A_172 : vector<8x1xf32> to vector<8x4096xf32>
    %eq3A_174 = arith.cmpf oeq, %min3A_169, %eq3A_173 : vector<8x4096xf32>
    %jit3A_175 = arith.constant 4096 : i32
    %broadcast_in_dim3A_176 = vector.broadcast %jit3A_175 : i32 to vector<8x4096xi32>
    %select_n3A_177 = arith.select %eq3A_174, %iota3A, %broadcast_in_dim3A_176 : vector<8x4096xi1>, vector<8x4096xi32>
    %reduce_min3A_178 = arith.constant dense<2147483647> : vector<8xi32>
    %reduce_min3A_179 = vector.multi_reduction <minsi>, %select_n3A_177, %reduce_min3A_178 [1] : vector<8x4096xi32> to vector<8xi32>
    %broadcast_in_dim3A_180 = vector.shape_cast %reduce_min3A_179 : vector<8xi32> to vector<8x1xi32>
    %eq3A_181 = vector.broadcast %broadcast_in_dim3A_180 : vector<8x1xi32> to vector<8x4096xi32>
    %eq3A_182 = arith.cmpi eq, %iota3A, %eq3A_181 : vector<8x4096xi32>
    %jit3A_183 = arith.constant 0.000000e+00 : f32
    %broadcast_in_dim3A_184 = vector.broadcast %jit3A_183 : f32 to vector<8x4096xf32>
    %select_n3A_185 = arith.select %eq3A_182, %get3A_3, %broadcast_in_dim3A_184 : vector<8x4096xi1>, vector<8x4096xf32>
    %reduce_sum3A_186 = arith.constant dense<0.000000e+00> : vector<8xf32>
    %reduce_sum3A_187 = vector.multi_reduction <add>, %select_n3A_185, %reduce_sum3A_186 [1] : vector<8x4096xf32> to vector<8xf32>
    %broadcast_in_dim3A_188 = vector.shape_cast %reduce_sum3A_187 : vector<8xf32> to vector<8x1xf32>
    %jit3A_189 = arith.constant 0.000000e+00 : f32
    %broadcast_in_dim3A_190 = vector.broadcast %jit3A_189 : f32 to vector<8x4096xf32>
    %select_n3A_191 = arith.select %eq3A_182, %get3A_8, %broadcast_in_dim3A_190 : vector<8x4096xi1>, vector<8x4096xf32>
    %reduce_sum3A_192 = arith.constant dense<0.000000e+00> : vector<8xf32>
    %reduce_sum3A_193 = vector.multi_reduction <add>, %select_n3A_191, %reduce_sum3A_192 [1] : vector<8x4096xf32> to vector<8xf32>
    %broadcast_in_dim3A_194 = vector.shape_cast %reduce_sum3A_193 : vector<8xf32> to vector<8x1xf32>
    %jit3A_195 = arith.constant 0.000000e+00 : f32
    %broadcast_in_dim3A_196 = vector.broadcast %jit3A_195 : f32 to vector<8x4096xf32>
    %select_n3A_197 = arith.select %eq3A_182, %get3A_13, %broadcast_in_dim3A_196 : vector<8x4096xi1>, vector<8x4096xf32>
    %reduce_sum3A_198 = arith.constant dense<0.000000e+00> : vector<8xf32>
    %reduce_sum3A_199 = vector.multi_reduction <add>, %select_n3A_197, %reduce_sum3A_198 [1] : vector<8x4096xf32> to vector<8xf32>
    %broadcast_in_dim3A_200 = vector.shape_cast %reduce_sum3A_199 : vector<8xf32> to vector<8x1xf32>
    %eq3A_201 = vector.broadcast %scan3A_157 : i32 to vector<8x512xi32>
    %eq3A_202 = arith.cmpi eq, %iota3A_14, %eq3A_201 : vector<8x512xi32>
    %broadcast_in_dim3A_203 = vector.shape_cast %broadcast_in_dim3A_180 : vector<8x1xi32> to vector<8x1xi32>
    %broadcast_in_dim3A_204 = vector.broadcast %broadcast_in_dim3A_203 : vector<8x1xi32> to vector<8x512xi32>
    %select_n3A_205 = arith.select %eq3A_202, %broadcast_in_dim3A_204, %select_n3A_146 : vector<8x512xi1>, vector<8x512xi32>
    %broadcast_in_dim3A_206 = vector.shape_cast %broadcast_in_dim3A_188 : vector<8x1xf32> to vector<8x1xf32>
    %broadcast_in_dim3A_207 = vector.broadcast %broadcast_in_dim3A_206 : vector<8x1xf32> to vector<8x512xf32>
    %select_n3A_208 = arith.select %eq3A_202, %broadcast_in_dim3A_207, %select_n3A_149 : vector<8x512xi1>, vector<8x512xf32>
    %broadcast_in_dim3A_209 = vector.shape_cast %broadcast_in_dim3A_194 : vector<8x1xf32> to vector<8x1xf32>
    %broadcast_in_dim3A_210 = vector.broadcast %broadcast_in_dim3A_209 : vector<8x1xf32> to vector<8x512xf32>
    %select_n3A_211 = arith.select %eq3A_202, %broadcast_in_dim3A_210, %select_n3A_152 : vector<8x512xi1>, vector<8x512xf32>
    %broadcast_in_dim3A_212 = vector.shape_cast %broadcast_in_dim3A_200 : vector<8x1xf32> to vector<8x1xf32>
    %broadcast_in_dim3A_213 = vector.broadcast %broadcast_in_dim3A_212 : vector<8x1xf32> to vector<8x512xf32>
    %select_n3A_214 = arith.select %eq3A_202, %broadcast_in_dim3A_213, %select_n3A_155 : vector<8x512xi1>, vector<8x512xf32>
    %scan3A_215 = arith.constant 511 : i32
    %swap3A = arith.constant 0 : index
    %swap3A_216 = arith.constant 0 : index
    %swap3A_217 = vector.load %arg1[%swap3A, %swap3A_216] : memref<8x512xi32, #tpu.memory_space<vmem>>, vector<8x512xi32>
    tpu.vector_store %arg1[%swap3A, %swap3A_216], %select_n3A_205 {strides = array<i32>} : memref<8x512xi32, #tpu.memory_space<vmem>>, vector<8x512xi32>,
    %swap3A_218 = arith.constant 0 : index
    %swap3A_219 = arith.constant 0 : index
    %swap3A_220 = arith.constant 0 : index
    %swap3A_221 = vector.load %arg2[%swap3A_218, %swap3A_219, %swap3A_220] : memref<3x8x512xf32, #tpu.memory_space<vmem>>, vector<1x8x512xf32>
    %swap3A_222 = vector.shape_cast %swap3A_221 : vector<1x8x512xf32> to vector<8x512xf32>
    %swap3A_223 = vector.shape_cast %select_n3A_208 : vector<8x512xf32> to vector<1x8x512xf32>
    tpu.vector_store %arg2[%swap3A_218, %swap3A_219, %swap3A_220], %swap3A_223 {strides = array<i32>} : memref<3x8x512xf32, #tpu.memory_space<vmem>>, vector<1x8x512xf32>,
    %swap3A_224 = arith.constant 1 : index
    %swap3A_225 = arith.constant 0 : index
    %swap3A_226 = arith.constant 0 : index
    %swap3A_227 = vector.load %arg2[%swap3A_224, %swap3A_225, %swap3A_226] : memref<3x8x512xf32, #tpu.memory_space<vmem>>, vector<1x8x512xf32>
    %swap3A_228 = vector.shape_cast %swap3A_227 : vector<1x8x512xf32> to vector<8x512xf32>
    %swap3A_229 = vector.shape_cast %select_n3A_211 : vector<8x512xf32> to vector<1x8x512xf32>
    tpu.vector_store %arg2[%swap3A_224, %swap3A_225, %swap3A_226], %swap3A_229 {strides = array<i32>} : memref<3x8x512xf32, #tpu.memory_space<vmem>>, vector<1x8x512xf32>,
    %swap3A_230 = arith.constant 2 : index
    %swap3A_231 = arith.constant 0 : index
    %swap3A_232 = arith.constant 0 : index
    %swap3A_233 = vector.load %arg2[%swap3A_230, %swap3A_231, %swap3A_232] : memref<3x8x512xf32, #tpu.memory_space<vmem>>, vector<1x8x512xf32>
    %swap3A_234 = vector.shape_cast %swap3A_233 : vector<1x8x512xf32> to vector<8x512xf32>
    %swap3A_235 = vector.shape_cast %select_n3A_214 : vector<8x512xf32> to vector<1x8x512xf32>
    tpu.vector_store %arg2[%swap3A_230, %swap3A_231, %swap3A_232], %swap3A_235 {strides = array<i32>} : memref<3x8x512xf32, #tpu.memory_space<vmem>>, vector<1x8x512xf32>,
    return
  }
}

module attributes {stable_mosaic.version = 14 : i64} {
  func.func @_knn_body(%arg0: i32, %arg1: i32, %arg2: memref<1x4096x3xf32, #tpu.memory_space<vmem>>, %arg3: memref<1x3x256xf32, #tpu.memory_space<vmem>>, %arg4: memref<1x32x256xi32, #tpu.memory_space<vmem>>, %arg5: memref<1x32x256xi32, #tpu.memory_space<vmem>>) attributes {dimension_semantics = [#tpu.dimension_semantics<arbitrary>, #tpu.dimension_semantics<arbitrary>], iteration_bounds = array<i64: 8, 2>, scalar_prefetch = 0 : i64, scratch_operands = 0 : i64, tpu.core_type = #tpu.core_type<tc>, window_params = [{transform_indices = @transform_0, window_bounds = array<i64: 1, 4096, 3>}, {transform_indices = @transform_1, window_bounds = array<i64: 1, 3, 256>}, {transform_indices = @transform_2, window_bounds = array<i64: 1, 32, 256>}, {transform_indices = @transform_3, window_bounds = array<i64: 1, 32, 256>}]} {
    %get3A = arith.constant 0 : index
    %get3A_0 = arith.constant 0 : index
    %get3A_1 = arith.constant 0 : index
    %get3A_2 = vector.load %arg2[%get3A, %get3A_0, %get3A_1] : memref<1x4096x3xf32, #tpu.memory_space<vmem>>, vector<1x4096x1xf32>
    %get3A_3 = vector.shape_cast %get3A_2 : vector<1x4096x1xf32> to vector<4096x1xf32>
    %get3A_4 = arith.constant 0 : index
    %get3A_5 = arith.constant 0 : index
    %get3A_6 = arith.constant 1 : index
    %get3A_7 = vector.load %arg2[%get3A_4, %get3A_5, %get3A_6] : memref<1x4096x3xf32, #tpu.memory_space<vmem>>, vector<1x4096x1xf32>
    %get3A_8 = vector.shape_cast %get3A_7 : vector<1x4096x1xf32> to vector<4096x1xf32>
    %get3A_9 = arith.constant 0 : index
    %get3A_10 = arith.constant 0 : index
    %get3A_11 = arith.constant 2 : index
    %get3A_12 = vector.load %arg2[%get3A_9, %get3A_10, %get3A_11] : memref<1x4096x3xf32, #tpu.memory_space<vmem>>, vector<1x4096x1xf32>
    %get3A_13 = vector.shape_cast %get3A_12 : vector<1x4096x1xf32> to vector<4096x1xf32>
    %get3A_14 = arith.constant 0 : index
    %get3A_15 = arith.constant 0 : index
    %get3A_16 = arith.constant 0 : index
    %get3A_17 = vector.load %arg3[%get3A_14, %get3A_15, %get3A_16] : memref<1x3x256xf32, #tpu.memory_space<vmem>>, vector<1x1x256xf32>
    %get3A_18 = vector.shape_cast %get3A_17 : vector<1x1x256xf32> to vector<1x256xf32>
    %get3A_19 = arith.constant 0 : index
    %get3A_20 = arith.constant 1 : index
    %get3A_21 = arith.constant 0 : index
    %get3A_22 = vector.load %arg3[%get3A_19, %get3A_20, %get3A_21] : memref<1x3x256xf32, #tpu.memory_space<vmem>>, vector<1x1x256xf32>
    %get3A_23 = vector.shape_cast %get3A_22 : vector<1x1x256xf32> to vector<1x256xf32>
    %get3A_24 = arith.constant 0 : index
    %get3A_25 = arith.constant 2 : index
    %get3A_26 = arith.constant 0 : index
    %get3A_27 = vector.load %arg3[%get3A_24, %get3A_25, %get3A_26] : memref<1x3x256xf32, #tpu.memory_space<vmem>>, vector<1x1x256xf32>
    %get3A_28 = vector.shape_cast %get3A_27 : vector<1x1x256xf32> to vector<1x256xf32>
    %sub3A = vector.broadcast %get3A_3 : vector<4096x1xf32> to vector<4096x256xf32>
    %sub3A_29 = vector.broadcast %get3A_18 : vector<1x256xf32> to vector<4096x256xf32>
    %sub3A_30 = arith.subf %sub3A, %sub3A_29 : vector<4096x256xf32>
    %sub3A_31 = vector.broadcast %get3A_8 : vector<4096x1xf32> to vector<4096x256xf32>
    %sub3A_32 = vector.broadcast %get3A_23 : vector<1x256xf32> to vector<4096x256xf32>
    %sub3A_33 = arith.subf %sub3A_31, %sub3A_32 : vector<4096x256xf32>
    %sub3A_34 = vector.broadcast %get3A_13 : vector<4096x1xf32> to vector<4096x256xf32>
    %sub3A_35 = vector.broadcast %get3A_28 : vector<1x256xf32> to vector<4096x256xf32>
    %sub3A_36 = arith.subf %sub3A_34, %sub3A_35 : vector<4096x256xf32>
    %mul3A = arith.mulf %sub3A_30, %sub3A_30 : vector<4096x256xf32>
    %mul3A_37 = arith.mulf %sub3A_33, %sub3A_33 : vector<4096x256xf32>
    %add3A = arith.addf %mul3A, %mul3A_37 : vector<4096x256xf32>
    %mul3A_38 = arith.mulf %sub3A_36, %sub3A_36 : vector<4096x256xf32>
    %add3A_39 = arith.addf %add3A, %mul3A_38 : vector<4096x256xf32>
    %iota3A = tpu.iota {dimensions = array<i32: 0>} : vector<4096x256xi32>
    %iota3A_40 = tpu.iota {dimensions = array<i32: 0>} : vector<32x256xi32>
    %broadcast_in_dim3A = arith.constant 0 : i32
    %broadcast_in_dim3A_41 = vector.broadcast %broadcast_in_dim3A : i32 to vector<32x256xi32>
    %scan3A = arith.constant 0x7F800000 : f32
    %scan3A_42 = arith.constant 0 : i32
    %scan3A_43 = arith.constant 32 : i32
    %scan3A_44 = arith.addi %scan3A_42, %scan3A_43 : i32
    %scan3A_45 = arith.constant 8 : i32
    %scan3A_46:2 = scf.for %scan3A_63 = %scan3A_42 to %scan3A_44 step %scan3A_45 iter_args(%scan3A_64 = %add3A_39, %scan3A_65 = %broadcast_in_dim3A_41) -> (vector<4096x256xf32>, vector<32x256xi32>)  : i32 {
      %reduce_min3A = arith.constant dense<0x7F800000> : vector<256xf32>
      %reduce_min3A_66 = vector.multi_reduction <minimumf>, %scan3A_64, %reduce_min3A [0] : vector<4096x256xf32> to vector<256xf32>
      %broadcast_in_dim3A_67 = vector.shape_cast %reduce_min3A_66 : vector<256xf32> to vector<1x256xf32>
      %eq3A = vector.broadcast %broadcast_in_dim3A_67 : vector<1x256xf32> to vector<4096x256xf32>
      %eq3A_68 = arith.cmpf oeq, %scan3A_64, %eq3A : vector<4096x256xf32>
      %jit3A = arith.constant 4096 : i32
      %broadcast_in_dim3A_69 = vector.broadcast %jit3A : i32 to vector<4096x256xi32>
      %select_n3A = arith.select %eq3A_68, %iota3A, %broadcast_in_dim3A_69 : vector<4096x256xi1>, vector<4096x256xi32>
      %reduce_min3A_70 = arith.constant dense<2147483647> : vector<256xi32>
      %reduce_min3A_71 = vector.multi_reduction <minsi>, %select_n3A, %reduce_min3A_70 [0] : vector<4096x256xi32> to vector<256xi32>
      %broadcast_in_dim3A_72 = vector.shape_cast %reduce_min3A_71 : vector<256xi32> to vector<1x256xi32>
      %eq3A_73 = vector.broadcast %scan3A_63 : i32 to vector<32x256xi32>
      %eq3A_74 = arith.cmpi eq, %iota3A_40, %eq3A_73 : vector<32x256xi32>
      %broadcast_in_dim3A_75 = vector.shape_cast %broadcast_in_dim3A_72 : vector<1x256xi32> to vector<1x256xi32>
      %broadcast_in_dim3A_76 = vector.broadcast %broadcast_in_dim3A_75 : vector<1x256xi32> to vector<32x256xi32>
      %select_n3A_77 = arith.select %eq3A_74, %broadcast_in_dim3A_76, %scan3A_65 : vector<32x256xi1>, vector<32x256xi32>
      %eq3A_78 = vector.broadcast %broadcast_in_dim3A_72 : vector<1x256xi32> to vector<4096x256xi32>
      %eq3A_79 = arith.cmpi eq, %iota3A, %eq3A_78 : vector<4096x256xi32>
      %broadcast_in_dim3A_80 = vector.broadcast %scan3A : f32 to vector<4096x256xf32>
      %select_n3A_81 = arith.select %eq3A_79, %broadcast_in_dim3A_80, %scan3A_64 : vector<4096x256xi1>, vector<4096x256xf32>
      %scan3A_82 = arith.constant 1 : i32
      %scan3A_83 = arith.addi %scan3A_63, %scan3A_82 : i32
      %reduce_min3A_84 = arith.constant dense<0x7F800000> : vector<256xf32>
      %reduce_min3A_85 = vector.multi_reduction <minimumf>, %select_n3A_81, %reduce_min3A_84 [0] : vector<4096x256xf32> to vector<256xf32>
      %broadcast_in_dim3A_86 = vector.shape_cast %reduce_min3A_85 : vector<256xf32> to vector<1x256xf32>
      %eq3A_87 = vector.broadcast %broadcast_in_dim3A_86 : vector<1x256xf32> to vector<4096x256xf32>
      %eq3A_88 = arith.cmpf oeq, %select_n3A_81, %eq3A_87 : vector<4096x256xf32>
      %jit3A_89 = arith.constant 4096 : i32
      %broadcast_in_dim3A_90 = vector.broadcast %jit3A_89 : i32 to vector<4096x256xi32>
      %select_n3A_91 = arith.select %eq3A_88, %iota3A, %broadcast_in_dim3A_90 : vector<4096x256xi1>, vector<4096x256xi32>
      %reduce_min3A_92 = arith.constant dense<2147483647> : vector<256xi32>
      %reduce_min3A_93 = vector.multi_reduction <minsi>, %select_n3A_91, %reduce_min3A_92 [0] : vector<4096x256xi32> to vector<256xi32>
      %broadcast_in_dim3A_94 = vector.shape_cast %reduce_min3A_93 : vector<256xi32> to vector<1x256xi32>
      %eq3A_95 = vector.broadcast %scan3A_83 : i32 to vector<32x256xi32>
      %eq3A_96 = arith.cmpi eq, %iota3A_40, %eq3A_95 : vector<32x256xi32>
      %broadcast_in_dim3A_97 = vector.shape_cast %broadcast_in_dim3A_94 : vector<1x256xi32> to vector<1x256xi32>
      %broadcast_in_dim3A_98 = vector.broadcast %broadcast_in_dim3A_97 : vector<1x256xi32> to vector<32x256xi32>
      %select_n3A_99 = arith.select %eq3A_96, %broadcast_in_dim3A_98, %select_n3A_77 : vector<32x256xi1>, vector<32x256xi32>
      %eq3A_100 = vector.broadcast %broadcast_in_dim3A_94 : vector<1x256xi32> to vector<4096x256xi32>
      %eq3A_101 = arith.cmpi eq, %iota3A, %eq3A_100 : vector<4096x256xi32>
      %broadcast_in_dim3A_102 = vector.broadcast %scan3A : f32 to vector<4096x256xf32>
      %select_n3A_103 = arith.select %eq3A_101, %broadcast_in_dim3A_102, %select_n3A_81 : vector<4096x256xi1>, vector<4096x256xf32>
      %scan3A_104 = arith.constant 2 : i32
      %scan3A_105 = arith.addi %scan3A_63, %scan3A_104 : i32
      %reduce_min3A_106 = arith.constant dense<0x7F800000> : vector<256xf32>
      %reduce_min3A_107 = vector.multi_reduction <minimumf>, %select_n3A_103, %reduce_min3A_106 [0] : vector<4096x256xf32> to vector<256xf32>
      %broadcast_in_dim3A_108 = vector.shape_cast %reduce_min3A_107 : vector<256xf32> to vector<1x256xf32>
      %eq3A_109 = vector.broadcast %broadcast_in_dim3A_108 : vector<1x256xf32> to vector<4096x256xf32>
      %eq3A_110 = arith.cmpf oeq, %select_n3A_103, %eq3A_109 : vector<4096x256xf32>
      %jit3A_111 = arith.constant 4096 : i32
      %broadcast_in_dim3A_112 = vector.broadcast %jit3A_111 : i32 to vector<4096x256xi32>
      %select_n3A_113 = arith.select %eq3A_110, %iota3A, %broadcast_in_dim3A_112 : vector<4096x256xi1>, vector<4096x256xi32>
      %reduce_min3A_114 = arith.constant dense<2147483647> : vector<256xi32>
      %reduce_min3A_115 = vector.multi_reduction <minsi>, %select_n3A_113, %reduce_min3A_114 [0] : vector<4096x256xi32> to vector<256xi32>
      %broadcast_in_dim3A_116 = vector.shape_cast %reduce_min3A_115 : vector<256xi32> to vector<1x256xi32>
      %eq3A_117 = vector.broadcast %scan3A_105 : i32 to vector<32x256xi32>
      %eq3A_118 = arith.cmpi eq, %iota3A_40, %eq3A_117 : vector<32x256xi32>
      %broadcast_in_dim3A_119 = vector.shape_cast %broadcast_in_dim3A_116 : vector<1x256xi32> to vector<1x256xi32>
      %broadcast_in_dim3A_120 = vector.broadcast %broadcast_in_dim3A_119 : vector<1x256xi32> to vector<32x256xi32>
      %select_n3A_121 = arith.select %eq3A_118, %broadcast_in_dim3A_120, %select_n3A_99 : vector<32x256xi1>, vector<32x256xi32>
      %eq3A_122 = vector.broadcast %broadcast_in_dim3A_116 : vector<1x256xi32> to vector<4096x256xi32>
      %eq3A_123 = arith.cmpi eq, %iota3A, %eq3A_122 : vector<4096x256xi32>
      %broadcast_in_dim3A_124 = vector.broadcast %scan3A : f32 to vector<4096x256xf32>
      %select_n3A_125 = arith.select %eq3A_123, %broadcast_in_dim3A_124, %select_n3A_103 : vector<4096x256xi1>, vector<4096x256xf32>
      %scan3A_126 = arith.constant 3 : i32
      %scan3A_127 = arith.addi %scan3A_63, %scan3A_126 : i32
      %reduce_min3A_128 = arith.constant dense<0x7F800000> : vector<256xf32>
      %reduce_min3A_129 = vector.multi_reduction <minimumf>, %select_n3A_125, %reduce_min3A_128 [0] : vector<4096x256xf32> to vector<256xf32>
      %broadcast_in_dim3A_130 = vector.shape_cast %reduce_min3A_129 : vector<256xf32> to vector<1x256xf32>
      %eq3A_131 = vector.broadcast %broadcast_in_dim3A_130 : vector<1x256xf32> to vector<4096x256xf32>
      %eq3A_132 = arith.cmpf oeq, %select_n3A_125, %eq3A_131 : vector<4096x256xf32>
      %jit3A_133 = arith.constant 4096 : i32
      %broadcast_in_dim3A_134 = vector.broadcast %jit3A_133 : i32 to vector<4096x256xi32>
      %select_n3A_135 = arith.select %eq3A_132, %iota3A, %broadcast_in_dim3A_134 : vector<4096x256xi1>, vector<4096x256xi32>
      %reduce_min3A_136 = arith.constant dense<2147483647> : vector<256xi32>
      %reduce_min3A_137 = vector.multi_reduction <minsi>, %select_n3A_135, %reduce_min3A_136 [0] : vector<4096x256xi32> to vector<256xi32>
      %broadcast_in_dim3A_138 = vector.shape_cast %reduce_min3A_137 : vector<256xi32> to vector<1x256xi32>
      %eq3A_139 = vector.broadcast %scan3A_127 : i32 to vector<32x256xi32>
      %eq3A_140 = arith.cmpi eq, %iota3A_40, %eq3A_139 : vector<32x256xi32>
      %broadcast_in_dim3A_141 = vector.shape_cast %broadcast_in_dim3A_138 : vector<1x256xi32> to vector<1x256xi32>
      %broadcast_in_dim3A_142 = vector.broadcast %broadcast_in_dim3A_141 : vector<1x256xi32> to vector<32x256xi32>
      %select_n3A_143 = arith.select %eq3A_140, %broadcast_in_dim3A_142, %select_n3A_121 : vector<32x256xi1>, vector<32x256xi32>
      %eq3A_144 = vector.broadcast %broadcast_in_dim3A_138 : vector<1x256xi32> to vector<4096x256xi32>
      %eq3A_145 = arith.cmpi eq, %iota3A, %eq3A_144 : vector<4096x256xi32>
      %broadcast_in_dim3A_146 = vector.broadcast %scan3A : f32 to vector<4096x256xf32>
      %select_n3A_147 = arith.select %eq3A_145, %broadcast_in_dim3A_146, %select_n3A_125 : vector<4096x256xi1>, vector<4096x256xf32>
      %scan3A_148 = arith.constant 4 : i32
      %scan3A_149 = arith.addi %scan3A_63, %scan3A_148 : i32
      %reduce_min3A_150 = arith.constant dense<0x7F800000> : vector<256xf32>
      %reduce_min3A_151 = vector.multi_reduction <minimumf>, %select_n3A_147, %reduce_min3A_150 [0] : vector<4096x256xf32> to vector<256xf32>
      %broadcast_in_dim3A_152 = vector.shape_cast %reduce_min3A_151 : vector<256xf32> to vector<1x256xf32>
      %eq3A_153 = vector.broadcast %broadcast_in_dim3A_152 : vector<1x256xf32> to vector<4096x256xf32>
      %eq3A_154 = arith.cmpf oeq, %select_n3A_147, %eq3A_153 : vector<4096x256xf32>
      %jit3A_155 = arith.constant 4096 : i32
      %broadcast_in_dim3A_156 = vector.broadcast %jit3A_155 : i32 to vector<4096x256xi32>
      %select_n3A_157 = arith.select %eq3A_154, %iota3A, %broadcast_in_dim3A_156 : vector<4096x256xi1>, vector<4096x256xi32>
      %reduce_min3A_158 = arith.constant dense<2147483647> : vector<256xi32>
      %reduce_min3A_159 = vector.multi_reduction <minsi>, %select_n3A_157, %reduce_min3A_158 [0] : vector<4096x256xi32> to vector<256xi32>
      %broadcast_in_dim3A_160 = vector.shape_cast %reduce_min3A_159 : vector<256xi32> to vector<1x256xi32>
      %eq3A_161 = vector.broadcast %scan3A_149 : i32 to vector<32x256xi32>
      %eq3A_162 = arith.cmpi eq, %iota3A_40, %eq3A_161 : vector<32x256xi32>
      %broadcast_in_dim3A_163 = vector.shape_cast %broadcast_in_dim3A_160 : vector<1x256xi32> to vector<1x256xi32>
      %broadcast_in_dim3A_164 = vector.broadcast %broadcast_in_dim3A_163 : vector<1x256xi32> to vector<32x256xi32>
      %select_n3A_165 = arith.select %eq3A_162, %broadcast_in_dim3A_164, %select_n3A_143 : vector<32x256xi1>, vector<32x256xi32>
      %eq3A_166 = vector.broadcast %broadcast_in_dim3A_160 : vector<1x256xi32> to vector<4096x256xi32>
      %eq3A_167 = arith.cmpi eq, %iota3A, %eq3A_166 : vector<4096x256xi32>
      %broadcast_in_dim3A_168 = vector.broadcast %scan3A : f32 to vector<4096x256xf32>
      %select_n3A_169 = arith.select %eq3A_167, %broadcast_in_dim3A_168, %select_n3A_147 : vector<4096x256xi1>, vector<4096x256xf32>
      %scan3A_170 = arith.constant 5 : i32
      %scan3A_171 = arith.addi %scan3A_63, %scan3A_170 : i32
      %reduce_min3A_172 = arith.constant dense<0x7F800000> : vector<256xf32>
      %reduce_min3A_173 = vector.multi_reduction <minimumf>, %select_n3A_169, %reduce_min3A_172 [0] : vector<4096x256xf32> to vector<256xf32>
      %broadcast_in_dim3A_174 = vector.shape_cast %reduce_min3A_173 : vector<256xf32> to vector<1x256xf32>
      %eq3A_175 = vector.broadcast %broadcast_in_dim3A_174 : vector<1x256xf32> to vector<4096x256xf32>
      %eq3A_176 = arith.cmpf oeq, %select_n3A_169, %eq3A_175 : vector<4096x256xf32>
      %jit3A_177 = arith.constant 4096 : i32
      %broadcast_in_dim3A_178 = vector.broadcast %jit3A_177 : i32 to vector<4096x256xi32>
      %select_n3A_179 = arith.select %eq3A_176, %iota3A, %broadcast_in_dim3A_178 : vector<4096x256xi1>, vector<4096x256xi32>
      %reduce_min3A_180 = arith.constant dense<2147483647> : vector<256xi32>
      %reduce_min3A_181 = vector.multi_reduction <minsi>, %select_n3A_179, %reduce_min3A_180 [0] : vector<4096x256xi32> to vector<256xi32>
      %broadcast_in_dim3A_182 = vector.shape_cast %reduce_min3A_181 : vector<256xi32> to vector<1x256xi32>
      %eq3A_183 = vector.broadcast %scan3A_171 : i32 to vector<32x256xi32>
      %eq3A_184 = arith.cmpi eq, %iota3A_40, %eq3A_183 : vector<32x256xi32>
      %broadcast_in_dim3A_185 = vector.shape_cast %broadcast_in_dim3A_182 : vector<1x256xi32> to vector<1x256xi32>
      %broadcast_in_dim3A_186 = vector.broadcast %broadcast_in_dim3A_185 : vector<1x256xi32> to vector<32x256xi32>
      %select_n3A_187 = arith.select %eq3A_184, %broadcast_in_dim3A_186, %select_n3A_165 : vector<32x256xi1>, vector<32x256xi32>
      %eq3A_188 = vector.broadcast %broadcast_in_dim3A_182 : vector<1x256xi32> to vector<4096x256xi32>
      %eq3A_189 = arith.cmpi eq, %iota3A, %eq3A_188 : vector<4096x256xi32>
      %broadcast_in_dim3A_190 = vector.broadcast %scan3A : f32 to vector<4096x256xf32>
      %select_n3A_191 = arith.select %eq3A_189, %broadcast_in_dim3A_190, %select_n3A_169 : vector<4096x256xi1>, vector<4096x256xf32>
      %scan3A_192 = arith.constant 6 : i32
      %scan3A_193 = arith.addi %scan3A_63, %scan3A_192 : i32
      %reduce_min3A_194 = arith.constant dense<0x7F800000> : vector<256xf32>
      %reduce_min3A_195 = vector.multi_reduction <minimumf>, %select_n3A_191, %reduce_min3A_194 [0] : vector<4096x256xf32> to vector<256xf32>
      %broadcast_in_dim3A_196 = vector.shape_cast %reduce_min3A_195 : vector<256xf32> to vector<1x256xf32>
      %eq3A_197 = vector.broadcast %broadcast_in_dim3A_196 : vector<1x256xf32> to vector<4096x256xf32>
      %eq3A_198 = arith.cmpf oeq, %select_n3A_191, %eq3A_197 : vector<4096x256xf32>
      %jit3A_199 = arith.constant 4096 : i32
      %broadcast_in_dim3A_200 = vector.broadcast %jit3A_199 : i32 to vector<4096x256xi32>
      %select_n3A_201 = arith.select %eq3A_198, %iota3A, %broadcast_in_dim3A_200 : vector<4096x256xi1>, vector<4096x256xi32>
      %reduce_min3A_202 = arith.constant dense<2147483647> : vector<256xi32>
      %reduce_min3A_203 = vector.multi_reduction <minsi>, %select_n3A_201, %reduce_min3A_202 [0] : vector<4096x256xi32> to vector<256xi32>
      %broadcast_in_dim3A_204 = vector.shape_cast %reduce_min3A_203 : vector<256xi32> to vector<1x256xi32>
      %eq3A_205 = vector.broadcast %scan3A_193 : i32 to vector<32x256xi32>
      %eq3A_206 = arith.cmpi eq, %iota3A_40, %eq3A_205 : vector<32x256xi32>
      %broadcast_in_dim3A_207 = vector.shape_cast %broadcast_in_dim3A_204 : vector<1x256xi32> to vector<1x256xi32>
      %broadcast_in_dim3A_208 = vector.broadcast %broadcast_in_dim3A_207 : vector<1x256xi32> to vector<32x256xi32>
      %select_n3A_209 = arith.select %eq3A_206, %broadcast_in_dim3A_208, %select_n3A_187 : vector<32x256xi1>, vector<32x256xi32>
      %eq3A_210 = vector.broadcast %broadcast_in_dim3A_204 : vector<1x256xi32> to vector<4096x256xi32>
      %eq3A_211 = arith.cmpi eq, %iota3A, %eq3A_210 : vector<4096x256xi32>
      %broadcast_in_dim3A_212 = vector.broadcast %scan3A : f32 to vector<4096x256xf32>
      %select_n3A_213 = arith.select %eq3A_211, %broadcast_in_dim3A_212, %select_n3A_191 : vector<4096x256xi1>, vector<4096x256xf32>
      %scan3A_214 = arith.constant 7 : i32
      %scan3A_215 = arith.addi %scan3A_63, %scan3A_214 : i32
      %reduce_min3A_216 = arith.constant dense<0x7F800000> : vector<256xf32>
      %reduce_min3A_217 = vector.multi_reduction <minimumf>, %select_n3A_213, %reduce_min3A_216 [0] : vector<4096x256xf32> to vector<256xf32>
      %broadcast_in_dim3A_218 = vector.shape_cast %reduce_min3A_217 : vector<256xf32> to vector<1x256xf32>
      %eq3A_219 = vector.broadcast %broadcast_in_dim3A_218 : vector<1x256xf32> to vector<4096x256xf32>
      %eq3A_220 = arith.cmpf oeq, %select_n3A_213, %eq3A_219 : vector<4096x256xf32>
      %jit3A_221 = arith.constant 4096 : i32
      %broadcast_in_dim3A_222 = vector.broadcast %jit3A_221 : i32 to vector<4096x256xi32>
      %select_n3A_223 = arith.select %eq3A_220, %iota3A, %broadcast_in_dim3A_222 : vector<4096x256xi1>, vector<4096x256xi32>
      %reduce_min3A_224 = arith.constant dense<2147483647> : vector<256xi32>
      %reduce_min3A_225 = vector.multi_reduction <minsi>, %select_n3A_223, %reduce_min3A_224 [0] : vector<4096x256xi32> to vector<256xi32>
      %broadcast_in_dim3A_226 = vector.shape_cast %reduce_min3A_225 : vector<256xi32> to vector<1x256xi32>
      %eq3A_227 = vector.broadcast %scan3A_215 : i32 to vector<32x256xi32>
      %eq3A_228 = arith.cmpi eq, %iota3A_40, %eq3A_227 : vector<32x256xi32>
      %broadcast_in_dim3A_229 = vector.shape_cast %broadcast_in_dim3A_226 : vector<1x256xi32> to vector<1x256xi32>
      %broadcast_in_dim3A_230 = vector.broadcast %broadcast_in_dim3A_229 : vector<1x256xi32> to vector<32x256xi32>
      %select_n3A_231 = arith.select %eq3A_228, %broadcast_in_dim3A_230, %select_n3A_209 : vector<32x256xi1>, vector<32x256xi32>
      %eq3A_232 = vector.broadcast %broadcast_in_dim3A_226 : vector<1x256xi32> to vector<4096x256xi32>
      %eq3A_233 = arith.cmpi eq, %iota3A, %eq3A_232 : vector<4096x256xi32>
      %broadcast_in_dim3A_234 = vector.broadcast %scan3A : f32 to vector<4096x256xf32>
      %select_n3A_235 = arith.select %eq3A_233, %broadcast_in_dim3A_234, %select_n3A_213 : vector<4096x256xi1>, vector<4096x256xf32>
      scf.yield %select_n3A_235, %select_n3A_231 : vector<4096x256xf32>, vector<32x256xi32>
    }
    %scan3A_47 = arith.constant 32 : i32
    %swap3A = arith.constant 0 : index
    %swap3A_48 = arith.constant 0 : index
    %swap3A_49 = arith.constant 0 : index
    %swap3A_50 = vector.load %arg4[%swap3A, %swap3A_48, %swap3A_49] : memref<1x32x256xi32, #tpu.memory_space<vmem>>, vector<1x32x256xi32>
    %swap3A_51 = vector.shape_cast %swap3A_50 : vector<1x32x256xi32> to vector<32x256xi32>
    %swap3A_52 = vector.shape_cast %scan3A_46#1 : vector<32x256xi32> to vector<1x32x256xi32>
    tpu.vector_store %arg4[%swap3A, %swap3A_48, %swap3A_49], %swap3A_52 {strides = array<i32>} : memref<1x32x256xi32, #tpu.memory_space<vmem>>, vector<1x32x256xi32>,
    %mul3A_53 = arith.constant 4096 : i32
    %mul3A_54 = arith.muli %arg0, %mul3A_53 : i32
    %add3A_55 = vector.broadcast %mul3A_54 : i32 to vector<32x256xi32>
    %add3A_56 = arith.addi %scan3A_46#1, %add3A_55 : vector<32x256xi32>
    %swap3A_57 = arith.constant 0 : index
    %swap3A_58 = arith.constant 0 : index
    %swap3A_59 = arith.constant 0 : index
    %swap3A_60 = vector.load %arg5[%swap3A_57, %swap3A_58, %swap3A_59] : memref<1x32x256xi32, #tpu.memory_space<vmem>>, vector<1x32x256xi32>
    %swap3A_61 = vector.shape_cast %swap3A_60 : vector<1x32x256xi32> to vector<32x256xi32>
    %swap3A_62 = vector.shape_cast %add3A_56 : vector<32x256xi32> to vector<1x32x256xi32>
    tpu.vector_store %arg5[%swap3A_57, %swap3A_58, %swap3A_59], %swap3A_62 {strides = array<i32>} : memref<1x32x256xi32, #tpu.memory_space<vmem>>, vector<1x32x256xi32>,
    return
  }
  func.func @transform_0(%arg0: i32, %arg1: i32) -> (i32, i32, i32) {
    %c0_i32 = arith.constant 0 : i32
    %c0_i32_0 = arith.constant 0 : i32
    %c0_i32_1 = arith.constant 0 : i32
    return %arg0, %c0_i32, %c0_i32_0 : i32, i32, i32
  }
  func.func @transform_1(%arg0: i32, %arg1: i32) -> (i32, i32, i32) {
    %c0_i32 = arith.constant 0 : i32
    %c0_i32_0 = arith.constant 0 : i32
    return %arg0, %c0_i32, %arg1 : i32, i32, i32
  }
  func.func @transform_2(%arg0: i32, %arg1: i32) -> (i32, i32, i32) {
    %c0_i32 = arith.constant 0 : i32
    %c0_i32_0 = arith.constant 0 : i32
    return %arg0, %c0_i32, %arg1 : i32, i32, i32
  }
  func.func @transform_3(%arg0: i32, %arg1: i32) -> (i32, i32, i32) {
    %c0_i32 = arith.constant 0 : i32
    %c0_i32_0 = arith.constant 0 : i32
    return %arg0, %c0_i32, %arg1 : i32, i32, i32
  }
}

module attributes {stable_mosaic.version = 14 : i64} {
  func.func @_mlp_body(%arg0: i32, %arg1: i32, %arg2: memref<4096x128xf32, #tpu.memory_space<vmem>>, %arg3: memref<1x3x128xf32, #tpu.memory_space<vmem>>, %arg4: memref<128x128xf32, #tpu.memory_space<vmem>>, %arg5: memref<128x128xf32, #tpu.memory_space<vmem>>, %arg6: memref<128x256xf32, #tpu.memory_space<vmem>>, %arg7: memref<1x128xf32, #tpu.memory_space<vmem>>, %arg8: memref<1x128xf32, #tpu.memory_space<vmem>>, %arg9: memref<1x128xf32, #tpu.memory_space<vmem>>, %arg10: memref<1x128xf32, #tpu.memory_space<vmem>>, %arg11: memref<1x128xf32, #tpu.memory_space<vmem>>, %arg12: memref<1x128xf32, #tpu.memory_space<vmem>>, %arg13: memref<1x256xf32, #tpu.memory_space<vmem>>, %arg14: memref<1x256xf32, #tpu.memory_space<vmem>>, %arg15: memref<1x256xf32, #tpu.memory_space<vmem>>, %arg16: memref<1x128x256xf32, #tpu.memory_space<vmem>>) attributes {dimension_semantics = [#tpu.dimension_semantics<arbitrary>, #tpu.dimension_semantics<arbitrary>], iteration_bounds = array<i64: 8, 4>, scalar_prefetch = 0 : i64, scratch_operands = 0 : i64, tpu.core_type = #tpu.core_type<tc>, window_params = [{transform_indices = @transform_0, window_bounds = array<i64: 4096, 128>}, {transform_indices = @transform_1, window_bounds = array<i64: 1, 3, 128>}, {pipeline_mode = #tpu.pipeline_mode<synchronous>, transform_indices = @transform_2, window_bounds = array<i64: 128, 128>}, {pipeline_mode = #tpu.pipeline_mode<synchronous>, transform_indices = @transform_3, window_bounds = array<i64: 128, 128>}, {pipeline_mode = #tpu.pipeline_mode<synchronous>, transform_indices = @transform_4, window_bounds = array<i64: 128, 256>}, {pipeline_mode = #tpu.pipeline_mode<synchronous>, transform_indices = @transform_5, window_bounds = array<i64: 1, 128>}, {pipeline_mode = #tpu.pipeline_mode<synchronous>, transform_indices = @transform_6, window_bounds = array<i64: 1, 128>}, {pipeline_mode = #tpu.pipeline_mode<synchronous>, transform_indices = @transform_7, window_bounds = array<i64: 1, 128>}, {pipeline_mode = #tpu.pipeline_mode<synchronous>, transform_indices = @transform_8, window_bounds = array<i64: 1, 128>}, {pipeline_mode = #tpu.pipeline_mode<synchronous>, transform_indices = @transform_9, window_bounds = array<i64: 1, 128>}, {pipeline_mode = #tpu.pipeline_mode<synchronous>, transform_indices = @transform_10, window_bounds = array<i64: 1, 128>}, {pipeline_mode = #tpu.pipeline_mode<synchronous>, transform_indices = @transform_11, window_bounds = array<i64: 1, 256>}, {pipeline_mode = #tpu.pipeline_mode<synchronous>, transform_indices = @transform_12, window_bounds = array<i64: 1, 256>}, {pipeline_mode = #tpu.pipeline_mode<synchronous>, transform_indices = @transform_13, window_bounds = array<i64: 1, 256>}, {transform_indices = @transform_14, window_bounds = array<i64: 1, 128, 256>}]} {
    %get3A = arith.constant 0 : index
    %get3A_0 = arith.constant 0 : index
    %get3A_1 = vector.load %arg8[%get3A, %get3A_0] : memref<1x128xf32, #tpu.memory_space<vmem>>, vector<1x128xf32>
    %mul3A = arith.constant 0.999500393 : f32
    %mul3A_2 = vector.broadcast %mul3A : f32 to vector<1x128xf32>
    %mul3A_3 = arith.mulf %get3A_1, %mul3A_2 : vector<1x128xf32>
    %get3A_4 = arith.constant 0 : index
    %get3A_5 = arith.constant 0 : index
    %get3A_6 = vector.load %arg11[%get3A_4, %get3A_5] : memref<1x128xf32, #tpu.memory_space<vmem>>, vector<1x128xf32>
    %mul3A_7 = arith.constant 0.999500393 : f32
    %mul3A_8 = vector.broadcast %mul3A_7 : f32 to vector<1x128xf32>
    %mul3A_9 = arith.mulf %get3A_6, %mul3A_8 : vector<1x128xf32>
    %get3A_10 = arith.constant 0 : index
    %get3A_11 = arith.constant 0 : index
    %get3A_12 = vector.load %arg14[%get3A_10, %get3A_11] : memref<1x256xf32, #tpu.memory_space<vmem>>, vector<1x256xf32>
    %mul3A_13 = arith.constant 0.999500393 : f32
    %mul3A_14 = vector.broadcast %mul3A_13 : f32 to vector<1x256xf32>
    %mul3A_15 = arith.mulf %get3A_12, %mul3A_14 : vector<1x256xf32>
    %get3A_16 = arith.constant 0 : index
    %get3A_17 = arith.constant 0 : index
    %get3A_18 = vector.load %arg4[%get3A_16, %get3A_17] : memref<128x128xf32, #tpu.memory_space<vmem>>, vector<128x128xf32>
    %mul3A_19 = vector.broadcast %mul3A_3 : vector<1x128xf32> to vector<128x128xf32>
    %mul3A_20 = arith.mulf %get3A_18, %mul3A_19 : vector<128x128xf32>
    %get3A_21 = arith.constant 0 : index
    %get3A_22 = arith.constant 0 : index
    %get3A_23 = vector.load %arg5[%get3A_21, %get3A_22] : memref<128x128xf32, #tpu.memory_space<vmem>>, vector<128x128xf32>
    %mul3A_24 = vector.broadcast %mul3A_9 : vector<1x128xf32> to vector<128x128xf32>
    %mul3A_25 = arith.mulf %get3A_23, %mul3A_24 : vector<128x128xf32>
    %get3A_26 = arith.constant 0 : index
    %get3A_27 = arith.constant 0 : index
    %get3A_28 = vector.load %arg6[%get3A_26, %get3A_27] : memref<128x256xf32, #tpu.memory_space<vmem>>, vector<128x256xf32>
    %mul3A_29 = vector.broadcast %mul3A_15 : vector<1x256xf32> to vector<128x256xf32>
    %mul3A_30 = arith.mulf %get3A_28, %mul3A_29 : vector<128x256xf32>
    %get3A_31 = arith.constant 0 : index
    %get3A_32 = arith.constant 0 : index
    %get3A_33 = vector.load %arg7[%get3A_31, %get3A_32] : memref<1x128xf32, #tpu.memory_space<vmem>>, vector<1x128xf32>
    %mul3A_34 = arith.mulf %get3A_33, %mul3A_3 : vector<1x128xf32>
    %get3A_35 = arith.constant 0 : index
    %get3A_36 = arith.constant 0 : index
    %get3A_37 = vector.load %arg9[%get3A_35, %get3A_36] : memref<1x128xf32, #tpu.memory_space<vmem>>, vector<1x128xf32>
    %add3A = arith.addf %mul3A_34, %get3A_37 : vector<1x128xf32>
    %get3A_38 = arith.constant 0 : index
    %get3A_39 = arith.constant 0 : index
    %get3A_40 = vector.load %arg10[%get3A_38, %get3A_39] : memref<1x128xf32, #tpu.memory_space<vmem>>, vector<1x128xf32>
    %mul3A_41 = arith.mulf %get3A_40, %mul3A_9 : vector<1x128xf32>
    %get3A_42 = arith.constant 0 : index
    %get3A_43 = arith.constant 0 : index
    %get3A_44 = vector.load %arg12[%get3A_42, %get3A_43] : memref<1x128xf32, #tpu.memory_space<vmem>>, vector<1x128xf32>
    %add3A_45 = arith.addf %mul3A_41, %get3A_44 : vector<1x128xf32>
    %get3A_46 = arith.constant 0 : index
    %get3A_47 = arith.constant 0 : index
    %get3A_48 = vector.load %arg13[%get3A_46, %get3A_47] : memref<1x256xf32, #tpu.memory_space<vmem>>, vector<1x256xf32>
    %mul3A_49 = arith.mulf %get3A_48, %mul3A_15 : vector<1x256xf32>
    %get3A_50 = arith.constant 0 : index
    %get3A_51 = arith.constant 0 : index
    %get3A_52 = vector.load %arg15[%get3A_50, %get3A_51] : memref<1x256xf32, #tpu.memory_space<vmem>>, vector<1x256xf32>
    %add3A_53 = arith.addf %mul3A_49, %get3A_52 : vector<1x256xf32>
    %get3A_54 = arith.constant 0 : index
    %get3A_55 = arith.constant 0 : index
    %get3A_56 = arith.constant 0 : index
    %get3A_57 = vector.load %arg3[%get3A_54, %get3A_55, %get3A_56] : memref<1x3x128xf32, #tpu.memory_space<vmem>>, vector<1x3x128xf32>
    %get3A_58 = vector.shape_cast %get3A_57 : vector<1x3x128xf32> to vector<3x128xf32>
    %slice3A = vector.extract_strided_slice %mul3A_20 {offsets = [0, 0], sizes = [3, 128], strides = [1, 1]} : vector<128x128xf32> to vector<3x128xf32>
    %dot_general3A = arith.constant dense<0.000000e+00> : vector<128x128xf32>
    %dot_general3A_59 = tpu.matmul %get3A_58, %slice3A, %dot_general3A {dimension_numbers = #tpu.dot_dimension_numbers<[0], [0], [1], [1], [0, 1, 1, 1], [], []>, transpose_lhs_hint = false} : vector<3x128xf32>, vector<3x128xf32>, vector<128x128xf32> -> vector<128x128xf32>
    %broadcast_in_dim3A = vector.shape_cast %dot_general3A_59 : vector<128x128xf32> to vector<128x1x128xf32>
    %broadcast_in_dim3A_60 = vector.shape_cast %broadcast_in_dim3A : vector<128x1x128xf32> to vector<128x1x128xf32>
    %broadcast_in_dim3A_61 = vector.broadcast %broadcast_in_dim3A_60 : vector<128x1x128xf32> to vector<128x32x128xf32>
    %reshape3A = vector.shape_cast %broadcast_in_dim3A_61 : vector<128x32x128xf32> to vector<4096x128xf32>
    %get3A_62 = arith.constant 0 : index
    %get3A_63 = arith.constant 0 : index
    %get3A_64 = vector.load %arg2[%get3A_62, %get3A_63] : memref<4096x128xf32, #tpu.memory_space<vmem>>, vector<4096x128xf32>
    %dot_general3A_65 = arith.constant dense<0.000000e+00> : vector<4096x128xf32>
    %dot_general3A_66 = tpu.matmul %get3A_64, %mul3A_20, %dot_general3A_65 {dimension_numbers = #tpu.dot_dimension_numbers<[1], [0], [0], [1], [0, 0, 1, 1], [], []>, transpose_lhs_hint = false} : vector<4096x128xf32>, vector<128x128xf32>, vector<4096x128xf32> -> vector<4096x128xf32>
    %add3A_67 = vector.broadcast %add3A : vector<1x128xf32> to vector<4096x128xf32>
    %add3A_68 = arith.addf %dot_general3A_66, %add3A_67 : vector<4096x128xf32>
    %sub3A = arith.subf %add3A_68, %reshape3A : vector<4096x128xf32>
    %max3A = arith.constant 0.000000e+00 : f32
    %max3A_69 = vector.broadcast %max3A : f32 to vector<4096x128xf32>
    %max3A_70 = arith.maximumf %sub3A, %max3A_69 : vector<4096x128xf32>
    %dot_general3A_71 = arith.constant dense<0.000000e+00> : vector<4096x128xf32>
    %dot_general3A_72 = tpu.matmul %max3A_70, %mul3A_25, %dot_general3A_71 {dimension_numbers = #tpu.dot_dimension_numbers<[1], [0], [0], [1], [0, 0, 1, 1], [], []>, transpose_lhs_hint = false} : vector<4096x128xf32>, vector<128x128xf32>, vector<4096x128xf32> -> vector<4096x128xf32>
    %add3A_73 = vector.broadcast %add3A_45 : vector<1x128xf32> to vector<4096x128xf32>
    %add3A_74 = arith.addf %dot_general3A_72, %add3A_73 : vector<4096x128xf32>
    %max3A_75 = arith.constant 0.000000e+00 : f32
    %max3A_76 = vector.broadcast %max3A_75 : f32 to vector<4096x128xf32>
    %max3A_77 = arith.maximumf %add3A_74, %max3A_76 : vector<4096x128xf32>
    %dot_general3A_78 = arith.constant dense<0.000000e+00> : vector<4096x256xf32>
    %dot_general3A_79 = tpu.matmul %max3A_77, %mul3A_30, %dot_general3A_78 {dimension_numbers = #tpu.dot_dimension_numbers<[1], [0], [0], [1], [0, 0, 1, 1], [], []>, transpose_lhs_hint = false} : vector<4096x128xf32>, vector<128x256xf32>, vector<4096x256xf32> -> vector<4096x256xf32>
    %add3A_80 = vector.broadcast %add3A_53 : vector<1x256xf32> to vector<4096x256xf32>
    %add3A_81 = arith.addf %dot_general3A_79, %add3A_80 : vector<4096x256xf32>
    %max3A_82 = arith.constant 0.000000e+00 : f32
    %max3A_83 = vector.broadcast %max3A_82 : f32 to vector<4096x256xf32>
    %max3A_84 = arith.maximumf %add3A_81, %max3A_83 : vector<4096x256xf32>
    %reshape3A_85 = vector.shape_cast %max3A_84 : vector<4096x256xf32> to vector<128x32x256xf32>
    %reduce_max3A = arith.constant dense<0xFF800000> : vector<128x256xf32>
    %reduce_max3A_86 = vector.multi_reduction <maximumf>, %reshape3A_85, %reduce_max3A [1] : vector<128x32x256xf32> to vector<128x256xf32>
    %swap3A = arith.constant 0 : index
    %swap3A_87 = arith.constant 0 : index
    %swap3A_88 = arith.constant 0 : index
    %swap3A_89 = vector.load %arg16[%swap3A, %swap3A_87, %swap3A_88] : memref<1x128x256xf32, #tpu.memory_space<vmem>>, vector<1x128x256xf32>
    %swap3A_90 = vector.shape_cast %swap3A_89 : vector<1x128x256xf32> to vector<128x256xf32>
    %swap3A_91 = vector.shape_cast %reduce_max3A_86 : vector<128x256xf32> to vector<1x128x256xf32>
    tpu.vector_store %arg16[%swap3A, %swap3A_87, %swap3A_88], %swap3A_91 {strides = array<i32>} : memref<1x128x256xf32, #tpu.memory_space<vmem>>, vector<1x128x256xf32>,
    return
  }
  func.func @transform_0(%arg0: i32, %arg1: i32) -> (i32, i32) {
    %mul3A = arith.constant 4 : i32
    %mul3A_0 = arith.muli %arg0, %mul3A : i32
    %add3A = arith.addi %mul3A_0, %arg1 : i32
    %c0_i32 = arith.constant 0 : i32
    %c0_i32_1 = arith.constant 0 : i32
    return %add3A, %c0_i32 : i32, i32
  }
  func.func @transform_1(%arg0: i32, %arg1: i32) -> (i32, i32, i32) {
    %c0_i32 = arith.constant 0 : i32
    %c0_i32_0 = arith.constant 0 : i32
    return %arg0, %c0_i32, %arg1 : i32, i32, i32
  }
  func.func @transform_2(%arg0: i32, %arg1: i32) -> (i32, i32) {
    %c0_i32 = arith.constant 0 : i32
    %c0_i32_0 = arith.constant 0 : i32
    %c0_i32_1 = arith.constant 0 : i32
    return %c0_i32, %c0_i32_0 : i32, i32
  }
  func.func @transform_3(%arg0: i32, %arg1: i32) -> (i32, i32) {
    %c0_i32 = arith.constant 0 : i32
    %c0_i32_0 = arith.constant 0 : i32
    %c0_i32_1 = arith.constant 0 : i32
    return %c0_i32, %c0_i32_0 : i32, i32
  }
  func.func @transform_4(%arg0: i32, %arg1: i32) -> (i32, i32) {
    %c0_i32 = arith.constant 0 : i32
    %c0_i32_0 = arith.constant 0 : i32
    %c0_i32_1 = arith.constant 0 : i32
    return %c0_i32, %c0_i32_0 : i32, i32
  }
  func.func @transform_5(%arg0: i32, %arg1: i32) -> (i32, i32) {
    %c0_i32 = arith.constant 0 : i32
    %c0_i32_0 = arith.constant 0 : i32
    %c0_i32_1 = arith.constant 0 : i32
    return %c0_i32, %c0_i32_0 : i32, i32
  }
  func.func @transform_6(%arg0: i32, %arg1: i32) -> (i32, i32) {
    %c0_i32 = arith.constant 0 : i32
    %c0_i32_0 = arith.constant 0 : i32
    %c0_i32_1 = arith.constant 0 : i32
    return %c0_i32, %c0_i32_0 : i32, i32
  }
  func.func @transform_7(%arg0: i32, %arg1: i32) -> (i32, i32) {
    %c0_i32 = arith.constant 0 : i32
    %c0_i32_0 = arith.constant 0 : i32
    %c0_i32_1 = arith.constant 0 : i32
    return %c0_i32, %c0_i32_0 : i32, i32
  }
  func.func @transform_8(%arg0: i32, %arg1: i32) -> (i32, i32) {
    %c0_i32 = arith.constant 0 : i32
    %c0_i32_0 = arith.constant 0 : i32
    %c0_i32_1 = arith.constant 0 : i32
    return %c0_i32, %c0_i32_0 : i32, i32
  }
  func.func @transform_9(%arg0: i32, %arg1: i32) -> (i32, i32) {
    %c0_i32 = arith.constant 0 : i32
    %c0_i32_0 = arith.constant 0 : i32
    %c0_i32_1 = arith.constant 0 : i32
    return %c0_i32, %c0_i32_0 : i32, i32
  }
  func.func @transform_10(%arg0: i32, %arg1: i32) -> (i32, i32) {
    %c0_i32 = arith.constant 0 : i32
    %c0_i32_0 = arith.constant 0 : i32
    %c0_i32_1 = arith.constant 0 : i32
    return %c0_i32, %c0_i32_0 : i32, i32
  }
  func.func @transform_11(%arg0: i32, %arg1: i32) -> (i32, i32) {
    %c0_i32 = arith.constant 0 : i32
    %c0_i32_0 = arith.constant 0 : i32
    %c0_i32_1 = arith.constant 0 : i32
    return %c0_i32, %c0_i32_0 : i32, i32
  }
  func.func @transform_12(%arg0: i32, %arg1: i32) -> (i32, i32) {
    %c0_i32 = arith.constant 0 : i32
    %c0_i32_0 = arith.constant 0 : i32
    %c0_i32_1 = arith.constant 0 : i32
    return %c0_i32, %c0_i32_0 : i32, i32
  }
  func.func @transform_13(%arg0: i32, %arg1: i32) -> (i32, i32) {
    %c0_i32 = arith.constant 0 : i32
    %c0_i32_0 = arith.constant 0 : i32
    %c0_i32_1 = arith.constant 0 : i32
    return %c0_i32, %c0_i32_0 : i32, i32
  }
  func.func @transform_14(%arg0: i32, %arg1: i32) -> (i32, i32, i32) {
    %c0_i32 = arith.constant 0 : i32
    %c0_i32_0 = arith.constant 0 : i32
    return %arg0, %arg1, %c0_i32 : i32, i32, i32
  }
}

</mosaic_0001>

<sc_bundles>
// kernel: kernel.6.cloned.1.call-start
scs
__scs_entry_jumppad:
0x0: {  	(pc) =	sbr.rel $0x88, $3  }
0x1: {  	(tag) =	ssettag $0x0;
	lr =	simm.s32 $0x1  }
0x2: {  	[smem:$0x3F93] =	sst lr;
	_ =	strace $0xD0000000  }
0x3: {  	_ = 	snop  }
0x4: {  	_ = 	snop  }
0x5: {  	_ = 	snop  }
0x6: {  	_ = 	snop  }
0x7: {  	_ = 	snop  }
__scs_overlays_trampoline_lowered:
0x8: {  	[smem:$0x3FA2] =	sst s0  }
0x9: {  	[smem:$0x3FA3] =	sst s1  }
0xa: {  	[smem:$0x3FA4] =	sst s2  }
0xb: {  	[smem:$0x3FA5] =	sst s3  }
0xc: {  	[smem:$0x3FA6] =	sst s4  }
0xd: {  	[smem:$0x3FA7] =	sst s5  }
0xe: {  	[smem:$0x3FA8] =	sst s6  }
0xf: {  	[smem:$0x3FA9] =	sst s7  }
0x10: {  	[smem:$0x3FAA] =	sst s8  }
0x11: {  	[smem:$0x3FAB] =	sst s9;
	s0 =	simm.s32 @!p0 $0x0  }
0x12: {  	s1 =	sld [smem:$0x3F91];
	s0 =	simm.s32 @p0 $0x1  }
0x13: {  	[smem:$0x3FAC] =	sst s0;
	s0 =	simm.s32 @!p1 $0x0  }
0x14: {  	s2 =	sld [smem:$0x3F90];
	s0 =	simm.s32 @p1 $0x1  }
0x15: {  	[smem:$0x3FAD] =	sst s0;
	s0 =	simm.s32 @!p2 $0x0  }
0x16: {  	s3 =	sld [smem:$0x3FDB];
	s0 =	simm.s32 @p2 $0x1  }
0x17: {  	s4 =	simm.s32 $0x1BF5;
	[smem:$0x3FAF] =	sst s0  }
0x18: {  	s0 =	sld [smem:$0x3F92];
	_ =	swait.ge [sflag:s4], $0x0  }
0x19: {  	s7 =	sld [smem:$0x3F93]  }
0x1a: {  	s8 =	sadd.s32 $0xFFFFE003, lr  }
0x1b: {  	s9 =	sadd.s32 $0xFFFFFEF7, lr;
	s5 =	simm.s32 $0xFFFFFFFF;
	p2 =	slt.u32 s8, $0xFFFFF086  }
0x1c: {  	p1 =	slt.u32 s9, $0xF7A;
	s5 =	simm.s32 @!p2 $0x0  }
0x1d: {  	s5 =	simm.s32 @p1 $0x1;
	p0 =	seq.s32 s7, s2  }
0x1e: {  	s7 =	smul.u32 @!p0 $0xF7A, s2;
	p2 =	seq.s32 @!p0 s5, $0x0  }
0x1f: {  	s9 =	smul.u32 $0xF7A, s1;
	s8 =	simm.s32 @!p0 $0x1BF5;
	p2 =	por !p2, p0  }
0x20: {  	[sflag:s8] =	ssyncset.s32 @!p0 $0xFFFFF086;
	s6 =	sadd.s32 @!p0 s3, s7;
	s7 =	simm.s32 @!p0 $0x108  }
0x21: {  	s3 =	sadd.s32 s3, s9;
	s6 =	sadd.s32 @!p0 $0x88, s6;
	s7 =	simm.s32 @p2 $0x1082  }
0x22: {  	[simem:s7], [sflag:s8] =	dma.local @!p0 [hbm:s6], $0xF7A  }
0x23: {  	s9 =	sor.u32 $0xD0000000, s2;
	s6 =	simm.s32 $0x108;
	_ =	swait.ge @!p0 [sflag:s8], $0x0  }
0x24: {  	s3 =	sadd.s32 $0x88, s3;
	s6 =	simm.s32 @!p1 $0x1082;
	[sflag:s4] =	ssyncset.s32 $0xFFFFF086  }
0x25: {  	[simem:s6], [sflag:s4] =	dma.local [hbm:s3], $0xF7A  }
0x26: {  	[smem:$0x3F93] =	sst s1;
	(tag) =	ssettag s2;
	_ =	strace s9  }
0x27: {  	s1 =	sld [smem:$0x3FA3]  }
0x28: {  	s2 =	sld [smem:$0x3FA4]  }
0x29: {  	s4 =	sld [smem:$0x3FA6]  }
0x2a: {  	p0 =	seq.s32 s5, $0x0;
	s5 =	sld [smem:$0x3FA7]  }
0x2b: {  	s6 =	sld [smem:$0x3FA8]  }
0x2c: {  	s7 =	sld [smem:$0x3FA9]  }
0x2d: {  	s3 =	simm.s32 $0x108;
	s8 =	sld [smem:$0x3FAA]  }
0x2e: {  	s3 =	simm.s32 @!p0 $0x1082;
	s9 =	sld [smem:$0x3FAB]  }
0x2f: {  	lr =	sadd.s32 s0, s3;
	s0 =	sld [smem:$0x3FA2]  }
0x30: {  	s3 =	sld [smem:$0x3FA5]  }
0x31: {  	[smem:$0x3FAE] =	sst s10  }
0x32: {  	s10 =	sld [smem:$0x3FAC];
	_ =	sdelay $0x3  }
0x33: {  	p0 =	seq.s32 s10, $0x1;
	s10 =	sld [smem:$0x3FAE];
	_ =	sdelay $0x3  }
0x34: {  	[smem:$0x3FAE] =	sst s10  }
0x35: {  	s10 =	sld [smem:$0x3FAD];
	_ =	sdelay $0x3  }
0x36: {  	p1 =	seq.s32 s10, $0x1;
	s10 =	sld [smem:$0x3FAE];
	_ =	sdelay $0x3  }
0x37: {  	[smem:$0x3FAE] =	sst s10  }
0x38: {  	s10 =	sld [smem:$0x3FAF]  }
0x39: {  	_ = 	snop;
	(pc) =	sbr.ind lr, $3  }
0x3a: {  	_ = 	snop  }
0x3b: {  	_ = 	snop  }
0x3c: {  	p2 =	seq.s32 s10, $0x1;
	s10 =	sld [smem:$0x3FAE]  }
0x3d: {  	_ =	shalt  }
0x3e: {  	_ =	shalt  }
0x3f: {  	_ =	shalt  }
0x40: {  	_ =	shalt  }
0x41: {  	_ =	shalt  }
0x42: {  	_ =	shalt  }
0x43: {  	_ =	shalt  }
0x44: {  	_ =	shalt  }
0x45: {  	_ =	shalt  }
0x46: {  	_ =	shalt  }
0x47: {  	_ =	shalt  }
0x48: {  	_ =	shalt  }
0x49: {  	_ =	shalt  }
0x4a: {  	_ =	shalt  }
0x4b: {  	_ =	shalt  }
0x4c: {  	_ =	shalt  }
0x4d: {  	_ =	shalt  }
0x4e: {  	_ =	shalt  }
0x4f: {  	_ =	shalt  }
0x50: {  	_ =	shalt  }
0x51: {  	_ =	shalt  }
0x52: {  	_ =	shalt  }
0x53: {  	_ =	shalt  }
0x54: {  	_ =	shalt  }
0x55: {  	_ =	shalt  }
0x56: {  	_ =	shalt  }
0x57: {  	_ =	shalt  }
0x58: {  	_ =	shalt  }
0x59: {  	_ =	shalt  }
0x5a: {  	_ =	shalt  }
0x5b: {  	_ =	shalt  }
0x5c: {  	_ =	shalt  }
0x5d: {  	_ =	shalt  }
0x5e: {  	_ =	shalt  }
0x5f: {  	_ =	shalt  }
0x60: {  	_ =	shalt  }
0x61: {  	_ =	shalt  }
0x62: {  	_ =	shalt  }
0x63: {  	_ =	shalt  }
0x64: {  	_ =	shalt  }
0x65: {  	_ =	shalt  }
0x66: {  	_ =	shalt  }
0x67: {  	_ =	shalt  }
0x68: {  	_ =	shalt  }
0x69: {  	_ =	shalt  }
0x6a: {  	_ =	shalt  }
0x6b: {  	_ =	shalt  }
0x6c: {  	_ =	shalt  }
0x6d: {  	_ =	shalt  }
0x6e: {  	_ =	shalt  }
0x6f: {  	_ =	shalt  }
0x70: {  	_ =	shalt  }
0x71: {  	_ =	shalt  }
0x72: {  	_ =	shalt  }
0x73: {  	_ =	shalt  }
0x74: {  	_ =	shalt  }
0x75: {  	_ =	shalt  }
0x76: {  	_ =	shalt  }
0x77: {  	_ =	shalt  }
0x78: {  	_ =	shalt  }
0x79: {  	_ =	shalt  }
0x7a: {  	_ =	shalt  }
0x7b: {  	_ =	shalt  }
0x7c: {  	_ =	shalt  }
0x7d: {  	_ =	shalt  }
0x7e: {  	_ =	shalt  }
0x7f: {  	_ =	shalt  }
0x80: {  	_ =	shalt  }
0x81: {  	_ =	shalt  }
0x82: {  	_ =	shalt  }
0x83: {  	_ =	shalt  }
0x84: {  	_ =	shalt  }
0x85: {  	_ =	shalt  }
0x86: {  	_ =	shalt  }
0x87: {  	_ =	shalt  }
.Lfunc_end0:
.L_simem_size_0:
called_computation_lowered:
.L_overlay_start_0:
0x88: {  	s2 =	sld [smem:$0x3FD9]  }
0x89: {  	s3 =	sld [smem:$0x3FFE];
	_ =	sdelay $0x1  }
0x8a: {  	s1 =	srdreg.scid  }
0x8b: {  	s0 =	sand.u32 $0x1, s1  }
0x8c: {  	s14 =	sshll.u32 s0, $0xA;
	s2 =	sadd.s32 s3, s2  }
0x8d: {  	s2 =	sadd.s32 s2, s14  }
0x8e: {  	[smem:$0x3FBA] =	sst s2  }
0x8f: {  	_ = 	snop  }
0x90: {  	s2 =	sld [smem:$0x3FD0];
	_ =	sdelay $0x2  }
0x91: {  	s15 =	simm.s32 $0xA;
	s4 =	simm.s32 $0x10  }
0x92: {  	[smem:s4], [sflag:s15] =	dma.local [hbm:s2], $0x1  }
0x93: {  	_ =	swait.eq [sflag:s15], $0x1  }
0x94: {  	[sflag:s15] =	ssyncset.done $0x0  }
0x95: {  	[sflag:s15] =	ssyncadd.s32 $0xFFFFFFFF  }
0x96: {  	s16 =	sld [smem:$0x11];
	(tm) =	ssettm $0x1  }
0x97: {  	s17 =	sld [smem:$0x3FFB];
	_ =	sdelay $0x3  }
0x98: {  	_ =	strace s17  }
0x99: {  	s3 =	sld [smem:$0x3FFC];
	_ =	sdelay $0x3  }
0x9a: {  	_ =	strace s3  }
0x9b: {  	s3 =	sld [smem:$0x3FFD];
	_ =	sdelay $0x3  }
0x9c: {  	_ =	strace s3  }
0x9d: {  	_ =	strace $0x8FFFFFFF  }
0x9e: {  	s18 =	sld [smem:$0x3FDB];
	_ =	sdelay $0x1  }
0x9f: {  	s19 =	simm.s32 $_scs_section_size  }
0xa0: {  	s5 =	simm.s32 $_size__tile_overlayer_lowered;
	s6 =	simm.s32 $_tile_overlayer_lowered  }
0xa1: {  	s22 =	simm.s32 $0x1BFF;
	s21 =	sshll.u32 s6, $0x1;
	s3 =	sadd.s32 s19, s18  }
0xa2: {  	s7 =	simm.s32 $0x0;
	s20 =	sshll.u32 s5, $0x1;
	s5 =	sadd.s32 s21, s3  }
0xa3: {  	[timem:s7], [sflag:s22] =	dma.local [hbm:s5], s20  }
0xa4: {  	_ =	swait.ge [sflag:s22], s20  }
0xa5: {  	s4 =	ssub.s32 $0x0, s20;
	[sflag:s22] =	ssyncset.done $0x0  }
0xa6: {  	[sflag:s22] =	ssyncadd.s32 s4;
	_ =	sdelay $0x1  }
0xa7: {  	s23 =	simm.s32 $0x1B8B  }
0xa8: {  	_ =	swait.ge [sflag:s23], $0x1  }
0xa9: {  	[sflag:s23] =	ssyncset.done $0x0  }
0xaa: {  	s25 =	simm.s32 $0x1B8E;
	s24 =	sld [smem:$0x3FFE];
	[sflag:s23] =	ssyncadd.s32 $0xFFFFFFFF  }
0xab: {  	s26 =	simm.s32 $execute0_lowered;
	[smem:$0x3FD2] =	sst s25  }
0xac: {  	s5 =	sshll.u32 s26, $0x1;
	_ =	strace $0x80000046;
	[dreg:$0x1] =	wrdreg $0xFFFFFFFF  }
0xad: {  	s28 =	simm.s32 $_size_execute0_lowered;
	s3 =	sadd.s32 s3, s5;
	[dreg:$0x0] =	wrdreg $0x0  }
0xae: {  	s5 =	sshll.u32 s28, $0x1;
	[dreg:$0x2] =	wrdreg s3  }
0xaf: {  	[dreg:$0x3] =	wrdreg s5  }
0xb0: {  	[dreg:$0x4] =	wrdreg $0xC0  }
0xb1: {  	_ =	task [dreg:s7], $0x5FFFF  }
0xb2: {  	[dreg:$0x1] =	wrdreg $0xFFFFFFFF  }
0xb3: {  	[dreg:$0x0] =	wrdreg $0x60  }
0xb4: {  	[dreg:$0x2] =	wrdreg s24  }
0xb5: {  	[dreg:$0x3] =	wrdreg s16  }
0xb6: {  	[dreg:$0x4] =	wrdreg $0x9  }
0xb7: {  	_ =	task.clear_ibuf [dreg:s7], $0x5FFFF;
	_ =	strace $0x90000046  }
0xb8: {  	s29 =	simm.s32 $0x9;
	_ =	strace $0x80000048  }
0xb9: {  	_ =	swait.ge [sflag:s29], $0x1  }
0xba: {  	[sflag:s29] =	ssyncadd.s32 $0xFFFFFFFF  }
0xbb: {  	_ =	strace $0x90000048  }
0xbc: {  	_ =	sfence  }
0xbd: {  	s30 =	sld [smem:$0x0];
	_ =	sdelay $0x2  }
0xbe: {  	s31 =	sshll.u32 s1, $0xD;
	s1 =	sshrl.u32 s1, $0x2  }
0xbf: {  	s3 =	sand.u32 $0x4000, s31;
	s1 =	sadd.s32 s1, s30  }
0xc0: {  	s0 =	sor.u32 s3, s0;
	s1 =	sshll.u32 s1, $0x11  }
0xc1: {  	s0 =	sor.u32 s1, s0  }
0xc2: {  	s0 =	sadd.s32 $0x8F2B, s0  }
0xc3: {  	[sflag:s0] =	ssyncadd.remote.s32 $0x1  }
0xc4: {  	_ =	sfence.sel $0xFFFF  }
0xc5: {  	[dreg:$0x0] =	wrdreg $0xFFFFFFFF;
	(pc) =	sbr.abs _section_cstart, $3  }
0xc6: {  	[dreg:$0x1] =	wrdreg $0xFFFFFFFF  }
0xc7: {  	_ =	task.clear_ibuf [dreg:s7], $0x2FFFF;
	_ =	strace $0x9FFFFFFF  }
0xc8: {  	(tm) =	ssettm $0x7FFFFFFF  }
0xc9: {  	_ =	shalt  }
tec
execute0_lowered:
.L_overlay_start_1:
0x0: {  	(tag) =	ssettag $0x1  }
0x1: {  	s0 =	srdreg.scid;
	s1 =	rddreg [dreg:$0x0]  }
0x2: {  	s2 =	stileid.u32;
	s3 =	rddreg [dreg:$0x1];
	p0 =	por $0x0, $0x0  }
0x3: {  	s6 =	sand.u32 $0x1, s0;
	s23 =	sshll.u32 s2, $0xD;
	s2 =	simm.s32 $0x0  }
0x4: {  	s4 =	sshll.u32 s6, $0xC;
	[smem:$0x7FF] =	sst s2;
	s6 =	ssub.s32 $0x2, s6  }
0x5: {  	s5 =	sor.u32 s4, s23;
	_ =	strace $0x80000047;
	s4 =	sadd.s32 $0x82C00, s1  }
0x6: {  	s0 =	sshrl.u32 s5, $0x3;
	s7 =	sor.u32 $0x80, s5;
	s8 =	sshll.u32 s5, $0x4  }
0x7: {  	s9 =	sor.u32 $0x100, s5;
	s12 =	sor.u32 $0x180, s5;
	s15 =	sor.u32 $0x200, s5  }
0x8: {  	s20 =	sor.u32 $0x280, s5;
	s23 =	sor.u32 $0x300, s5;
	s0 =	sadd.s32 s3, s0  }
0x9: {  	s24 =	sshrl.u32 s7, $0x3;
	s25 =	sadd.s32 s4, s8;
	s26 =	sshrl.u32 s9, $0x3  }
0xa: {  	s7 =	sshll.u32 s7, $0x4;
	s13 =	sshrl.u32 s12, $0x3;
	s14 =	sshll.u32 s9, $0x4  }
0xb: {  	s17 =	sshrl.u32 s15, $0x3;
	s21 =	sshrl.u32 s20, $0x3;
	[dreg:$0x3] =	wrdreg s0  }
0xc: {  	s22 =	sshll.u32 s15, $0x4;
	s0 =	sadd.s32 s3, s24;
	[dreg:$0x5] =	wrdreg s25  }
0xd: {  	s10 =	sadd.s32 s3, s26;
	s11 =	sadd.s32 s4, s7;
	[dreg:$0x4] =	wrdreg s0  }
0xe: {  	s16 =	sadd.s32 s4, s14;
	s18 =	sadd.s32 s3, s17;
	[dreg:$0x6] =	wrdreg s10  }
0xf: {  	s7 =	sshll.u32 s12, $0x4;
	s24 =	sadd.s32 s4, s22;
	[dreg:$0x7] =	wrdreg s11  }
0x10: {  	s25 =	sshrl.u32 s23, $0x3;
	s12 =	sshll.u32 s23, $0x4;
	[dreg:$0x9] =	wrdreg s16  }
0x11: {  	s0 =	sadd.s32 s3, s13;
	[dreg:$0xa] =	wrdreg s18;
	s19 =	sadd.s32 s4, s7  }
0x12: {  	[dreg:$0xd] =	wrdreg s24;
	s26 =	sadd.s32 s3, s25;
	s7 =	sshll.u32 s20, $0x4  }
0x13: {  	s10 =	sor.u32 $0x380, s5;
	s13 =	sor.u32 $0x400, s5;
	[dreg:$0x8] =	wrdreg s0  }
0x14: {  	s14 =	sadd.s32 s4, s12;
	s18 =	sor.u32 $0x480, s5;
	[dreg:$0xb] =	wrdreg s19  }
0x15: {  	s0 =	sadd.s32 s3, s21;
	[dreg:$0xe] =	wrdreg s26;
	s8 =	sadd.s32 s4, s7  }
0x16: {  	s11 =	sshrl.u32 s10, $0x3;
	s15 =	sshrl.u32 s13, $0x3;
	[dreg:$0x11] =	wrdreg s14  }
0x17: {  	s7 =	sshll.u32 s10, $0x4;
	s19 =	sshrl.u32 s18, $0x3;
	s20 =	sshll.u32 s13, $0x4  }
0x18: {  	s21 =	sor.u32 $0x500, s5;
	s26 =	sor.u32 $0x580, s5;
	[dreg:$0xc] =	wrdreg s0  }
0x19: {  	s10 =	sor.u32 $0x600, s5;
	[dreg:$0xf] =	wrdreg s8;
	s0 =	sadd.s32 s3, s11  }
0x1a: {  	s16 =	sadd.s32 s3, s15;
	s17 =	sadd.s32 s4, s7;
	s22 =	sadd.s32 s4, s20  }
0x1b: {  	s23 =	sshrl.u32 s21, $0x3;
	s7 =	sshll.u32 s18, $0x4;
	[dreg:$0x10] =	wrdreg s0  }
0x1c: {  	s8 =	sshrl.u32 s26, $0x3;
	s9 =	sshll.u32 s21, $0x4;
	[dreg:$0x12] =	wrdreg s16  }
0x1d: {  	s12 =	sshrl.u32 s10, $0x3;
	s15 =	sor.u32 $0x680, s5;
	[dreg:$0x13] =	wrdreg s17  }
0x1e: {  	s18 =	sor.u32 $0x700, s5;
	s0 =	sadd.s32 s3, s19;
	[dreg:$0x15] =	wrdreg s22  }
0x1f: {  	s24 =	sadd.s32 s3, s23;
	s25 =	sadd.s32 s4, s7;
	s11 =	sadd.s32 s4, s9  }
0x20: {  	s13 =	sadd.s32 s3, s12;
	s7 =	sshll.u32 s26, $0x4;
	[dreg:$0x14] =	wrdreg s0  }
0x21: {  	s16 =	sshrl.u32 s15, $0x3;
	s17 =	sshll.u32 s10, $0x4;
	[dreg:$0x16] =	wrdreg s24  }
0x22: {  	s20 =	sshrl.u32 s18, $0x3;
	s23 =	sor.u32 $0x780, s5;
	[dreg:$0x17] =	wrdreg s25  }
0x23: {  	s26 =	sor.u32 $0x800, s5;
	s0 =	sadd.s32 s3, s8;
	[dreg:$0x19] =	wrdreg s11  }
0x24: {  	[dreg:$0x1a] =	wrdreg s13;
	s14 =	sadd.s32 s4, s7;
	s19 =	sadd.s32 s4, s17  }
0x25: {  	s21 =	sadd.s32 s3, s20;
	s7 =	sshll.u32 s15, $0x4;
	[dreg:$0x18] =	wrdreg s0  }
0x26: {  	s24 =	sshrl.u32 s23, $0x3;
	s25 =	sshll.u32 s18, $0x4;
	[dreg:$0x1b] =	wrdreg s14  }
0x27: {  	s10 =	sshrl.u32 s26, $0x3;
	s13 =	sor.u32 $0x880, s5;
	[dreg:$0x1d] =	wrdreg s19  }
0x28: {  	s15 =	sshll.u32 s26, $0x4;
	s0 =	sadd.s32 s3, s16;
	[dreg:$0x1e] =	wrdreg s21  }
0x29: {  	s22 =	sadd.s32 s4, s7;
	s8 =	sadd.s32 s4, s25;
	s11 =	sadd.s32 s3, s10  }
0x2a: {  	s7 =	sshll.u32 s23, $0x4;
	s14 =	sshrl.u32 s13, $0x3;
	[dreg:$0x1c] =	wrdreg s0  }
0x2b: {  	s16 =	sor.u32 $0x900, s5;
	s17 =	sadd.s32 s4, s15;
	[dreg:$0x1f] =	wrdreg s22  }
0x2c: {  	s21 =	sor.u32 $0x980, s5;
	s10 =	sor.u32 $0xA00, s5;
	[smem:$0x7F1] =	sst s8  }
0x2d: {  	s0 =	sadd.s32 s3, s24;
	[smem:$0x7F2] =	sst s11;
	s12 =	sadd.s32 s4, s7  }
0x2e: {  	s18 =	sshrl.u32 s16, $0x3;
	[smem:$0x7F5] =	sst s17;
	s7 =	sshll.u32 s13, $0x4  }
0x2f: {  	s22 =	sshrl.u32 s6, $0x1;
	s23 =	sshrl.u32 s21, $0x3;
	[smem:$0x7F0] =	sst s0  }
0x30: {  	s9 =	sshll.u32 s16, $0x4;
	[smem:$0x7F3] =	sst s12;
	s0 =	sadd.s32 s3, s14  }
0x31: {  	s25 =	sshrl.u32 s10, $0x3;
	s19 =	sadd.s32 s3, s18;
	[smem:$0x7F4] =	sst s0  }
0x32: {  	s20 =	sadd.s32 s4, s7;
	s24 =	sadd.s32 s4, s9;
	[smem:$0x7F6] =	sst s19  }
0x33: {  	s26 =	sadd.s32 s3, s25;
	s7 =	sshll.u32 s21, $0x4;
	[smem:$0x7F7] =	sst s20  }
0x34: {  	s8 =	ssub.s32 s6, s22;
	s12 =	sshll.u32 s10, $0x4;
	[smem:$0x7F9] =	sst s24  }
0x35: {  	s10 =	sor.u32 $0xC00, s5;
	s0 =	sadd.s32 s3, s23;
	[smem:$0x7FA] =	sst s26  }
0x36: {  	s9 =	sadd.s32 s4, s7;
	s19 =	sor.u32 $0xA80, s5;
	s13 =	sadd.s32 s4, s12  }
0x37: {  	s12 =	sor.u32 $0xC80, s5;
	s16 =	sshrl.u32 s10, $0x3;
	[smem:$0x7F8] =	sst s0  }
0x38: {  	s7 =	sor.u32 $0xF00, s5;
	s10 =	sshll.u32 s10, $0x4;
	[smem:$0x7FB] =	sst s9  }
0x39: {  	s11 =	sshrl.u32 s19, $0x3;
	s9 =	sor.u32 $0xB00, s5;
	[smem:$0x7FD] =	sst s13  }
0x3a: {  	s24 =	sadd.s32 s3, s16;
	s13 =	sor.u32 $0xD00, s5;
	s25 =	sshrl.u32 s7, $0x3  }
0x3b: {  	s19 =	sshll.u32 s19, $0x4;
	s0 =	sadd.s32 s3, s11;
	s14 =	sshrl.u32 s9, $0x3  }
0x3c: {  	s11 =	sshrl.u32 s12, $0x3;
	s17 =	sshrl.u32 s13, $0x3;
	s6 =	sadd.s32 s3, s25  }
0x3d: {  	s31 =	sadd.s32 s4, s19;
	s9 =	sshll.u32 s9, $0x4;
	s25 =	sadd.s32 s4, s10  }
0x3e: {  	s12 =	sshll.u32 s12, $0x4;
	s13 =	sshll.u32 s13, $0x4;
	[smem:$0x7FC] =	sst s0  }
0x3f: {  	s28 =	sadd.s32 s3, s14;
	s0 =	sor.u32 $0xB80, s5;
	s22 =	sadd.s32 s3, s11  }
0x40: {  	s14 =	sor.u32 $0xD80, s5;
	s20 =	sadd.s32 s3, s17;
	s17 =	sor.u32 $0xE80, s5  }
0x41: {  	s30 =	sadd.s32 s4, s9;
	s15 =	sshrl.u32 s0, $0x3;
	s18 =	sshrl.u32 s14, $0x3  }
0x42: {  	s23 =	sshrl.u32 s17, $0x3;
	s0 =	sshll.u32 s0, $0x4;
	s19 =	sshll.u32 s14, $0x4  }
0x43: {  	s10 =	sshll.u32 s17, $0x4;
	s26 =	sadd.s32 s3, s15;
	s15 =	sor.u32 $0xE00, s5  }
0x44: {  	s18 =	sadd.s32 s3, s18;
	s5 =	sor.u32 $0xF80, s5;
	s11 =	sadd.s32 s3, s23  }
0x45: {  	s29 =	sadd.s32 s4, s0;
	s23 =	sadd.s32 s4, s12;
	s19 =	sadd.s32 s4, s19  }
0x46: {  	s12 =	sshll.u32 s7, $0x4;
	s0 =	rddreg [dreg:$0x3];
	s21 =	sshrl.u32 s15, $0x3  }
0x47: {  	s9 =	sshll.u32 s15, $0x4;
	s7 =	sadd.s32 s4, s12;
	s15 =	smax.u32 s8, $0x1  }
0x48: {  	s14 =	sshll.u32 s5, $0x4;
	s12 =	simm.s32 $0x80;
	p1 =	sne.s32 s15, $0x1  }
.Ltmp0:
0x49: {  	s8 =	simm.s32 $0x4100;
	s16 =	sadd.s32 s3, s21;
	(pc) =	sbr.rel @!p1 .LBB2_3-.Ltmp0, $4  }
0x4a: {  	s21 =	sshrl.u32 s5, $0x3;
	s17 =	sadd.s32 s4, s9;
	s5 =	simm.s32 $0x3  }
0x4b: {  	s9 =	simm.s32 $0x2;
	s3 =	sadd.s32 s3, s21;
	s21 =	sadd.s32 s4, s13  }
0x4c: {  	s13 =	sadd.s32 s4, s10;
	s4 =	sadd.s32 s4, s14;
	s10 =	sadd.s32 $0x2C00, s1  }
0x4d: {  	s1 =	sadd.s32 $0xFFFFFFFF, s15;
	s15 =	simm.s32 $0x4080;
	s14 =	simm.s32 $0x1  }
0x4e: {  	[tilespmem:s2], [sflag:$0x3] =	stream.linear.gather [hbm4b:s0+s2], $0x80, $0x38;
	[tilespmem:$0x8100] =	vst v63  }
0x4f: {  	_ =	swait.ge [sflag:s5], $0x80  }
0x50: {  	[sflag:s5] =	ssyncset.done $0x0  }
0x51: {  	[sflag:s5] =	ssyncadd.s32 $0xFFFFFF80  }
0x52: {  	[tilespmem:s12], [sflag:$0x1] =	stream.indirect.gather [hbm4b:s10+s12], $0x80, s2, s12, $0xb8;
	[tilespmem:$0x8100] =	vst v63  }
0x53: {  	s0 =	rddreg [dreg:$0x4]  }
0x54: {  	[tilespmem:s15], [sflag:$0x3] =	stream.linear.gather [hbm4b:s0+s2], $0x80, $0x38;
	[tilespmem:$0x8100] =	vst v63  }
0x55: {  	_ =	swait.ge [sflag:s5], $0x80  }
0x56: {  	[sflag:s5] =	ssyncset.done $0x0  }
0x57: {  	[sflag:s5] =	ssyncadd.s32 $0xFFFFFF80  }
0x58: {  	[tilespmem:s8], [sflag:$0x2] =	stream.indirect.gather [hbm4b:s10+s12], $0x80, s15, s12, $0xb8;
	[tilespmem:$0x8100] =	vst v63  }
0x59: {  	_ =	swait.ge [sflag:s14], $0x4000  }
0x5a: {  	[sflag:s14] =	ssyncset.done $0x0  }
0x5b: {  	s0 =	rddreg [dreg:$0x5];
	[sflag:s14] =	ssyncadd.s32 $0xFFFFC000  }
0x5c: {  	[hbm4b:s0+s2] =	stream.linear.scatter [tilespmem:s12], [sflag:$0x3], $0x4000, $0x38;
	[tilespmem:$0x8100] =	vst v63  }
0x5d: {  	_ =	swait.ge [sflag:s5], $0x4000  }
0x5e: {  	[sflag:s5] =	ssyncset.done $0x0  }
0x5f: {  	s0 =	rddreg [dreg:$0x6];
	[sflag:s5] =	ssyncadd.s32 $0xFFFFC000  }
0x60: {  	[tilespmem:s2], [sflag:$0x3] =	stream.linear.gather [hbm4b:s0+s2], $0x80, $0x38;
	[tilespmem:$0x8100] =	vst v63  }
0x61: {  	_ =	swait.ge [sflag:s5], $0x80  }
0x62: {  	[sflag:s5] =	ssyncset.done $0x0  }
0x63: {  	[sflag:s5] =	ssyncadd.s32 $0xFFFFFF80  }
0x64: {  	[tilespmem:s12], [sflag:$0x1] =	stream.indirect.gather [hbm4b:s10+s12], $0x80, s2, s12, $0xb8;
	[tilespmem:$0x8100] =	vst v63  }
0x65: {  	_ =	swait.ge [sflag:s9], $0x4000  }
0x66: {  	[sflag:s9] =	ssyncset.done $0x0  }
0x67: {  	s0 =	rddreg [dreg:$0x7];
	[sflag:s9] =	ssyncadd.s32 $0xFFFFC000  }
0x68: {  	[hbm4b:s0+s2] =	stream.linear.scatter [tilespmem:s8], [sflag:$0x3], $0x4000, $0x38;
	[tilespmem:$0x8100] =	vst v63  }
0x69: {  	_ =	swait.ge [sflag:s5], $0x4000  }
0x6a: {  	[sflag:s5] =	ssyncset.done $0x0  }
0x6b: {  	s0 =	rddreg [dreg:$0x8];
	[sflag:s5] =	ssyncadd.s32 $0xFFFFC000  }
0x6c: {  	[tilespmem:s15], [sflag:$0x3] =	stream.linear.gather [hbm4b:s0+s2], $0x80, $0x38;
	[tilespmem:$0x8100] =	vst v63  }
0x6d: {  	_ =	swait.ge [sflag:s5], $0x80  }
0x6e: {  	[sflag:s5] =	ssyncset.done $0x0  }
0x6f: {  	[sflag:s5] =	ssyncadd.s32 $0xFFFFFF80  }
0x70: {  	[tilespmem:s8], [sflag:$0x2] =	stream.indirect.gather [hbm4b:s10+s12], $0x80, s15, s12, $0xb8;
	[tilespmem:$0x8100] =	vst v63  }
0x71: {  	_ =	swait.ge [sflag:s14], $0x4000  }
0x72: {  	[sflag:s14] =	ssyncset.done $0x0  }
0x73: {  	s0 =	rddreg [dreg:$0x9];
	[sflag:s14] =	ssyncadd.s32 $0xFFFFC000  }
0x74: {  	[hbm4b:s0+s2] =	stream.linear.scatter [tilespmem:s12], [sflag:$0x3], $0x4000, $0x38;
	[tilespmem:$0x8100] =	vst v63  }
0x75: {  	_ =	swait.ge [sflag:s5], $0x4000  }
0x76: {  	[sflag:s5] =	ssyncset.done $0x0  }
0x77: {  	s0 =	rddreg [dreg:$0xa];
	[sflag:s5] =	ssyncadd.s32 $0xFFFFC000  }
0x78: {  	[tilespmem:s2], [sflag:$0x3] =	stream.linear.gather [hbm4b:s0+s2], $0x80, $0x38;
	[tilespmem:$0x8100] =	vst v63  }
0x79: {  	_ =	swait.ge [sflag:s5], $0x80  }
0x7a: {  	[sflag:s5] =	ssyncset.done $0x0  }
0x7b: {  	[sflag:s5] =	ssyncadd.s32 $0xFFFFFF80  }
0x7c: {  	[tilespmem:s12], [sflag:$0x1] =	stream.indirect.gather [hbm4b:s10+s12], $0x80, s2, s12, $0xb8;
	[tilespmem:$0x8100] =	vst v63  }
0x7d: {  	_ =	swait.ge [sflag:s9], $0x4000  }
0x7e: {  	[sflag:s9] =	ssyncset.done $0x0  }
0x7f: {  	s0 =	rddreg [dreg:$0xb];
	[sflag:s9] =	ssyncadd.s32 $0xFFFFC000  }
0x80: {  	[hbm4b:s0+s2] =	stream.linear.scatter [tilespmem:s8], [sflag:$0x3], $0x4000, $0x38;
	[tilespmem:$0x8100] =	vst v63  }
0x81: {  	_ =	swait.ge [sflag:s5], $0x4000  }
0x82: {  	[sflag:s5] =	ssyncset.done $0x0  }
0x83: {  	s0 =	rddreg [dreg:$0xc];
	[sflag:s5] =	ssyncadd.s32 $0xFFFFC000  }
0x84: {  	[tilespmem:s15], [sflag:$0x3] =	stream.linear.gather [hbm4b:s0+s2], $0x80, $0x38;
	[tilespmem:$0x8100] =	vst v63  }
0x85: {  	_ =	swait.ge [sflag:s5], $0x80  }
0x86: {  	[sflag:s5] =	ssyncset.done $0x0  }
0x87: {  	[sflag:s5] =	ssyncadd.s32 $0xFFFFFF80  }
0x88: {  	[tilespmem:s8], [sflag:$0x2] =	stream.indirect.gather [hbm4b:s10+s12], $0x80, s15, s12, $0xb8;
	[tilespmem:$0x8100] =	vst v63  }
0x89: {  	_ =	swait.ge [sflag:s14], $0x4000  }
0x8a: {  	[sflag:s14] =	ssyncset.done $0x0  }
0x8b: {  	s0 =	rddreg [dreg:$0xd];
	[sflag:s14] =	ssyncadd.s32 $0xFFFFC000  }
0x8c: {  	[hbm4b:s0+s2] =	stream.linear.scatter [tilespmem:s12], [sflag:$0x3], $0x4000, $0x38;
	[tilespmem:$0x8100] =	vst v63  }
0x8d: {  	_ =	swait.ge [sflag:s5], $0x4000  }
0x8e: {  	[sflag:s5] =	ssyncset.done $0x0  }
0x8f: {  	s0 =	rddreg [dreg:$0xe];
	[sflag:s5] =	ssyncadd.s32 $0xFFFFC000  }
0x90: {  	[tilespmem:s2], [sflag:$0x3] =	stream.linear.gather [hbm4b:s0+s2], $0x80, $0x38;
	[tilespmem:$0x8100] =	vst v63  }
0x91: {  	_ =	swait.ge [sflag:s5], $0x80  }
0x92: {  	[sflag:s5] =	ssyncset.done $0x0  }
0x93: {  	[sflag:s5] =	ssyncadd.s32 $0xFFFFFF80  }
0x94: {  	[tilespmem:s12], [sflag:$0x1] =	stream.indirect.gather [hbm4b:s10+s12], $0x80, s2, s12, $0xb8;
	[tilespmem:$0x8100] =	vst v63  }
0x95: {  	_ =	swait.ge [sflag:s9], $0x4000  }
0x96: {  	[sflag:s9] =	ssyncset.done $0x0  }
0x97: {  	s0 =	rddreg [dreg:$0xf];
	[sflag:s9] =	ssyncadd.s32 $0xFFFFC000  }
0x98: {  	[hbm4b:s0+s2] =	stream.linear.scatter [tilespmem:s8], [sflag:$0x3], $0x4000, $0x38;
	[tilespmem:$0x8100] =	vst v63  }
0x99: {  	_ =	swait.ge [sflag:s5], $0x4000  }
0x9a: {  	[sflag:s5] =	ssyncset.done $0x0  }
0x9b: {  	s0 =	rddreg [dreg:$0x10];
	[sflag:s5] =	ssyncadd.s32 $0xFFFFC000  }
0x9c: {  	[tilespmem:s15], [sflag:$0x3] =	stream.linear.gather [hbm4b:s0+s2], $0x80, $0x38;
	[tilespmem:$0x8100] =	vst v63  }
0x9d: {  	_ =	swait.ge [sflag:s5], $0x80  }
0x9e: {  	[sflag:s5] =	ssyncset.done $0x0  }
0x9f: {  	[sflag:s5] =	ssyncadd.s32 $0xFFFFFF80  }
0xa0: {  	[tilespmem:s8], [sflag:$0x2] =	stream.indirect.gather [hbm4b:s10+s12], $0x80, s15, s12, $0xb8;
	[tilespmem:$0x8100] =	vst v63  }
0xa1: {  	_ =	swait.ge [sflag:s14], $0x4000  }
0xa2: {  	[sflag:s14] =	ssyncset.done $0x0  }
0xa3: {  	s0 =	rddreg [dreg:$0x11];
	[sflag:s14] =	ssyncadd.s32 $0xFFFFC000  }
0xa4: {  	[hbm4b:s0+s2] =	stream.linear.scatter [tilespmem:s12], [sflag:$0x3], $0x4000, $0x38;
	[tilespmem:$0x8100] =	vst v63  }
0xa5: {  	_ =	swait.ge [sflag:s5], $0x4000  }
0xa6: {  	[sflag:s5] =	ssyncset.done $0x0  }
0xa7: {  	s0 =	rddreg [dreg:$0x12];
	[sflag:s5] =	ssyncadd.s32 $0xFFFFC000  }
0xa8: {  	[tilespmem:s2], [sflag:$0x3] =	stream.linear.gather [hbm4b:s0+s2], $0x80, $0x38;
	[tilespmem:$0x8100] =	vst v63  }
0xa9: {  	_ =	swait.ge [sflag:s5], $0x80  }
0xaa: {  	[sflag:s5] =	ssyncset.done $0x0  }
0xab: {  	[sflag:s5] =	ssyncadd.s32 $0xFFFFFF80  }
0xac: {  	[tilespmem:s12], [sflag:$0x1] =	stream.indirect.gather [hbm4b:s10+s12], $0x80, s2, s12, $0xb8;
	[tilespmem:$0x8100] =	vst v63  }
0xad: {  	_ =	swait.ge [sflag:s9], $0x4000  }
0xae: {  	[sflag:s9] =	ssyncset.done $0x0  }
0xaf: {  	s0 =	rddreg [dreg:$0x13];
	[sflag:s9] =	ssyncadd.s32 $0xFFFFC000  }
0xb0: {  	[hbm4b:s0+s2] =	stream.linear.scatter [tilespmem:s8], [sflag:$0x3], $0x4000, $0x38;
	[tilespmem:$0x8100] =	vst v63  }
0xb1: {  	_ =	swait.ge [sflag:s5], $0x4000  }
0xb2: {  	[sflag:s5] =	ssyncset.done $0x0  }
0xb3: {  	s0 =	rddreg [dreg:$0x14];
	[sflag:s5] =	ssyncadd.s32 $0xFFFFC000  }
0xb4: {  	[tilespmem:s15], [sflag:$0x3] =	stream.linear.gather [hbm4b:s0+s2], $0x80, $0x38;
	[tilespmem:$0x8100] =	vst v63  }
0xb5: {  	_ =	swait.ge [sflag:s5], $0x80  }
0xb6: {  	[sflag:s5] =	ssyncset.done $0x0  }
0xb7: {  	[sflag:s5] =	ssyncadd.s32 $0xFFFFFF80  }
0xb8: {  	[tilespmem:s8], [sflag:$0x2] =	stream.indirect.gather [hbm4b:s10+s12], $0x80, s15, s12, $0xb8;
	[tilespmem:$0x8100] =	vst v63  }
0xb9: {  	_ =	swait.ge [sflag:s14], $0x4000  }
0xba: {  	[sflag:s14] =	ssyncset.done $0x0  }
0xbb: {  	s0 =	rddreg [dreg:$0x15];
	[sflag:s14] =	ssyncadd.s32 $0xFFFFC000  }
0xbc: {  	[hbm4b:s0+s2] =	stream.linear.scatter [tilespmem:s12], [sflag:$0x3], $0x4000, $0x38;
	[tilespmem:$0x8100] =	vst v63  }
0xbd: {  	_ =	swait.ge [sflag:s5], $0x4000  }
0xbe: {  	[sflag:s5] =	ssyncset.done $0x0  }
0xbf: {  	s0 =	rddreg [dreg:$0x16];
	[sflag:s5] =	ssyncadd.s32 $0xFFFFC000  }
0xc0: {  	[tilespmem:s2], [sflag:$0x3] =	stream.linear.gather [hbm4b:s0+s2], $0x80, $0x38;
	[tilespmem:$0x8100] =	vst v63  }
0xc1: {  	_ =	swait.ge [sflag:s5], $0x80  }
0xc2: {  	[sflag:s5] =	ssyncset.done $0x0  }
0xc3: {  	[sflag:s5] =	ssyncadd.s32 $0xFFFFFF80  }
0xc4: {  	[tilespmem:s12], [sflag:$0x1] =	stream.indirect.gather [hbm4b:s10+s12], $0x80, s2, s12, $0xb8;
	[tilespmem:$0x8100] =	vst v63  }
0xc5: {  	_ =	swait.ge [sflag:s9], $0x4000  }
0xc6: {  	[sflag:s9] =	ssyncset.done $0x0  }
0xc7: {  	s0 =	rddreg [dreg:$0x17];
	[sflag:s9] =	ssyncadd.s32 $0xFFFFC000  }
0xc8: {  	[hbm4b:s0+s2] =	stream.linear.scatter [tilespmem:s8], [sflag:$0x3], $0x4000, $0x38;
	[tilespmem:$0x8100] =	vst v63  }
0xc9: {  	_ =	swait.ge [sflag:s5], $0x4000  }
0xca: {  	[sflag:s5] =	ssyncset.done $0x0  }
0xcb: {  	s0 =	rddreg [dreg:$0x18];
	[sflag:s5] =	ssyncadd.s32 $0xFFFFC000  }
0xcc: {  	[tilespmem:s15], [sflag:$0x3] =	stream.linear.gather [hbm4b:s0+s2], $0x80, $0x38;
	[tilespmem:$0x8100] =	vst v63  }
0xcd: {  	_ =	swait.ge [sflag:s5], $0x80  }
0xce: {  	[sflag:s5] =	ssyncset.done $0x0  }
0xcf: {  	[sflag:s5] =	ssyncadd.s32 $0xFFFFFF80  }
0xd0: {  	[tilespmem:s8], [sflag:$0x2] =	stream.indirect.gather [hbm4b:s10+s12], $0x80, s15, s12, $0xb8;
	[tilespmem:$0x8100] =	vst v63  }
0xd1: {  	_ =	swait.ge [sflag:s14], $0x4000  }
0xd2: {  	[sflag:s14] =	ssyncset.done $0x0  }
0xd3: {  	s0 =	rddreg [dreg:$0x19];
	[sflag:s14] =	ssyncadd.s32 $0xFFFFC000  }
0xd4: {  	[hbm4b:s0+s2] =	stream.linear.scatter [tilespmem:s12], [sflag:$0x3], $0x4000, $0x38;
	[tilespmem:$0x8100] =	vst v63  }
0xd5: {  	_ =	swait.ge [sflag:s5], $0x4000  }
0xd6: {  	[sflag:s5] =	ssyncset.done $0x0  }
0xd7: {  	s0 =	rddreg [dreg:$0x1a];
	[sflag:s5] =	ssyncadd.s32 $0xFFFFC000  }
0xd8: {  	[tilespmem:s2], [sflag:$0x3] =	stream.linear.gather [hbm4b:s0+s2], $0x80, $0x38;
	[tilespmem:$0x8100] =	vst v63  }
0xd9: {  	_ =	swait.ge [sflag:s5], $0x80  }
0xda: {  	[sflag:s5] =	ssyncset.done $0x0  }
0xdb: {  	[sflag:s5] =	ssyncadd.s32 $0xFFFFFF80  }
0xdc: {  	[tilespmem:s12], [sflag:$0x1] =	stream.indirect.gather [hbm4b:s10+s12], $0x80, s2, s12, $0xb8;
	[tilespmem:$0x8100] =	vst v63  }
0xdd: {  	_ =	swait.ge [sflag:s9], $0x4000  }
0xde: {  	[sflag:s9] =	ssyncset.done $0x0  }
0xdf: {  	s0 =	rddreg [dreg:$0x1b];
	[sflag:s9] =	ssyncadd.s32 $0xFFFFC000  }
0xe0: {  	[hbm4b:s0+s2] =	stream.linear.scatter [tilespmem:s8], [sflag:$0x3], $0x4000, $0x38;
	[tilespmem:$0x8100] =	vst v63  }
0xe1: {  	_ =	swait.ge [sflag:s5], $0x4000  }
0xe2: {  	[sflag:s5] =	ssyncset.done $0x0  }
0xe3: {  	s0 =	rddreg [dreg:$0x1c];
	[sflag:s5] =	ssyncadd.s32 $0xFFFFC000  }
0xe4: {  	[tilespmem:s15], [sflag:$0x3] =	stream.linear.gather [hbm4b:s0+s2], $0x80, $0x38;
	[tilespmem:$0x8100] =	vst v63  }
0xe5: {  	_ =	swait.ge [sflag:s5], $0x80  }
0xe6: {  	[sflag:s5] =	ssyncset.done $0x0  }
0xe7: {  	[sflag:s5] =	ssyncadd.s32 $0xFFFFFF80  }
0xe8: {  	[tilespmem:s8], [sflag:$0x2] =	stream.indirect.gather [hbm4b:s10+s12], $0x80, s15, s12, $0xb8;
	[tilespmem:$0x8100] =	vst v63  }
0xe9: {  	_ =	swait.ge [sflag:s14], $0x4000  }
0xea: {  	[sflag:s14] =	ssyncset.done $0x0  }
0xeb: {  	s0 =	rddreg [dreg:$0x1d];
	[sflag:s14] =	ssyncadd.s32 $0xFFFFC000  }
0xec: {  	[hbm4b:s0+s2] =	stream.linear.scatter [tilespmem:s12], [sflag:$0x3], $0x4000, $0x38;
	[tilespmem:$0x8100] =	vst v63  }
0xed: {  	_ =	swait.ge [sflag:s5], $0x4000  }
0xee: {  	[sflag:s5] =	ssyncset.done $0x0  }
0xef: {  	s0 =	rddreg [dreg:$0x1e];
	[sflag:s5] =	ssyncadd.s32 $0xFFFFC000  }
0xf0: {  	[tilespmem:s2], [sflag:$0x3] =	stream.linear.gather [hbm4b:s0+s2], $0x80, $0x38;
	[tilespmem:$0x8100] =	vst v63  }
0xf1: {  	_ =	swait.ge [sflag:s5], $0x80  }
0xf2: {  	[sflag:s5] =	ssyncset.done $0x0  }
0xf3: {  	[sflag:s5] =	ssyncadd.s32 $0xFFFFFF80  }
0xf4: {  	[tilespmem:s12], [sflag:$0x1] =	stream.indirect.gather [hbm4b:s10+s12], $0x80, s2, s12, $0xb8;
	[tilespmem:$0x8100] =	vst v63  }
0xf5: {  	_ =	swait.ge [sflag:s9], $0x4000  }
0xf6: {  	[sflag:s9] =	ssyncset.done $0x0  }
0xf7: {  	s0 =	rddreg [dreg:$0x1f];
	[sflag:s9] =	ssyncadd.s32 $0xFFFFC000  }
0xf8: {  	[hbm4b:s0+s2] =	stream.linear.scatter [tilespmem:s8], [sflag:$0x3], $0x4000, $0x38;
	[tilespmem:$0x8100] =	vst v63  }
0xf9: {  	_ =	swait.ge [sflag:s5], $0x4000  }
0xfa: {  	s0 =	sld [smem:$0x7F0]  }
0xfb: {  	[sflag:s5] =	ssyncset.done $0x0  }
0xfc: {  	[sflag:s5] =	ssyncadd.s32 $0xFFFFC000  }
0xfd: {  	[tilespmem:s15], [sflag:$0x3] =	stream.linear.gather [hbm4b:s0+s2], $0x80, $0x38;
	[tilespmem:$0x8100] =	vst v63  }
0xfe: {  	_ =	swait.ge [sflag:s5], $0x80  }
0xff: {  	[sflag:s5] =	ssyncset.done $0x0  }
0x100: {  	[sflag:s5] =	ssyncadd.s32 $0xFFFFFF80  }
0x101: {  	[tilespmem:s8], [sflag:$0x2] =	stream.indirect.gather [hbm4b:s10+s12], $0x80, s15, s12, $0xb8;
	[tilespmem:$0x8100] =	vst v63  }
0x102: {  	_ =	swait.ge [sflag:s14], $0x4000  }
0x103: {  	s0 =	sld [smem:$0x7F1]  }
0x104: {  	[sflag:s14] =	ssyncset.done $0x0  }
0x105: {  	[sflag:s14] =	ssyncadd.s32 $0xFFFFC000  }
0x106: {  	[hbm4b:s0+s2] =	stream.linear.scatter [tilespmem:s12], [sflag:$0x3], $0x4000, $0x38;
	[tilespmem:$0x8100] =	vst v63  }
0x107: {  	_ =	swait.ge [sflag:s5], $0x4000  }
0x108: {  	s0 =	sld [smem:$0x7F2]  }
0x109: {  	[sflag:s5] =	ssyncset.done $0x0  }
0x10a: {  	[sflag:s5] =	ssyncadd.s32 $0xFFFFC000  }
0x10b: {  	[tilespmem:s2], [sflag:$0x3] =	stream.linear.gather [hbm4b:s0+s2], $0x80, $0x38;
	[tilespmem:$0x8100] =	vst v63  }
0x10c: {  	_ =	swait.ge [sflag:s5], $0x80  }
0x10d: {  	[sflag:s5] =	ssyncset.done $0x0  }
0x10e: {  	[sflag:s5] =	ssyncadd.s32 $0xFFFFFF80  }
0x10f: {  	[tilespmem:s12], [sflag:$0x1] =	stream.indirect.gather [hbm4b:s10+s12], $0x80, s2, s12, $0xb8;
	[tilespmem:$0x8100] =	vst v63  }
0x110: {  	_ =	swait.ge [sflag:s9], $0x4000  }
0x111: {  	s0 =	sld [smem:$0x7F3]  }
0x112: {  	[sflag:s9] =	ssyncset.done $0x0  }
0x113: {  	[sflag:s9] =	ssyncadd.s32 $0xFFFFC000  }
0x114: {  	[hbm4b:s0+s2] =	stream.linear.scatter [tilespmem:s8], [sflag:$0x3], $0x4000, $0x38;
	[tilespmem:$0x8100] =	vst v63  }
0x115: {  	_ =	swait.ge [sflag:s5], $0x4000  }
0x116: {  	s0 =	sld [smem:$0x7F4]  }
0x117: {  	[sflag:s5] =	ssyncset.done $0x0  }
0x118: {  	[sflag:s5] =	ssyncadd.s32 $0xFFFFC000  }
0x119: {  	[tilespmem:s15], [sflag:$0x3] =	stream.linear.gather [hbm4b:s0+s2], $0x80, $0x38;
	[tilespmem:$0x8100] =	vst v63  }
0x11a: {  	_ =	swait.ge [sflag:s5], $0x80  }
0x11b: {  	[sflag:s5] =	ssyncset.done $0x0  }
0x11c: {  	[sflag:s5] =	ssyncadd.s32 $0xFFFFFF80  }
0x11d: {  	[tilespmem:s8], [sflag:$0x2] =	stream.indirect.gather [hbm4b:s10+s12], $0x80, s15, s12, $0xb8;
	[tilespmem:$0x8100] =	vst v63  }
0x11e: {  	_ =	swait.ge [sflag:s14], $0x4000  }
0x11f: {  	s0 =	sld [smem:$0x7F5]  }
0x120: {  	[sflag:s14] =	ssyncset.done $0x0  }
0x121: {  	[sflag:s14] =	ssyncadd.s32 $0xFFFFC000  }
0x122: {  	[hbm4b:s0+s2] =	stream.linear.scatter [tilespmem:s12], [sflag:$0x3], $0x4000, $0x38;
	[tilespmem:$0x8100] =	vst v63  }
0x123: {  	_ =	swait.ge [sflag:s5], $0x4000  }
0x124: {  	s0 =	sld [smem:$0x7F6]  }
0x125: {  	[sflag:s5] =	ssyncset.done $0x0  }
0x126: {  	[sflag:s5] =	ssyncadd.s32 $0xFFFFC000  }
0x127: {  	[tilespmem:s2], [sflag:$0x3] =	stream.linear.gather [hbm4b:s0+s2], $0x80, $0x38;
	[tilespmem:$0x8100] =	vst v63  }
0x128: {  	_ =	swait.ge [sflag:s5], $0x80  }
0x129: {  	[sflag:s5] =	ssyncset.done $0x0  }
0x12a: {  	[sflag:s5] =	ssyncadd.s32 $0xFFFFFF80  }
0x12b: {  	[tilespmem:s12], [sflag:$0x1] =	stream.indirect.gather [hbm4b:s10+s12], $0x80, s2, s12, $0xb8;
	[tilespmem:$0x8100] =	vst v63  }
0x12c: {  	_ =	swait.ge [sflag:s9], $0x4000  }
0x12d: {  	s0 =	sld [smem:$0x7F7]  }
0x12e: {  	[sflag:s9] =	ssyncset.done $0x0  }
0x12f: {  	[sflag:s9] =	ssyncadd.s32 $0xFFFFC000  }
0x130: {  	[hbm4b:s0+s2] =	stream.linear.scatter [tilespmem:s8], [sflag:$0x3], $0x4000, $0x38;
	[tilespmem:$0x8100] =	vst v63  }
0x131: {  	_ =	swait.ge [sflag:s5], $0x4000  }
0x132: {  	s0 =	sld [smem:$0x7F8]  }
0x133: {  	[sflag:s5] =	ssyncset.done $0x0  }
0x134: {  	[sflag:s5] =	ssyncadd.s32 $0xFFFFC000  }
0x135: {  	[tilespmem:s15], [sflag:$0x3] =	stream.linear.gather [hbm4b:s0+s2], $0x80, $0x38;
	[tilespmem:$0x8100] =	vst v63  }
0x136: {  	_ =	swait.ge [sflag:s5], $0x80  }
0x137: {  	[sflag:s5] =	ssyncset.done $0x0  }
0x138: {  	[sflag:s5] =	ssyncadd.s32 $0xFFFFFF80  }
0x139: {  	[tilespmem:s8], [sflag:$0x2] =	stream.indirect.gather [hbm4b:s10+s12], $0x80, s15, s12, $0xb8;
	[tilespmem:$0x8100] =	vst v63  }
0x13a: {  	_ =	swait.ge [sflag:s14], $0x4000  }
0x13b: {  	s0 =	sld [smem:$0x7F9]  }
0x13c: {  	[sflag:s14] =	ssyncset.done $0x0  }
0x13d: {  	[sflag:s14] =	ssyncadd.s32 $0xFFFFC000  }
0x13e: {  	[hbm4b:s0+s2] =	stream.linear.scatter [tilespmem:s12], [sflag:$0x3], $0x4000, $0x38;
	[tilespmem:$0x8100] =	vst v63  }
0x13f: {  	_ =	swait.ge [sflag:s5], $0x4000  }
0x140: {  	s0 =	sld [smem:$0x7FA]  }
0x141: {  	[sflag:s5] =	ssyncset.done $0x0  }
0x142: {  	[sflag:s5] =	ssyncadd.s32 $0xFFFFC000  }
0x143: {  	[tilespmem:s2], [sflag:$0x3] =	stream.linear.gather [hbm4b:s0+s2], $0x80, $0x38;
	[tilespmem:$0x8100] =	vst v63  }
0x144: {  	_ =	swait.ge [sflag:s5], $0x80  }
0x145: {  	[sflag:s5] =	ssyncset.done $0x0  }
0x146: {  	[sflag:s5] =	ssyncadd.s32 $0xFFFFFF80  }
0x147: {  	[tilespmem:s12], [sflag:$0x1] =	stream.indirect.gather [hbm4b:s10+s12], $0x80, s2, s12, $0xb8;
	[tilespmem:$0x8100] =	vst v63  }
0x148: {  	_ =	swait.ge [sflag:s9], $0x4000  }
0x149: {  	s0 =	sld [smem:$0x7FB]  }
0x14a: {  	[sflag:s9] =	ssyncset.done $0x0  }
0x14b: {  	[sflag:s9] =	ssyncadd.s32 $0xFFFFC000  }
0x14c: {  	[hbm4b:s0+s2] =	stream.linear.scatter [tilespmem:s8], [sflag:$0x3], $0x4000, $0x38;
	[tilespmem:$0x8100] =	vst v63  }
0x14d: {  	_ =	swait.ge [sflag:s5], $0x4000  }
0x14e: {  	s0 =	sld [smem:$0x7FC]  }
0x14f: {  	[sflag:s5] =	ssyncset.done $0x0  }
0x150: {  	[sflag:s5] =	ssyncadd.s32 $0xFFFFC000  }
0x151: {  	[tilespmem:s15], [sflag:$0x3] =	stream.linear.gather [hbm4b:s0+s2], $0x80, $0x38;
	[tilespmem:$0x8100] =	vst v63  }
0x152: {  	_ =	swait.ge [sflag:s5], $0x80  }
0x153: {  	[sflag:s5] =	ssyncset.done $0x0  }
0x154: {  	[sflag:s5] =	ssyncadd.s32 $0xFFFFFF80  }
0x155: {  	[tilespmem:s8], [sflag:$0x2] =	stream.indirect.gather [hbm4b:s10+s12], $0x80, s15, s12, $0xb8;
	[tilespmem:$0x8100] =	vst v63  }
0x156: {  	_ =	swait.ge [sflag:s14], $0x4000  }
0x157: {  	s0 =	sld [smem:$0x7FD]  }
0x158: {  	[sflag:s14] =	ssyncset.done $0x0  }
0x159: {  	[sflag:s14] =	ssyncadd.s32 $0xFFFFC000  }
0x15a: {  	[hbm4b:s0+s2] =	stream.linear.scatter [tilespmem:s12], [sflag:$0x3], $0x4000, $0x38;
	[tilespmem:$0x8100] =	vst v63  }
0x15b: {  	_ =	swait.ge [sflag:s5], $0x4000  }
0x15c: {  	[sflag:s5] =	ssyncset.done $0x0  }
0x15d: {  	[sflag:s5] =	ssyncadd.s32 $0xFFFFC000  }
0x15e: {  	[tilespmem:s2], [sflag:$0x3] =	stream.linear.gather [hbm4b:s28+s2], $0x80, $0x38;
	[tilespmem:$0x8100] =	vst v63  }
0x15f: {  	_ =	swait.ge [sflag:s5], $0x80  }
0x160: {  	[sflag:s5] =	ssyncset.done $0x0  }
0x161: {  	[sflag:s5] =	ssyncadd.s32 $0xFFFFFF80  }
0x162: {  	[tilespmem:s12], [sflag:$0x1] =	stream.indirect.gather [hbm4b:s10+s12], $0x80, s2, s12, $0xb8;
	[tilespmem:$0x8100] =	vst v63  }
0x163: {  	_ =	swait.ge [sflag:s9], $0x4000  }
0x164: {  	[sflag:s9] =	ssyncset.done $0x0  }
0x165: {  	[sflag:s9] =	ssyncadd.s32 $0xFFFFC000  }
0x166: {  	[hbm4b:s31+s2] =	stream.linear.scatter [tilespmem:s8], [sflag:$0x3], $0x4000, $0x38;
	[tilespmem:$0x8100] =	vst v63  }
0x167: {  	_ =	swait.ge [sflag:s5], $0x4000  }
0x168: {  	[sflag:s5] =	ssyncset.done $0x0  }
0x169: {  	[sflag:s5] =	ssyncadd.s32 $0xFFFFC000  }
0x16a: {  	[tilespmem:s15], [sflag:$0x3] =	stream.linear.gather [hbm4b:s26+s2], $0x80, $0x38;
	[tilespmem:$0x8100] =	vst v63  }
0x16b: {  	_ =	swait.ge [sflag:s5], $0x80  }
0x16c: {  	[sflag:s5] =	ssyncset.done $0x0  }
0x16d: {  	[sflag:s5] =	ssyncadd.s32 $0xFFFFFF80  }
0x16e: {  	[tilespmem:s8], [sflag:$0x2] =	stream.indirect.gather [hbm4b:s10+s12], $0x80, s15, s12, $0xb8;
	[tilespmem:$0x8100] =	vst v63  }
0x16f: {  	_ =	swait.ge [sflag:s14], $0x4000  }
0x170: {  	[sflag:s14] =	ssyncset.done $0x0  }
0x171: {  	[sflag:s14] =	ssyncadd.s32 $0xFFFFC000  }
0x172: {  	[hbm4b:s30+s2] =	stream.linear.scatter [tilespmem:s12], [sflag:$0x3], $0x4000, $0x38;
	[tilespmem:$0x8100] =	vst v63  }
0x173: {  	_ =	swait.ge [sflag:s5], $0x4000  }
0x174: {  	[sflag:s5] =	ssyncset.done $0x0  }
0x175: {  	[sflag:s5] =	ssyncadd.s32 $0xFFFFC000  }
0x176: {  	[tilespmem:s2], [sflag:$0x3] =	stream.linear.gather [hbm4b:s24+s2], $0x80, $0x38;
	[tilespmem:$0x8100] =	vst v63  }
0x177: {  	_ =	swait.ge [sflag:s5], $0x80  }
0x178: {  	[sflag:s5] =	ssyncset.done $0x0  }
0x179: {  	[sflag:s5] =	ssyncadd.s32 $0xFFFFFF80  }
0x17a: {  	[tilespmem:s12], [sflag:$0x1] =	stream.indirect.gather [hbm4b:s10+s12], $0x80, s2, s12, $0xb8;
	[tilespmem:$0x8100] =	vst v63  }
0x17b: {  	_ =	swait.ge [sflag:s9], $0x4000  }
0x17c: {  	[sflag:s9] =	ssyncset.done $0x0  }
0x17d: {  	[sflag:s9] =	ssyncadd.s32 $0xFFFFC000  }
0x17e: {  	[hbm4b:s29+s2] =	stream.linear.scatter [tilespmem:s8], [sflag:$0x3], $0x4000, $0x38;
	[tilespmem:$0x8100] =	vst v63  }
0x17f: {  	_ =	swait.ge [sflag:s5], $0x4000  }
0x180: {  	[sflag:s5] =	ssyncset.done $0x0  }
0x181: {  	[sflag:s5] =	ssyncadd.s32 $0xFFFFC000  }
0x182: {  	[tilespmem:s15], [sflag:$0x3] =	stream.linear.gather [hbm4b:s22+s2], $0x80, $0x38;
	[tilespmem:$0x8100] =	vst v63  }
0x183: {  	_ =	swait.ge [sflag:s5], $0x80  }
0x184: {  	[sflag:s5] =	ssyncset.done $0x0  }
0x185: {  	[sflag:s5] =	ssyncadd.s32 $0xFFFFFF80  }
0x186: {  	[tilespmem:s8], [sflag:$0x2] =	stream.indirect.gather [hbm4b:s10+s12], $0x80, s15, s12, $0xb8;
	[tilespmem:$0x8100] =	vst v63  }
0x187: {  	_ =	swait.ge [sflag:s14], $0x4000  }
0x188: {  	[sflag:s14] =	ssyncset.done $0x0  }
0x189: {  	[sflag:s14] =	ssyncadd.s32 $0xFFFFC000  }
0x18a: {  	[hbm4b:s25+s2] =	stream.linear.scatter [tilespmem:s12], [sflag:$0x3], $0x4000, $0x38;
	[tilespmem:$0x8100] =	vst v63  }
0x18b: {  	_ =	swait.ge [sflag:s5], $0x4000  }
0x18c: {  	[sflag:s5] =	ssyncset.done $0x0  }
0x18d: {  	[sflag:s5] =	ssyncadd.s32 $0xFFFFC000  }
0x18e: {  	[tilespmem:s2], [sflag:$0x3] =	stream.linear.gather [hbm4b:s20+s2], $0x80, $0x38;
	[tilespmem:$0x8100] =	vst v63  }
0x18f: {  	_ =	swait.ge [sflag:s5], $0x80  }
0x190: {  	[sflag:s5] =	ssyncset.done $0x0  }
0x191: {  	[sflag:s5] =	ssyncadd.s32 $0xFFFFFF80  }
0x192: {  	[tilespmem:s12], [sflag:$0x1] =	stream.indirect.gather [hbm4b:s10+s12], $0x80, s2, s12, $0xb8;
	[tilespmem:$0x8100] =	vst v63  }
0x193: {  	_ =	swait.ge [sflag:s9], $0x4000  }
0x194: {  	[sflag:s9] =	ssyncset.done $0x0  }
0x195: {  	[sflag:s9] =	ssyncadd.s32 $0xFFFFC000  }
0x196: {  	[hbm4b:s23+s2] =	stream.linear.scatter [tilespmem:s8], [sflag:$0x3], $0x4000, $0x38;
	[tilespmem:$0x8100] =	vst v63  }
0x197: {  	_ =	swait.ge [sflag:s5], $0x4000  }
0x198: {  	[sflag:s5] =	ssyncset.done $0x0  }
0x199: {  	[sflag:s5] =	ssyncadd.s32 $0xFFFFC000  }
0x19a: {  	[tilespmem:s15], [sflag:$0x3] =	stream.linear.gather [hbm4b:s18+s2], $0x80, $0x38;
	[tilespmem:$0x8100] =	vst v63  }
0x19b: {  	_ =	swait.ge [sflag:s5], $0x80  }
0x19c: {  	[sflag:s5] =	ssyncset.done $0x0  }
0x19d: {  	[sflag:s5] =	ssyncadd.s32 $0xFFFFFF80  }
0x19e: {  	[tilespmem:s8], [sflag:$0x2] =	stream.indirect.gather [hbm4b:s10+s12], $0x80, s15, s12, $0xb8;
	[tilespmem:$0x8100] =	vst v63  }
0x19f: {  	_ =	swait.ge [sflag:s14], $0x4000  }
0x1a0: {  	[sflag:s14] =	ssyncset.done $0x0  }
0x1a1: {  	[sflag:s14] =	ssyncadd.s32 $0xFFFFC000  }
0x1a2: {  	[hbm4b:s21+s2] =	stream.linear.scatter [tilespmem:s12], [sflag:$0x3], $0x4000, $0x38;
	[tilespmem:$0x8100] =	vst v63  }
0x1a3: {  	_ =	swait.ge [sflag:s5], $0x4000  }
0x1a4: {  	[sflag:s5] =	ssyncset.done $0x0  }
0x1a5: {  	[sflag:s5] =	ssyncadd.s32 $0xFFFFC000  }
0x1a6: {  	[tilespmem:s2], [sflag:$0x3] =	stream.linear.gather [hbm4b:s16+s2], $0x80, $0x38;
	[tilespmem:$0x8100] =	vst v63  }
0x1a7: {  	_ =	swait.ge [sflag:s5], $0x80  }
0x1a8: {  	[sflag:s5] =	ssyncset.done $0x0  }
0x1a9: {  	[sflag:s5] =	ssyncadd.s32 $0xFFFFFF80  }
0x1aa: {  	[tilespmem:s12], [sflag:$0x1] =	stream.indirect.gather [hbm4b:s10+s12], $0x80, s2, s12, $0xb8;
	[tilespmem:$0x8100] =	vst v63  }
0x1ab: {  	_ =	swait.ge [sflag:s9], $0x4000  }
0x1ac: {  	[sflag:s9] =	ssyncset.done $0x0  }
0x1ad: {  	[sflag:s9] =	ssyncadd.s32 $0xFFFFC000  }
0x1ae: {  	[hbm4b:s19+s2] =	stream.linear.scatter [tilespmem:s8], [sflag:$0x3], $0x4000, $0x38;
	[tilespmem:$0x8100] =	vst v63  }
0x1af: {  	_ =	swait.ge [sflag:s5], $0x4000  }
0x1b0: {  	[sflag:s5] =	ssyncset.done $0x0  }
0x1b1: {  	[sflag:s5] =	ssyncadd.s32 $0xFFFFC000  }
0x1b2: {  	[tilespmem:s15], [sflag:$0x3] =	stream.linear.gather [hbm4b:s11+s2], $0x80, $0x38;
	[tilespmem:$0x8100] =	vst v63  }
0x1b3: {  	_ =	swait.ge [sflag:s5], $0x80  }
0x1b4: {  	[sflag:s5] =	ssyncset.done $0x0  }
0x1b5: {  	[sflag:s5] =	ssyncadd.s32 $0xFFFFFF80  }
0x1b6: {  	[tilespmem:s8], [sflag:$0x2] =	stream.indirect.gather [hbm4b:s10+s12], $0x80, s15, s12, $0xb8;
	[tilespmem:$0x8100] =	vst v63  }
0x1b7: {  	_ =	swait.ge [sflag:s14], $0x4000  }
0x1b8: {  	[sflag:s14] =	ssyncset.done $0x0  }
0x1b9: {  	[sflag:s14] =	ssyncadd.s32 $0xFFFFC000  }
0x1ba: {  	[hbm4b:s17+s2] =	stream.linear.scatter [tilespmem:s12], [sflag:$0x3], $0x4000, $0x38;
	[tilespmem:$0x8100] =	vst v63  }
0x1bb: {  	_ =	swait.ge [sflag:s5], $0x4000  }
0x1bc: {  	[sflag:s5] =	ssyncset.done $0x0  }
0x1bd: {  	[sflag:s5] =	ssyncadd.s32 $0xFFFFC000  }
0x1be: {  	[tilespmem:s2], [sflag:$0x3] =	stream.linear.gather [hbm4b:s6+s2], $0x80, $0x38;
	[tilespmem:$0x8100] =	vst v63  }
0x1bf: {  	_ =	swait.ge [sflag:s5], $0x80  }
0x1c0: {  	[sflag:s5] =	ssyncset.done $0x0  }
0x1c1: {  	[sflag:s5] =	ssyncadd.s32 $0xFFFFFF80  }
0x1c2: {  	[tilespmem:s12], [sflag:$0x1] =	stream.indirect.gather [hbm4b:s10+s12], $0x80, s2, s12, $0xb8;
	[tilespmem:$0x8100] =	vst v63  }
0x1c3: {  	_ =	swait.ge [sflag:s9], $0x4000  }
0x1c4: {  	[sflag:s9] =	ssyncset.done $0x0  }
0x1c5: {  	[sflag:s9] =	ssyncadd.s32 $0xFFFFC000  }
0x1c6: {  	[hbm4b:s13+s2] =	stream.linear.scatter [tilespmem:s8], [sflag:$0x3], $0x4000, $0x38;
	[tilespmem:$0x8100] =	vst v63  }
0x1c7: {  	_ =	swait.ge [sflag:s5], $0x4000  }
0x1c8: {  	[sflag:s5] =	ssyncset.done $0x0  }
0x1c9: {  	[sflag:s5] =	ssyncadd.s32 $0xFFFFC000  }
0x1ca: {  	[tilespmem:s15], [sflag:$0x3] =	stream.linear.gather [hbm4b:s3+s2], $0x80, $0x38;
	[tilespmem:$0x8100] =	vst v63  }
0x1cb: {  	_ =	swait.ge [sflag:s5], $0x80  }
0x1cc: {  	[sflag:s5] =	ssyncset.done $0x0  }
0x1cd: {  	[sflag:s5] =	ssyncadd.s32 $0xFFFFFF80  }
0x1ce: {  	[tilespmem:s8], [sflag:$0x2] =	stream.indirect.gather [hbm4b:s10+s12], $0x80, s15, s12, $0xb8;
	[tilespmem:$0x8100] =	vst v63  }
0x1cf: {  	_ =	swait.ge [sflag:s14], $0x4000  }
0x1d0: {  	[sflag:s14] =	ssyncset.done $0x0  }
0x1d1: {  	[sflag:s14] =	ssyncadd.s32 $0xFFFFC000  }
0x1d2: {  	[hbm4b:s7+s2] =	stream.linear.scatter [tilespmem:s12], [sflag:$0x3], $0x4000, $0x38;
	[tilespmem:$0x8100] =	vst v63  }
0x1d3: {  	_ =	swait.ge [sflag:s5], $0x4000  }
0x1d4: {  	[sflag:s5] =	ssyncset.done $0x0  }
0x1d5: {  	[sflag:s5] =	ssyncadd.s32 $0xFFFFC000  }
0x1d6: {  	p1 =	sne.s32 s1, $0x1;
	_ =	swait.ge [sflag:s9], $0x4000  }
.Ltmp1:
0x1d7: {  	[sflag:s9] =	ssyncset.done $0x0;
	(pc) =	sbr.rel @!p1 .LBB2_3-.Ltmp1, $4  }
0x1d8: {  	[sflag:s9] =	ssyncadd.s32 $0xFFFFC000  }
0x1d9: {  	[hbm4b:s4+s2] =	stream.linear.scatter [tilespmem:s8], [sflag:$0x3], $0x4000, $0x38;
	[tilespmem:$0x8100] =	vst v63  }
0x1da: {  	s1 =	sadd.s32 $0xFFFFFFFF, s1;
	_ =	swait.ge [sflag:s5], $0x4000  }
0x1db: {  	p0 =	por $0x1, $0x1;
	s0 =	rddreg [dreg:$0x3];
	[sflag:s5] =	ssyncset.done $0x0  }
.LBB2_2:
0x1dc: {  	[sflag:s5] =	ssyncadd.s32 $0xFFFFC000  }
0x1dd: {  	[tilespmem:s2], [sflag:$0x3] =	stream.linear.gather [hbm4b:s0+s2], $0x80, $0x38;
	[tilespmem:$0x8100] =	vst v63  }
0x1de: {  	_ =	swait.ge [sflag:s5], $0x80  }
0x1df: {  	[sflag:s5] =	ssyncset.done $0x0  }
0x1e0: {  	[sflag:s5] =	ssyncadd.s32 $0xFFFFFF80  }
0x1e1: {  	[tilespmem:s12], [sflag:$0x1] =	stream.indirect.gather [hbm4b:s10+s12], $0x80, s2, s12, $0xb8;
	[tilespmem:$0x8100] =	vst v63  }
0x1e2: {  	s0 =	rddreg [dreg:$0x4]  }
0x1e3: {  	[tilespmem:s15], [sflag:$0x3] =	stream.linear.gather [hbm4b:s0+s2], $0x80, $0x38;
	[tilespmem:$0x8100] =	vst v63  }
0x1e4: {  	_ =	swait.ge [sflag:s5], $0x80  }
0x1e5: {  	[sflag:s5] =	ssyncset.done $0x0  }
0x1e6: {  	[sflag:s5] =	ssyncadd.s32 $0xFFFFFF80  }
0x1e7: {  	[tilespmem:s8], [sflag:$0x2] =	stream.indirect.gather [hbm4b:s10+s12], $0x80, s15, s12, $0xb8;
	[tilespmem:$0x8100] =	vst v63  }
0x1e8: {  	_ =	swait.ge [sflag:s14], $0x4000  }
0x1e9: {  	[sflag:s14] =	ssyncset.done $0x0  }
0x1ea: {  	s0 =	rddreg [dreg:$0x5];
	[sflag:s14] =	ssyncadd.s32 $0xFFFFC000  }
0x1eb: {  	[hbm4b:s0+s2] =	stream.linear.scatter [tilespmem:s12], [sflag:$0x3], $0x4000, $0x38;
	[tilespmem:$0x8100] =	vst v63  }
0x1ec: {  	_ =	swait.ge [sflag:s5], $0x4000  }
0x1ed: {  	[sflag:s5] =	ssyncset.done $0x0  }
0x1ee: {  	s0 =	rddreg [dreg:$0x6];
	[sflag:s5] =	ssyncadd.s32 $0xFFFFC000  }
0x1ef: {  	[tilespmem:s2], [sflag:$0x3] =	stream.linear.gather [hbm4b:s0+s2], $0x80, $0x38;
	[tilespmem:$0x8100] =	vst v63  }
0x1f0: {  	_ =	swait.ge [sflag:s5], $0x80  }
0x1f1: {  	[sflag:s5] =	ssyncset.done $0x0  }
0x1f2: {  	[sflag:s5] =	ssyncadd.s32 $0xFFFFFF80  }
0x1f3: {  	[tilespmem:s12], [sflag:$0x1] =	stream.indirect.gather [hbm4b:s10+s12], $0x80, s2, s12, $0xb8;
	[tilespmem:$0x8100] =	vst v63  }
0x1f4: {  	_ =	swait.ge [sflag:s9], $0x4000  }
0x1f5: {  	[sflag:s9] =	ssyncset.done $0x0  }
0x1f6: {  	s0 =	rddreg [dreg:$0x7];
	[sflag:s9] =	ssyncadd.s32 $0xFFFFC000  }
0x1f7: {  	[hbm4b:s0+s2] =	stream.linear.scatter [tilespmem:s8], [sflag:$0x3], $0x4000, $0x38;
	[tilespmem:$0x8100] =	vst v63  }
0x1f8: {  	_ =	swait.ge [sflag:s5], $0x4000  }
0x1f9: {  	[sflag:s5] =	ssyncset.done $0x0  }
0x1fa: {  	s0 =	rddreg [dreg:$0x8];
	[sflag:s5] =	ssyncadd.s32 $0xFFFFC000  }
0x1fb: {  	[tilespmem:s15], [sflag:$0x3] =	stream.linear.gather [hbm4b:s0+s2], $0x80, $0x38;
	[tilespmem:$0x8100] =	vst v63  }
0x1fc: {  	_ =	swait.ge [sflag:s5], $0x80  }
0x1fd: {  	[sflag:s5] =	ssyncset.done $0x0  }
0x1fe: {  	[sflag:s5] =	ssyncadd.s32 $0xFFFFFF80  }
0x1ff: {  	[tilespmem:s8], [sflag:$0x2] =	stream.indirect.gather [hbm4b:s10+s12], $0x80, s15, s12, $0xb8;
	[tilespmem:$0x8100] =	vst v63  }
0x200: {  	_ =	swait.ge [sflag:s14], $0x4000  }
0x201: {  	[sflag:s14] =	ssyncset.done $0x0  }
0x202: {  	s0 =	rddreg [dreg:$0x9];
	[sflag:s14] =	ssyncadd.s32 $0xFFFFC000  }
0x203: {  	[hbm4b:s0+s2] =	stream.linear.scatter [tilespmem:s12], [sflag:$0x3], $0x4000, $0x38;
	[tilespmem:$0x8100] =	vst v63  }
0x204: {  	_ =	swait.ge [sflag:s5], $0x4000  }
0x205: {  	[sflag:s5] =	ssyncset.done $0x0  }
0x206: {  	s0 =	rddreg [dreg:$0xa];
	[sflag:s5] =	ssyncadd.s32 $0xFFFFC000  }
0x207: {  	[tilespmem:s2], [sflag:$0x3] =	stream.linear.gather [hbm4b:s0+s2], $0x80, $0x38;
	[tilespmem:$0x8100] =	vst v63  }
0x208: {  	_ =	swait.ge [sflag:s5], $0x80  }
0x209: {  	[sflag:s5] =	ssyncset.done $0x0  }
0x20a: {  	[sflag:s5] =	ssyncadd.s32 $0xFFFFFF80  }
0x20b: {  	[tilespmem:s12], [sflag:$0x1] =	stream.indirect.gather [hbm4b:s10+s12], $0x80, s2, s12, $0xb8;
	[tilespmem:$0x8100] =	vst v63  }
0x20c: {  	_ =	swait.ge [sflag:s9], $0x4000  }
0x20d: {  	[sflag:s9] =	ssyncset.done $0x0  }
0x20e: {  	s0 =	rddreg [dreg:$0xb];
	[sflag:s9] =	ssyncadd.s32 $0xFFFFC000  }
0x20f: {  	[hbm4b:s0+s2] =	stream.linear.scatter [tilespmem:s8], [sflag:$0x3], $0x4000, $0x38;
	[tilespmem:$0x8100] =	vst v63  }
0x210: {  	_ =	swait.ge [sflag:s5], $0x4000  }
0x211: {  	[sflag:s5] =	ssyncset.done $0x0  }
0x212: {  	s0 =	rddreg [dreg:$0xc];
	[sflag:s5] =	ssyncadd.s32 $0xFFFFC000  }
0x213: {  	[tilespmem:s15], [sflag:$0x3] =	stream.linear.gather [hbm4b:s0+s2], $0x80, $0x38;
	[tilespmem:$0x8100] =	vst v63  }
0x214: {  	_ =	swait.ge [sflag:s5], $0x80  }
0x215: {  	[sflag:s5] =	ssyncset.done $0x0  }
0x216: {  	[sflag:s5] =	ssyncadd.s32 $0xFFFFFF80  }
0x217: {  	[tilespmem:s8], [sflag:$0x2] =	stream.indirect.gather [hbm4b:s10+s12], $0x80, s15, s12, $0xb8;
	[tilespmem:$0x8100] =	vst v63  }
0x218: {  	_ =	swait.ge [sflag:s14], $0x4000  }
0x219: {  	[sflag:s14] =	ssyncset.done $0x0  }
0x21a: {  	s0 =	rddreg [dreg:$0xd];
	[sflag:s14] =	ssyncadd.s32 $0xFFFFC000  }
0x21b: {  	[hbm4b:s0+s2] =	stream.linear.scatter [tilespmem:s12], [sflag:$0x3], $0x4000, $0x38;
	[tilespmem:$0x8100] =	vst v63  }
0x21c: {  	_ =	swait.ge [sflag:s5], $0x4000  }
0x21d: {  	[sflag:s5] =	ssyncset.done $0x0  }
0x21e: {  	s0 =	rddreg [dreg:$0xe];
	[sflag:s5] =	ssyncadd.s32 $0xFFFFC000  }
0x21f: {  	[tilespmem:s2], [sflag:$0x3] =	stream.linear.gather [hbm4b:s0+s2], $0x80, $0x38;
	[tilespmem:$0x8100] =	vst v63  }
0x220: {  	_ =	swait.ge [sflag:s5], $0x80  }
0x221: {  	[sflag:s5] =	ssyncset.done $0x0  }
0x222: {  	[sflag:s5] =	ssyncadd.s32 $0xFFFFFF80  }
0x223: {  	[tilespmem:s12], [sflag:$0x1] =	stream.indirect.gather [hbm4b:s10+s12], $0x80, s2, s12, $0xb8;
	[tilespmem:$0x8100] =	vst v63  }
0x224: {  	_ =	swait.ge [sflag:s9], $0x4000  }
0x225: {  	[sflag:s9] =	ssyncset.done $0x0  }
0x226: {  	s0 =	rddreg [dreg:$0xf];
	[sflag:s9] =	ssyncadd.s32 $0xFFFFC000  }
0x227: {  	[hbm4b:s0+s2] =	stream.linear.scatter [tilespmem:s8], [sflag:$0x3], $0x4000, $0x38;
	[tilespmem:$0x8100] =	vst v63  }
0x228: {  	_ =	swait.ge [sflag:s5], $0x4000  }
0x229: {  	[sflag:s5] =	ssyncset.done $0x0  }
0x22a: {  	s0 =	rddreg [dreg:$0x10];
	[sflag:s5] =	ssyncadd.s32 $0xFFFFC000  }
0x22b: {  	[tilespmem:s15], [sflag:$0x3] =	stream.linear.gather [hbm4b:s0+s2], $0x80, $0x38;
	[tilespmem:$0x8100] =	vst v63  }
0x22c: {  	_ =	swait.ge [sflag:s5], $0x80  }
0x22d: {  	[sflag:s5] =	ssyncset.done $0x0  }
0x22e: {  	[sflag:s5] =	ssyncadd.s32 $0xFFFFFF80  }
0x22f: {  	[tilespmem:s8], [sflag:$0x2] =	stream.indirect.gather [hbm4b:s10+s12], $0x80, s15, s12, $0xb8;
	[tilespmem:$0x8100] =	vst v63  }
0x230: {  	_ =	swait.ge [sflag:s14], $0x4000  }
0x231: {  	[sflag:s14] =	ssyncset.done $0x0  }
0x232: {  	s0 =	rddreg [dreg:$0x11];
	[sflag:s14] =	ssyncadd.s32 $0xFFFFC000  }
0x233: {  	[hbm4b:s0+s2] =	stream.linear.scatter [tilespmem:s12], [sflag:$0x3], $0x4000, $0x38;
	[tilespmem:$0x8100] =	vst v63  }
0x234: {  	_ =	swait.ge [sflag:s5], $0x4000  }
0x235: {  	[sflag:s5] =	ssyncset.done $0x0  }
0x236: {  	s0 =	rddreg [dreg:$0x12];
	[sflag:s5] =	ssyncadd.s32 $0xFFFFC000  }
0x237: {  	[tilespmem:s2], [sflag:$0x3] =	stream.linear.gather [hbm4b:s0+s2], $0x80, $0x38;
	[tilespmem:$0x8100] =	vst v63  }
0x238: {  	_ =	swait.ge [sflag:s5], $0x80  }
0x239: {  	[sflag:s5] =	ssyncset.done $0x0  }
0x23a: {  	[sflag:s5] =	ssyncadd.s32 $0xFFFFFF80  }
0x23b: {  	[tilespmem:s12], [sflag:$0x1] =	stream.indirect.gather [hbm4b:s10+s12], $0x80, s2, s12, $0xb8;
	[tilespmem:$0x8100] =	vst v63  }
0x23c: {  	_ =	swait.ge [sflag:s9], $0x4000  }
0x23d: {  	[sflag:s9] =	ssyncset.done $0x0  }
0x23e: {  	s0 =	rddreg [dreg:$0x13];
	[sflag:s9] =	ssyncadd.s32 $0xFFFFC000  }
0x23f: {  	[hbm4b:s0+s2] =	stream.linear.scatter [tilespmem:s8], [sflag:$0x3], $0x4000, $0x38;
	[tilespmem:$0x8100] =	vst v63  }
0x240: {  	_ =	swait.ge [sflag:s5], $0x4000  }
0x241: {  	[sflag:s5] =	ssyncset.done $0x0  }
0x242: {  	s0 =	rddreg [dreg:$0x14];
	[sflag:s5] =	ssyncadd.s32 $0xFFFFC000  }
0x243: {  	[tilespmem:s15], [sflag:$0x3] =	stream.linear.gather [hbm4b:s0+s2], $0x80, $0x38;
	[tilespmem:$0x8100] =	vst v63  }
0x244: {  	_ =	swait.ge [sflag:s5], $0x80  }
0x245: {  	[sflag:s5] =	ssyncset.done $0x0  }
0x246: {  	[sflag:s5] =	ssyncadd.s32 $0xFFFFFF80  }
0x247: {  	[tilespmem:s8], [sflag:$0x2] =	stream.indirect.gather [hbm4b:s10+s12], $0x80, s15, s12, $0xb8;
	[tilespmem:$0x8100] =	vst v63  }
0x248: {  	_ =	swait.ge [sflag:s14], $0x4000  }
0x249: {  	[sflag:s14] =	ssyncset.done $0x0  }
0x24a: {  	s0 =	rddreg [dreg:$0x15];
	[sflag:s14] =	ssyncadd.s32 $0xFFFFC000  }
0x24b: {  	[hbm4b:s0+s2] =	stream.linear.scatter [tilespmem:s12], [sflag:$0x3], $0x4000, $0x38;
	[tilespmem:$0x8100] =	vst v63  }
0x24c: {  	_ =	swait.ge [sflag:s5], $0x4000  }
0x24d: {  	[sflag:s5] =	ssyncset.done $0x0  }
0x24e: {  	s0 =	rddreg [dreg:$0x16];
	[sflag:s5] =	ssyncadd.s32 $0xFFFFC000  }
0x24f: {  	[tilespmem:s2], [sflag:$0x3] =	stream.linear.gather [hbm4b:s0+s2], $0x80, $0x38;
	[tilespmem:$0x8100] =	vst v63  }
0x250: {  	_ =	swait.ge [sflag:s5], $0x80  }
0x251: {  	[sflag:s5] =	ssyncset.done $0x0  }
0x252: {  	[sflag:s5] =	ssyncadd.s32 $0xFFFFFF80  }
0x253: {  	[tilespmem:s12], [sflag:$0x1] =	stream.indirect.gather [hbm4b:s10+s12], $0x80, s2, s12, $0xb8;
	[tilespmem:$0x8100] =	vst v63  }
0x254: {  	_ =	swait.ge [sflag:s9], $0x4000  }
0x255: {  	[sflag:s9] =	ssyncset.done $0x0  }
0x256: {  	s0 =	rddreg [dreg:$0x17];
	[sflag:s9] =	ssyncadd.s32 $0xFFFFC000  }
0x257: {  	[hbm4b:s0+s2] =	stream.linear.scatter [tilespmem:s8], [sflag:$0x3], $0x4000, $0x38;
	[tilespmem:$0x8100] =	vst v63  }
0x258: {  	_ =	swait.ge [sflag:s5], $0x4000  }
0x259: {  	[sflag:s5] =	ssyncset.done $0x0  }
0x25a: {  	s0 =	rddreg [dreg:$0x18];
	[sflag:s5] =	ssyncadd.s32 $0xFFFFC000  }
0x25b: {  	[tilespmem:s15], [sflag:$0x3] =	stream.linear.gather [hbm4b:s0+s2], $0x80, $0x38;
	[tilespmem:$0x8100] =	vst v63  }
0x25c: {  	_ =	swait.ge [sflag:s5], $0x80  }
0x25d: {  	[sflag:s5] =	ssyncset.done $0x0  }
0x25e: {  	[sflag:s5] =	ssyncadd.s32 $0xFFFFFF80  }
0x25f: {  	[tilespmem:s8], [sflag:$0x2] =	stream.indirect.gather [hbm4b:s10+s12], $0x80, s15, s12, $0xb8;
	[tilespmem:$0x8100] =	vst v63  }
0x260: {  	_ =	swait.ge [sflag:s14], $0x4000  }
0x261: {  	[sflag:s14] =	ssyncset.done $0x0  }
0x262: {  	s0 =	rddreg [dreg:$0x19];
	[sflag:s14] =	ssyncadd.s32 $0xFFFFC000  }
0x263: {  	[hbm4b:s0+s2] =	stream.linear.scatter [tilespmem:s12], [sflag:$0x3], $0x4000, $0x38;
	[tilespmem:$0x8100] =	vst v63  }
0x264: {  	_ =	swait.ge [sflag:s5], $0x4000  }
0x265: {  	[sflag:s5] =	ssyncset.done $0x0  }
0x266: {  	s0 =	rddreg [dreg:$0x1a];
	[sflag:s5] =	ssyncadd.s32 $0xFFFFC000  }
0x267: {  	[tilespmem:s2], [sflag:$0x3] =	stream.linear.gather [hbm4b:s0+s2], $0x80, $0x38;
	[tilespmem:$0x8100] =	vst v63  }
0x268: {  	_ =	swait.ge [sflag:s5], $0x80  }
0x269: {  	[sflag:s5] =	ssyncset.done $0x0  }
0x26a: {  	[sflag:s5] =	ssyncadd.s32 $0xFFFFFF80  }
0x26b: {  	[tilespmem:s12], [sflag:$0x1] =	stream.indirect.gather [hbm4b:s10+s12], $0x80, s2, s12, $0xb8;
	[tilespmem:$0x8100] =	vst v63  }
0x26c: {  	_ =	swait.ge [sflag:s9], $0x4000  }
0x26d: {  	[sflag:s9] =	ssyncset.done $0x0  }
0x26e: {  	s0 =	rddreg [dreg:$0x1b];
	[sflag:s9] =	ssyncadd.s32 $0xFFFFC000  }
0x26f: {  	[hbm4b:s0+s2] =	stream.linear.scatter [tilespmem:s8], [sflag:$0x3], $0x4000, $0x38;
	[tilespmem:$0x8100] =	vst v63  }
0x270: {  	_ =	swait.ge [sflag:s5], $0x4000  }
0x271: {  	[sflag:s5] =	ssyncset.done $0x0  }
0x272: {  	s0 =	rddreg [dreg:$0x1c];
	[sflag:s5] =	ssyncadd.s32 $0xFFFFC000  }
0x273: {  	[tilespmem:s15], [sflag:$0x3] =	stream.linear.gather [hbm4b:s0+s2], $0x80, $0x38;
	[tilespmem:$0x8100] =	vst v63  }
0x274: {  	_ =	swait.ge [sflag:s5], $0x80  }
0x275: {  	[sflag:s5] =	ssyncset.done $0x0  }
0x276: {  	[sflag:s5] =	ssyncadd.s32 $0xFFFFFF80  }
0x277: {  	[tilespmem:s8], [sflag:$0x2] =	stream.indirect.gather [hbm4b:s10+s12], $0x80, s15, s12, $0xb8;
	[tilespmem:$0x8100] =	vst v63  }
0x278: {  	_ =	swait.ge [sflag:s14], $0x4000  }
0x279: {  	[sflag:s14] =	ssyncset.done $0x0  }
0x27a: {  	s0 =	rddreg [dreg:$0x1d];
	[sflag:s14] =	ssyncadd.s32 $0xFFFFC000  }
0x27b: {  	[hbm4b:s0+s2] =	stream.linear.scatter [tilespmem:s12], [sflag:$0x3], $0x4000, $0x38;
	[tilespmem:$0x8100] =	vst v63  }
0x27c: {  	_ =	swait.ge [sflag:s5], $0x4000  }
0x27d: {  	[sflag:s5] =	ssyncset.done $0x0  }
0x27e: {  	s0 =	rddreg [dreg:$0x1e];
	[sflag:s5] =	ssyncadd.s32 $0xFFFFC000  }
0x27f: {  	[tilespmem:s2], [sflag:$0x3] =	stream.linear.gather [hbm4b:s0+s2], $0x80, $0x38;
	[tilespmem:$0x8100] =	vst v63  }
0x280: {  	_ =	swait.ge [sflag:s5], $0x80  }
0x281: {  	[sflag:s5] =	ssyncset.done $0x0  }
0x282: {  	[sflag:s5] =	ssyncadd.s32 $0xFFFFFF80  }
0x283: {  	[tilespmem:s12], [sflag:$0x1] =	stream.indirect.gather [hbm4b:s10+s12], $0x80, s2, s12, $0xb8;
	[tilespmem:$0x8100] =	vst v63  }
0x284: {  	_ =	swait.ge [sflag:s9], $0x4000  }
0x285: {  	[sflag:s9] =	ssyncset.done $0x0  }
0x286: {  	s0 =	rddreg [dreg:$0x1f];
	[sflag:s9] =	ssyncadd.s32 $0xFFFFC000  }
0x287: {  	[hbm4b:s0+s2] =	stream.linear.scatter [tilespmem:s8], [sflag:$0x3], $0x4000, $0x38;
	[tilespmem:$0x8100] =	vst v63  }
0x288: {  	_ =	swait.ge [sflag:s5], $0x4000  }
0x289: {  	s0 =	sld [smem:$0x7F0]  }
0x28a: {  	[sflag:s5] =	ssyncset.done $0x0  }
0x28b: {  	[sflag:s5] =	ssyncadd.s32 $0xFFFFC000  }
0x28c: {  	[tilespmem:s15], [sflag:$0x3] =	stream.linear.gather [hbm4b:s0+s2], $0x80, $0x38;
	[tilespmem:$0x8100] =	vst v63  }
0x28d: {  	_ =	swait.ge [sflag:s5], $0x80  }
0x28e: {  	[sflag:s5] =	ssyncset.done $0x0  }
0x28f: {  	[sflag:s5] =	ssyncadd.s32 $0xFFFFFF80  }
0x290: {  	[tilespmem:s8], [sflag:$0x2] =	stream.indirect.gather [hbm4b:s10+s12], $0x80, s15, s12, $0xb8;
	[tilespmem:$0x8100] =	vst v63  }
0x291: {  	_ =	swait.ge [sflag:s14], $0x4000  }
0x292: {  	s0 =	sld [smem:$0x7F1]  }
0x293: {  	[sflag:s14] =	ssyncset.done $0x0  }
0x294: {  	[sflag:s14] =	ssyncadd.s32 $0xFFFFC000  }
0x295: {  	[hbm4b:s0+s2] =	stream.linear.scatter [tilespmem:s12], [sflag:$0x3], $0x4000, $0x38;
	[tilespmem:$0x8100] =	vst v63  }
0x296: {  	_ =	swait.ge [sflag:s5], $0x4000  }
0x297: {  	s0 =	sld [smem:$0x7F2]  }
0x298: {  	[sflag:s5] =	ssyncset.done $0x0  }
0x299: {  	[sflag:s5] =	ssyncadd.s32 $0xFFFFC000  }
0x29a: {  	[tilespmem:s2], [sflag:$0x3] =	stream.linear.gather [hbm4b:s0+s2], $0x80, $0x38;
	[tilespmem:$0x8100] =	vst v63  }
0x29b: {  	_ =	swait.ge [sflag:s5], $0x80  }
0x29c: {  	[sflag:s5] =	ssyncset.done $0x0  }
0x29d: {  	[sflag:s5] =	ssyncadd.s32 $0xFFFFFF80  }
0x29e: {  	[tilespmem:s12], [sflag:$0x1] =	stream.indirect.gather [hbm4b:s10+s12], $0x80, s2, s12, $0xb8;
	[tilespmem:$0x8100] =	vst v63  }
0x29f: {  	_ =	swait.ge [sflag:s9], $0x4000  }
0x2a0: {  	s0 =	sld [smem:$0x7F3]  }
0x2a1: {  	[sflag:s9] =	ssyncset.done $0x0  }
0x2a2: {  	[sflag:s9] =	ssyncadd.s32 $0xFFFFC000  }
0x2a3: {  	[hbm4b:s0+s2] =	stream.linear.scatter [tilespmem:s8], [sflag:$0x3], $0x4000, $0x38;
	[tilespmem:$0x8100] =	vst v63  }
0x2a4: {  	_ =	swait.ge [sflag:s5], $0x4000  }
0x2a5: {  	s0 =	sld [smem:$0x7F4]  }
0x2a6: {  	[sflag:s5] =	ssyncset.done $0x0  }
0x2a7: {  	[sflag:s5] =	ssyncadd.s32 $0xFFFFC000  }
0x2a8: {  	[tilespmem:s15], [sflag:$0x3] =	stream.linear.gather [hbm4b:s0+s2], $0x80, $0x38;
	[tilespmem:$0x8100] =	vst v63  }
0x2a9: {  	_ =	swait.ge [sflag:s5], $0x80  }
0x2aa: {  	[sflag:s5] =	ssyncset.done $0x0  }
0x2ab: {  	[sflag:s5] =	ssyncadd.s32 $0xFFFFFF80  }
0x2ac: {  	[tilespmem:s8], [sflag:$0x2] =	stream.indirect.gather [hbm4b:s10+s12], $0x80, s15, s12, $0xb8;
	[tilespmem:$0x8100] =	vst v63  }
0x2ad: {  	_ =	swait.ge [sflag:s14], $0x4000  }
0x2ae: {  	s0 =	sld [smem:$0x7F5]  }
0x2af: {  	[sflag:s14] =	ssyncset.done $0x0  }
0x2b0: {  	[sflag:s14] =	ssyncadd.s32 $0xFFFFC000  }
0x2b1: {  	[hbm4b:s0+s2] =	stream.linear.scatter [tilespmem:s12], [sflag:$0x3], $0x4000, $0x38;
	[tilespmem:$0x8100] =	vst v63  }
0x2b2: {  	_ =	swait.ge [sflag:s5], $0x4000  }
0x2b3: {  	s0 =	sld [smem:$0x7F6]  }
0x2b4: {  	[sflag:s5] =	ssyncset.done $0x0  }
0x2b5: {  	[sflag:s5] =	ssyncadd.s32 $0xFFFFC000  }
0x2b6: {  	[tilespmem:s2], [sflag:$0x3] =	stream.linear.gather [hbm4b:s0+s2], $0x80, $0x38;
	[tilespmem:$0x8100] =	vst v63  }
0x2b7: {  	_ =	swait.ge [sflag:s5], $0x80  }
0x2b8: {  	[sflag:s5] =	ssyncset.done $0x0  }
0x2b9: {  	[sflag:s5] =	ssyncadd.s32 $0xFFFFFF80  }
0x2ba: {  	[tilespmem:s12], [sflag:$0x1] =	stream.indirect.gather [hbm4b:s10+s12], $0x80, s2, s12, $0xb8;
	[tilespmem:$0x8100] =	vst v63  }
0x2bb: {  	_ =	swait.ge [sflag:s9], $0x4000  }
0x2bc: {  	s0 =	sld [smem:$0x7F7]  }
0x2bd: {  	[sflag:s9] =	ssyncset.done $0x0  }
0x2be: {  	[sflag:s9] =	ssyncadd.s32 $0xFFFFC000  }
0x2bf: {  	[hbm4b:s0+s2] =	stream.linear.scatter [tilespmem:s8], [sflag:$0x3], $0x4000, $0x38;
	[tilespmem:$0x8100] =	vst v63  }
0x2c0: {  	_ =	swait.ge [sflag:s5], $0x4000  }
0x2c1: {  	s0 =	sld [smem:$0x7F8]  }
0x2c2: {  	[sflag:s5] =	ssyncset.done $0x0  }
0x2c3: {  	[sflag:s5] =	ssyncadd.s32 $0xFFFFC000  }
0x2c4: {  	[tilespmem:s15], [sflag:$0x3] =	stream.linear.gather [hbm4b:s0+s2], $0x80, $0x38;
	[tilespmem:$0x8100] =	vst v63  }
0x2c5: {  	_ =	swait.ge [sflag:s5], $0x80  }
0x2c6: {  	[sflag:s5] =	ssyncset.done $0x0  }
0x2c7: {  	[sflag:s5] =	ssyncadd.s32 $0xFFFFFF80  }
0x2c8: {  	[tilespmem:s8], [sflag:$0x2] =	stream.indirect.gather [hbm4b:s10+s12], $0x80, s15, s12, $0xb8;
	[tilespmem:$0x8100] =	vst v63  }
0x2c9: {  	_ =	swait.ge [sflag:s14], $0x4000  }
0x2ca: {  	s0 =	sld [smem:$0x7F9]  }
0x2cb: {  	[sflag:s14] =	ssyncset.done $0x0  }
0x2cc: {  	[sflag:s14] =	ssyncadd.s32 $0xFFFFC000  }
0x2cd: {  	[hbm4b:s0+s2] =	stream.linear.scatter [tilespmem:s12], [sflag:$0x3], $0x4000, $0x38;
	[tilespmem:$0x8100] =	vst v63  }
0x2ce: {  	_ =	swait.ge [sflag:s5], $0x4000  }
0x2cf: {  	s0 =	sld [smem:$0x7FA]  }
0x2d0: {  	[sflag:s5] =	ssyncset.done $0x0  }
0x2d1: {  	[sflag:s5] =	ssyncadd.s32 $0xFFFFC000  }
0x2d2: {  	[tilespmem:s2], [sflag:$0x3] =	stream.linear.gather [hbm4b:s0+s2], $0x80, $0x38;
	[tilespmem:$0x8100] =	vst v63  }
0x2d3: {  	_ =	swait.ge [sflag:s5], $0x80  }
0x2d4: {  	[sflag:s5] =	ssyncset.done $0x0  }
0x2d5: {  	[sflag:s5] =	ssyncadd.s32 $0xFFFFFF80  }
0x2d6: {  	[tilespmem:s12], [sflag:$0x1] =	stream.indirect.gather [hbm4b:s10+s12], $0x80, s2, s12, $0xb8;
	[tilespmem:$0x8100] =	vst v63  }
0x2d7: {  	_ =	swait.ge [sflag:s9], $0x4000  }
0x2d8: {  	s0 =	sld [smem:$0x7FB]  }
0x2d9: {  	[sflag:s9] =	ssyncset.done $0x0  }
0x2da: {  	[sflag:s9] =	ssyncadd.s32 $0xFFFFC000  }
0x2db: {  	[hbm4b:s0+s2] =	stream.linear.scatter [tilespmem:s8], [sflag:$0x3], $0x4000, $0x38;
	[tilespmem:$0x8100] =	vst v63  }
0x2dc: {  	_ =	swait.ge [sflag:s5], $0x4000  }
0x2dd: {  	s0 =	sld [smem:$0x7FC]  }
0x2de: {  	[sflag:s5] =	ssyncset.done $0x0  }
0x2df: {  	[sflag:s5] =	ssyncadd.s32 $0xFFFFC000  }
0x2e0: {  	[tilespmem:s15], [sflag:$0x3] =	stream.linear.gather [hbm4b:s0+s2], $0x80, $0x38;
	[tilespmem:$0x8100] =	vst v63  }
0x2e1: {  	_ =	swait.ge [sflag:s5], $0x80  }
0x2e2: {  	[sflag:s5] =	ssyncset.done $0x0  }
0x2e3: {  	[sflag:s5] =	ssyncadd.s32 $0xFFFFFF80  }
0x2e4: {  	[tilespmem:s8], [sflag:$0x2] =	stream.indirect.gather [hbm4b:s10+s12], $0x80, s15, s12, $0xb8;
	[tilespmem:$0x8100] =	vst v63  }
0x2e5: {  	_ =	swait.ge [sflag:s14], $0x4000  }
0x2e6: {  	s0 =	sld [smem:$0x7FD]  }
0x2e7: {  	[sflag:s14] =	ssyncset.done $0x0  }
0x2e8: {  	[sflag:s14] =	ssyncadd.s32 $0xFFFFC000  }
0x2e9: {  	[hbm4b:s0+s2] =	stream.linear.scatter [tilespmem:s12], [sflag:$0x3], $0x4000, $0x38;
	[tilespmem:$0x8100] =	vst v63  }
0x2ea: {  	_ =	swait.ge [sflag:s5], $0x4000  }
0x2eb: {  	[sflag:s5] =	ssyncset.done $0x0  }
0x2ec: {  	[sflag:s5] =	ssyncadd.s32 $0xFFFFC000  }
0x2ed: {  	[tilespmem:s2], [sflag:$0x3] =	stream.linear.gather [hbm4b:s28+s2], $0x80, $0x38;
	[tilespmem:$0x8100] =	vst v63  }
0x2ee: {  	_ =	swait.ge [sflag:s5], $0x80  }
0x2ef: {  	[sflag:s5] =	ssyncset.done $0x0  }
0x2f0: {  	[sflag:s5] =	ssyncadd.s32 $0xFFFFFF80  }
0x2f1: {  	[tilespmem:s12], [sflag:$0x1] =	stream.indirect.gather [hbm4b:s10+s12], $0x80, s2, s12, $0xb8;
	[tilespmem:$0x8100] =	vst v63  }
0x2f2: {  	_ =	swait.ge [sflag:s9], $0x4000  }
0x2f3: {  	[sflag:s9] =	ssyncset.done $0x0  }
0x2f4: {  	[sflag:s9] =	ssyncadd.s32 $0xFFFFC000  }
0x2f5: {  	[hbm4b:s31+s2] =	stream.linear.scatter [tilespmem:s8], [sflag:$0x3], $0x4000, $0x38;
	[tilespmem:$0x8100] =	vst v63  }
0x2f6: {  	_ =	swait.ge [sflag:s5], $0x4000  }
0x2f7: {  	[sflag:s5] =	ssyncset.done $0x0  }
0x2f8: {  	[sflag:s5] =	ssyncadd.s32 $0xFFFFC000  }
0x2f9: {  	[tilespmem:s15], [sflag:$0x3] =	stream.linear.gather [hbm4b:s26+s2], $0x80, $0x38;
	[tilespmem:$0x8100] =	vst v63  }
0x2fa: {  	_ =	swait.ge [sflag:s5], $0x80  }
0x2fb: {  	[sflag:s5] =	ssyncset.done $0x0  }
0x2fc: {  	[sflag:s5] =	ssyncadd.s32 $0xFFFFFF80  }
0x2fd: {  	[tilespmem:s8], [sflag:$0x2] =	stream.indirect.gather [hbm4b:s10+s12], $0x80, s15, s12, $0xb8;
	[tilespmem:$0x8100] =	vst v63  }
0x2fe: {  	_ =	swait.ge [sflag:s14], $0x4000  }
0x2ff: {  	[sflag:s14] =	ssyncset.done $0x0  }
0x300: {  	[sflag:s14] =	ssyncadd.s32 $0xFFFFC000  }
0x301: {  	[hbm4b:s30+s2] =	stream.linear.scatter [tilespmem:s12], [sflag:$0x3], $0x4000, $0x38;
	[tilespmem:$0x8100] =	vst v63  }
0x302: {  	_ =	swait.ge [sflag:s5], $0x4000  }
0x303: {  	[sflag:s5] =	ssyncset.done $0x0  }
0x304: {  	[sflag:s5] =	ssyncadd.s32 $0xFFFFC000  }
0x305: {  	[tilespmem:s2], [sflag:$0x3] =	stream.linear.gather [hbm4b:s24+s2], $0x80, $0x38;
	[tilespmem:$0x8100] =	vst v63  }
0x306: {  	_ =	swait.ge [sflag:s5], $0x80  }
0x307: {  	[sflag:s5] =	ssyncset.done $0x0  }
0x308: {  	[sflag:s5] =	ssyncadd.s32 $0xFFFFFF80  }
0x309: {  	[tilespmem:s12], [sflag:$0x1] =	stream.indirect.gather [hbm4b:s10+s12], $0x80, s2, s12, $0xb8;
	[tilespmem:$0x8100] =	vst v63  }
0x30a: {  	_ =	swait.ge [sflag:s9], $0x4000  }
0x30b: {  	[sflag:s9] =	ssyncset.done $0x0  }
0x30c: {  	[sflag:s9] =	ssyncadd.s32 $0xFFFFC000  }
0x30d: {  	[hbm4b:s29+s2] =	stream.linear.scatter [tilespmem:s8], [sflag:$0x3], $0x4000, $0x38;
	[tilespmem:$0x8100] =	vst v63  }
0x30e: {  	_ =	swait.ge [sflag:s5], $0x4000  }
0x30f: {  	[sflag:s5] =	ssyncset.done $0x0  }
0x310: {  	[sflag:s5] =	ssyncadd.s32 $0xFFFFC000  }
0x311: {  	[tilespmem:s15], [sflag:$0x3] =	stream.linear.gather [hbm4b:s22+s2], $0x80, $0x38;
	[tilespmem:$0x8100] =	vst v63  }
0x312: {  	_ =	swait.ge [sflag:s5], $0x80  }
0x313: {  	[sflag:s5] =	ssyncset.done $0x0  }
0x314: {  	[sflag:s5] =	ssyncadd.s32 $0xFFFFFF80  }
0x315: {  	[tilespmem:s8], [sflag:$0x2] =	stream.indirect.gather [hbm4b:s10+s12], $0x80, s15, s12, $0xb8;
	[tilespmem:$0x8100] =	vst v63  }
0x316: {  	_ =	swait.ge [sflag:s14], $0x4000  }
0x317: {  	[sflag:s14] =	ssyncset.done $0x0  }
0x318: {  	[sflag:s14] =	ssyncadd.s32 $0xFFFFC000  }
0x319: {  	[hbm4b:s25+s2] =	stream.linear.scatter [tilespmem:s12], [sflag:$0x3], $0x4000, $0x38;
	[tilespmem:$0x8100] =	vst v63  }
0x31a: {  	_ =	swait.ge [sflag:s5], $0x4000  }
0x31b: {  	[sflag:s5] =	ssyncset.done $0x0  }
0x31c: {  	[sflag:s5] =	ssyncadd.s32 $0xFFFFC000  }
0x31d: {  	[tilespmem:s2], [sflag:$0x3] =	stream.linear.gather [hbm4b:s20+s2], $0x80, $0x38;
	[tilespmem:$0x8100] =	vst v63  }
0x31e: {  	_ =	swait.ge [sflag:s5], $0x80  }
0x31f: {  	[sflag:s5] =	ssyncset.done $0x0  }
0x320: {  	[sflag:s5] =	ssyncadd.s32 $0xFFFFFF80  }
0x321: {  	[tilespmem:s12], [sflag:$0x1] =	stream.indirect.gather [hbm4b:s10+s12], $0x80, s2, s12, $0xb8;
	[tilespmem:$0x8100] =	vst v63  }
0x322: {  	_ =	swait.ge [sflag:s9], $0x4000  }
0x323: {  	[sflag:s9] =	ssyncset.done $0x0  }
0x324: {  	[sflag:s9] =	ssyncadd.s32 $0xFFFFC000  }
0x325: {  	[hbm4b:s23+s2] =	stream.linear.scatter [tilespmem:s8], [sflag:$0x3], $0x4000, $0x38;
	[tilespmem:$0x8100] =	vst v63  }
0x326: {  	_ =	swait.ge [sflag:s5], $0x4000  }
0x327: {  	[sflag:s5] =	ssyncset.done $0x0  }
0x328: {  	[sflag:s5] =	ssyncadd.s32 $0xFFFFC000  }
0x329: {  	[tilespmem:s15], [sflag:$0x3] =	stream.linear.gather [hbm4b:s18+s2], $0x80, $0x38;
	[tilespmem:$0x8100] =	vst v63  }
0x32a: {  	_ =	swait.ge [sflag:s5], $0x80  }
0x32b: {  	[sflag:s5] =	ssyncset.done $0x0  }
0x32c: {  	[sflag:s5] =	ssyncadd.s32 $0xFFFFFF80  }
0x32d: {  	[tilespmem:s8], [sflag:$0x2] =	stream.indirect.gather [hbm4b:s10+s12], $0x80, s15, s12, $0xb8;
	[tilespmem:$0x8100] =	vst v63  }
0x32e: {  	_ =	swait.ge [sflag:s14], $0x4000  }
0x32f: {  	[sflag:s14] =	ssyncset.done $0x0  }
0x330: {  	[sflag:s14] =	ssyncadd.s32 $0xFFFFC000  }
0x331: {  	[hbm4b:s21+s2] =	stream.linear.scatter [tilespmem:s12], [sflag:$0x3], $0x4000, $0x38;
	[tilespmem:$0x8100] =	vst v63  }
0x332: {  	_ =	swait.ge [sflag:s5], $0x4000  }
0x333: {  	[sflag:s5] =	ssyncset.done $0x0  }
0x334: {  	[sflag:s5] =	ssyncadd.s32 $0xFFFFC000  }
0x335: {  	[tilespmem:s2], [sflag:$0x3] =	stream.linear.gather [hbm4b:s16+s2], $0x80, $0x38;
	[tilespmem:$0x8100] =	vst v63  }
0x336: {  	_ =	swait.ge [sflag:s5], $0x80  }
0x337: {  	[sflag:s5] =	ssyncset.done $0x0  }
0x338: {  	[sflag:s5] =	ssyncadd.s32 $0xFFFFFF80  }
0x339: {  	[tilespmem:s12], [sflag:$0x1] =	stream.indirect.gather [hbm4b:s10+s12], $0x80, s2, s12, $0xb8;
	[tilespmem:$0x8100] =	vst v63  }
0x33a: {  	_ =	swait.ge [sflag:s9], $0x4000  }
0x33b: {  	[sflag:s9] =	ssyncset.done $0x0  }
0x33c: {  	[sflag:s9] =	ssyncadd.s32 $0xFFFFC000  }
0x33d: {  	[hbm4b:s19+s2] =	stream.linear.scatter [tilespmem:s8], [sflag:$0x3], $0x4000, $0x38;
	[tilespmem:$0x8100] =	vst v63  }
0x33e: {  	_ =	swait.ge [sflag:s5], $0x4000  }
0x33f: {  	[sflag:s5] =	ssyncset.done $0x0  }
0x340: {  	[sflag:s5] =	ssyncadd.s32 $0xFFFFC000  }
0x341: {  	[tilespmem:s15], [sflag:$0x3] =	stream.linear.gather [hbm4b:s11+s2], $0x80, $0x38;
	[tilespmem:$0x8100] =	vst v63  }
0x342: {  	_ =	swait.ge [sflag:s5], $0x80  }
0x343: {  	[sflag:s5] =	ssyncset.done $0x0  }
0x344: {  	[sflag:s5] =	ssyncadd.s32 $0xFFFFFF80  }
0x345: {  	[tilespmem:s8], [sflag:$0x2] =	stream.indirect.gather [hbm4b:s10+s12], $0x80, s15, s12, $0xb8;
	[tilespmem:$0x8100] =	vst v63  }
0x346: {  	_ =	swait.ge [sflag:s14], $0x4000  }
0x347: {  	[sflag:s14] =	ssyncset.done $0x0  }
0x348: {  	[sflag:s14] =	ssyncadd.s32 $0xFFFFC000  }
0x349: {  	[hbm4b:s17+s2] =	stream.linear.scatter [tilespmem:s12], [sflag:$0x3], $0x4000, $0x38;
	[tilespmem:$0x8100] =	vst v63  }
0x34a: {  	_ =	swait.ge [sflag:s5], $0x4000  }
0x34b: {  	[sflag:s5] =	ssyncset.done $0x0  }
0x34c: {  	[sflag:s5] =	ssyncadd.s32 $0xFFFFC000  }
0x34d: {  	[tilespmem:s2], [sflag:$0x3] =	stream.linear.gather [hbm4b:s6+s2], $0x80, $0x38;
	[tilespmem:$0x8100] =	vst v63  }
0x34e: {  	_ =	swait.ge [sflag:s5], $0x80  }
0x34f: {  	[sflag:s5] =	ssyncset.done $0x0  }
0x350: {  	[sflag:s5] =	ssyncadd.s32 $0xFFFFFF80  }
0x351: {  	[tilespmem:s12], [sflag:$0x1] =	stream.indirect.gather [hbm4b:s10+s12], $0x80, s2, s12, $0xb8;
	[tilespmem:$0x8100] =	vst v63  }
0x352: {  	_ =	swait.ge [sflag:s9], $0x4000  }
0x353: {  	[sflag:s9] =	ssyncset.done $0x0  }
0x354: {  	[sflag:s9] =	ssyncadd.s32 $0xFFFFC000  }
0x355: {  	[hbm4b:s13+s2] =	stream.linear.scatter [tilespmem:s8], [sflag:$0x3], $0x4000, $0x38;
	[tilespmem:$0x8100] =	vst v63  }
0x356: {  	_ =	swait.ge [sflag:s5], $0x4000  }
0x357: {  	[sflag:s5] =	ssyncset.done $0x0  }
0x358: {  	[sflag:s5] =	ssyncadd.s32 $0xFFFFC000  }
0x359: {  	[tilespmem:s15], [sflag:$0x3] =	stream.linear.gather [hbm4b:s3+s2], $0x80, $0x38;
	[tilespmem:$0x8100] =	vst v63  }
0x35a: {  	_ =	swait.ge [sflag:s5], $0x80  }
0x35b: {  	[sflag:s5] =	ssyncset.done $0x0  }
0x35c: {  	[sflag:s5] =	ssyncadd.s32 $0xFFFFFF80  }
0x35d: {  	[tilespmem:s8], [sflag:$0x2] =	stream.indirect.gather [hbm4b:s10+s12], $0x80, s15, s12, $0xb8;
	[tilespmem:$0x8100] =	vst v63  }
0x35e: {  	_ =	swait.ge [sflag:s14], $0x4000  }
0x35f: {  	[sflag:s14] =	ssyncset.done $0x0  }
0x360: {  	[sflag:s14] =	ssyncadd.s32 $0xFFFFC000  }
0x361: {  	[hbm4b:s7+s2] =	stream.linear.scatter [tilespmem:s12], [sflag:$0x3], $0x4000, $0x38;
	[tilespmem:$0x8100] =	vst v63  }
0x362: {  	_ =	swait.ge [sflag:s5], $0x4000  }
0x363: {  	[sflag:s5] =	ssyncset.done $0x0  }
0x364: {  	[sflag:s5] =	ssyncadd.s32 $0xFFFFC000  }
0x365: {  	p1 =	sne.s32 s1, $0x1;
	_ =	swait.ge [sflag:s9], $0x4000  }
.Ltmp2:
0x366: {  	[sflag:s9] =	ssyncset.done $0x0;
	(pc) =	sbr.rel @p1 .LBB2_2-.Ltmp2, $4  }
0x367: {  	[sflag:s9] =	ssyncadd.s32 $0xFFFFC000  }
0x368: {  	[hbm4b:s4+s2] =	stream.linear.scatter [tilespmem:s8], [sflag:$0x3], $0x4000, $0x38;
	[tilespmem:$0x8100] =	vst v63  }
0x369: {  	_ =	swait.ge [sflag:s5], $0x4000  }
0x36a: {  	s1 =	sadd.s32 $0xFFFFFFFF, s1;
	s0 =	rddreg [dreg:$0x3];
	[sflag:s5] =	ssyncset.done $0x0  }
.LBB2_3:
0x36b: {  	[sflag:s5] =	ssyncadd.s32 @p0 $0xFFFFC000  }
0x36c: {  	[tilespmem:s2], [sflag:$0x3] =	stream.linear.gather [hbm4b:s0+s2], $0x80, $0x38;
	[tilespmem:$0x8100] =	vst v63  }
0x36d: {  	_ =	swait.ge [sflag:s5], $0x80  }
0x36e: {  	[sflag:s5] =	ssyncset.done $0x0  }
0x36f: {  	[sflag:s5] =	ssyncadd.s32 $0xFFFFFF80  }
0x370: {  	[tilespmem:s12], [sflag:$0x1] =	stream.indirect.gather [hbm4b:s10+s12], $0x80, s2, s12, $0xb8;
	[tilespmem:$0x8100] =	vst v63  }
0x371: {  	s1 =	rddreg [dreg:$0x4]  }
0x372: {  	[tilespmem:s15], [sflag:$0x3] =	stream.linear.gather [hbm4b:s1+s2], $0x80, $0x38;
	[tilespmem:$0x8100] =	vst v63  }
0x373: {  	_ =	swait.ge [sflag:s5], $0x80  }
0x374: {  	[sflag:s5] =	ssyncset.done $0x0  }
0x375: {  	[sflag:s5] =	ssyncadd.s32 $0xFFFFFF80  }
0x376: {  	[tilespmem:s8], [sflag:$0x2] =	stream.indirect.gather [hbm4b:s10+s12], $0x80, s15, s12, $0xb8;
	[tilespmem:$0x8100] =	vst v63  }
0x377: {  	_ =	swait.ge [sflag:s14], $0x4000  }
0x378: {  	[sflag:s14] =	ssyncset.done $0x0  }
0x379: {  	s1 =	rddreg [dreg:$0x5];
	[sflag:s14] =	ssyncadd.s32 $0xFFFFC000  }
0x37a: {  	[hbm4b:s1+s2] =	stream.linear.scatter [tilespmem:s12], [sflag:$0x3], $0x4000, $0x38;
	[tilespmem:$0x8100] =	vst v63  }
0x37b: {  	_ =	swait.ge [sflag:s5], $0x4000  }
0x37c: {  	[sflag:s5] =	ssyncset.done $0x0  }
0x37d: {  	s1 =	rddreg [dreg:$0x6];
	[sflag:s5] =	ssyncadd.s32 $0xFFFFC000  }
0x37e: {  	[tilespmem:s2], [sflag:$0x3] =	stream.linear.gather [hbm4b:s1+s2], $0x80, $0x38;
	[tilespmem:$0x8100] =	vst v63  }
0x37f: {  	_ =	swait.ge [sflag:s5], $0x80  }
0x380: {  	[sflag:s5] =	ssyncset.done $0x0  }
0x381: {  	[sflag:s5] =	ssyncadd.s32 $0xFFFFFF80  }
0x382: {  	[tilespmem:s12], [sflag:$0x1] =	stream.indirect.gather [hbm4b:s10+s12], $0x80, s2, s12, $0xb8;
	[tilespmem:$0x8100] =	vst v63  }
0x383: {  	_ =	swait.ge [sflag:s9], $0x4000  }
0x384: {  	[sflag:s9] =	ssyncset.done $0x0  }
0x385: {  	s1 =	rddreg [dreg:$0x7];
	[sflag:s9] =	ssyncadd.s32 $0xFFFFC000  }
0x386: {  	[hbm4b:s1+s2] =	stream.linear.scatter [tilespmem:s8], [sflag:$0x3], $0x4000, $0x38;
	[tilespmem:$0x8100] =	vst v63  }
0x387: {  	_ =	swait.ge [sflag:s5], $0x4000  }
0x388: {  	[sflag:s5] =	ssyncset.done $0x0  }
0x389: {  	s1 =	rddreg [dreg:$0x8];
	[sflag:s5] =	ssyncadd.s32 $0xFFFFC000  }
0x38a: {  	[tilespmem:s15], [sflag:$0x3] =	stream.linear.gather [hbm4b:s1+s2], $0x80, $0x38;
	[tilespmem:$0x8100] =	vst v63  }
0x38b: {  	_ =	swait.ge [sflag:s5], $0x80  }
0x38c: {  	[sflag:s5] =	ssyncset.done $0x0  }
0x38d: {  	[sflag:s5] =	ssyncadd.s32 $0xFFFFFF80  }
0x38e: {  	[tilespmem:s8], [sflag:$0x2] =	stream.indirect.gather [hbm4b:s10+s12], $0x80, s15, s12, $0xb8;
	[tilespmem:$0x8100] =	vst v63  }
0x38f: {  	_ =	swait.ge [sflag:s14], $0x4000  }
0x390: {  	[sflag:s14] =	ssyncset.done $0x0  }
0x391: {  	s1 =	rddreg [dreg:$0x9];
	[sflag:s14] =	ssyncadd.s32 $0xFFFFC000  }
0x392: {  	[hbm4b:s1+s2] =	stream.linear.scatter [tilespmem:s12], [sflag:$0x3], $0x4000, $0x38;
	[tilespmem:$0x8100] =	vst v63  }
0x393: {  	_ =	swait.ge [sflag:s5], $0x4000  }
0x394: {  	[sflag:s5] =	ssyncset.done $0x0  }
0x395: {  	s1 =	rddreg [dreg:$0xa];
	[sflag:s5] =	ssyncadd.s32 $0xFFFFC000  }
0x396: {  	[tilespmem:s2], [sflag:$0x3] =	stream.linear.gather [hbm4b:s1+s2], $0x80, $0x38;
	[tilespmem:$0x8100] =	vst v63  }
0x397: {  	_ =	swait.ge [sflag:s5], $0x80  }
0x398: {  	[sflag:s5] =	ssyncset.done $0x0  }
0x399: {  	[sflag:s5] =	ssyncadd.s32 $0xFFFFFF80  }
0x39a: {  	[tilespmem:s12], [sflag:$0x1] =	stream.indirect.gather [hbm4b:s10+s12], $0x80, s2, s12, $0xb8;
	[tilespmem:$0x8100] =	vst v63  }
0x39b: {  	_ =	swait.ge [sflag:s9], $0x4000  }
0x39c: {  	[sflag:s9] =	ssyncset.done $0x0  }
0x39d: {  	s1 =	rddreg [dreg:$0xb];
	[sflag:s9] =	ssyncadd.s32 $0xFFFFC000  }
0x39e: {  	[hbm4b:s1+s2] =	stream.linear.scatter [tilespmem:s8], [sflag:$0x3], $0x4000, $0x38;
	[tilespmem:$0x8100] =	vst v63  }
0x39f: {  	_ =	swait.ge [sflag:s5], $0x4000  }
0x3a0: {  	[sflag:s5] =	ssyncset.done $0x0  }
0x3a1: {  	s1 =	rddreg [dreg:$0xc];
	[sflag:s5] =	ssyncadd.s32 $0xFFFFC000  }
0x3a2: {  	[tilespmem:s15], [sflag:$0x3] =	stream.linear.gather [hbm4b:s1+s2], $0x80, $0x38;
	[tilespmem:$0x8100] =	vst v63  }
0x3a3: {  	_ =	swait.ge [sflag:s5], $0x80  }
0x3a4: {  	[sflag:s5] =	ssyncset.done $0x0  }
0x3a5: {  	[sflag:s5] =	ssyncadd.s32 $0xFFFFFF80  }
0x3a6: {  	[tilespmem:s8], [sflag:$0x2] =	stream.indirect.gather [hbm4b:s10+s12], $0x80, s15, s12, $0xb8;
	[tilespmem:$0x8100] =	vst v63  }
0x3a7: {  	_ =	swait.ge [sflag:s14], $0x4000  }
0x3a8: {  	[sflag:s14] =	ssyncset.done $0x0  }
0x3a9: {  	s1 =	rddreg [dreg:$0xd];
	[sflag:s14] =	ssyncadd.s32 $0xFFFFC000  }
0x3aa: {  	[hbm4b:s1+s2] =	stream.linear.scatter [tilespmem:s12], [sflag:$0x3], $0x4000, $0x38;
	[tilespmem:$0x8100] =	vst v63  }
0x3ab: {  	_ =	swait.ge [sflag:s5], $0x4000  }
0x3ac: {  	[sflag:s5] =	ssyncset.done $0x0  }
0x3ad: {  	s1 =	rddreg [dreg:$0xe];
	[sflag:s5] =	ssyncadd.s32 $0xFFFFC000  }
0x3ae: {  	[tilespmem:s2], [sflag:$0x3] =	stream.linear.gather [hbm4b:s1+s2], $0x80, $0x38;
	[tilespmem:$0x8100] =	vst v63  }
0x3af: {  	_ =	swait.ge [sflag:s5], $0x80  }
0x3b0: {  	[sflag:s5] =	ssyncset.done $0x0  }
0x3b1: {  	[sflag:s5] =	ssyncadd.s32 $0xFFFFFF80  }
0x3b2: {  	[tilespmem:s12], [sflag:$0x1] =	stream.indirect.gather [hbm4b:s10+s12], $0x80, s2, s12, $0xb8;
	[tilespmem:$0x8100] =	vst v63  }
0x3b3: {  	_ =	swait.ge [sflag:s9], $0x4000  }
0x3b4: {  	[sflag:s9] =	ssyncset.done $0x0  }
0x3b5: {  	s1 =	rddreg [dreg:$0xf];
	[sflag:s9] =	ssyncadd.s32 $0xFFFFC000  }
0x3b6: {  	[hbm4b:s1+s2] =	stream.linear.scatter [tilespmem:s8], [sflag:$0x3], $0x4000, $0x38;
	[tilespmem:$0x8100] =	vst v63  }
0x3b7: {  	_ =	swait.ge [sflag:s5], $0x4000  }
0x3b8: {  	[sflag:s5] =	ssyncset.done $0x0  }
0x3b9: {  	s1 =	rddreg [dreg:$0x10];
	[sflag:s5] =	ssyncadd.s32 $0xFFFFC000  }
0x3ba: {  	[tilespmem:s15], [sflag:$0x3] =	stream.linear.gather [hbm4b:s1+s2], $0x80, $0x38;
	[tilespmem:$0x8100] =	vst v63  }
0x3bb: {  	_ =	swait.ge [sflag:s5], $0x80  }
0x3bc: {  	[sflag:s5] =	ssyncset.done $0x0  }
0x3bd: {  	[sflag:s5] =	ssyncadd.s32 $0xFFFFFF80  }
0x3be: {  	[tilespmem:s8], [sflag:$0x2] =	stream.indirect.gather [hbm4b:s10+s12], $0x80, s15, s12, $0xb8;
	[tilespmem:$0x8100] =	vst v63  }
0x3bf: {  	_ =	swait.ge [sflag:s14], $0x4000  }
0x3c0: {  	[sflag:s14] =	ssyncset.done $0x0  }
0x3c1: {  	s1 =	rddreg [dreg:$0x11];
	[sflag:s14] =	ssyncadd.s32 $0xFFFFC000  }
0x3c2: {  	[hbm4b:s1+s2] =	stream.linear.scatter [tilespmem:s12], [sflag:$0x3], $0x4000, $0x38;
	[tilespmem:$0x8100] =	vst v63  }
0x3c3: {  	_ =	swait.ge [sflag:s5], $0x4000  }
0x3c4: {  	[sflag:s5] =	ssyncset.done $0x0  }
0x3c5: {  	s1 =	rddreg [dreg:$0x12];
	[sflag:s5] =	ssyncadd.s32 $0xFFFFC000  }
0x3c6: {  	[tilespmem:s2], [sflag:$0x3] =	stream.linear.gather [hbm4b:s1+s2], $0x80, $0x38;
	[tilespmem:$0x8100] =	vst v63  }
0x3c7: {  	_ =	swait.ge [sflag:s5], $0x80  }
0x3c8: {  	[sflag:s5] =	ssyncset.done $0x0  }
0x3c9: {  	[sflag:s5] =	ssyncadd.s32 $0xFFFFFF80  }
0x3ca: {  	[tilespmem:s12], [sflag:$0x1] =	stream.indirect.gather [hbm4b:s10+s12], $0x80, s2, s12, $0xb8;
	[tilespmem:$0x8100] =	vst v63  }
0x3cb: {  	_ =	swait.ge [sflag:s9], $0x4000  }
0x3cc: {  	[sflag:s9] =	ssyncset.done $0x0  }
0x3cd: {  	s1 =	rddreg [dreg:$0x13];
	[sflag:s9] =	ssyncadd.s32 $0xFFFFC000  }
0x3ce: {  	[hbm4b:s1+s2] =	stream.linear.scatter [tilespmem:s8], [sflag:$0x3], $0x4000, $0x38;
	[tilespmem:$0x8100] =	vst v63  }
0x3cf: {  	_ =	swait.ge [sflag:s5], $0x4000  }
0x3d0: {  	[sflag:s5] =	ssyncset.done $0x0  }
0x3d1: {  	s1 =	rddreg [dreg:$0x14];
	[sflag:s5] =	ssyncadd.s32 $0xFFFFC000  }
0x3d2: {  	[tilespmem:s15], [sflag:$0x3] =	stream.linear.gather [hbm4b:s1+s2], $0x80, $0x38;
	[tilespmem:$0x8100] =	vst v63  }
0x3d3: {  	_ =	swait.ge [sflag:s5], $0x80  }
0x3d4: {  	[sflag:s5] =	ssyncset.done $0x0  }
0x3d5: {  	[sflag:s5] =	ssyncadd.s32 $0xFFFFFF80  }
0x3d6: {  	[tilespmem:s8], [sflag:$0x2] =	stream.indirect.gather [hbm4b:s10+s12], $0x80, s15, s12, $0xb8;
	[tilespmem:$0x8100] =	vst v63  }
0x3d7: {  	_ =	swait.ge [sflag:s14], $0x4000  }
0x3d8: {  	[sflag:s14] =	ssyncset.done $0x0  }
0x3d9: {  	s1 =	rddreg [dreg:$0x15];
	[sflag:s14] =	ssyncadd.s32 $0xFFFFC000  }
0x3da: {  	[hbm4b:s1+s2] =	stream.linear.scatter [tilespmem:s12], [sflag:$0x3], $0x4000, $0x38;
	[tilespmem:$0x8100] =	vst v63  }
0x3db: {  	_ =	swait.ge [sflag:s5], $0x4000  }
0x3dc: {  	[sflag:s5] =	ssyncset.done $0x0  }
0x3dd: {  	s1 =	rddreg [dreg:$0x16];
	[sflag:s5] =	ssyncadd.s32 $0xFFFFC000  }
0x3de: {  	[tilespmem:s2], [sflag:$0x3] =	stream.linear.gather [hbm4b:s1+s2], $0x80, $0x38;
	[tilespmem:$0x8100] =	vst v63  }
0x3df: {  	_ =	swait.ge [sflag:s5], $0x80  }
0x3e0: {  	[sflag:s5] =	ssyncset.done $0x0  }
0x3e1: {  	[sflag:s5] =	ssyncadd.s32 $0xFFFFFF80  }
0x3e2: {  	[tilespmem:s12], [sflag:$0x1] =	stream.indirect.gather [hbm4b:s10+s12], $0x80, s2, s12, $0xb8;
	[tilespmem:$0x8100] =	vst v63  }
0x3e3: {  	_ =	swait.ge [sflag:s9], $0x4000  }
0x3e4: {  	[sflag:s9] =	ssyncset.done $0x0  }
0x3e5: {  	s1 =	rddreg [dreg:$0x17];
	[sflag:s9] =	ssyncadd.s32 $0xFFFFC000  }
0x3e6: {  	[hbm4b:s1+s2] =	stream.linear.scatter [tilespmem:s8], [sflag:$0x3], $0x4000, $0x38;
	[tilespmem:$0x8100] =	vst v63  }
0x3e7: {  	_ =	swait.ge [sflag:s5], $0x4000  }
0x3e8: {  	[sflag:s5] =	ssyncset.done $0x0  }
0x3e9: {  	s1 =	rddreg [dreg:$0x18];
	[sflag:s5] =	ssyncadd.s32 $0xFFFFC000  }
0x3ea: {  	[tilespmem:s15], [sflag:$0x3] =	stream.linear.gather [hbm4b:s1+s2], $0x80, $0x38;
	[tilespmem:$0x8100] =	vst v63  }
0x3eb: {  	_ =	swait.ge [sflag:s5], $0x80  }
0x3ec: {  	[sflag:s5] =	ssyncset.done $0x0  }
0x3ed: {  	[sflag:s5] =	ssyncadd.s32 $0xFFFFFF80  }
0x3ee: {  	[tilespmem:s8], [sflag:$0x2] =	stream.indirect.gather [hbm4b:s10+s12], $0x80, s15, s12, $0xb8;
	[tilespmem:$0x8100] =	vst v63  }
0x3ef: {  	_ =	swait.ge [sflag:s14], $0x4000  }
0x3f0: {  	[sflag:s14] =	ssyncset.done $0x0  }
0x3f1: {  	s1 =	rddreg [dreg:$0x19];
	[sflag:s14] =	ssyncadd.s32 $0xFFFFC000  }
0x3f2: {  	[hbm4b:s1+s2] =	stream.linear.scatter [tilespmem:s12], [sflag:$0x3], $0x4000, $0x38;
	[tilespmem:$0x8100] =	vst v63  }
0x3f3: {  	_ =	swait.ge [sflag:s5], $0x4000  }
0x3f4: {  	[sflag:s5] =	ssyncset.done $0x0  }
0x3f5: {  	s1 =	rddreg [dreg:$0x1a];
	[sflag:s5] =	ssyncadd.s32 $0xFFFFC000  }
0x3f6: {  	[tilespmem:s2], [sflag:$0x3] =	stream.linear.gather [hbm4b:s1+s2], $0x80, $0x38;
	[tilespmem:$0x8100] =	vst v63  }
0x3f7: {  	_ =	swait.ge [sflag:s5], $0x80  }
0x3f8: {  	[sflag:s5] =	ssyncset.done $0x0  }
0x3f9: {  	[sflag:s5] =	ssyncadd.s32 $0xFFFFFF80  }
0x3fa: {  	[tilespmem:s12], [sflag:$0x1] =	stream.indirect.gather [hbm4b:s10+s12], $0x80, s2, s12, $0xb8;
	[tilespmem:$0x8100] =	vst v63  }
0x3fb: {  	_ =	swait.ge [sflag:s9], $0x4000  }
0x3fc: {  	[sflag:s9] =	ssyncset.done $0x0  }
0x3fd: {  	s1 =	rddreg [dreg:$0x1b];
	[sflag:s9] =	ssyncadd.s32 $0xFFFFC000  }
0x3fe: {  	[hbm4b:s1+s2] =	stream.linear.scatter [tilespmem:s8], [sflag:$0x3], $0x4000, $0x38;
	[tilespmem:$0x8100] =	vst v63  }
0x3ff: {  	_ =	swait.ge [sflag:s5], $0x4000  }
0x400: {  	[sflag:s5] =	ssyncset.done $0x0  }
0x401: {  	s1 =	rddreg [dreg:$0x1c];
	[sflag:s5] =	ssyncadd.s32 $0xFFFFC000  }
0x402: {  	[tilespmem:s15], [sflag:$0x3] =	stream.linear.gather [hbm4b:s1+s2], $0x80, $0x38;
	[tilespmem:$0x8100] =	vst v63  }
0x403: {  	_ =	swait.ge [sflag:s5], $0x80  }
0x404: {  	[sflag:s5] =	ssyncset.done $0x0  }
0x405: {  	[sflag:s5] =	ssyncadd.s32 $0xFFFFFF80  }
0x406: {  	[tilespmem:s8], [sflag:$0x2] =	stream.indirect.gather [hbm4b:s10+s12], $0x80, s15, s12, $0xb8;
	[tilespmem:$0x8100] =	vst v63  }
0x407: {  	_ =	swait.ge [sflag:s14], $0x4000  }
0x408: {  	[sflag:s14] =	ssyncset.done $0x0  }
0x409: {  	s1 =	rddreg [dreg:$0x1d];
	[sflag:s14] =	ssyncadd.s32 $0xFFFFC000  }
0x40a: {  	[hbm4b:s1+s2] =	stream.linear.scatter [tilespmem:s12], [sflag:$0x3], $0x4000, $0x38;
	[tilespmem:$0x8100] =	vst v63  }
0x40b: {  	_ =	swait.ge [sflag:s5], $0x4000  }
0x40c: {  	[sflag:s5] =	ssyncset.done $0x0  }
0x40d: {  	s1 =	rddreg [dreg:$0x1e];
	[sflag:s5] =	ssyncadd.s32 $0xFFFFC000  }
0x40e: {  	[tilespmem:s2], [sflag:$0x3] =	stream.linear.gather [hbm4b:s1+s2], $0x80, $0x38;
	[tilespmem:$0x8100] =	vst v63  }
0x40f: {  	_ =	swait.ge [sflag:s5], $0x80  }
0x410: {  	[sflag:s5] =	ssyncset.done $0x0  }
0x411: {  	[sflag:s5] =	ssyncadd.s32 $0xFFFFFF80  }
0x412: {  	[tilespmem:s12], [sflag:$0x1] =	stream.indirect.gather [hbm4b:s10+s12], $0x80, s2, s12, $0xb8;
	[tilespmem:$0x8100] =	vst v63  }
0x413: {  	_ =	swait.ge [sflag:s9], $0x4000  }
0x414: {  	[sflag:s9] =	ssyncset.done $0x0  }
0x415: {  	s1 =	rddreg [dreg:$0x1f];
	[sflag:s9] =	ssyncadd.s32 $0xFFFFC000  }
0x416: {  	[hbm4b:s1+s2] =	stream.linear.scatter [tilespmem:s8], [sflag:$0x3], $0x4000, $0x38;
	[tilespmem:$0x8100] =	vst v63  }
0x417: {  	_ =	swait.ge [sflag:s5], $0x4000  }
0x418: {  	s1 =	sld [smem:$0x7F0]  }
0x419: {  	[sflag:s5] =	ssyncset.done $0x0  }
0x41a: {  	[sflag:s5] =	ssyncadd.s32 $0xFFFFC000  }
0x41b: {  	[tilespmem:s15], [sflag:$0x3] =	stream.linear.gather [hbm4b:s1+s2], $0x80, $0x38;
	[tilespmem:$0x8100] =	vst v63  }
0x41c: {  	_ =	swait.ge [sflag:s5], $0x80  }
0x41d: {  	[sflag:s5] =	ssyncset.done $0x0  }
0x41e: {  	[sflag:s5] =	ssyncadd.s32 $0xFFFFFF80  }
0x41f: {  	[tilespmem:s8], [sflag:$0x2] =	stream.indirect.gather [hbm4b:s10+s12], $0x80, s15, s12, $0xb8;
	[tilespmem:$0x8100] =	vst v63  }
0x420: {  	_ =	swait.ge [sflag:s14], $0x4000  }
0x421: {  	s1 =	sld [smem:$0x7F1]  }
0x422: {  	[sflag:s14] =	ssyncset.done $0x0  }
0x423: {  	[sflag:s14] =	ssyncadd.s32 $0xFFFFC000  }
0x424: {  	[hbm4b:s1+s2] =	stream.linear.scatter [tilespmem:s12], [sflag:$0x3], $0x4000, $0x38;
	[tilespmem:$0x8100] =	vst v63  }
0x425: {  	_ =	swait.ge [sflag:s5], $0x4000  }
0x426: {  	s1 =	sld [smem:$0x7F2]  }
0x427: {  	[sflag:s5] =	ssyncset.done $0x0  }
0x428: {  	[sflag:s5] =	ssyncadd.s32 $0xFFFFC000  }
0x429: {  	[tilespmem:s2], [sflag:$0x3] =	stream.linear.gather [hbm4b:s1+s2], $0x80, $0x38;
	[tilespmem:$0x8100] =	vst v63  }
0x42a: {  	_ =	swait.ge [sflag:s5], $0x80  }
0x42b: {  	[sflag:s5] =	ssyncset.done $0x0  }
0x42c: {  	[sflag:s5] =	ssyncadd.s32 $0xFFFFFF80  }
0x42d: {  	[tilespmem:s12], [sflag:$0x1] =	stream.indirect.gather [hbm4b:s10+s12], $0x80, s2, s12, $0xb8;
	[tilespmem:$0x8100] =	vst v63  }
0x42e: {  	_ =	swait.ge [sflag:s9], $0x4000  }
0x42f: {  	s1 =	sld [smem:$0x7F3]  }
0x430: {  	[sflag:s9] =	ssyncset.done $0x0  }
0x431: {  	[sflag:s9] =	ssyncadd.s32 $0xFFFFC000  }
0x432: {  	[hbm4b:s1+s2] =	stream.linear.scatter [tilespmem:s8], [sflag:$0x3], $0x4000, $0x38;
	[tilespmem:$0x8100] =	vst v63  }
0x433: {  	_ =	swait.ge [sflag:s5], $0x4000  }
0x434: {  	s1 =	sld [smem:$0x7F4]  }
0x435: {  	[sflag:s5] =	ssyncset.done $0x0  }
0x436: {  	[sflag:s5] =	ssyncadd.s32 $0xFFFFC000  }
0x437: {  	[tilespmem:s15], [sflag:$0x3] =	stream.linear.gather [hbm4b:s1+s2], $0x80, $0x38;
	[tilespmem:$0x8100] =	vst v63  }
0x438: {  	_ =	swait.ge [sflag:s5], $0x80  }
0x439: {  	[sflag:s5] =	ssyncset.done $0x0  }
0x43a: {  	[sflag:s5] =	ssyncadd.s32 $0xFFFFFF80  }
0x43b: {  	[tilespmem:s8], [sflag:$0x2] =	stream.indirect.gather [hbm4b:s10+s12], $0x80, s15, s12, $0xb8;
	[tilespmem:$0x8100] =	vst v63  }
0x43c: {  	_ =	swait.ge [sflag:s14], $0x4000  }
0x43d: {  	s1 =	sld [smem:$0x7F5]  }
0x43e: {  	[sflag:s14] =	ssyncset.done $0x0  }
0x43f: {  	[sflag:s14] =	ssyncadd.s32 $0xFFFFC000  }
0x440: {  	[hbm4b:s1+s2] =	stream.linear.scatter [tilespmem:s12], [sflag:$0x3], $0x4000, $0x38;
	[tilespmem:$0x8100] =	vst v63  }
0x441: {  	_ =	swait.ge [sflag:s5], $0x4000  }
0x442: {  	s1 =	sld [smem:$0x7F6]  }
0x443: {  	[sflag:s5] =	ssyncset.done $0x0  }
0x444: {  	[sflag:s5] =	ssyncadd.s32 $0xFFFFC000  }
0x445: {  	[tilespmem:s2], [sflag:$0x3] =	stream.linear.gather [hbm4b:s1+s2], $0x80, $0x38;
	[tilespmem:$0x8100] =	vst v63  }
0x446: {  	_ =	swait.ge [sflag:s5], $0x80  }
0x447: {  	[sflag:s5] =	ssyncset.done $0x0  }
0x448: {  	[sflag:s5] =	ssyncadd.s32 $0xFFFFFF80  }
0x449: {  	[tilespmem:s12], [sflag:$0x1] =	stream.indirect.gather [hbm4b:s10+s12], $0x80, s2, s12, $0xb8;
	[tilespmem:$0x8100] =	vst v63  }
0x44a: {  	_ =	swait.ge [sflag:s9], $0x4000  }
0x44b: {  	s1 =	sld [smem:$0x7F7]  }
0x44c: {  	[sflag:s9] =	ssyncset.done $0x0  }
0x44d: {  	[sflag:s9] =	ssyncadd.s32 $0xFFFFC000  }
0x44e: {  	[hbm4b:s1+s2] =	stream.linear.scatter [tilespmem:s8], [sflag:$0x3], $0x4000, $0x38;
	[tilespmem:$0x8100] =	vst v63  }
0x44f: {  	_ =	swait.ge [sflag:s5], $0x4000  }
0x450: {  	s1 =	sld [smem:$0x7F8]  }
0x451: {  	[sflag:s5] =	ssyncset.done $0x0  }
0x452: {  	[sflag:s5] =	ssyncadd.s32 $0xFFFFC000  }
0x453: {  	[tilespmem:s15], [sflag:$0x3] =	stream.linear.gather [hbm4b:s1+s2], $0x80, $0x38;
	[tilespmem:$0x8100] =	vst v63  }
0x454: {  	_ =	swait.ge [sflag:s5], $0x80  }
0x455: {  	[sflag:s5] =	ssyncset.done $0x0  }
0x456: {  	[sflag:s5] =	ssyncadd.s32 $0xFFFFFF80  }
0x457: {  	[tilespmem:s8], [sflag:$0x2] =	stream.indirect.gather [hbm4b:s10+s12], $0x80, s15, s12, $0xb8;
	[tilespmem:$0x8100] =	vst v63  }
0x458: {  	_ =	swait.ge [sflag:s14], $0x4000  }
0x459: {  	s1 =	sld [smem:$0x7F9]  }
0x45a: {  	[sflag:s14] =	ssyncset.done $0x0  }
0x45b: {  	[sflag:s14] =	ssyncadd.s32 $0xFFFFC000  }
0x45c: {  	[hbm4b:s1+s2] =	stream.linear.scatter [tilespmem:s12], [sflag:$0x3], $0x4000, $0x38;
	[tilespmem:$0x8100] =	vst v63  }
0x45d: {  	_ =	swait.ge [sflag:s5], $0x4000  }
0x45e: {  	s1 =	sld [smem:$0x7FA]  }
0x45f: {  	[sflag:s5] =	ssyncset.done $0x0  }
0x460: {  	[sflag:s5] =	ssyncadd.s32 $0xFFFFC000  }
0x461: {  	[tilespmem:s2], [sflag:$0x3] =	stream.linear.gather [hbm4b:s1+s2], $0x80, $0x38;
	[tilespmem:$0x8100] =	vst v63  }
0x462: {  	_ =	swait.ge [sflag:s5], $0x80  }
0x463: {  	[sflag:s5] =	ssyncset.done $0x0  }
0x464: {  	[sflag:s5] =	ssyncadd.s32 $0xFFFFFF80  }
0x465: {  	[tilespmem:s12], [sflag:$0x1] =	stream.indirect.gather [hbm4b:s10+s12], $0x80, s2, s12, $0xb8;
	[tilespmem:$0x8100] =	vst v63  }
0x466: {  	_ =	swait.ge [sflag:s9], $0x4000  }
0x467: {  	s1 =	sld [smem:$0x7FB]  }
0x468: {  	[sflag:s9] =	ssyncset.done $0x0  }
0x469: {  	[sflag:s9] =	ssyncadd.s32 $0xFFFFC000  }
0x46a: {  	[hbm4b:s1+s2] =	stream.linear.scatter [tilespmem:s8], [sflag:$0x3], $0x4000, $0x38;
	[tilespmem:$0x8100] =	vst v63  }
0x46b: {  	_ =	swait.ge [sflag:s5], $0x4000  }
0x46c: {  	s1 =	sld [smem:$0x7FC]  }
0x46d: {  	[sflag:s5] =	ssyncset.done $0x0  }
0x46e: {  	[sflag:s5] =	ssyncadd.s32 $0xFFFFC000  }
0x46f: {  	[tilespmem:s15], [sflag:$0x3] =	stream.linear.gather [hbm4b:s1+s2], $0x80, $0x38;
	[tilespmem:$0x8100] =	vst v63  }
0x470: {  	_ =	swait.ge [sflag:s5], $0x80  }
0x471: {  	[sflag:s5] =	ssyncset.done $0x0  }
0x472: {  	[sflag:s5] =	ssyncadd.s32 $0xFFFFFF80  }
0x473: {  	[tilespmem:s8], [sflag:$0x2] =	stream.indirect.gather [hbm4b:s10+s12], $0x80, s15, s12, $0xb8;
	[tilespmem:$0x8100] =	vst v63  }
0x474: {  	_ =	swait.ge [sflag:s14], $0x4000  }
0x475: {  	s1 =	sld [smem:$0x7FD]  }
0x476: {  	[sflag:s14] =	ssyncset.done $0x0  }
0x477: {  	[sflag:s14] =	ssyncadd.s32 $0xFFFFC000  }
0x478: {  	[hbm4b:s1+s2] =	stream.linear.scatter [tilespmem:s12], [sflag:$0x3], $0x4000, $0x38;
	[tilespmem:$0x8100] =	vst v63  }
0x479: {  	_ =	swait.ge [sflag:s5], $0x4000  }
0x47a: {  	[sflag:s5] =	ssyncset.done $0x0  }
0x47b: {  	[sflag:s5] =	ssyncadd.s32 $0xFFFFC000  }
0x47c: {  	[tilespmem:s2], [sflag:$0x3] =	stream.linear.gather [hbm4b:s28+s2], $0x80, $0x38;
	[tilespmem:$0x8100] =	vst v63  }
0x47d: {  	_ =	swait.ge [sflag:s5], $0x80  }
0x47e: {  	[sflag:s5] =	ssyncset.done $0x0  }
0x47f: {  	[sflag:s5] =	ssyncadd.s32 $0xFFFFFF80  }
0x480: {  	[tilespmem:s12], [sflag:$0x1] =	stream.indirect.gather [hbm4b:s10+s12], $0x80, s2, s12, $0xb8;
	[tilespmem:$0x8100] =	vst v63  }
0x481: {  	_ =	swait.ge [sflag:s9], $0x4000  }
0x482: {  	[sflag:s9] =	ssyncset.done $0x0  }
0x483: {  	[sflag:s9] =	ssyncadd.s32 $0xFFFFC000  }
0x484: {  	[hbm4b:s31+s2] =	stream.linear.scatter [tilespmem:s8], [sflag:$0x3], $0x4000, $0x38;
	[tilespmem:$0x8100] =	vst v63  }
0x485: {  	_ =	swait.ge [sflag:s5], $0x4000  }
0x486: {  	[sflag:s5] =	ssyncset.done $0x0  }
0x487: {  	[sflag:s5] =	ssyncadd.s32 $0xFFFFC000  }
0x488: {  	[tilespmem:s15], [sflag:$0x3] =	stream.linear.gather [hbm4b:s26+s2], $0x80, $0x38;
	[tilespmem:$0x8100] =	vst v63  }
0x489: {  	_ =	swait.ge [sflag:s5], $0x80  }
0x48a: {  	[sflag:s5] =	ssyncset.done $0x0  }
0x48b: {  	[sflag:s5] =	ssyncadd.s32 $0xFFFFFF80  }
0x48c: {  	[tilespmem:s8], [sflag:$0x2] =	stream.indirect.gather [hbm4b:s10+s12], $0x80, s15, s12, $0xb8;
	[tilespmem:$0x8100] =	vst v63  }
0x48d: {  	_ =	swait.ge [sflag:s14], $0x4000  }
0x48e: {  	[sflag:s14] =	ssyncset.done $0x0  }
0x48f: {  	[sflag:s14] =	ssyncadd.s32 $0xFFFFC000  }
0x490: {  	[hbm4b:s30+s2] =	stream.linear.scatter [tilespmem:s12], [sflag:$0x3], $0x4000, $0x38;
	[tilespmem:$0x8100] =	vst v63  }
0x491: {  	_ =	swait.ge [sflag:s5], $0x4000  }
0x492: {  	[sflag:s5] =	ssyncset.done $0x0  }
0x493: {  	[sflag:s5] =	ssyncadd.s32 $0xFFFFC000  }
0x494: {  	[tilespmem:s2], [sflag:$0x3] =	stream.linear.gather [hbm4b:s24+s2], $0x80, $0x38;
	[tilespmem:$0x8100] =	vst v63  }
0x495: {  	_ =	swait.ge [sflag:s5], $0x80  }
0x496: {  	[sflag:s5] =	ssyncset.done $0x0  }
0x497: {  	[sflag:s5] =	ssyncadd.s32 $0xFFFFFF80  }
0x498: {  	[tilespmem:s12], [sflag:$0x1] =	stream.indirect.gather [hbm4b:s10+s12], $0x80, s2, s12, $0xb8;
	[tilespmem:$0x8100] =	vst v63  }
0x499: {  	_ =	swait.ge [sflag:s9], $0x4000  }
0x49a: {  	[sflag:s9] =	ssyncset.done $0x0  }
0x49b: {  	[sflag:s9] =	ssyncadd.s32 $0xFFFFC000  }
0x49c: {  	[hbm4b:s29+s2] =	stream.linear.scatter [tilespmem:s8], [sflag:$0x3], $0x4000, $0x38;
	[tilespmem:$0x8100] =	vst v63  }
0x49d: {  	_ =	swait.ge [sflag:s5], $0x4000  }
0x49e: {  	[sflag:s5] =	ssyncset.done $0x0  }
0x49f: {  	[sflag:s5] =	ssyncadd.s32 $0xFFFFC000  }
0x4a0: {  	[tilespmem:s15], [sflag:$0x3] =	stream.linear.gather [hbm4b:s22+s2], $0x80, $0x38;
	[tilespmem:$0x8100] =	vst v63  }
0x4a1: {  	_ =	swait.ge [sflag:s5], $0x80  }
0x4a2: {  	[sflag:s5] =	ssyncset.done $0x0  }
0x4a3: {  	[sflag:s5] =	ssyncadd.s32 $0xFFFFFF80  }
0x4a4: {  	[tilespmem:s8], [sflag:$0x2] =	stream.indirect.gather [hbm4b:s10+s12], $0x80, s15, s12, $0xb8;
	[tilespmem:$0x8100] =	vst v63  }
0x4a5: {  	_ =	swait.ge [sflag:s14], $0x4000  }
0x4a6: {  	[sflag:s14] =	ssyncset.done $0x0  }
0x4a7: {  	[sflag:s14] =	ssyncadd.s32 $0xFFFFC000  }
0x4a8: {  	[hbm4b:s25+s2] =	stream.linear.scatter [tilespmem:s12], [sflag:$0x3], $0x4000, $0x38;
	[tilespmem:$0x8100] =	vst v63  }
0x4a9: {  	_ =	swait.ge [sflag:s5], $0x4000  }
0x4aa: {  	[sflag:s5] =	ssyncset.done $0x0  }
0x4ab: {  	[sflag:s5] =	ssyncadd.s32 $0xFFFFC000  }
0x4ac: {  	[tilespmem:s2], [sflag:$0x3] =	stream.linear.gather [hbm4b:s20+s2], $0x80, $0x38;
	[tilespmem:$0x8100] =	vst v63  }
0x4ad: {  	_ =	swait.ge [sflag:s5], $0x80  }
0x4ae: {  	[sflag:s5] =	ssyncset.done $0x0  }
0x4af: {  	[sflag:s5] =	ssyncadd.s32 $0xFFFFFF80  }
0x4b0: {  	[tilespmem:s12], [sflag:$0x1] =	stream.indirect.gather [hbm4b:s10+s12], $0x80, s2, s12, $0xb8;
	[tilespmem:$0x8100] =	vst v63  }
0x4b1: {  	_ =	swait.ge [sflag:s9], $0x4000  }
0x4b2: {  	[sflag:s9] =	ssyncset.done $0x0  }
0x4b3: {  	[sflag:s9] =	ssyncadd.s32 $0xFFFFC000  }
0x4b4: {  	[hbm4b:s23+s2] =	stream.linear.scatter [tilespmem:s8], [sflag:$0x3], $0x4000, $0x38;
	[tilespmem:$0x8100] =	vst v63  }
0x4b5: {  	_ =	swait.ge [sflag:s5], $0x4000  }
0x4b6: {  	[sflag:s5] =	ssyncset.done $0x0  }
0x4b7: {  	[sflag:s5] =	ssyncadd.s32 $0xFFFFC000  }
0x4b8: {  	[tilespmem:s15], [sflag:$0x3] =	stream.linear.gather [hbm4b:s18+s2], $0x80, $0x38;
	[tilespmem:$0x8100] =	vst v63  }
0x4b9: {  	_ =	swait.ge [sflag:s5], $0x80  }
0x4ba: {  	[sflag:s5] =	ssyncset.done $0x0  }
0x4bb: {  	[sflag:s5] =	ssyncadd.s32 $0xFFFFFF80  }
0x4bc: {  	[tilespmem:s8], [sflag:$0x2] =	stream.indirect.gather [hbm4b:s10+s12], $0x80, s15, s12, $0xb8;
	[tilespmem:$0x8100] =	vst v63  }
0x4bd: {  	_ =	swait.ge [sflag:s14], $0x4000  }
0x4be: {  	[sflag:s14] =	ssyncset.done $0x0  }
0x4bf: {  	[sflag:s14] =	ssyncadd.s32 $0xFFFFC000  }
0x4c0: {  	[hbm4b:s21+s2] =	stream.linear.scatter [tilespmem:s12], [sflag:$0x3], $0x4000, $0x38;
	[tilespmem:$0x8100] =	vst v63  }
0x4c1: {  	_ =	swait.ge [sflag:s5], $0x4000  }
0x4c2: {  	[sflag:s5] =	ssyncset.done $0x0  }
0x4c3: {  	[sflag:s5] =	ssyncadd.s32 $0xFFFFC000  }
0x4c4: {  	[tilespmem:s2], [sflag:$0x3] =	stream.linear.gather [hbm4b:s16+s2], $0x80, $0x38;
	[tilespmem:$0x8100] =	vst v63  }
0x4c5: {  	_ =	swait.ge [sflag:s5], $0x80  }
0x4c6: {  	[sflag:s5] =	ssyncset.done $0x0  }
0x4c7: {  	[sflag:s5] =	ssyncadd.s32 $0xFFFFFF80  }
0x4c8: {  	[tilespmem:s12], [sflag:$0x1] =	stream.indirect.gather [hbm4b:s10+s12], $0x80, s2, s12, $0xb8;
	[tilespmem:$0x8100] =	vst v63  }
0x4c9: {  	_ =	swait.ge [sflag:s9], $0x4000  }
0x4ca: {  	[sflag:s9] =	ssyncset.done $0x0  }
0x4cb: {  	[sflag:s9] =	ssyncadd.s32 $0xFFFFC000  }
0x4cc: {  	[hbm4b:s19+s2] =	stream.linear.scatter [tilespmem:s8], [sflag:$0x3], $0x4000, $0x38;
	[tilespmem:$0x8100] =	vst v63  }
0x4cd: {  	_ =	swait.ge [sflag:s5], $0x4000  }
0x4ce: {  	[sflag:s5] =	ssyncset.done $0x0  }
0x4cf: {  	[sflag:s5] =	ssyncadd.s32 $0xFFFFC000  }
0x4d0: {  	[tilespmem:s15], [sflag:$0x3] =	stream.linear.gather [hbm4b:s11+s2], $0x80, $0x38;
	[tilespmem:$0x8100] =	vst v63  }
0x4d1: {  	_ =	swait.ge [sflag:s5], $0x80  }
0x4d2: {  	[sflag:s5] =	ssyncset.done $0x0  }
0x4d3: {  	[sflag:s5] =	ssyncadd.s32 $0xFFFFFF80  }
0x4d4: {  	[tilespmem:s8], [sflag:$0x2] =	stream.indirect.gather [hbm4b:s10+s12], $0x80, s15, s12, $0xb8;
	[tilespmem:$0x8100] =	vst v63  }
0x4d5: {  	_ =	swait.ge [sflag:s14], $0x4000  }
0x4d6: {  	[sflag:s14] =	ssyncset.done $0x0  }
0x4d7: {  	[sflag:s14] =	ssyncadd.s32 $0xFFFFC000  }
0x4d8: {  	[hbm4b:s17+s2] =	stream.linear.scatter [tilespmem:s12], [sflag:$0x3], $0x4000, $0x38;
	[tilespmem:$0x8100] =	vst v63  }
0x4d9: {  	_ =	swait.ge [sflag:s5], $0x4000  }
0x4da: {  	[sflag:s5] =	ssyncset.done $0x0  }
0x4db: {  	[sflag:s5] =	ssyncadd.s32 $0xFFFFC000  }
0x4dc: {  	[tilespmem:s2], [sflag:$0x3] =	stream.linear.gather [hbm4b:s6+s2], $0x80, $0x38;
	[tilespmem:$0x8100] =	vst v63  }
0x4dd: {  	_ =	swait.ge [sflag:s5], $0x80  }
0x4de: {  	[sflag:s5] =	ssyncset.done $0x0  }
0x4df: {  	[sflag:s5] =	ssyncadd.s32 $0xFFFFFF80  }
0x4e0: {  	[tilespmem:s12], [sflag:$0x1] =	stream.indirect.gather [hbm4b:s10+s12], $0x80, s2, s12, $0xb8;
	[tilespmem:$0x8100] =	vst v63  }
0x4e1: {  	_ =	swait.ge [sflag:s9], $0x4000  }
0x4e2: {  	[sflag:s9] =	ssyncset.done $0x0  }
0x4e3: {  	[sflag:s9] =	ssyncadd.s32 $0xFFFFC000  }
0x4e4: {  	[hbm4b:s13+s2] =	stream.linear.scatter [tilespmem:s8], [sflag:$0x3], $0x4000, $0x38;
	[tilespmem:$0x8100] =	vst v63  }
0x4e5: {  	_ =	swait.ge [sflag:s5], $0x4000  }
0x4e6: {  	[sflag:s5] =	ssyncset.done $0x0  }
0x4e7: {  	[sflag:s5] =	ssyncadd.s32 $0xFFFFC000  }
0x4e8: {  	[tilespmem:s15], [sflag:$0x3] =	stream.linear.gather [hbm4b:s3+s2], $0x80, $0x38;
	[tilespmem:$0x8100] =	vst v63  }
0x4e9: {  	_ =	swait.ge [sflag:s5], $0x80  }
0x4ea: {  	[sflag:s5] =	ssyncset.done $0x0  }
0x4eb: {  	[sflag:s5] =	ssyncadd.s32 $0xFFFFFF80  }
0x4ec: {  	[tilespmem:s8], [sflag:$0x2] =	stream.indirect.gather [hbm4b:s10+s12], $0x80, s15, s12, $0xb8;
	[tilespmem:$0x8100] =	vst v63  }
0x4ed: {  	_ =	swait.ge [sflag:s14], $0x4000  }
0x4ee: {  	[sflag:s14] =	ssyncset.done $0x0  }
0x4ef: {  	[sflag:s14] =	ssyncadd.s32 $0xFFFFC000  }
0x4f0: {  	[hbm4b:s7+s2] =	stream.linear.scatter [tilespmem:s12], [sflag:$0x3], $0x4000, $0x38;
	[tilespmem:$0x8100] =	vst v63  }
0x4f1: {  	_ =	swait.ge [sflag:s5], $0x4000  }
0x4f2: {  	[sflag:s5] =	ssyncset.done $0x0  }
0x4f3: {  	[sflag:s5] =	ssyncadd.s32 $0xFFFFC000  }
0x4f4: {  	_ =	swait.ge [sflag:s9], $0x4000  }
0x4f5: {  	[sflag:s9] =	ssyncset.done $0x0  }
0x4f6: {  	[sflag:s9] =	ssyncadd.s32 $0xFFFFC000  }
0x4f7: {  	[hbm4b:s4+s2] =	stream.linear.scatter [tilespmem:s8], [sflag:$0x3], $0x4000, $0x38;
	[tilespmem:$0x8100] =	vst v63  }
0x4f8: {  	_ =	swait.ge [sflag:s5], $0x4000  }
0x4f9: {  	[sflag:s5] =	ssyncset.done $0x0  }
0x4fa: {  	[sflag:s5] =	ssyncadd.s32 $0xFFFFC000  }
0x4fb: {  	_ =	sfence.sel $0x180000  }
0x4fc: {  	[bflag:$0x0] =	sbarrier.arrive $0xFFFF  }
0x4fd: {  	_ =	strace $0x90000047  }
0x4fe: {  	s31 =	stileid.u32;
	[bflag:$0x2] =	sbarrier.arrive $0xFFFF  }
0x4ff: {  	p0 =	sne.s32 s31, $0x0;
	s0 =	rddreg [dreg:$0x2]  }
0x500: {  	s0 =	sadd.s32 @!p0 $0x100000, s0  }
0x501: {  	[sflag:s0] =	ssyncadd.tile.s32 @!p0 $0x1;
	_ =	shalt  }
.Lfunc_end2:
_tile_overlayer_lowered:
.L_overlay_start_2:
0x502: {  	(tag) =	ssettag $0x2  }
0x503: {  	s0 =	rddreg [dreg:$0x0];
	s2 =	stileid.u32  }
0x504: {  	s1 =	rddreg [dreg:$0x1];
	p0 =	sne.s32 s2, $0x0  }
0x505: {  	s3 =	rddreg [dreg:$0x2];
	[bflag:$0x3] =	sbarrier.arrive $0xFFFF;
	s2 =	simm.s32 @!p0 $0x1C03  }
0x506: {  	[timem:s3], [sflag:s2] =	dma.local @!p0 [hbm:s0], s1  }
0x507: {  	s0 =	simm.s32 @!p0 $0x3  }
0x508: {  	_ =	swait.ge @!p0 [sflag:s0], s1  }
0x509: {  	s1 =	ssub.s32 @!p0 $0x0, s1;
	[sflag:s0] =	ssyncset.done @!p0 $0x0  }
0x50a: {  	[sflag:s0] =	ssyncadd.s32 @!p0 s1  }
0x50b: {  	[bflag:$0x3] =	sbarrier.arrive $0xFFFF  }
0x50c: {  	_ =	shalt  }

</sc_bundles>
